<compile_context>
chip_gen: v7x
topology: tpu7x:2x2x1
jax: 0.10.2.dev20260603
libtpu: 0.0.44.dev20260713+nightly
codegen_flags: <defaults>
</compile_context>

<pallas_src>
import functools

import jax
import jax.numpy as jnp
from jax import lax
from jax.experimental import pallas as pl
from jax.experimental.pallas import tpu as pltpu
from jax.experimental.pallas import tpu_sc as plsc

O = 2048
IL = 4096
K = 32
B = 1024

NC = 2
NS = 16
NW = NC * NS
NSTAGE = 1
OS = O // NSTAGE
RPT = OS // NW
C = 4
NCH = RPT // C


def _sc_body(w_hbm, idx_hbm, mt_hbm, idx_v, w_v, buf0, buf1, sem0, sem1):
    wid = lax.axis_index("c") * NS + lax.axis_index("s")
    rbase = wid * RPT
    hi = pltpu.async_copy(idx_hbm.at[pl.ds(rbase, RPT)], idx_v, sem0)
    hw = pltpu.async_copy(w_hbm.at[pl.ds(rbase, RPT)], w_v, sem1)

    z16 = jnp.zeros((16,), jnp.float32)
    bufs = (buf0, buf1)
    sems = (sem0, sem1)

    def _memset(t, carry):
        for j in range(C):
            buf0[j, pl.ds(t * 16, 16)] = z16
            buf1[j, pl.ds(t * 16, 16)] = z16
        return carry
    lax.fori_loop(0, IL // 16, _memset, 0)
    hi.wait()
    hw.wait()

    def _for_chunk(c, fn):
        b = bufs[c % 2]
        for j in range(C):
            r = c * C + j
            jv = jnp.full((16,), j, jnp.int32)
            for h in range(2):
                fn(b, [jv, idx_v[r, pl.ds(h * 16, 16)]], w_v[r, pl.ds(h * 16, 16)])

    handles = [None, None]
    for c in range(NCH):
        s = c % 2
        if handles[s] is not None:
            handles[s].wait()
            _for_chunk(c - 2, lambda b, ix, wv: plsc.store_scatter(b, ix, z16))
        _for_chunk(c, lambda b, ix, wv: plsc.addupdate_scatter(b, ix, wv))
        dst = mt_hbm.at[pl.ds(rbase + c * C, C)]
        handles[s] = pltpu.async_copy(bufs[s], dst, sems[s])
    handles[0].wait()
    handles[1].wait()


_build_mt = pl.kernel(
    _sc_body,
    out_type=jax.ShapeDtypeStruct((OS, IL), jnp.float32),
    mesh=plsc.VectorSubcoreMesh(
        core_axis_name="c", subcore_axis_name="s", num_cores=NC, num_subcores=NS
    ),
    compiler_params=pltpu.CompilerParams(needs_layout_passes=False),
    scratch_types=[
        pltpu.VMEM((RPT, K), jnp.int32),
        pltpu.VMEM((RPT, K), jnp.float32),
        pltpu.VMEM((C, IL), jnp.float32),
        pltpu.VMEM((C, IL), jnp.float32),
        pltpu.SemaphoreType.DMA,
        pltpu.SemaphoreType.DMA,
    ],
)


BO = 256


def _mm_body(x_ref, mt_ref, b_ref, o_ref):
    acc = lax.dot_general(
        x_ref[...].astype(jnp.bfloat16), mt_ref[...].astype(jnp.bfloat16),
        (((1,), (1,)), ((), ())),
        preferred_element_type=jnp.float32,
    )
    o_ref[...] = acc + b_ref[...]


def _matmul(x, mt, bias2d):
    return pl.pallas_call(
        _mm_body,
        grid=(OS // BO,),
        in_specs=[
            pl.BlockSpec((B, IL), lambda i: (0, 0)),
            pl.BlockSpec((BO, IL), lambda i: (i, 0)),
            pl.BlockSpec((1, BO), lambda i: (0, i)),
        ],
        out_specs=pl.BlockSpec((B, BO), lambda i: (0, i)),
        out_shape=jax.ShapeDtypeStruct((B, OS), jnp.float32),
    )(x, mt, bias2d)


def kernel(input, weight, bias, indx_seqs):
    mt = _build_mt(weight, indx_seqs)
    return _matmul(input, mt, bias.reshape(1, O))

# --- scband reference (transcript-rebuilt; emitter-appended) ---
"""Pipeline reference for scband-linear-condensed-81260781240864 (READ-ONLY COPY).

The authoritative reference and input builder live on the scoring server;
editing this copy changes nothing except your own understanding.
"""

import jax, jax.numpy as jnp
import numpy as np

IN_FEATURES = 32
OUT_FEATURES = 2048
INPUT_LEN = 4096
BATCH = 1024


def setup_inputs(seed: int = 0) -> dict:
    key = jax.random.key(seed)
    k_in, k_w, k_b, k_idx = jax.random.split(key, 4)
    inp = jax.random.normal(k_in, (BATCH, INPUT_LEN), dtype=jnp.float32)
    bound = 1.0 / np.sqrt(IN_FEATURES)
    weight = jax.random.uniform(k_w, (OUT_FEATURES, IN_FEATURES), dtype=jnp.float32, minval=-bound, maxval=bound)
    bias = jax.random.uniform(k_b, (OUT_FEATURES,), dtype=jnp.float32, minval=-bound, maxval=bound)
    # indx_seqs: each output unit gathers IN_FEATURES positions from the input vector
    indx_seqs = jax.random.randint(k_idx, (OUT_FEATURES, IN_FEATURES), 0, INPUT_LEN, dtype=jnp.int32)
    return {"input": inp, "weight": weight, "bias": bias, "indx_seqs": indx_seqs}


def reference(input, weight, bias, indx_seqs):
    # gathered: [B, out_features, in_features]
    gathered = input[:, indx_seqs]
    output = jnp.sum(weight * gathered, axis=2) + bias
    return output

if __name__ == "__main__":
    import jax
    _d = setup_inputs()
    print(jax.jit(kernel)(*tuple(_d.values())))

</pallas_src>

<mosaic_0001>
#map = affine_map<(d0, d1) -> (0, 0)>
module attributes {stable_mosaic.version = 14 : i64} {
  func.func @_sc_body(%arg0: i32, %arg1: i32, %arg2: memref<2048x32xf32, #tpu.memory_space<hbm>>, %arg3: memref<2048x32xi32, #tpu.memory_space<hbm>>, %arg4: memref<2048x4096xf32, #tpu.memory_space<hbm>>, %arg5: memref<64x32xi32, #tpu.memory_space<vmem>>, %arg6: memref<64x32xf32, #tpu.memory_space<vmem>>, %arg7: memref<4x4096xf32, #tpu.memory_space<vmem>>, %arg8: memref<4x4096xf32, #tpu.memory_space<vmem>>, %arg9: memref<!tpu.dma_semaphore, #tpu.memory_space<semaphore_mem>>, %arg10: memref<!tpu.dma_semaphore, #tpu.memory_space<semaphore_mem>>) attributes {dimension_semantics = [#tpu.dimension_semantics<core_parallel>, #tpu.dimension_semantics<subcore_parallel>], iteration_bounds = array<i64: 2, 16>, scalar_prefetch = 0 : i64, scratch_operands = 6 : i64, tpu.core_type = #tpu.core_type<sc_vector_subcore>, window_params = [{transform_indices = #map}, {transform_indices = #map}, {transform_indices = #map}]} {
    %mul3A = arith.constant 16 : i32
    %mul3A_0 = arith.muli %arg0, %mul3A : i32
    %add3A = arith.addi %mul3A_0, %arg1 : i32
    %mul3A_1 = arith.constant 64 : i32
    %mul3A_2 = arith.muli %add3A, %mul3A_1 : i32
    %dma_start3A = arith.constant 0 : i32
    %dma_start3A_3 = tpu.memref_slice %arg3[%mul3A_2, %dma_start3A] : memref<2048x32xi32, #tpu.memory_space<hbm>> -> memref<64x32xi32, #tpu.memory_space<hbm>>
    %dma_start3A_4 = arith.constant 0 : i32
    %dma_start3A_5 = tpu.memref_slice %arg3[%mul3A_2, %dma_start3A_4] : memref<2048x32xi32, #tpu.memory_space<hbm>> -> memref<64x32xi32, #tpu.memory_space<hbm>>
    tpu.enqueue_dma source(%dma_start3A_5 : memref<64x32xi32, #tpu.memory_space<hbm>>) target(%arg5 : memref<64x32xi32, #tpu.memory_space<vmem>>) target_semaphore(%arg9 : memref<!tpu.dma_semaphore, #tpu.memory_space<semaphore_mem>>)
    %dma_start3A_6 = arith.constant 0 : i32
    %dma_start3A_7 = tpu.memref_slice %arg2[%mul3A_2, %dma_start3A_6] : memref<2048x32xf32, #tpu.memory_space<hbm>> -> memref<64x32xf32, #tpu.memory_space<hbm>>
    %dma_start3A_8 = arith.constant 0 : i32
    %dma_start3A_9 = tpu.memref_slice %arg2[%mul3A_2, %dma_start3A_8] : memref<2048x32xf32, #tpu.memory_space<hbm>> -> memref<64x32xf32, #tpu.memory_space<hbm>>
    tpu.enqueue_dma source(%dma_start3A_9 : memref<64x32xf32, #tpu.memory_space<hbm>>) target(%arg6 : memref<64x32xf32, #tpu.memory_space<vmem>>) target_semaphore(%arg10 : memref<!tpu.dma_semaphore, #tpu.memory_space<semaphore_mem>>)
    %broadcast_in_dim3A = arith.constant 0.000000e+00 : f32
    %broadcast_in_dim3A_10 = vector.broadcast %broadcast_in_dim3A : f32 to vector<16xf32>
    %scan3A = arith.constant 0 : i32
    %scan3A_11 = arith.constant 0 : i32
    %scan3A_12 = arith.constant 256 : i32
    %scan3A_13 = arith.addi %scan3A_11, %scan3A_12 : i32
    %scan3A_14 = arith.constant 1 : i32
    scf.for %scan3A_2342 = %scan3A_11 to %scan3A_13 step %scan3A_14  : i32 {
      %mul3A_2343 = arith.constant 16 : i32
      %mul3A_2344 = arith.muli %scan3A_2342, %mul3A_2343 : i32
      %swap3A = arith.constant 0 : i32
      %swap3A_2345 = arith.index_cast %swap3A : i32 to index
      %swap3A_2346 = arith.index_cast %mul3A_2344 : i32 to index
      %swap3A_2347 = tpu.vector_load %arg7[%swap3A_2345, %swap3A_2346] {strides = array<i32>} : memref<4x4096xf32, #tpu.memory_space<vmem>>, vector<16xf32>,
      tpu.vector_store %arg7[%swap3A_2345, %swap3A_2346], %broadcast_in_dim3A_10 {strides = array<i32>} : memref<4x4096xf32, #tpu.memory_space<vmem>>, vector<16xf32>,
      %mul3A_2348 = arith.constant 16 : i32
      %mul3A_2349 = arith.muli %scan3A_2342, %mul3A_2348 : i32
      %swap3A_2350 = arith.constant 0 : i32
      %swap3A_2351 = arith.index_cast %swap3A_2350 : i32 to index
      %swap3A_2352 = arith.index_cast %mul3A_2349 : i32 to index
      %swap3A_2353 = tpu.vector_load %arg8[%swap3A_2351, %swap3A_2352] {strides = array<i32>} : memref<4x4096xf32, #tpu.memory_space<vmem>>, vector<16xf32>,
      tpu.vector_store %arg8[%swap3A_2351, %swap3A_2352], %broadcast_in_dim3A_10 {strides = array<i32>} : memref<4x4096xf32, #tpu.memory_space<vmem>>, vector<16xf32>,
      %mul3A_2354 = arith.constant 16 : i32
      %mul3A_2355 = arith.muli %scan3A_2342, %mul3A_2354 : i32
      %swap3A_2356 = arith.constant 1 : i32
      %swap3A_2357 = arith.index_cast %swap3A_2356 : i32 to index
      %swap3A_2358 = arith.index_cast %mul3A_2355 : i32 to index
      %swap3A_2359 = tpu.vector_load %arg7[%swap3A_2357, %swap3A_2358] {strides = array<i32>} : memref<4x4096xf32, #tpu.memory_space<vmem>>, vector<16xf32>,
      tpu.vector_store %arg7[%swap3A_2357, %swap3A_2358], %broadcast_in_dim3A_10 {strides = array<i32>} : memref<4x4096xf32, #tpu.memory_space<vmem>>, vector<16xf32>,
      %mul3A_2360 = arith.constant 16 : i32
      %mul3A_2361 = arith.muli %scan3A_2342, %mul3A_2360 : i32
      %swap3A_2362 = arith.constant 1 : i32
      %swap3A_2363 = arith.index_cast %swap3A_2362 : i32 to index
      %swap3A_2364 = arith.index_cast %mul3A_2361 : i32 to index
      %swap3A_2365 = tpu.vector_load %arg8[%swap3A_2363, %swap3A_2364] {strides = array<i32>} : memref<4x4096xf32, #tpu.memory_space<vmem>>, vector<16xf32>,
      tpu.vector_store %arg8[%swap3A_2363, %swap3A_2364], %broadcast_in_dim3A_10 {strides = array<i32>} : memref<4x4096xf32, #tpu.memory_space<vmem>>, vector<16xf32>,
      %mul3A_2366 = arith.constant 16 : i32
      %mul3A_2367 = arith.muli %scan3A_2342, %mul3A_2366 : i32
      %swap3A_2368 = arith.constant 2 : i32
      %swap3A_2369 = arith.index_cast %swap3A_2368 : i32 to index
      %swap3A_2370 = arith.index_cast %mul3A_2367 : i32 to index
      %swap3A_2371 = tpu.vector_load %arg7[%swap3A_2369, %swap3A_2370] {strides = array<i32>} : memref<4x4096xf32, #tpu.memory_space<vmem>>, vector<16xf32>,
      tpu.vector_store %arg7[%swap3A_2369, %swap3A_2370], %broadcast_in_dim3A_10 {strides = array<i32>} : memref<4x4096xf32, #tpu.memory_space<vmem>>, vector<16xf32>,
      %mul3A_2372 = arith.constant 16 : i32
      %mul3A_2373 = arith.muli %scan3A_2342, %mul3A_2372 : i32
      %swap3A_2374 = arith.constant 2 : i32
      %swap3A_2375 = arith.index_cast %swap3A_2374 : i32 to index
      %swap3A_2376 = arith.index_cast %mul3A_2373 : i32 to index
      %swap3A_2377 = tpu.vector_load %arg8[%swap3A_2375, %swap3A_2376] {strides = array<i32>} : memref<4x4096xf32, #tpu.memory_space<vmem>>, vector<16xf32>,
      tpu.vector_store %arg8[%swap3A_2375, %swap3A_2376], %broadcast_in_dim3A_10 {strides = array<i32>} : memref<4x4096xf32, #tpu.memory_space<vmem>>, vector<16xf32>,
      %mul3A_2378 = arith.constant 16 : i32
      %mul3A_2379 = arith.muli %scan3A_2342, %mul3A_2378 : i32
      %swap3A_2380 = arith.constant 3 : i32
      %swap3A_2381 = arith.index_cast %swap3A_2380 : i32 to index
      %swap3A_2382 = arith.index_cast %mul3A_2379 : i32 to index
      %swap3A_2383 = tpu.vector_load %arg7[%swap3A_2381, %swap3A_2382] {strides = array<i32>} : memref<4x4096xf32, #tpu.memory_space<vmem>>, vector<16xf32>,
      tpu.vector_store %arg7[%swap3A_2381, %swap3A_2382], %broadcast_in_dim3A_10 {strides = array<i32>} : memref<4x4096xf32, #tpu.memory_space<vmem>>, vector<16xf32>,
      %mul3A_2384 = arith.constant 16 : i32
      %mul3A_2385 = arith.muli %scan3A_2342, %mul3A_2384 : i32
      %swap3A_2386 = arith.constant 3 : i32
      %swap3A_2387 = arith.index_cast %swap3A_2386 : i32 to index
      %swap3A_2388 = arith.index_cast %mul3A_2385 : i32 to index
      %swap3A_2389 = tpu.vector_load %arg8[%swap3A_2387, %swap3A_2388] {strides = array<i32>} : memref<4x4096xf32, #tpu.memory_space<vmem>>, vector<16xf32>,
      tpu.vector_store %arg8[%swap3A_2387, %swap3A_2388], %broadcast_in_dim3A_10 {strides = array<i32>} : memref<4x4096xf32, #tpu.memory_space<vmem>>, vector<16xf32>,
    }
    %scan3A_15 = arith.constant 256 : i32
    %dma_wait3A = arith.constant 0 : i32
    %dma_wait3A_16 = tpu.memref_slice %arg3[%mul3A_2, %dma_wait3A] : memref<2048x32xi32, #tpu.memory_space<hbm>> -> memref<64x32xi32, #tpu.memory_space<hbm>>
    %dma_wait3A_17 = arith.constant 0 : i32
    %dma_wait3A_18 = tpu.memref_slice %arg3[%mul3A_2, %dma_wait3A_17] : memref<2048x32xi32, #tpu.memory_space<hbm>> -> memref<64x32xi32, #tpu.memory_space<hbm>>
    tpu.wait_dma2 semaphore(%arg9 : memref<!tpu.dma_semaphore, #tpu.memory_space<semaphore_mem>>) src(%dma_wait3A_18 : memref<64x32xi32, #tpu.memory_space<hbm>>) dst(%arg5 : memref<64x32xi32, #tpu.memory_space<vmem>>)
    %dma_wait3A_19 = arith.constant 0 : i32
    %dma_wait3A_20 = tpu.memref_slice %arg2[%mul3A_2, %dma_wait3A_19] : memref<2048x32xf32, #tpu.memory_space<hbm>> -> memref<64x32xf32, #tpu.memory_space<hbm>>
    %dma_wait3A_21 = arith.constant 0 : i32
    %dma_wait3A_22 = tpu.memref_slice %arg2[%mul3A_2, %dma_wait3A_21] : memref<2048x32xf32, #tpu.memory_space<hbm>> -> memref<64x32xf32, #tpu.memory_space<hbm>>
    tpu.wait_dma2 semaphore(%arg10 : memref<!tpu.dma_semaphore, #tpu.memory_space<semaphore_mem>>) src(%dma_wait3A_22 : memref<64x32xf32, #tpu.memory_space<hbm>>) dst(%arg6 : memref<64x32xf32, #tpu.memory_space<vmem>>)
    %broadcast_in_dim3A_23 = arith.constant 0 : i32
    %broadcast_in_dim3A_24 = vector.broadcast %broadcast_in_dim3A_23 : i32 to vector<16xi32>
    %get3A = arith.constant 0 : i32
    %get3A_25 = arith.index_cast %get3A : i32 to index
    %get3A_26 = arith.constant 0 : index
    %get3A_27 = tpu.vector_load %arg5[%get3A_25, %get3A_26] {strides = array<i32>} : memref<64x32xi32, #tpu.memory_space<vmem>>, vector<16xi32>,
    %get3A_28 = arith.constant 0 : i32
    %get3A_29 = arith.index_cast %get3A_28 : i32 to index
    %get3A_30 = arith.constant 0 : index
    %get3A_31 = tpu.vector_load %arg6[%get3A_29, %get3A_30] {strides = array<i32>} : memref<64x32xf32, #tpu.memory_space<vmem>>, vector<16xf32>,
    tpu.vector_store_idx %arg7[%broadcast_in_dim3A_24, %get3A_27], %get3A_31 {add = true} : memref<4x4096xf32, #tpu.memory_space<vmem>>[vector<16xi32>, vector<16xi32>], vector<16xf32>,
    %get3A_32 = arith.constant 0 : i32
    %get3A_33 = arith.index_cast %get3A_32 : i32 to index
    %get3A_34 = arith.constant 16 : index
    %get3A_35 = tpu.vector_load %arg5[%get3A_33, %get3A_34] {strides = array<i32>} : memref<64x32xi32, #tpu.memory_space<vmem>>, vector<16xi32>,
    %get3A_36 = arith.constant 0 : i32
    %get3A_37 = arith.index_cast %get3A_36 : i32 to index
    %get3A_38 = arith.constant 16 : index
    %get3A_39 = tpu.vector_load %arg6[%get3A_37, %get3A_38] {strides = array<i32>} : memref<64x32xf32, #tpu.memory_space<vmem>>, vector<16xf32>,
    tpu.vector_store_idx %arg7[%broadcast_in_dim3A_24, %get3A_35], %get3A_39 {add = true} : memref<4x4096xf32, #tpu.memory_space<vmem>>[vector<16xi32>, vector<16xi32>], vector<16xf32>,
    %broadcast_in_dim3A_40 = arith.constant 1 : i32
    %broadcast_in_dim3A_41 = vector.broadcast %broadcast_in_dim3A_40 : i32 to vector<16xi32>
    %get3A_42 = arith.constant 1 : i32
    %get3A_43 = arith.index_cast %get3A_42 : i32 to index
    %get3A_44 = arith.constant 0 : index
    %get3A_45 = tpu.vector_load %arg5[%get3A_43, %get3A_44] {strides = array<i32>} : memref<64x32xi32, #tpu.memory_space<vmem>>, vector<16xi32>,
    %get3A_46 = arith.constant 1 : i32
    %get3A_47 = arith.index_cast %get3A_46 : i32 to index
    %get3A_48 = arith.constant 0 : index
    %get3A_49 = tpu.vector_load %arg6[%get3A_47, %get3A_48] {strides = array<i32>} : memref<64x32xf32, #tpu.memory_space<vmem>>, vector<16xf32>,
    tpu.vector_store_idx %arg7[%broadcast_in_dim3A_41, %get3A_45], %get3A_49 {add = true} : memref<4x4096xf32, #tpu.memory_space<vmem>>[vector<16xi32>, vector<16xi32>], vector<16xf32>,
    %get3A_50 = arith.constant 1 : i32
    %get3A_51 = arith.index_cast %get3A_50 : i32 to index
    %get3A_52 = arith.constant 16 : index
    %get3A_53 = tpu.vector_load %arg5[%get3A_51, %get3A_52] {strides = array<i32>} : memref<64x32xi32, #tpu.memory_space<vmem>>, vector<16xi32>,
    %get3A_54 = arith.constant 1 : i32
    %get3A_55 = arith.index_cast %get3A_54 : i32 to index
    %get3A_56 = arith.constant 16 : index
    %get3A_57 = tpu.vector_load %arg6[%get3A_55, %get3A_56] {strides = array<i32>} : memref<64x32xf32, #tpu.memory_space<vmem>>, vector<16xf32>,
    tpu.vector_store_idx %arg7[%broadcast_in_dim3A_41, %get3A_53], %get3A_57 {add = true} : memref<4x4096xf32, #tpu.memory_space<vmem>>[vector<16xi32>, vector<16xi32>], vector<16xf32>,
    %broadcast_in_dim3A_58 = arith.constant 2 : i32
    %broadcast_in_dim3A_59 = vector.broadcast %broadcast_in_dim3A_58 : i32 to vector<16xi32>
    %get3A_60 = arith.constant 2 : i32
    %get3A_61 = arith.index_cast %get3A_60 : i32 to index
    %get3A_62 = arith.constant 0 : index
    %get3A_63 = tpu.vector_load %arg5[%get3A_61, %get3A_62] {strides = array<i32>} : memref<64x32xi32, #tpu.memory_space<vmem>>, vector<16xi32>,
    %get3A_64 = arith.constant 2 : i32
    %get3A_65 = arith.index_cast %get3A_64 : i32 to index
    %get3A_66 = arith.constant 0 : index
    %get3A_67 = tpu.vector_load %arg6[%get3A_65, %get3A_66] {strides = array<i32>} : memref<64x32xf32, #tpu.memory_space<vmem>>, vector<16xf32>,
    tpu.vector_store_idx %arg7[%broadcast_in_dim3A_59, %get3A_63], %get3A_67 {add = true} : memref<4x4096xf32, #tpu.memory_space<vmem>>[vector<16xi32>, vector<16xi32>], vector<16xf32>,
    %get3A_68 = arith.constant 2 : i32
    %get3A_69 = arith.index_cast %get3A_68 : i32 to index
    %get3A_70 = arith.constant 16 : index
    %get3A_71 = tpu.vector_load %arg5[%get3A_69, %get3A_70] {strides = array<i32>} : memref<64x32xi32, #tpu.memory_space<vmem>>, vector<16xi32>,
    %get3A_72 = arith.constant 2 : i32
    %get3A_73 = arith.index_cast %get3A_72 : i32 to index
    %get3A_74 = arith.constant 16 : index
    %get3A_75 = tpu.vector_load %arg6[%get3A_73, %get3A_74] {strides = array<i32>} : memref<64x32xf32, #tpu.memory_space<vmem>>, vector<16xf32>,
    tpu.vector_store_idx %arg7[%broadcast_in_dim3A_59, %get3A_71], %get3A_75 {add = true} : memref<4x4096xf32, #tpu.memory_space<vmem>>[vector<16xi32>, vector<16xi32>], vector<16xf32>,
    %broadcast_in_dim3A_76 = arith.constant 3 : i32
    %broadcast_in_dim3A_77 = vector.broadcast %broadcast_in_dim3A_76 : i32 to vector<16xi32>
    %get3A_78 = arith.constant 3 : i32
    %get3A_79 = arith.index_cast %get3A_78 : i32 to index
    %get3A_80 = arith.constant 0 : index
    %get3A_81 = tpu.vector_load %arg5[%get3A_79, %get3A_80] {strides = array<i32>} : memref<64x32xi32, #tpu.memory_space<vmem>>, vector<16xi32>,
    %get3A_82 = arith.constant 3 : i32
    %get3A_83 = arith.index_cast %get3A_82 : i32 to index
    %get3A_84 = arith.constant 0 : index
    %get3A_85 = tpu.vector_load %arg6[%get3A_83, %get3A_84] {strides = array<i32>} : memref<64x32xf32, #tpu.memory_space<vmem>>, vector<16xf32>,
    tpu.vector_store_idx %arg7[%broadcast_in_dim3A_77, %get3A_81], %get3A_85 {add = true} : memref<4x4096xf32, #tpu.memory_space<vmem>>[vector<16xi32>, vector<16xi32>], vector<16xf32>,
    %get3A_86 = arith.constant 3 : i32
    %get3A_87 = arith.index_cast %get3A_86 : i32 to index
    %get3A_88 = arith.constant 16 : index
    %get3A_89 = tpu.vector_load %arg5[%get3A_87, %get3A_88] {strides = array<i32>} : memref<64x32xi32, #tpu.memory_space<vmem>>, vector<16xi32>,
    %get3A_90 = arith.constant 3 : i32
    %get3A_91 = arith.index_cast %get3A_90 : i32 to index
    %get3A_92 = arith.constant 16 : index
    %get3A_93 = tpu.vector_load %arg6[%get3A_91, %get3A_92] {strides = array<i32>} : memref<64x32xf32, #tpu.memory_space<vmem>>, vector<16xf32>,
    tpu.vector_store_idx %arg7[%broadcast_in_dim3A_77, %get3A_89], %get3A_93 {add = true} : memref<4x4096xf32, #tpu.memory_space<vmem>>[vector<16xi32>, vector<16xi32>], vector<16xf32>,
    %add3A_94 = arith.constant 0 : i32
    %add3A_95 = arith.addi %mul3A_2, %add3A_94 : i32
    %dma_start3A_96 = arith.constant 0 : i32
    %dma_start3A_97 = tpu.memref_slice %arg4[%add3A_95, %dma_start3A_96] : memref<2048x4096xf32, #tpu.memory_space<hbm>> -> memref<4x4096xf32, #tpu.memory_space<hbm>>
    %dma_start3A_98 = arith.constant 0 : i32
    %dma_start3A_99 = tpu.memref_slice %arg4[%add3A_95, %dma_start3A_98] : memref<2048x4096xf32, #tpu.memory_space<hbm>> -> memref<4x4096xf32, #tpu.memory_space<hbm>>
    tpu.enqueue_dma source(%arg7 : memref<4x4096xf32, #tpu.memory_space<vmem>>) target(%dma_start3A_99 : memref<4x4096xf32, #tpu.memory_space<hbm>>) target_semaphore(%arg9 : memref<!tpu.dma_semaphore, #tpu.memory_space<semaphore_mem>>)
    %broadcast_in_dim3A_100 = arith.constant 0 : i32
    %broadcast_in_dim3A_101 = vector.broadcast %broadcast_in_dim3A_100 : i32 to vector<16xi32>
    %get3A_102 = arith.constant 4 : i32
    %get3A_103 = arith.index_cast %get3A_102 : i32 to index
    %get3A_104 = arith.constant 0 : index
    %get3A_105 = tpu.vector_load %arg5[%get3A_103, %get3A_104] {strides = array<i32>} : memref<64x32xi32, #tpu.memory_space<vmem>>, vector<16xi32>,
    %get3A_106 = arith.constant 4 : i32
    %get3A_107 = arith.index_cast %get3A_106 : i32 to index
    %get3A_108 = arith.constant 0 : index
    %get3A_109 = tpu.vector_load %arg6[%get3A_107, %get3A_108] {strides = array<i32>} : memref<64x32xf32, #tpu.memory_space<vmem>>, vector<16xf32>,
    tpu.vector_store_idx %arg8[%broadcast_in_dim3A_101, %get3A_105], %get3A_109 {add = true} : memref<4x4096xf32, #tpu.memory_space<vmem>>[vector<16xi32>, vector<16xi32>], vector<16xf32>,
    %get3A_110 = arith.constant 4 : i32
    %get3A_111 = arith.index_cast %get3A_110 : i32 to index
    %get3A_112 = arith.constant 16 : index
    %get3A_113 = tpu.vector_load %arg5[%get3A_111, %get3A_112] {strides = array<i32>} : memref<64x32xi32, #tpu.memory_space<vmem>>, vector<16xi32>,
    %get3A_114 = arith.constant 4 : i32
    %get3A_115 = arith.index_cast %get3A_114 : i32 to index
    %get3A_116 = arith.constant 16 : index
    %get3A_117 = tpu.vector_load %arg6[%get3A_115, %get3A_116] {strides = array<i32>} : memref<64x32xf32, #tpu.memory_space<vmem>>, vector<16xf32>,
    tpu.vector_store_idx %arg8[%broadcast_in_dim3A_101, %get3A_113], %get3A_117 {add = true} : memref<4x4096xf32, #tpu.memory_space<vmem>>[vector<16xi32>, vector<16xi32>], vector<16xf32>,
    %broadcast_in_dim3A_118 = arith.constant 1 : i32
    %broadcast_in_dim3A_119 = vector.broadcast %broadcast_in_dim3A_118 : i32 to vector<16xi32>
    %get3A_120 = arith.constant 5 : i32
    %get3A_121 = arith.index_cast %get3A_120 : i32 to index
    %get3A_122 = arith.constant 0 : index
    %get3A_123 = tpu.vector_load %arg5[%get3A_121, %get3A_122] {strides = array<i32>} : memref<64x32xi32, #tpu.memory_space<vmem>>, vector<16xi32>,
    %get3A_124 = arith.constant 5 : i32
    %get3A_125 = arith.index_cast %get3A_124 : i32 to index
    %get3A_126 = arith.constant 0 : index
    %get3A_127 = tpu.vector_load %arg6[%get3A_125, %get3A_126] {strides = array<i32>} : memref<64x32xf32, #tpu.memory_space<vmem>>, vector<16xf32>,
    tpu.vector_store_idx %arg8[%broadcast_in_dim3A_119, %get3A_123], %get3A_127 {add = true} : memref<4x4096xf32, #tpu.memory_space<vmem>>[vector<16xi32>, vector<16xi32>], vector<16xf32>,
    %get3A_128 = arith.constant 5 : i32
    %get3A_129 = arith.index_cast %get3A_128 : i32 to index
    %get3A_130 = arith.constant 16 : index
    %get3A_131 = tpu.vector_load %arg5[%get3A_129, %get3A_130] {strides = array<i32>} : memref<64x32xi32, #tpu.memory_space<vmem>>, vector<16xi32>,
    %get3A_132 = arith.constant 5 : i32
    %get3A_133 = arith.index_cast %get3A_132 : i32 to index
    %get3A_134 = arith.constant 16 : index
    %get3A_135 = tpu.vector_load %arg6[%get3A_133, %get3A_134] {strides = array<i32>} : memref<64x32xf32, #tpu.memory_space<vmem>>, vector<16xf32>,
    tpu.vector_store_idx %arg8[%broadcast_in_dim3A_119, %get3A_131], %get3A_135 {add = true} : memref<4x4096xf32, #tpu.memory_space<vmem>>[vector<16xi32>, vector<16xi32>], vector<16xf32>,
    %broadcast_in_dim3A_136 = arith.constant 2 : i32
    %broadcast_in_dim3A_137 = vector.broadcast %broadcast_in_dim3A_136 : i32 to vector<16xi32>
    %get3A_138 = arith.constant 6 : i32
    %get3A_139 = arith.index_cast %get3A_138 : i32 to index
    %get3A_140 = arith.constant 0 : index
    %get3A_141 = tpu.vector_load %arg5[%get3A_139, %get3A_140] {strides = array<i32>} : memref<64x32xi32, #tpu.memory_space<vmem>>, vector<16xi32>,
    %get3A_142 = arith.constant 6 : i32
    %get3A_143 = arith.index_cast %get3A_142 : i32 to index
    %get3A_144 = arith.constant 0 : index
    %get3A_145 = tpu.vector_load %arg6[%get3A_143, %get3A_144] {strides = array<i32>} : memref<64x32xf32, #tpu.memory_space<vmem>>, vector<16xf32>,
    tpu.vector_store_idx %arg8[%broadcast_in_dim3A_137, %get3A_141], %get3A_145 {add = true} : memref<4x4096xf32, #tpu.memory_space<vmem>>[vector<16xi32>, vector<16xi32>], vector<16xf32>,
    %get3A_146 = arith.constant 6 : i32
    %get3A_147 = arith.index_cast %get3A_146 : i32 to index
    %get3A_148 = arith.constant 16 : index
    %get3A_149 = tpu.vector_load %arg5[%get3A_147, %get3A_148] {strides = array<i32>} : memref<64x32xi32, #tpu.memory_space<vmem>>, vector<16xi32>,
    %get3A_150 = arith.constant 6 : i32
    %get3A_151 = arith.index_cast %get3A_150 : i32 to index
    %get3A_152 = arith.constant 16 : index
    %get3A_153 = tpu.vector_load %arg6[%get3A_151, %get3A_152] {strides = array<i32>} : memref<64x32xf32, #tpu.memory_space<vmem>>, vector<16xf32>,
    tpu.vector_store_idx %arg8[%broadcast_in_dim3A_137, %get3A_149], %get3A_153 {add = true} : memref<4x4096xf32, #tpu.memory_space<vmem>>[vector<16xi32>, vector<16xi32>], vector<16xf32>,
    %broadcast_in_dim3A_154 = arith.constant 3 : i32
    %broadcast_in_dim3A_155 = vector.broadcast %broadcast_in_dim3A_154 : i32 to vector<16xi32>
    %get3A_156 = arith.constant 7 : i32
    %get3A_157 = arith.index_cast %get3A_156 : i32 to index
    %get3A_158 = arith.constant 0 : index
    %get3A_159 = tpu.vector_load %arg5[%get3A_157, %get3A_158] {strides = array<i32>} : memref<64x32xi32, #tpu.memory_space<vmem>>, vector<16xi32>,
    %get3A_160 = arith.constant 7 : i32
    %get3A_161 = arith.index_cast %get3A_160 : i32 to index
    %get3A_162 = arith.constant 0 : index
    %get3A_163 = tpu.vector_load %arg6[%get3A_161, %get3A_162] {strides = array<i32>} : memref<64x32xf32, #tpu.memory_space<vmem>>, vector<16xf32>,
    tpu.vector_store_idx %arg8[%broadcast_in_dim3A_155, %get3A_159], %get3A_163 {add = true} : memref<4x4096xf32, #tpu.memory_space<vmem>>[vector<16xi32>, vector<16xi32>], vector<16xf32>,
    %get3A_164 = arith.constant 7 : i32
    %get3A_165 = arith.index_cast %get3A_164 : i32 to index
    %get3A_166 = arith.constant 16 : index
    %get3A_167 = tpu.vector_load %arg5[%get3A_165, %get3A_166] {strides = array<i32>} : memref<64x32xi32, #tpu.memory_space<vmem>>, vector<16xi32>,
    %get3A_168 = arith.constant 7 : i32
    %get3A_169 = arith.index_cast %get3A_168 : i32 to index
    %get3A_170 = arith.constant 16 : index
    %get3A_171 = tpu.vector_load %arg6[%get3A_169, %get3A_170] {strides = array<i32>} : memref<64x32xf32, #tpu.memory_space<vmem>>, vector<16xf32>,
    tpu.vector_store_idx %arg8[%broadcast_in_dim3A_155, %get3A_167], %get3A_171 {add = true} : memref<4x4096xf32, #tpu.memory_space<vmem>>[vector<16xi32>, vector<16xi32>], vector<16xf32>,
    %add3A_172 = arith.constant 4 : i32
    %add3A_173 = arith.addi %mul3A_2, %add3A_172 : i32
    %dma_start3A_174 = arith.constant 0 : i32
    %dma_start3A_175 = tpu.memref_slice %arg4[%add3A_173, %dma_start3A_174] : memref<2048x4096xf32, #tpu.memory_space<hbm>> -> memref<4x4096xf32, #tpu.memory_space<hbm>>
    %dma_start3A_176 = arith.constant 0 : i32
    %dma_start3A_177 = tpu.memref_slice %arg4[%add3A_173, %dma_start3A_176] : memref<2048x4096xf32, #tpu.memory_space<hbm>> -> memref<4x4096xf32, #tpu.memory_space<hbm>>
    tpu.enqueue_dma source(%arg8 : memref<4x4096xf32, #tpu.memory_space<vmem>>) target(%dma_start3A_177 : memref<4x4096xf32, #tpu.memory_space<hbm>>) target_semaphore(%arg10 : memref<!tpu.dma_semaphore, #tpu.memory_space<semaphore_mem>>)
    %dma_wait3A_178 = arith.constant 0 : i32
    %dma_wait3A_179 = tpu.memref_slice %arg4[%add3A_95, %dma_wait3A_178] : memref<2048x4096xf32, #tpu.memory_space<hbm>> -> memref<4x4096xf32, #tpu.memory_space<hbm>>
    %dma_wait3A_180 = arith.constant 0 : i32
    %dma_wait3A_181 = tpu.memref_slice %arg4[%add3A_95, %dma_wait3A_180] : memref<2048x4096xf32, #tpu.memory_space<hbm>> -> memref<4x4096xf32, #tpu.memory_space<hbm>>
    tpu.wait_dma2 semaphore(%arg9 : memref<!tpu.dma_semaphore, #tpu.memory_space<semaphore_mem>>) src(%arg7 : memref<4x4096xf32, #tpu.memory_space<vmem>>) dst(%dma_wait3A_181 : memref<4x4096xf32, #tpu.memory_space<hbm>>)
    %broadcast_in_dim3A_182 = arith.constant 0 : i32
    %broadcast_in_dim3A_183 = vector.broadcast %broadcast_in_dim3A_182 : i32 to vector<16xi32>
    %get3A_184 = arith.constant 0 : i32
    %get3A_185 = arith.index_cast %get3A_184 : i32 to index
    %get3A_186 = arith.constant 0 : index
    %get3A_187 = tpu.vector_load %arg5[%get3A_185, %get3A_186] {strides = array<i32>} : memref<64x32xi32, #tpu.memory_space<vmem>>, vector<16xi32>,
    %get3A_188 = arith.constant 0 : i32
    %get3A_189 = arith.index_cast %get3A_188 : i32 to index
    %get3A_190 = arith.constant 0 : index
    %get3A_191 = tpu.vector_load %arg6[%get3A_189, %get3A_190] {strides = array<i32>} : memref<64x32xf32, #tpu.memory_space<vmem>>, vector<16xf32>,
    tpu.vector_store_idx %arg7[%broadcast_in_dim3A_183, %get3A_187], %broadcast_in_dim3A_10 : memref<4x4096xf32, #tpu.memory_space<vmem>>[vector<16xi32>, vector<16xi32>], vector<16xf32>,
    %get3A_192 = arith.constant 0 : i32
    %get3A_193 = arith.index_cast %get3A_192 : i32 to index
    %get3A_194 = arith.constant 16 : index
    %get3A_195 = tpu.vector_load %arg5[%get3A_193, %get3A_194] {strides = array<i32>} : memref<64x32xi32, #tpu.memory_space<vmem>>, vector<16xi32>,
    %get3A_196 = arith.constant 0 : i32
    %get3A_197 = arith.index_cast %get3A_196 : i32 to index
    %get3A_198 = arith.constant 16 : index
    %get3A_199 = tpu.vector_load %arg6[%get3A_197, %get3A_198] {strides = array<i32>} : memref<64x32xf32, #tpu.memory_space<vmem>>, vector<16xf32>,
    tpu.vector_store_idx %arg7[%broadcast_in_dim3A_183, %get3A_195], %broadcast_in_dim3A_10 : memref<4x4096xf32, #tpu.memory_space<vmem>>[vector<16xi32>, vector<16xi32>], vector<16xf32>,
    %broadcast_in_dim3A_200 = arith.constant 1 : i32
    %broadcast_in_dim3A_201 = vector.broadcast %broadcast_in_dim3A_200 : i32 to vector<16xi32>
    %get3A_202 = arith.constant 1 : i32
    %get3A_203 = arith.index_cast %get3A_202 : i32 to index
    %get3A_204 = arith.constant 0 : index
    %get3A_205 = tpu.vector_load %arg5[%get3A_203, %get3A_204] {strides = array<i32>} : memref<64x32xi32, #tpu.memory_space<vmem>>, vector<16xi32>,
    %get3A_206 = arith.constant 1 : i32
    %get3A_207 = arith.index_cast %get3A_206 : i32 to index
    %get3A_208 = arith.constant 0 : index
    %get3A_209 = tpu.vector_load %arg6[%get3A_207, %get3A_208] {strides = array<i32>} : memref<64x32xf32, #tpu.memory_space<vmem>>, vector<16xf32>,
    tpu.vector_store_idx %arg7[%broadcast_in_dim3A_201, %get3A_205], %broadcast_in_dim3A_10 : memref<4x4096xf32, #tpu.memory_space<vmem>>[vector<16xi32>, vector<16xi32>], vector<16xf32>,
    %get3A_210 = arith.constant 1 : i32
    %get3A_211 = arith.index_cast %get3A_210 : i32 to index
    %get3A_212 = arith.constant 16 : index
    %get3A_213 = tpu.vector_load %arg5[%get3A_211, %get3A_212] {strides = array<i32>} : memref<64x32xi32, #tpu.memory_space<vmem>>, vector<16xi32>,
    %get3A_214 = arith.constant 1 : i32
    %get3A_215 = arith.index_cast %get3A_214 : i32 to index
    %get3A_216 = arith.constant 16 : index
    %get3A_217 = tpu.vector_load %arg6[%get3A_215, %get3A_216] {strides = array<i32>} : memref<64x32xf32, #tpu.memory_space<vmem>>, vector<16xf32>,
    tpu.vector_store_idx %arg7[%broadcast_in_dim3A_201, %get3A_213], %broadcast_in_dim3A_10 : memref<4x4096xf32, #tpu.memory_space<vmem>>[vector<16xi32>, vector<16xi32>], vector<16xf32>,
    %broadcast_in_dim3A_218 = arith.constant 2 : i32
    %broadcast_in_dim3A_219 = vector.broadcast %broadcast_in_dim3A_218 : i32 to vector<16xi32>
    %get3A_220 = arith.constant 2 : i32
    %get3A_221 = arith.index_cast %get3A_220 : i32 to index
    %get3A_222 = arith.constant 0 : index
    %get3A_223 = tpu.vector_load %arg5[%get3A_221, %get3A_222] {strides = array<i32>} : memref<64x32xi32, #tpu.memory_space<vmem>>, vector<16xi32>,
    %get3A_224 = arith.constant 2 : i32
    %get3A_225 = arith.index_cast %get3A_224 : i32 to index
    %get3A_226 = arith.constant 0 : index
    %get3A_227 = tpu.vector_load %arg6[%get3A_225, %get3A_226] {strides = array<i32>} : memref<64x32xf32, #tpu.memory_space<vmem>>, vector<16xf32>,
    tpu.vector_store_idx %arg7[%broadcast_in_dim3A_219, %get3A_223], %broadcast_in_dim3A_10 : memref<4x4096xf32, #tpu.memory_space<vmem>>[vector<16xi32>, vector<16xi32>], vector<16xf32>,
    %get3A_228 = arith.constant 2 : i32
    %get3A_229 = arith.index_cast %get3A_228 : i32 to index
    %get3A_230 = arith.constant 16 : index
    %get3A_231 = tpu.vector_load %arg5[%get3A_229, %get3A_230] {strides = array<i32>} : memref<64x32xi32, #tpu.memory_space<vmem>>, vector<16xi32>,
    %get3A_232 = arith.constant 2 : i32
    %get3A_233 = arith.index_cast %get3A_232 : i32 to index
    %get3A_234 = arith.constant 16 : index
    %get3A_235 = tpu.vector_load %arg6[%get3A_233, %get3A_234] {strides = array<i32>} : memref<64x32xf32, #tpu.memory_space<vmem>>, vector<16xf32>,
    tpu.vector_store_idx %arg7[%broadcast_in_dim3A_219, %get3A_231], %broadcast_in_dim3A_10 : memref<4x4096xf32, #tpu.memory_space<vmem>>[vector<16xi32>, vector<16xi32>], vector<16xf32>,
    %broadcast_in_dim3A_236 = arith.constant 3 : i32
    %broadcast_in_dim3A_237 = vector.broadcast %broadcast_in_dim3A_236 : i32 to vector<16xi32>
    %get3A_238 = arith.constant 3 : i32
    %get3A_239 = arith.index_cast %get3A_238 : i32 to index
    %get3A_240 = arith.constant 0 : index
    %get3A_241 = tpu.vector_load %arg5[%get3A_239, %get3A_240] {strides = array<i32>} : memref<64x32xi32, #tpu.memory_space<vmem>>, vector<16xi32>,
    %get3A_242 = arith.constant 3 : i32
    %get3A_243 = arith.index_cast %get3A_242 : i32 to index
    %get3A_244 = arith.constant 0 : index
    %get3A_245 = tpu.vector_load %arg6[%get3A_243, %get3A_244] {strides = array<i32>} : memref<64x32xf32, #tpu.memory_space<vmem>>, vector<16xf32>,
    tpu.vector_store_idx %arg7[%broadcast_in_dim3A_237, %get3A_241], %broadcast_in_dim3A_10 : memref<4x4096xf32, #tpu.memory_space<vmem>>[vector<16xi32>, vector<16xi32>], vector<16xf32>,
    %get3A_246 = arith.constant 3 : i32
    %get3A_247 = arith.index_cast %get3A_246 : i32 to index
    %get3A_248 = arith.constant 16 : index
    %get3A_249 = tpu.vector_load %arg5[%get3A_247, %get3A_248] {strides = array<i32>} : memref<64x32xi32, #tpu.memory_space<vmem>>, vector<16xi32>,
    %get3A_250 = arith.constant 3 : i32
    %get3A_251 = arith.index_cast %get3A_250 : i32 to index
    %get3A_252 = arith.constant 16 : index
    %get3A_253 = tpu.vector_load %arg6[%get3A_251, %get3A_252] {strides = array<i32>} : memref<64x32xf32, #tpu.memory_space<vmem>>, vector<16xf32>,
    tpu.vector_store_idx %arg7[%broadcast_in_dim3A_237, %get3A_249], %broadcast_in_dim3A_10 : memref<4x4096xf32, #tpu.memory_space<vmem>>[vector<16xi32>, vector<16xi32>], vector<16xf32>,
    %broadcast_in_dim3A_254 = arith.constant 0 : i32
    %broadcast_in_dim3A_255 = vector.broadcast %broadcast_in_dim3A_254 : i32 to vector<16xi32>
    %get3A_256 = arith.constant 8 : i32
    %get3A_257 = arith.index_cast %get3A_256 : i32 to index
    %get3A_258 = arith.constant 0 : index
    %get3A_259 = tpu.vector_load %arg5[%get3A_257, %get3A_258] {strides = array<i32>} : memref<64x32xi32, #tpu.memory_space<vmem>>, vector<16xi32>,
    %get3A_260 = arith.constant 8 : i32
    %get3A_261 = arith.index_cast %get3A_260 : i32 to index
    %get3A_262 = arith.constant 0 : index
    %get3A_263 = tpu.vector_load %arg6[%get3A_261, %get3A_262] {strides = array<i32>} : memref<64x32xf32, #tpu.memory_space<vmem>>, vector<16xf32>,
    tpu.vector_store_idx %arg7[%broadcast_in_dim3A_255, %get3A_259], %get3A_263 {add = true} : memref<4x4096xf32, #tpu.memory_space<vmem>>[vector<16xi32>, vector<16xi32>], vector<16xf32>,
    %get3A_264 = arith.constant 8 : i32
    %get3A_265 = arith.index_cast %get3A_264 : i32 to index
    %get3A_266 = arith.constant 16 : index
    %get3A_267 = tpu.vector_load %arg5[%get3A_265, %get3A_266] {strides = array<i32>} : memref<64x32xi32, #tpu.memory_space<vmem>>, vector<16xi32>,
    %get3A_268 = arith.constant 8 : i32
    %get3A_269 = arith.index_cast %get3A_268 : i32 to index
    %get3A_270 = arith.constant 16 : index
    %get3A_271 = tpu.vector_load %arg6[%get3A_269, %get3A_270] {strides = array<i32>} : memref<64x32xf32, #tpu.memory_space<vmem>>, vector<16xf32>,
    tpu.vector_store_idx %arg7[%broadcast_in_dim3A_255, %get3A_267], %get3A_271 {add = true} : memref<4x4096xf32, #tpu.memory_space<vmem>>[vector<16xi32>, vector<16xi32>], vector<16xf32>,
    %broadcast_in_dim3A_272 = arith.constant 1 : i32
    %broadcast_in_dim3A_273 = vector.broadcast %broadcast_in_dim3A_272 : i32 to vector<16xi32>
    %get3A_274 = arith.constant 9 : i32
    %get3A_275 = arith.index_cast %get3A_274 : i32 to index
    %get3A_276 = arith.constant 0 : index
    %get3A_277 = tpu.vector_load %arg5[%get3A_275, %get3A_276] {strides = array<i32>} : memref<64x32xi32, #tpu.memory_space<vmem>>, vector<16xi32>,
    %get3A_278 = arith.constant 9 : i32
    %get3A_279 = arith.index_cast %get3A_278 : i32 to index
    %get3A_280 = arith.constant 0 : index
    %get3A_281 = tpu.vector_load %arg6[%get3A_279, %get3A_280] {strides = array<i32>} : memref<64x32xf32, #tpu.memory_space<vmem>>, vector<16xf32>,
    tpu.vector_store_idx %arg7[%broadcast_in_dim3A_273, %get3A_277], %get3A_281 {add = true} : memref<4x4096xf32, #tpu.memory_space<vmem>>[vector<16xi32>, vector<16xi32>], vector<16xf32>,
    %get3A_282 = arith.constant 9 : i32
    %get3A_283 = arith.index_cast %get3A_282 : i32 to index
    %get3A_284 = arith.constant 16 : index
    %get3A_285 = tpu.vector_load %arg5[%get3A_283, %get3A_284] {strides = array<i32>} : memref<64x32xi32, #tpu.memory_space<vmem>>, vector<16xi32>,
    %get3A_286 = arith.constant 9 : i32
    %get3A_287 = arith.index_cast %get3A_286 : i32 to index
    %get3A_288 = arith.constant 16 : index
    %get3A_289 = tpu.vector_load %arg6[%get3A_287, %get3A_288] {strides = array<i32>} : memref<64x32xf32, #tpu.memory_space<vmem>>, vector<16xf32>,
    tpu.vector_store_idx %arg7[%broadcast_in_dim3A_273, %get3A_285], %get3A_289 {add = true} : memref<4x4096xf32, #tpu.memory_space<vmem>>[vector<16xi32>, vector<16xi32>], vector<16xf32>,
    %broadcast_in_dim3A_290 = arith.constant 2 : i32
    %broadcast_in_dim3A_291 = vector.broadcast %broadcast_in_dim3A_290 : i32 to vector<16xi32>
    %get3A_292 = arith.constant 10 : i32
    %get3A_293 = arith.index_cast %get3A_292 : i32 to index
    %get3A_294 = arith.constant 0 : index
    %get3A_295 = tpu.vector_load %arg5[%get3A_293, %get3A_294] {strides = array<i32>} : memref<64x32xi32, #tpu.memory_space<vmem>>, vector<16xi32>,
    %get3A_296 = arith.constant 10 : i32
    %get3A_297 = arith.index_cast %get3A_296 : i32 to index
    %get3A_298 = arith.constant 0 : index
    %get3A_299 = tpu.vector_load %arg6[%get3A_297, %get3A_298] {strides = array<i32>} : memref<64x32xf32, #tpu.memory_space<vmem>>, vector<16xf32>,
    tpu.vector_store_idx %arg7[%broadcast_in_dim3A_291, %get3A_295], %get3A_299 {add = true} : memref<4x4096xf32, #tpu.memory_space<vmem>>[vector<16xi32>, vector<16xi32>], vector<16xf32>,
    %get3A_300 = arith.constant 10 : i32
    %get3A_301 = arith.index_cast %get3A_300 : i32 to index
    %get3A_302 = arith.constant 16 : index
    %get3A_303 = tpu.vector_load %arg5[%get3A_301, %get3A_302] {strides = array<i32>} : memref<64x32xi32, #tpu.memory_space<vmem>>, vector<16xi32>,
    %get3A_304 = arith.constant 10 : i32
    %get3A_305 = arith.index_cast %get3A_304 : i32 to index
    %get3A_306 = arith.constant 16 : index
    %get3A_307 = tpu.vector_load %arg6[%get3A_305, %get3A_306] {strides = array<i32>} : memref<64x32xf32, #tpu.memory_space<vmem>>, vector<16xf32>,
    tpu.vector_store_idx %arg7[%broadcast_in_dim3A_291, %get3A_303], %get3A_307 {add = true} : memref<4x4096xf32, #tpu.memory_space<vmem>>[vector<16xi32>, vector<16xi32>], vector<16xf32>,
    %broadcast_in_dim3A_308 = arith.constant 3 : i32
    %broadcast_in_dim3A_309 = vector.broadcast %broadcast_in_dim3A_308 : i32 to vector<16xi32>
    %get3A_310 = arith.constant 11 : i32
    %get3A_311 = arith.index_cast %get3A_310 : i32 to index
    %get3A_312 = arith.constant 0 : index
    %get3A_313 = tpu.vector_load %arg5[%get3A_311, %get3A_312] {strides = array<i32>} : memref<64x32xi32, #tpu.memory_space<vmem>>, vector<16xi32>,
    %get3A_314 = arith.constant 11 : i32
    %get3A_315 = arith.index_cast %get3A_314 : i32 to index
    %get3A_316 = arith.constant 0 : index
    %get3A_317 = tpu.vector_load %arg6[%get3A_315, %get3A_316] {strides = array<i32>} : memref<64x32xf32, #tpu.memory_space<vmem>>, vector<16xf32>,
    tpu.vector_store_idx %arg7[%broadcast_in_dim3A_309, %get3A_313], %get3A_317 {add = true} : memref<4x4096xf32, #tpu.memory_space<vmem>>[vector<16xi32>, vector<16xi32>], vector<16xf32>,
    %get3A_318 = arith.constant 11 : i32
    %get3A_319 = arith.index_cast %get3A_318 : i32 to index
    %get3A_320 = arith.constant 16 : index
    %get3A_321 = tpu.vector_load %arg5[%get3A_319, %get3A_320] {strides = array<i32>} : memref<64x32xi32, #tpu.memory_space<vmem>>, vector<16xi32>,
    %get3A_322 = arith.constant 11 : i32
    %get3A_323 = arith.index_cast %get3A_322 : i32 to index
    %get3A_324 = arith.constant 16 : index
    %get3A_325 = tpu.vector_load %arg6[%get3A_323, %get3A_324] {strides = array<i32>} : memref<64x32xf32, #tpu.memory_space<vmem>>, vector<16xf32>,
    tpu.vector_store_idx %arg7[%broadcast_in_dim3A_309, %get3A_321], %get3A_325 {add = true} : memref<4x4096xf32, #tpu.memory_space<vmem>>[vector<16xi32>, vector<16xi32>], vector<16xf32>,
    %add3A_326 = arith.constant 8 : i32
    %add3A_327 = arith.addi %mul3A_2, %add3A_326 : i32
    %dma_start3A_328 = arith.constant 0 : i32
    %dma_start3A_329 = tpu.memref_slice %arg4[%add3A_327, %dma_start3A_328] : memref<2048x4096xf32, #tpu.memory_space<hbm>> -> memref<4x4096xf32, #tpu.memory_space<hbm>>
    %dma_start3A_330 = arith.constant 0 : i32
    %dma_start3A_331 = tpu.memref_slice %arg4[%add3A_327, %dma_start3A_330] : memref<2048x4096xf32, #tpu.memory_space<hbm>> -> memref<4x4096xf32, #tpu.memory_space<hbm>>
    tpu.enqueue_dma source(%arg7 : memref<4x4096xf32, #tpu.memory_space<vmem>>) target(%dma_start3A_331 : memref<4x4096xf32, #tpu.memory_space<hbm>>) target_semaphore(%arg9 : memref<!tpu.dma_semaphore, #tpu.memory_space<semaphore_mem>>)
    %dma_wait3A_332 = arith.constant 0 : i32
    %dma_wait3A_333 = tpu.memref_slice %arg4[%add3A_173, %dma_wait3A_332] : memref<2048x4096xf32, #tpu.memory_space<hbm>> -> memref<4x4096xf32, #tpu.memory_space<hbm>>
    %dma_wait3A_334 = arith.constant 0 : i32
    %dma_wait3A_335 = tpu.memref_slice %arg4[%add3A_173, %dma_wait3A_334] : memref<2048x4096xf32, #tpu.memory_space<hbm>> -> memref<4x4096xf32, #tpu.memory_space<hbm>>
    tpu.wait_dma2 semaphore(%arg10 : memref<!tpu.dma_semaphore, #tpu.memory_space<semaphore_mem>>) src(%arg8 : memref<4x4096xf32, #tpu.memory_space<vmem>>) dst(%dma_wait3A_335 : memref<4x4096xf32, #tpu.memory_space<hbm>>)
    %broadcast_in_dim3A_336 = arith.constant 0 : i32
    %broadcast_in_dim3A_337 = vector.broadcast %broadcast_in_dim3A_336 : i32 to vector<16xi32>
    %get3A_338 = arith.constant 4 : i32
    %get3A_339 = arith.index_cast %get3A_338 : i32 to index
    %get3A_340 = arith.constant 0 : index
    %get3A_341 = tpu.vector_load %arg5[%get3A_339, %get3A_340] {strides = array<i32>} : memref<64x32xi32, #tpu.memory_space<vmem>>, vector<16xi32>,
    %get3A_342 = arith.constant 4 : i32
    %get3A_343 = arith.index_cast %get3A_342 : i32 to index
    %get3A_344 = arith.constant 0 : index
    %get3A_345 = tpu.vector_load %arg6[%get3A_343, %get3A_344] {strides = array<i32>} : memref<64x32xf32, #tpu.memory_space<vmem>>, vector<16xf32>,
    tpu.vector_store_idx %arg8[%broadcast_in_dim3A_337, %get3A_341], %broadcast_in_dim3A_10 : memref<4x4096xf32, #tpu.memory_space<vmem>>[vector<16xi32>, vector<16xi32>], vector<16xf32>,
    %get3A_346 = arith.constant 4 : i32
    %get3A_347 = arith.index_cast %get3A_346 : i32 to index
    %get3A_348 = arith.constant 16 : index
    %get3A_349 = tpu.vector_load %arg5[%get3A_347, %get3A_348] {strides = array<i32>} : memref<64x32xi32, #tpu.memory_space<vmem>>, vector<16xi32>,
    %get3A_350 = arith.constant 4 : i32
    %get3A_351 = arith.index_cast %get3A_350 : i32 to index
    %get3A_352 = arith.constant 16 : index
    %get3A_353 = tpu.vector_load %arg6[%get3A_351, %get3A_352] {strides = array<i32>} : memref<64x32xf32, #tpu.memory_space<vmem>>, vector<16xf32>,
    tpu.vector_store_idx %arg8[%broadcast_in_dim3A_337, %get3A_349], %broadcast_in_dim3A_10 : memref<4x4096xf32, #tpu.memory_space<vmem>>[vector<16xi32>, vector<16xi32>], vector<16xf32>,
    %broadcast_in_dim3A_354 = arith.constant 1 : i32
    %broadcast_in_dim3A_355 = vector.broadcast %broadcast_in_dim3A_354 : i32 to vector<16xi32>
    %get3A_356 = arith.constant 5 : i32
    %get3A_357 = arith.index_cast %get3A_356 : i32 to index
    %get3A_358 = arith.constant 0 : index
    %get3A_359 = tpu.vector_load %arg5[%get3A_357, %get3A_358] {strides = array<i32>} : memref<64x32xi32, #tpu.memory_space<vmem>>, vector<16xi32>,
    %get3A_360 = arith.constant 5 : i32
    %get3A_361 = arith.index_cast %get3A_360 : i32 to index
    %get3A_362 = arith.constant 0 : index
    %get3A_363 = tpu.vector_load %arg6[%get3A_361, %get3A_362] {strides = array<i32>} : memref<64x32xf32, #tpu.memory_space<vmem>>, vector<16xf32>,
    tpu.vector_store_idx %arg8[%broadcast_in_dim3A_355, %get3A_359], %broadcast_in_dim3A_10 : memref<4x4096xf32, #tpu.memory_space<vmem>>[vector<16xi32>, vector<16xi32>], vector<16xf32>,
    %get3A_364 = arith.constant 5 : i32
    %get3A_365 = arith.index_cast %get3A_364 : i32 to index
    %get3A_366 = arith.constant 16 : index
    %get3A_367 = tpu.vector_load %arg5[%get3A_365, %get3A_366] {strides = array<i32>} : memref<64x32xi32, #tpu.memory_space<vmem>>, vector<16xi32>,
    %get3A_368 = arith.constant 5 : i32
    %get3A_369 = arith.index_cast %get3A_368 : i32 to index
    %get3A_370 = arith.constant 16 : index
    %get3A_371 = tpu.vector_load %arg6[%get3A_369, %get3A_370] {strides = array<i32>} : memref<64x32xf32, #tpu.memory_space<vmem>>, vector<16xf32>,
    tpu.vector_store_idx %arg8[%broadcast_in_dim3A_355, %get3A_367], %broadcast_in_dim3A_10 : memref<4x4096xf32, #tpu.memory_space<vmem>>[vector<16xi32>, vector<16xi32>], vector<16xf32>,
    %broadcast_in_dim3A_372 = arith.constant 2 : i32
    %broadcast_in_dim3A_373 = vector.broadcast %broadcast_in_dim3A_372 : i32 to vector<16xi32>
    %get3A_374 = arith.constant 6 : i32
    %get3A_375 = arith.index_cast %get3A_374 : i32 to index
    %get3A_376 = arith.constant 0 : index
    %get3A_377 = tpu.vector_load %arg5[%get3A_375, %get3A_376] {strides = array<i32>} : memref<64x32xi32, #tpu.memory_space<vmem>>, vector<16xi32>,
    %get3A_378 = arith.constant 6 : i32
    %get3A_379 = arith.index_cast %get3A_378 : i32 to index
    %get3A_380 = arith.constant 0 : index
    %get3A_381 = tpu.vector_load %arg6[%get3A_379, %get3A_380] {strides = array<i32>} : memref<64x32xf32, #tpu.memory_space<vmem>>, vector<16xf32>,
    tpu.vector_store_idx %arg8[%broadcast_in_dim3A_373, %get3A_377], %broadcast_in_dim3A_10 : memref<4x4096xf32, #tpu.memory_space<vmem>>[vector<16xi32>, vector<16xi32>], vector<16xf32>,
    %get3A_382 = arith.constant 6 : i32
    %get3A_383 = arith.index_cast %get3A_382 : i32 to index
    %get3A_384 = arith.constant 16 : index
    %get3A_385 = tpu.vector_load %arg5[%get3A_383, %get3A_384] {strides = array<i32>} : memref<64x32xi32, #tpu.memory_space<vmem>>, vector<16xi32>,
    %get3A_386 = arith.constant 6 : i32
    %get3A_387 = arith.index_cast %get3A_386 : i32 to index
    %get3A_388 = arith.constant 16 : index
    %get3A_389 = tpu.vector_load %arg6[%get3A_387, %get3A_388] {strides = array<i32>} : memref<64x32xf32, #tpu.memory_space<vmem>>, vector<16xf32>,
    tpu.vector_store_idx %arg8[%broadcast_in_dim3A_373, %get3A_385], %broadcast_in_dim3A_10 : memref<4x4096xf32, #tpu.memory_space<vmem>>[vector<16xi32>, vector<16xi32>], vector<16xf32>,
    %broadcast_in_dim3A_390 = arith.constant 3 : i32
    %broadcast_in_dim3A_391 = vector.broadcast %broadcast_in_dim3A_390 : i32 to vector<16xi32>
    %get3A_392 = arith.constant 7 : i32
    %get3A_393 = arith.index_cast %get3A_392 : i32 to index
    %get3A_394 = arith.constant 0 : index
    %get3A_395 = tpu.vector_load %arg5[%get3A_393, %get3A_394] {strides = array<i32>} : memref<64x32xi32, #tpu.memory_space<vmem>>, vector<16xi32>,
    %get3A_396 = arith.constant 7 : i32
    %get3A_397 = arith.index_cast %get3A_396 : i32 to index
    %get3A_398 = arith.constant 0 : index
    %get3A_399 = tpu.vector_load %arg6[%get3A_397, %get3A_398] {strides = array<i32>} : memref<64x32xf32, #tpu.memory_space<vmem>>, vector<16xf32>,
    tpu.vector_store_idx %arg8[%broadcast_in_dim3A_391, %get3A_395], %broadcast_in_dim3A_10 : memref<4x4096xf32, #tpu.memory_space<vmem>>[vector<16xi32>, vector<16xi32>], vector<16xf32>,
    %get3A_400 = arith.constant 7 : i32
    %get3A_401 = arith.index_cast %get3A_400 : i32 to index
    %get3A_402 = arith.constant 16 : index
    %get3A_403 = tpu.vector_load %arg5[%get3A_401, %get3A_402] {strides = array<i32>} : memref<64x32xi32, #tpu.memory_space<vmem>>, vector<16xi32>,
    %get3A_404 = arith.constant 7 : i32
    %get3A_405 = arith.index_cast %get3A_404 : i32 to index
    %get3A_406 = arith.constant 16 : index
    %get3A_407 = tpu.vector_load %arg6[%get3A_405, %get3A_406] {strides = array<i32>} : memref<64x32xf32, #tpu.memory_space<vmem>>, vector<16xf32>,
    tpu.vector_store_idx %arg8[%broadcast_in_dim3A_391, %get3A_403], %broadcast_in_dim3A_10 : memref<4x4096xf32, #tpu.memory_space<vmem>>[vector<16xi32>, vector<16xi32>], vector<16xf32>,
    %broadcast_in_dim3A_408 = arith.constant 0 : i32
    %broadcast_in_dim3A_409 = vector.broadcast %broadcast_in_dim3A_408 : i32 to vector<16xi32>
    %get3A_410 = arith.constant 12 : i32
    %get3A_411 = arith.index_cast %get3A_410 : i32 to index
    %get3A_412 = arith.constant 0 : index
    %get3A_413 = tpu.vector_load %arg5[%get3A_411, %get3A_412] {strides = array<i32>} : memref<64x32xi32, #tpu.memory_space<vmem>>, vector<16xi32>,
    %get3A_414 = arith.constant 12 : i32
    %get3A_415 = arith.index_cast %get3A_414 : i32 to index
    %get3A_416 = arith.constant 0 : index
    %get3A_417 = tpu.vector_load %arg6[%get3A_415, %get3A_416] {strides = array<i32>} : memref<64x32xf32, #tpu.memory_space<vmem>>, vector<16xf32>,
    tpu.vector_store_idx %arg8[%broadcast_in_dim3A_409, %get3A_413], %get3A_417 {add = true} : memref<4x4096xf32, #tpu.memory_space<vmem>>[vector<16xi32>, vector<16xi32>], vector<16xf32>,
    %get3A_418 = arith.constant 12 : i32
    %get3A_419 = arith.index_cast %get3A_418 : i32 to index
    %get3A_420 = arith.constant 16 : index
    %get3A_421 = tpu.vector_load %arg5[%get3A_419, %get3A_420] {strides = array<i32>} : memref<64x32xi32, #tpu.memory_space<vmem>>, vector<16xi32>,
    %get3A_422 = arith.constant 12 : i32
    %get3A_423 = arith.index_cast %get3A_422 : i32 to index
    %get3A_424 = arith.constant 16 : index
    %get3A_425 = tpu.vector_load %arg6[%get3A_423, %get3A_424] {strides = array<i32>} : memref<64x32xf32, #tpu.memory_space<vmem>>, vector<16xf32>,
    tpu.vector_store_idx %arg8[%broadcast_in_dim3A_409, %get3A_421], %get3A_425 {add = true} : memref<4x4096xf32, #tpu.memory_space<vmem>>[vector<16xi32>, vector<16xi32>], vector<16xf32>,
    %broadcast_in_dim3A_426 = arith.constant 1 : i32
    %broadcast_in_dim3A_427 = vector.broadcast %broadcast_in_dim3A_426 : i32 to vector<16xi32>
    %get3A_428 = arith.constant 13 : i32
    %get3A_429 = arith.index_cast %get3A_428 : i32 to index
    %get3A_430 = arith.constant 0 : index
    %get3A_431 = tpu.vector_load %arg5[%get3A_429, %get3A_430] {strides = array<i32>} : memref<64x32xi32, #tpu.memory_space<vmem>>, vector<16xi32>,
    %get3A_432 = arith.constant 13 : i32
    %get3A_433 = arith.index_cast %get3A_432 : i32 to index
    %get3A_434 = arith.constant 0 : index
    %get3A_435 = tpu.vector_load %arg6[%get3A_433, %get3A_434] {strides = array<i32>} : memref<64x32xf32, #tpu.memory_space<vmem>>, vector<16xf32>,
    tpu.vector_store_idx %arg8[%broadcast_in_dim3A_427, %get3A_431], %get3A_435 {add = true} : memref<4x4096xf32, #tpu.memory_space<vmem>>[vector<16xi32>, vector<16xi32>], vector<16xf32>,
    %get3A_436 = arith.constant 13 : i32
    %get3A_437 = arith.index_cast %get3A_436 : i32 to index
    %get3A_438 = arith.constant 16 : index
    %get3A_439 = tpu.vector_load %arg5[%get3A_437, %get3A_438] {strides = array<i32>} : memref<64x32xi32, #tpu.memory_space<vmem>>, vector<16xi32>,
    %get3A_440 = arith.constant 13 : i32
    %get3A_441 = arith.index_cast %get3A_440 : i32 to index
    %get3A_442 = arith.constant 16 : index
    %get3A_443 = tpu.vector_load %arg6[%get3A_441, %get3A_442] {strides = array<i32>} : memref<64x32xf32, #tpu.memory_space<vmem>>, vector<16xf32>,
    tpu.vector_store_idx %arg8[%broadcast_in_dim3A_427, %get3A_439], %get3A_443 {add = true} : memref<4x4096xf32, #tpu.memory_space<vmem>>[vector<16xi32>, vector<16xi32>], vector<16xf32>,
    %broadcast_in_dim3A_444 = arith.constant 2 : i32
    %broadcast_in_dim3A_445 = vector.broadcast %broadcast_in_dim3A_444 : i32 to vector<16xi32>
    %get3A_446 = arith.constant 14 : i32
    %get3A_447 = arith.index_cast %get3A_446 : i32 to index
    %get3A_448 = arith.constant 0 : index
    %get3A_449 = tpu.vector_load %arg5[%get3A_447, %get3A_448] {strides = array<i32>} : memref<64x32xi32, #tpu.memory_space<vmem>>, vector<16xi32>,
    %get3A_450 = arith.constant 14 : i32
    %get3A_451 = arith.index_cast %get3A_450 : i32 to index
    %get3A_452 = arith.constant 0 : index
    %get3A_453 = tpu.vector_load %arg6[%get3A_451, %get3A_452] {strides = array<i32>} : memref<64x32xf32, #tpu.memory_space<vmem>>, vector<16xf32>,
    tpu.vector_store_idx %arg8[%broadcast_in_dim3A_445, %get3A_449], %get3A_453 {add = true} : memref<4x4096xf32, #tpu.memory_space<vmem>>[vector<16xi32>, vector<16xi32>], vector<16xf32>,
    %get3A_454 = arith.constant 14 : i32
    %get3A_455 = arith.index_cast %get3A_454 : i32 to index
    %get3A_456 = arith.constant 16 : index
    %get3A_457 = tpu.vector_load %arg5[%get3A_455, %get3A_456] {strides = array<i32>} : memref<64x32xi32, #tpu.memory_space<vmem>>, vector<16xi32>,
    %get3A_458 = arith.constant 14 : i32
    %get3A_459 = arith.index_cast %get3A_458 : i32 to index
    %get3A_460 = arith.constant 16 : index
    %get3A_461 = tpu.vector_load %arg6[%get3A_459, %get3A_460] {strides = array<i32>} : memref<64x32xf32, #tpu.memory_space<vmem>>, vector<16xf32>,
    tpu.vector_store_idx %arg8[%broadcast_in_dim3A_445, %get3A_457], %get3A_461 {add = true} : memref<4x4096xf32, #tpu.memory_space<vmem>>[vector<16xi32>, vector<16xi32>], vector<16xf32>,
    %broadcast_in_dim3A_462 = arith.constant 3 : i32
    %broadcast_in_dim3A_463 = vector.broadcast %broadcast_in_dim3A_462 : i32 to vector<16xi32>
    %get3A_464 = arith.constant 15 : i32
    %get3A_465 = arith.index_cast %get3A_464 : i32 to index
    %get3A_466 = arith.constant 0 : index
    %get3A_467 = tpu.vector_load %arg5[%get3A_465, %get3A_466] {strides = array<i32>} : memref<64x32xi32, #tpu.memory_space<vmem>>, vector<16xi32>,
    %get3A_468 = arith.constant 15 : i32
    %get3A_469 = arith.index_cast %get3A_468 : i32 to index
    %get3A_470 = arith.constant 0 : index
    %get3A_471 = tpu.vector_load %arg6[%get3A_469, %get3A_470] {strides = array<i32>} : memref<64x32xf32, #tpu.memory_space<vmem>>, vector<16xf32>,
    tpu.vector_store_idx %arg8[%broadcast_in_dim3A_463, %get3A_467], %get3A_471 {add = true} : memref<4x4096xf32, #tpu.memory_space<vmem>>[vector<16xi32>, vector<16xi32>], vector<16xf32>,
    %get3A_472 = arith.constant 15 : i32
    %get3A_473 = arith.index_cast %get3A_472 : i32 to index
    %get3A_474 = arith.constant 16 : index
    %get3A_475 = tpu.vector_load %arg5[%get3A_473, %get3A_474] {strides = array<i32>} : memref<64x32xi32, #tpu.memory_space<vmem>>, vector<16xi32>,
    %get3A_476 = arith.constant 15 : i32
    %get3A_477 = arith.index_cast %get3A_476 : i32 to index
    %get3A_478 = arith.constant 16 : index
    %get3A_479 = tpu.vector_load %arg6[%get3A_477, %get3A_478] {strides = array<i32>} : memref<64x32xf32, #tpu.memory_space<vmem>>, vector<16xf32>,
    tpu.vector_store_idx %arg8[%broadcast_in_dim3A_463, %get3A_475], %get3A_479 {add = true} : memref<4x4096xf32, #tpu.memory_space<vmem>>[vector<16xi32>, vector<16xi32>], vector<16xf32>,
    %add3A_480 = arith.constant 12 : i32
    %add3A_481 = arith.addi %mul3A_2, %add3A_480 : i32
    %dma_start3A_482 = arith.constant 0 : i32
    %dma_start3A_483 = tpu.memref_slice %arg4[%add3A_481, %dma_start3A_482] : memref<2048x4096xf32, #tpu.memory_space<hbm>> -> memref<4x4096xf32, #tpu.memory_space<hbm>>
    %dma_start3A_484 = arith.constant 0 : i32
    %dma_start3A_485 = tpu.memref_slice %arg4[%add3A_481, %dma_start3A_484] : memref<2048x4096xf32, #tpu.memory_space<hbm>> -> memref<4x4096xf32, #tpu.memory_space<hbm>>
    tpu.enqueue_dma source(%arg8 : memref<4x4096xf32, #tpu.memory_space<vmem>>) target(%dma_start3A_485 : memref<4x4096xf32, #tpu.memory_space<hbm>>) target_semaphore(%arg10 : memref<!tpu.dma_semaphore, #tpu.memory_space<semaphore_mem>>)
    %dma_wait3A_486 = arith.constant 0 : i32
    %dma_wait3A_487 = tpu.memref_slice %arg4[%add3A_327, %dma_wait3A_486] : memref<2048x4096xf32, #tpu.memory_space<hbm>> -> memref<4x4096xf32, #tpu.memory_space<hbm>>
    %dma_wait3A_488 = arith.constant 0 : i32
    %dma_wait3A_489 = tpu.memref_slice %arg4[%add3A_327, %dma_wait3A_488] : memref<2048x4096xf32, #tpu.memory_space<hbm>> -> memref<4x4096xf32, #tpu.memory_space<hbm>>
    tpu.wait_dma2 semaphore(%arg9 : memref<!tpu.dma_semaphore, #tpu.memory_space<semaphore_mem>>) src(%arg7 : memref<4x4096xf32, #tpu.memory_space<vmem>>) dst(%dma_wait3A_489 : memref<4x4096xf32, #tpu.memory_space<hbm>>)
    %broadcast_in_dim3A_490 = arith.constant 0 : i32
    %broadcast_in_dim3A_491 = vector.broadcast %broadcast_in_dim3A_490 : i32 to vector<16xi32>
    %get3A_492 = arith.constant 8 : i32
    %get3A_493 = arith.index_cast %get3A_492 : i32 to index
    %get3A_494 = arith.constant 0 : index
    %get3A_495 = tpu.vector_load %arg5[%get3A_493, %get3A_494] {strides = array<i32>} : memref<64x32xi32, #tpu.memory_space<vmem>>, vector<16xi32>,
    %get3A_496 = arith.constant 8 : i32
    %get3A_497 = arith.index_cast %get3A_496 : i32 to index
    %get3A_498 = arith.constant 0 : index
    %get3A_499 = tpu.vector_load %arg6[%get3A_497, %get3A_498] {strides = array<i32>} : memref<64x32xf32, #tpu.memory_space<vmem>>, vector<16xf32>,
    tpu.vector_store_idx %arg7[%broadcast_in_dim3A_491, %get3A_495], %broadcast_in_dim3A_10 : memref<4x4096xf32, #tpu.memory_space<vmem>>[vector<16xi32>, vector<16xi32>], vector<16xf32>,
    %get3A_500 = arith.constant 8 : i32
    %get3A_501 = arith.index_cast %get3A_500 : i32 to index
    %get3A_502 = arith.constant 16 : index
    %get3A_503 = tpu.vector_load %arg5[%get3A_501, %get3A_502] {strides = array<i32>} : memref<64x32xi32, #tpu.memory_space<vmem>>, vector<16xi32>,
    %get3A_504 = arith.constant 8 : i32
    %get3A_505 = arith.index_cast %get3A_504 : i32 to index
    %get3A_506 = arith.constant 16 : index
    %get3A_507 = tpu.vector_load %arg6[%get3A_505, %get3A_506] {strides = array<i32>} : memref<64x32xf32, #tpu.memory_space<vmem>>, vector<16xf32>,
    tpu.vector_store_idx %arg7[%broadcast_in_dim3A_491, %get3A_503], %broadcast_in_dim3A_10 : memref<4x4096xf32, #tpu.memory_space<vmem>>[vector<16xi32>, vector<16xi32>], vector<16xf32>,
    %broadcast_in_dim3A_508 = arith.constant 1 : i32
    %broadcast_in_dim3A_509 = vector.broadcast %broadcast_in_dim3A_508 : i32 to vector<16xi32>
    %get3A_510 = arith.constant 9 : i32
    %get3A_511 = arith.index_cast %get3A_510 : i32 to index
    %get3A_512 = arith.constant 0 : index
    %get3A_513 = tpu.vector_load %arg5[%get3A_511, %get3A_512] {strides = array<i32>} : memref<64x32xi32, #tpu.memory_space<vmem>>, vector<16xi32>,
    %get3A_514 = arith.constant 9 : i32
    %get3A_515 = arith.index_cast %get3A_514 : i32 to index
    %get3A_516 = arith.constant 0 : index
    %get3A_517 = tpu.vector_load %arg6[%get3A_515, %get3A_516] {strides = array<i32>} : memref<64x32xf32, #tpu.memory_space<vmem>>, vector<16xf32>,
    tpu.vector_store_idx %arg7[%broadcast_in_dim3A_509, %get3A_513], %broadcast_in_dim3A_10 : memref<4x4096xf32, #tpu.memory_space<vmem>>[vector<16xi32>, vector<16xi32>], vector<16xf32>,
    %get3A_518 = arith.constant 9 : i32
    %get3A_519 = arith.index_cast %get3A_518 : i32 to index
    %get3A_520 = arith.constant 16 : index
    %get3A_521 = tpu.vector_load %arg5[%get3A_519, %get3A_520] {strides = array<i32>} : memref<64x32xi32, #tpu.memory_space<vmem>>, vector<16xi32>,
    %get3A_522 = arith.constant 9 : i32
    %get3A_523 = arith.index_cast %get3A_522 : i32 to index
    %get3A_524 = arith.constant 16 : index
    %get3A_525 = tpu.vector_load %arg6[%get3A_523, %get3A_524] {strides = array<i32>} : memref<64x32xf32, #tpu.memory_space<vmem>>, vector<16xf32>,
    tpu.vector_store_idx %arg7[%broadcast_in_dim3A_509, %get3A_521], %broadcast_in_dim3A_10 : memref<4x4096xf32, #tpu.memory_space<vmem>>[vector<16xi32>, vector<16xi32>], vector<16xf32>,
    %broadcast_in_dim3A_526 = arith.constant 2 : i32
    %broadcast_in_dim3A_527 = vector.broadcast %broadcast_in_dim3A_526 : i32 to vector<16xi32>
    %get3A_528 = arith.constant 10 : i32
    %get3A_529 = arith.index_cast %get3A_528 : i32 to index
    %get3A_530 = arith.constant 0 : index
    %get3A_531 = tpu.vector_load %arg5[%get3A_529, %get3A_530] {strides = array<i32>} : memref<64x32xi32, #tpu.memory_space<vmem>>, vector<16xi32>,
    %get3A_532 = arith.constant 10 : i32
    %get3A_533 = arith.index_cast %get3A_532 : i32 to index
    %get3A_534 = arith.constant 0 : index
    %get3A_535 = tpu.vector_load %arg6[%get3A_533, %get3A_534] {strides = array<i32>} : memref<64x32xf32, #tpu.memory_space<vmem>>, vector<16xf32>,
    tpu.vector_store_idx %arg7[%broadcast_in_dim3A_527, %get3A_531], %broadcast_in_dim3A_10 : memref<4x4096xf32, #tpu.memory_space<vmem>>[vector<16xi32>, vector<16xi32>], vector<16xf32>,
    %get3A_536 = arith.constant 10 : i32
    %get3A_537 = arith.index_cast %get3A_536 : i32 to index
    %get3A_538 = arith.constant 16 : index
    %get3A_539 = tpu.vector_load %arg5[%get3A_537, %get3A_538] {strides = array<i32>} : memref<64x32xi32, #tpu.memory_space<vmem>>, vector<16xi32>,
    %get3A_540 = arith.constant 10 : i32
    %get3A_541 = arith.index_cast %get3A_540 : i32 to index
    %get3A_542 = arith.constant 16 : index
    %get3A_543 = tpu.vector_load %arg6[%get3A_541, %get3A_542] {strides = array<i32>} : memref<64x32xf32, #tpu.memory_space<vmem>>, vector<16xf32>,
    tpu.vector_store_idx %arg7[%broadcast_in_dim3A_527, %get3A_539], %broadcast_in_dim3A_10 : memref<4x4096xf32, #tpu.memory_space<vmem>>[vector<16xi32>, vector<16xi32>], vector<16xf32>,
    %broadcast_in_dim3A_544 = arith.constant 3 : i32
    %broadcast_in_dim3A_545 = vector.broadcast %broadcast_in_dim3A_544 : i32 to vector<16xi32>
    %get3A_546 = arith.constant 11 : i32
    %get3A_547 = arith.index_cast %get3A_546 : i32 to index
    %get3A_548 = arith.constant 0 : index
    %get3A_549 = tpu.vector_load %arg5[%get3A_547, %get3A_548] {strides = array<i32>} : memref<64x32xi32, #tpu.memory_space<vmem>>, vector<16xi32>,
    %get3A_550 = arith.constant 11 : i32
    %get3A_551 = arith.index_cast %get3A_550 : i32 to index
    %get3A_552 = arith.constant 0 : index
    %get3A_553 = tpu.vector_load %arg6[%get3A_551, %get3A_552] {strides = array<i32>} : memref<64x32xf32, #tpu.memory_space<vmem>>, vector<16xf32>,
    tpu.vector_store_idx %arg7[%broadcast_in_dim3A_545, %get3A_549], %broadcast_in_dim3A_10 : memref<4x4096xf32, #tpu.memory_space<vmem>>[vector<16xi32>, vector<16xi32>], vector<16xf32>,
    %get3A_554 = arith.constant 11 : i32
    %get3A_555 = arith.index_cast %get3A_554 : i32 to index
    %get3A_556 = arith.constant 16 : index
    %get3A_557 = tpu.vector_load %arg5[%get3A_555, %get3A_556] {strides = array<i32>} : memref<64x32xi32, #tpu.memory_space<vmem>>, vector<16xi32>,
    %get3A_558 = arith.constant 11 : i32
    %get3A_559 = arith.index_cast %get3A_558 : i32 to index
    %get3A_560 = arith.constant 16 : index
    %get3A_561 = tpu.vector_load %arg6[%get3A_559, %get3A_560] {strides = array<i32>} : memref<64x32xf32, #tpu.memory_space<vmem>>, vector<16xf32>,
    tpu.vector_store_idx %arg7[%broadcast_in_dim3A_545, %get3A_557], %broadcast_in_dim3A_10 : memref<4x4096xf32, #tpu.memory_space<vmem>>[vector<16xi32>, vector<16xi32>], vector<16xf32>,
    %broadcast_in_dim3A_562 = arith.constant 0 : i32
    %broadcast_in_dim3A_563 = vector.broadcast %broadcast_in_dim3A_562 : i32 to vector<16xi32>
    %get3A_564 = arith.constant 16 : i32
    %get3A_565 = arith.index_cast %get3A_564 : i32 to index
    %get3A_566 = arith.constant 0 : index
    %get3A_567 = tpu.vector_load %arg5[%get3A_565, %get3A_566] {strides = array<i32>} : memref<64x32xi32, #tpu.memory_space<vmem>>, vector<16xi32>,
    %get3A_568 = arith.constant 16 : i32
    %get3A_569 = arith.index_cast %get3A_568 : i32 to index
    %get3A_570 = arith.constant 0 : index
    %get3A_571 = tpu.vector_load %arg6[%get3A_569, %get3A_570] {strides = array<i32>} : memref<64x32xf32, #tpu.memory_space<vmem>>, vector<16xf32>,
    tpu.vector_store_idx %arg7[%broadcast_in_dim3A_563, %get3A_567], %get3A_571 {add = true} : memref<4x4096xf32, #tpu.memory_space<vmem>>[vector<16xi32>, vector<16xi32>], vector<16xf32>,
    %get3A_572 = arith.constant 16 : i32
    %get3A_573 = arith.index_cast %get3A_572 : i32 to index
    %get3A_574 = arith.constant 16 : index
    %get3A_575 = tpu.vector_load %arg5[%get3A_573, %get3A_574] {strides = array<i32>} : memref<64x32xi32, #tpu.memory_space<vmem>>, vector<16xi32>,
    %get3A_576 = arith.constant 16 : i32
    %get3A_577 = arith.index_cast %get3A_576 : i32 to index
    %get3A_578 = arith.constant 16 : index
    %get3A_579 = tpu.vector_load %arg6[%get3A_577, %get3A_578] {strides = array<i32>} : memref<64x32xf32, #tpu.memory_space<vmem>>, vector<16xf32>,
    tpu.vector_store_idx %arg7[%broadcast_in_dim3A_563, %get3A_575], %get3A_579 {add = true} : memref<4x4096xf32, #tpu.memory_space<vmem>>[vector<16xi32>, vector<16xi32>], vector<16xf32>,
    %broadcast_in_dim3A_580 = arith.constant 1 : i32
    %broadcast_in_dim3A_581 = vector.broadcast %broadcast_in_dim3A_580 : i32 to vector<16xi32>
    %get3A_582 = arith.constant 17 : i32
    %get3A_583 = arith.index_cast %get3A_582 : i32 to index
    %get3A_584 = arith.constant 0 : index
    %get3A_585 = tpu.vector_load %arg5[%get3A_583, %get3A_584] {strides = array<i32>} : memref<64x32xi32, #tpu.memory_space<vmem>>, vector<16xi32>,
    %get3A_586 = arith.constant 17 : i32
    %get3A_587 = arith.index_cast %get3A_586 : i32 to index
    %get3A_588 = arith.constant 0 : index
    %get3A_589 = tpu.vector_load %arg6[%get3A_587, %get3A_588] {strides = array<i32>} : memref<64x32xf32, #tpu.memory_space<vmem>>, vector<16xf32>,
    tpu.vector_store_idx %arg7[%broadcast_in_dim3A_581, %get3A_585], %get3A_589 {add = true} : memref<4x4096xf32, #tpu.memory_space<vmem>>[vector<16xi32>, vector<16xi32>], vector<16xf32>,
    %get3A_590 = arith.constant 17 : i32
    %get3A_591 = arith.index_cast %get3A_590 : i32 to index
    %get3A_592 = arith.constant 16 : index
    %get3A_593 = tpu.vector_load %arg5[%get3A_591, %get3A_592] {strides = array<i32>} : memref<64x32xi32, #tpu.memory_space<vmem>>, vector<16xi32>,
    %get3A_594 = arith.constant 17 : i32
    %get3A_595 = arith.index_cast %get3A_594 : i32 to index
    %get3A_596 = arith.constant 16 : index
    %get3A_597 = tpu.vector_load %arg6[%get3A_595, %get3A_596] {strides = array<i32>} : memref<64x32xf32, #tpu.memory_space<vmem>>, vector<16xf32>,
    tpu.vector_store_idx %arg7[%broadcast_in_dim3A_581, %get3A_593], %get3A_597 {add = true} : memref<4x4096xf32, #tpu.memory_space<vmem>>[vector<16xi32>, vector<16xi32>], vector<16xf32>,
    %broadcast_in_dim3A_598 = arith.constant 2 : i32
    %broadcast_in_dim3A_599 = vector.broadcast %broadcast_in_dim3A_598 : i32 to vector<16xi32>
    %get3A_600 = arith.constant 18 : i32
    %get3A_601 = arith.index_cast %get3A_600 : i32 to index
    %get3A_602 = arith.constant 0 : index
    %get3A_603 = tpu.vector_load %arg5[%get3A_601, %get3A_602] {strides = array<i32>} : memref<64x32xi32, #tpu.memory_space<vmem>>, vector<16xi32>,
    %get3A_604 = arith.constant 18 : i32
    %get3A_605 = arith.index_cast %get3A_604 : i32 to index
    %get3A_606 = arith.constant 0 : index
    %get3A_607 = tpu.vector_load %arg6[%get3A_605, %get3A_606] {strides = array<i32>} : memref<64x32xf32, #tpu.memory_space<vmem>>, vector<16xf32>,
    tpu.vector_store_idx %arg7[%broadcast_in_dim3A_599, %get3A_603], %get3A_607 {add = true} : memref<4x4096xf32, #tpu.memory_space<vmem>>[vector<16xi32>, vector<16xi32>], vector<16xf32>,
    %get3A_608 = arith.constant 18 : i32
    %get3A_609 = arith.index_cast %get3A_608 : i32 to index
    %get3A_610 = arith.constant 16 : index
    %get3A_611 = tpu.vector_load %arg5[%get3A_609, %get3A_610] {strides = array<i32>} : memref<64x32xi32, #tpu.memory_space<vmem>>, vector<16xi32>,
    %get3A_612 = arith.constant 18 : i32
    %get3A_613 = arith.index_cast %get3A_612 : i32 to index
    %get3A_614 = arith.constant 16 : index
    %get3A_615 = tpu.vector_load %arg6[%get3A_613, %get3A_614] {strides = array<i32>} : memref<64x32xf32, #tpu.memory_space<vmem>>, vector<16xf32>,
    tpu.vector_store_idx %arg7[%broadcast_in_dim3A_599, %get3A_611], %get3A_615 {add = true} : memref<4x4096xf32, #tpu.memory_space<vmem>>[vector<16xi32>, vector<16xi32>], vector<16xf32>,
    %broadcast_in_dim3A_616 = arith.constant 3 : i32
    %broadcast_in_dim3A_617 = vector.broadcast %broadcast_in_dim3A_616 : i32 to vector<16xi32>
    %get3A_618 = arith.constant 19 : i32
    %get3A_619 = arith.index_cast %get3A_618 : i32 to index
    %get3A_620 = arith.constant 0 : index
    %get3A_621 = tpu.vector_load %arg5[%get3A_619, %get3A_620] {strides = array<i32>} : memref<64x32xi32, #tpu.memory_space<vmem>>, vector<16xi32>,
    %get3A_622 = arith.constant 19 : i32
    %get3A_623 = arith.index_cast %get3A_622 : i32 to index
    %get3A_624 = arith.constant 0 : index
    %get3A_625 = tpu.vector_load %arg6[%get3A_623, %get3A_624] {strides = array<i32>} : memref<64x32xf32, #tpu.memory_space<vmem>>, vector<16xf32>,
    tpu.vector_store_idx %arg7[%broadcast_in_dim3A_617, %get3A_621], %get3A_625 {add = true} : memref<4x4096xf32, #tpu.memory_space<vmem>>[vector<16xi32>, vector<16xi32>], vector<16xf32>,
    %get3A_626 = arith.constant 19 : i32
    %get3A_627 = arith.index_cast %get3A_626 : i32 to index
    %get3A_628 = arith.constant 16 : index
    %get3A_629 = tpu.vector_load %arg5[%get3A_627, %get3A_628] {strides = array<i32>} : memref<64x32xi32, #tpu.memory_space<vmem>>, vector<16xi32>,
    %get3A_630 = arith.constant 19 : i32
    %get3A_631 = arith.index_cast %get3A_630 : i32 to index
    %get3A_632 = arith.constant 16 : index
    %get3A_633 = tpu.vector_load %arg6[%get3A_631, %get3A_632] {strides = array<i32>} : memref<64x32xf32, #tpu.memory_space<vmem>>, vector<16xf32>,
    tpu.vector_store_idx %arg7[%broadcast_in_dim3A_617, %get3A_629], %get3A_633 {add = true} : memref<4x4096xf32, #tpu.memory_space<vmem>>[vector<16xi32>, vector<16xi32>], vector<16xf32>,
    %add3A_634 = arith.constant 16 : i32
    %add3A_635 = arith.addi %mul3A_2, %add3A_634 : i32
    %dma_start3A_636 = arith.constant 0 : i32
    %dma_start3A_637 = tpu.memref_slice %arg4[%add3A_635, %dma_start3A_636] : memref<2048x4096xf32, #tpu.memory_space<hbm>> -> memref<4x4096xf32, #tpu.memory_space<hbm>>
    %dma_start3A_638 = arith.constant 0 : i32
    %dma_start3A_639 = tpu.memref_slice %arg4[%add3A_635, %dma_start3A_638] : memref<2048x4096xf32, #tpu.memory_space<hbm>> -> memref<4x4096xf32, #tpu.memory_space<hbm>>
    tpu.enqueue_dma source(%arg7 : memref<4x4096xf32, #tpu.memory_space<vmem>>) target(%dma_start3A_639 : memref<4x4096xf32, #tpu.memory_space<hbm>>) target_semaphore(%arg9 : memref<!tpu.dma_semaphore, #tpu.memory_space<semaphore_mem>>)
    %dma_wait3A_640 = arith.constant 0 : i32
    %dma_wait3A_641 = tpu.memref_slice %arg4[%add3A_481, %dma_wait3A_640] : memref<2048x4096xf32, #tpu.memory_space<hbm>> -> memref<4x4096xf32, #tpu.memory_space<hbm>>
    %dma_wait3A_642 = arith.constant 0 : i32
    %dma_wait3A_643 = tpu.memref_slice %arg4[%add3A_481, %dma_wait3A_642] : memref<2048x4096xf32, #tpu.memory_space<hbm>> -> memref<4x4096xf32, #tpu.memory_space<hbm>>
    tpu.wait_dma2 semaphore(%arg10 : memref<!tpu.dma_semaphore, #tpu.memory_space<semaphore_mem>>) src(%arg8 : memref<4x4096xf32, #tpu.memory_space<vmem>>) dst(%dma_wait3A_643 : memref<4x4096xf32, #tpu.memory_space<hbm>>)
    %broadcast_in_dim3A_644 = arith.constant 0 : i32
    %broadcast_in_dim3A_645 = vector.broadcast %broadcast_in_dim3A_644 : i32 to vector<16xi32>
    %get3A_646 = arith.constant 12 : i32
    %get3A_647 = arith.index_cast %get3A_646 : i32 to index
    %get3A_648 = arith.constant 0 : index
    %get3A_649 = tpu.vector_load %arg5[%get3A_647, %get3A_648] {strides = array<i32>} : memref<64x32xi32, #tpu.memory_space<vmem>>, vector<16xi32>,
    %get3A_650 = arith.constant 12 : i32
    %get3A_651 = arith.index_cast %get3A_650 : i32 to index
    %get3A_652 = arith.constant 0 : index
    %get3A_653 = tpu.vector_load %arg6[%get3A_651, %get3A_652] {strides = array<i32>} : memref<64x32xf32, #tpu.memory_space<vmem>>, vector<16xf32>,
    tpu.vector_store_idx %arg8[%broadcast_in_dim3A_645, %get3A_649], %broadcast_in_dim3A_10 : memref<4x4096xf32, #tpu.memory_space<vmem>>[vector<16xi32>, vector<16xi32>], vector<16xf32>,
    %get3A_654 = arith.constant 12 : i32
    %get3A_655 = arith.index_cast %get3A_654 : i32 to index
    %get3A_656 = arith.constant 16 : index
    %get3A_657 = tpu.vector_load %arg5[%get3A_655, %get3A_656] {strides = array<i32>} : memref<64x32xi32, #tpu.memory_space<vmem>>, vector<16xi32>,
    %get3A_658 = arith.constant 12 : i32
    %get3A_659 = arith.index_cast %get3A_658 : i32 to index
    %get3A_660 = arith.constant 16 : index
    %get3A_661 = tpu.vector_load %arg6[%get3A_659, %get3A_660] {strides = array<i32>} : memref<64x32xf32, #tpu.memory_space<vmem>>, vector<16xf32>,
    tpu.vector_store_idx %arg8[%broadcast_in_dim3A_645, %get3A_657], %broadcast_in_dim3A_10 : memref<4x4096xf32, #tpu.memory_space<vmem>>[vector<16xi32>, vector<16xi32>], vector<16xf32>,
    %broadcast_in_dim3A_662 = arith.constant 1 : i32
    %broadcast_in_dim3A_663 = vector.broadcast %broadcast_in_dim3A_662 : i32 to vector<16xi32>
    %get3A_664 = arith.constant 13 : i32
    %get3A_665 = arith.index_cast %get3A_664 : i32 to index
    %get3A_666 = arith.constant 0 : index
    %get3A_667 = tpu.vector_load %arg5[%get3A_665, %get3A_666] {strides = array<i32>} : memref<64x32xi32, #tpu.memory_space<vmem>>, vector<16xi32>,
    %get3A_668 = arith.constant 13 : i32
    %get3A_669 = arith.index_cast %get3A_668 : i32 to index
    %get3A_670 = arith.constant 0 : index
    %get3A_671 = tpu.vector_load %arg6[%get3A_669, %get3A_670] {strides = array<i32>} : memref<64x32xf32, #tpu.memory_space<vmem>>, vector<16xf32>,
    tpu.vector_store_idx %arg8[%broadcast_in_dim3A_663, %get3A_667], %broadcast_in_dim3A_10 : memref<4x4096xf32, #tpu.memory_space<vmem>>[vector<16xi32>, vector<16xi32>], vector<16xf32>,
    %get3A_672 = arith.constant 13 : i32
    %get3A_673 = arith.index_cast %get3A_672 : i32 to index
    %get3A_674 = arith.constant 16 : index
    %get3A_675 = tpu.vector_load %arg5[%get3A_673, %get3A_674] {strides = array<i32>} : memref<64x32xi32, #tpu.memory_space<vmem>>, vector<16xi32>,
    %get3A_676 = arith.constant 13 : i32
    %get3A_677 = arith.index_cast %get3A_676 : i32 to index
    %get3A_678 = arith.constant 16 : index
    %get3A_679 = tpu.vector_load %arg6[%get3A_677, %get3A_678] {strides = array<i32>} : memref<64x32xf32, #tpu.memory_space<vmem>>, vector<16xf32>,
    tpu.vector_store_idx %arg8[%broadcast_in_dim3A_663, %get3A_675], %broadcast_in_dim3A_10 : memref<4x4096xf32, #tpu.memory_space<vmem>>[vector<16xi32>, vector<16xi32>], vector<16xf32>,
    %broadcast_in_dim3A_680 = arith.constant 2 : i32
    %broadcast_in_dim3A_681 = vector.broadcast %broadcast_in_dim3A_680 : i32 to vector<16xi32>
    %get3A_682 = arith.constant 14 : i32
    %get3A_683 = arith.index_cast %get3A_682 : i32 to index
    %get3A_684 = arith.constant 0 : index
    %get3A_685 = tpu.vector_load %arg5[%get3A_683, %get3A_684] {strides = array<i32>} : memref<64x32xi32, #tpu.memory_space<vmem>>, vector<16xi32>,
    %get3A_686 = arith.constant 14 : i32
    %get3A_687 = arith.index_cast %get3A_686 : i32 to index
    %get3A_688 = arith.constant 0 : index
    %get3A_689 = tpu.vector_load %arg6[%get3A_687, %get3A_688] {strides = array<i32>} : memref<64x32xf32, #tpu.memory_space<vmem>>, vector<16xf32>,
    tpu.vector_store_idx %arg8[%broadcast_in_dim3A_681, %get3A_685], %broadcast_in_dim3A_10 : memref<4x4096xf32, #tpu.memory_space<vmem>>[vector<16xi32>, vector<16xi32>], vector<16xf32>,
    %get3A_690 = arith.constant 14 : i32
    %get3A_691 = arith.index_cast %get3A_690 : i32 to index
    %get3A_692 = arith.constant 16 : index
    %get3A_693 = tpu.vector_load %arg5[%get3A_691, %get3A_692] {strides = array<i32>} : memref<64x32xi32, #tpu.memory_space<vmem>>, vector<16xi32>,
    %get3A_694 = arith.constant 14 : i32
    %get3A_695 = arith.index_cast %get3A_694 : i32 to index
    %get3A_696 = arith.constant 16 : index
    %get3A_697 = tpu.vector_load %arg6[%get3A_695, %get3A_696] {strides = array<i32>} : memref<64x32xf32, #tpu.memory_space<vmem>>, vector<16xf32>,
    tpu.vector_store_idx %arg8[%broadcast_in_dim3A_681, %get3A_693], %broadcast_in_dim3A_10 : memref<4x4096xf32, #tpu.memory_space<vmem>>[vector<16xi32>, vector<16xi32>], vector<16xf32>,
    %broadcast_in_dim3A_698 = arith.constant 3 : i32
    %broadcast_in_dim3A_699 = vector.broadcast %broadcast_in_dim3A_698 : i32 to vector<16xi32>
    %get3A_700 = arith.constant 15 : i32
    %get3A_701 = arith.index_cast %get3A_700 : i32 to index
    %get3A_702 = arith.constant 0 : index
    %get3A_703 = tpu.vector_load %arg5[%get3A_701, %get3A_702] {strides = array<i32>} : memref<64x32xi32, #tpu.memory_space<vmem>>, vector<16xi32>,
    %get3A_704 = arith.constant 15 : i32
    %get3A_705 = arith.index_cast %get3A_704 : i32 to index
    %get3A_706 = arith.constant 0 : index
    %get3A_707 = tpu.vector_load %arg6[%get3A_705, %get3A_706] {strides = array<i32>} : memref<64x32xf32, #tpu.memory_space<vmem>>, vector<16xf32>,
    tpu.vector_store_idx %arg8[%broadcast_in_dim3A_699, %get3A_703], %broadcast_in_dim3A_10 : memref<4x4096xf32, #tpu.memory_space<vmem>>[vector<16xi32>, vector<16xi32>], vector<16xf32>,
    %get3A_708 = arith.constant 15 : i32
    %get3A_709 = arith.index_cast %get3A_708 : i32 to index
    %get3A_710 = arith.constant 16 : index
    %get3A_711 = tpu.vector_load %arg5[%get3A_709, %get3A_710] {strides = array<i32>} : memref<64x32xi32, #tpu.memory_space<vmem>>, vector<16xi32>,
    %get3A_712 = arith.constant 15 : i32
    %get3A_713 = arith.index_cast %get3A_712 : i32 to index
    %get3A_714 = arith.constant 16 : index
    %get3A_715 = tpu.vector_load %arg6[%get3A_713, %get3A_714] {strides = array<i32>} : memref<64x32xf32, #tpu.memory_space<vmem>>, vector<16xf32>,
    tpu.vector_store_idx %arg8[%broadcast_in_dim3A_699, %get3A_711], %broadcast_in_dim3A_10 : memref<4x4096xf32, #tpu.memory_space<vmem>>[vector<16xi32>, vector<16xi32>], vector<16xf32>,
    %broadcast_in_dim3A_716 = arith.constant 0 : i32
    %broadcast_in_dim3A_717 = vector.broadcast %broadcast_in_dim3A_716 : i32 to vector<16xi32>
    %get3A_718 = arith.constant 20 : i32
    %get3A_719 = arith.index_cast %get3A_718 : i32 to index
    %get3A_720 = arith.constant 0 : index
    %get3A_721 = tpu.vector_load %arg5[%get3A_719, %get3A_720] {strides = array<i32>} : memref<64x32xi32, #tpu.memory_space<vmem>>, vector<16xi32>,
    %get3A_722 = arith.constant 20 : i32
    %get3A_723 = arith.index_cast %get3A_722 : i32 to index
    %get3A_724 = arith.constant 0 : index
    %get3A_725 = tpu.vector_load %arg6[%get3A_723, %get3A_724] {strides = array<i32>} : memref<64x32xf32, #tpu.memory_space<vmem>>, vector<16xf32>,
    tpu.vector_store_idx %arg8[%broadcast_in_dim3A_717, %get3A_721], %get3A_725 {add = true} : memref<4x4096xf32, #tpu.memory_space<vmem>>[vector<16xi32>, vector<16xi32>], vector<16xf32>,
    %get3A_726 = arith.constant 20 : i32
    %get3A_727 = arith.index_cast %get3A_726 : i32 to index
    %get3A_728 = arith.constant 16 : index
    %get3A_729 = tpu.vector_load %arg5[%get3A_727, %get3A_728] {strides = array<i32>} : memref<64x32xi32, #tpu.memory_space<vmem>>, vector<16xi32>,
    %get3A_730 = arith.constant 20 : i32
    %get3A_731 = arith.index_cast %get3A_730 : i32 to index
    %get3A_732 = arith.constant 16 : index
    %get3A_733 = tpu.vector_load %arg6[%get3A_731, %get3A_732] {strides = array<i32>} : memref<64x32xf32, #tpu.memory_space<vmem>>, vector<16xf32>,
    tpu.vector_store_idx %arg8[%broadcast_in_dim3A_717, %get3A_729], %get3A_733 {add = true} : memref<4x4096xf32, #tpu.memory_space<vmem>>[vector<16xi32>, vector<16xi32>], vector<16xf32>,
    %broadcast_in_dim3A_734 = arith.constant 1 : i32
    %broadcast_in_dim3A_735 = vector.broadcast %broadcast_in_dim3A_734 : i32 to vector<16xi32>
    %get3A_736 = arith.constant 21 : i32
    %get3A_737 = arith.index_cast %get3A_736 : i32 to index
    %get3A_738 = arith.constant 0 : index
    %get3A_739 = tpu.vector_load %arg5[%get3A_737, %get3A_738] {strides = array<i32>} : memref<64x32xi32, #tpu.memory_space<vmem>>, vector<16xi32>,
    %get3A_740 = arith.constant 21 : i32
    %get3A_741 = arith.index_cast %get3A_740 : i32 to index
    %get3A_742 = arith.constant 0 : index
    %get3A_743 = tpu.vector_load %arg6[%get3A_741, %get3A_742] {strides = array<i32>} : memref<64x32xf32, #tpu.memory_space<vmem>>, vector<16xf32>,
    tpu.vector_store_idx %arg8[%broadcast_in_dim3A_735, %get3A_739], %get3A_743 {add = true} : memref<4x4096xf32, #tpu.memory_space<vmem>>[vector<16xi32>, vector<16xi32>], vector<16xf32>,
    %get3A_744 = arith.constant 21 : i32
    %get3A_745 = arith.index_cast %get3A_744 : i32 to index
    %get3A_746 = arith.constant 16 : index
    %get3A_747 = tpu.vector_load %arg5[%get3A_745, %get3A_746] {strides = array<i32>} : memref<64x32xi32, #tpu.memory_space<vmem>>, vector<16xi32>,
    %get3A_748 = arith.constant 21 : i32
    %get3A_749 = arith.index_cast %get3A_748 : i32 to index
    %get3A_750 = arith.constant 16 : index
    %get3A_751 = tpu.vector_load %arg6[%get3A_749, %get3A_750] {strides = array<i32>} : memref<64x32xf32, #tpu.memory_space<vmem>>, vector<16xf32>,
    tpu.vector_store_idx %arg8[%broadcast_in_dim3A_735, %get3A_747], %get3A_751 {add = true} : memref<4x4096xf32, #tpu.memory_space<vmem>>[vector<16xi32>, vector<16xi32>], vector<16xf32>,
    %broadcast_in_dim3A_752 = arith.constant 2 : i32
    %broadcast_in_dim3A_753 = vector.broadcast %broadcast_in_dim3A_752 : i32 to vector<16xi32>
    %get3A_754 = arith.constant 22 : i32
    %get3A_755 = arith.index_cast %get3A_754 : i32 to index
    %get3A_756 = arith.constant 0 : index
    %get3A_757 = tpu.vector_load %arg5[%get3A_755, %get3A_756] {strides = array<i32>} : memref<64x32xi32, #tpu.memory_space<vmem>>, vector<16xi32>,
    %get3A_758 = arith.constant 22 : i32
    %get3A_759 = arith.index_cast %get3A_758 : i32 to index
    %get3A_760 = arith.constant 0 : index
    %get3A_761 = tpu.vector_load %arg6[%get3A_759, %get3A_760] {strides = array<i32>} : memref<64x32xf32, #tpu.memory_space<vmem>>, vector<16xf32>,
    tpu.vector_store_idx %arg8[%broadcast_in_dim3A_753, %get3A_757], %get3A_761 {add = true} : memref<4x4096xf32, #tpu.memory_space<vmem>>[vector<16xi32>, vector<16xi32>], vector<16xf32>,
    %get3A_762 = arith.constant 22 : i32
    %get3A_763 = arith.index_cast %get3A_762 : i32 to index
    %get3A_764 = arith.constant 16 : index
    %get3A_765 = tpu.vector_load %arg5[%get3A_763, %get3A_764] {strides = array<i32>} : memref<64x32xi32, #tpu.memory_space<vmem>>, vector<16xi32>,
    %get3A_766 = arith.constant 22 : i32
    %get3A_767 = arith.index_cast %get3A_766 : i32 to index
    %get3A_768 = arith.constant 16 : index
    %get3A_769 = tpu.vector_load %arg6[%get3A_767, %get3A_768] {strides = array<i32>} : memref<64x32xf32, #tpu.memory_space<vmem>>, vector<16xf32>,
    tpu.vector_store_idx %arg8[%broadcast_in_dim3A_753, %get3A_765], %get3A_769 {add = true} : memref<4x4096xf32, #tpu.memory_space<vmem>>[vector<16xi32>, vector<16xi32>], vector<16xf32>,
    %broadcast_in_dim3A_770 = arith.constant 3 : i32
    %broadcast_in_dim3A_771 = vector.broadcast %broadcast_in_dim3A_770 : i32 to vector<16xi32>
    %get3A_772 = arith.constant 23 : i32
    %get3A_773 = arith.index_cast %get3A_772 : i32 to index
    %get3A_774 = arith.constant 0 : index
    %get3A_775 = tpu.vector_load %arg5[%get3A_773, %get3A_774] {strides = array<i32>} : memref<64x32xi32, #tpu.memory_space<vmem>>, vector<16xi32>,
    %get3A_776 = arith.constant 23 : i32
    %get3A_777 = arith.index_cast %get3A_776 : i32 to index
    %get3A_778 = arith.constant 0 : index
    %get3A_779 = tpu.vector_load %arg6[%get3A_777, %get3A_778] {strides = array<i32>} : memref<64x32xf32, #tpu.memory_space<vmem>>, vector<16xf32>,
    tpu.vector_store_idx %arg8[%broadcast_in_dim3A_771, %get3A_775], %get3A_779 {add = true} : memref<4x4096xf32, #tpu.memory_space<vmem>>[vector<16xi32>, vector<16xi32>], vector<16xf32>,
    %get3A_780 = arith.constant 23 : i32
    %get3A_781 = arith.index_cast %get3A_780 : i32 to index
    %get3A_782 = arith.constant 16 : index
    %get3A_783 = tpu.vector_load %arg5[%get3A_781, %get3A_782] {strides = array<i32>} : memref<64x32xi32, #tpu.memory_space<vmem>>, vector<16xi32>,
    %get3A_784 = arith.constant 23 : i32
    %get3A_785 = arith.index_cast %get3A_784 : i32 to index
    %get3A_786 = arith.constant 16 : index
    %get3A_787 = tpu.vector_load %arg6[%get3A_785, %get3A_786] {strides = array<i32>} : memref<64x32xf32, #tpu.memory_space<vmem>>, vector<16xf32>,
    tpu.vector_store_idx %arg8[%broadcast_in_dim3A_771, %get3A_783], %get3A_787 {add = true} : memref<4x4096xf32, #tpu.memory_space<vmem>>[vector<16xi32>, vector<16xi32>], vector<16xf32>,
    %add3A_788 = arith.constant 20 : i32
    %add3A_789 = arith.addi %mul3A_2, %add3A_788 : i32
    %dma_start3A_790 = arith.constant 0 : i32
    %dma_start3A_791 = tpu.memref_slice %arg4[%add3A_789, %dma_start3A_790] : memref<2048x4096xf32, #tpu.memory_space<hbm>> -> memref<4x4096xf32, #tpu.memory_space<hbm>>
    %dma_start3A_792 = arith.constant 0 : i32
    %dma_start3A_793 = tpu.memref_slice %arg4[%add3A_789, %dma_start3A_792] : memref<2048x4096xf32, #tpu.memory_space<hbm>> -> memref<4x4096xf32, #tpu.memory_space<hbm>>
    tpu.enqueue_dma source(%arg8 : memref<4x4096xf32, #tpu.memory_space<vmem>>) target(%dma_start3A_793 : memref<4x4096xf32, #tpu.memory_space<hbm>>) target_semaphore(%arg10 : memref<!tpu.dma_semaphore, #tpu.memory_space<semaphore_mem>>)
    %dma_wait3A_794 = arith.constant 0 : i32
    %dma_wait3A_795 = tpu.memref_slice %arg4[%add3A_635, %dma_wait3A_794] : memref<2048x4096xf32, #tpu.memory_space<hbm>> -> memref<4x4096xf32, #tpu.memory_space<hbm>>
    %dma_wait3A_796 = arith.constant 0 : i32
    %dma_wait3A_797 = tpu.memref_slice %arg4[%add3A_635, %dma_wait3A_796] : memref<2048x4096xf32, #tpu.memory_space<hbm>> -> memref<4x4096xf32, #tpu.memory_space<hbm>>
    tpu.wait_dma2 semaphore(%arg9 : memref<!tpu.dma_semaphore, #tpu.memory_space<semaphore_mem>>) src(%arg7 : memref<4x4096xf32, #tpu.memory_space<vmem>>) dst(%dma_wait3A_797 : memref<4x4096xf32, #tpu.memory_space<hbm>>)
    %broadcast_in_dim3A_798 = arith.constant 0 : i32
    %broadcast_in_dim3A_799 = vector.broadcast %broadcast_in_dim3A_798 : i32 to vector<16xi32>
    %get3A_800 = arith.constant 16 : i32
    %get3A_801 = arith.index_cast %get3A_800 : i32 to index
    %get3A_802 = arith.constant 0 : index
    %get3A_803 = tpu.vector_load %arg5[%get3A_801, %get3A_802] {strides = array<i32>} : memref<64x32xi32, #tpu.memory_space<vmem>>, vector<16xi32>,
    %get3A_804 = arith.constant 16 : i32
    %get3A_805 = arith.index_cast %get3A_804 : i32 to index
    %get3A_806 = arith.constant 0 : index
    %get3A_807 = tpu.vector_load %arg6[%get3A_805, %get3A_806] {strides = array<i32>} : memref<64x32xf32, #tpu.memory_space<vmem>>, vector<16xf32>,
    tpu.vector_store_idx %arg7[%broadcast_in_dim3A_799, %get3A_803], %broadcast_in_dim3A_10 : memref<4x4096xf32, #tpu.memory_space<vmem>>[vector<16xi32>, vector<16xi32>], vector<16xf32>,
    %get3A_808 = arith.constant 16 : i32
    %get3A_809 = arith.index_cast %get3A_808 : i32 to index
    %get3A_810 = arith.constant 16 : index
    %get3A_811 = tpu.vector_load %arg5[%get3A_809, %get3A_810] {strides = array<i32>} : memref<64x32xi32, #tpu.memory_space<vmem>>, vector<16xi32>,
    %get3A_812 = arith.constant 16 : i32
    %get3A_813 = arith.index_cast %get3A_812 : i32 to index
    %get3A_814 = arith.constant 16 : index
    %get3A_815 = tpu.vector_load %arg6[%get3A_813, %get3A_814] {strides = array<i32>} : memref<64x32xf32, #tpu.memory_space<vmem>>, vector<16xf32>,
    tpu.vector_store_idx %arg7[%broadcast_in_dim3A_799, %get3A_811], %broadcast_in_dim3A_10 : memref<4x4096xf32, #tpu.memory_space<vmem>>[vector<16xi32>, vector<16xi32>], vector<16xf32>,
    %broadcast_in_dim3A_816 = arith.constant 1 : i32
    %broadcast_in_dim3A_817 = vector.broadcast %broadcast_in_dim3A_816 : i32 to vector<16xi32>
    %get3A_818 = arith.constant 17 : i32
    %get3A_819 = arith.index_cast %get3A_818 : i32 to index
    %get3A_820 = arith.constant 0 : index
    %get3A_821 = tpu.vector_load %arg5[%get3A_819, %get3A_820] {strides = array<i32>} : memref<64x32xi32, #tpu.memory_space<vmem>>, vector<16xi32>,
    %get3A_822 = arith.constant 17 : i32
    %get3A_823 = arith.index_cast %get3A_822 : i32 to index
    %get3A_824 = arith.constant 0 : index
    %get3A_825 = tpu.vector_load %arg6[%get3A_823, %get3A_824] {strides = array<i32>} : memref<64x32xf32, #tpu.memory_space<vmem>>, vector<16xf32>,
    tpu.vector_store_idx %arg7[%broadcast_in_dim3A_817, %get3A_821], %broadcast_in_dim3A_10 : memref<4x4096xf32, #tpu.memory_space<vmem>>[vector<16xi32>, vector<16xi32>], vector<16xf32>,
    %get3A_826 = arith.constant 17 : i32
    %get3A_827 = arith.index_cast %get3A_826 : i32 to index
    %get3A_828 = arith.constant 16 : index
    %get3A_829 = tpu.vector_load %arg5[%get3A_827, %get3A_828] {strides = array<i32>} : memref<64x32xi32, #tpu.memory_space<vmem>>, vector<16xi32>,
    %get3A_830 = arith.constant 17 : i32
    %get3A_831 = arith.index_cast %get3A_830 : i32 to index
    %get3A_832 = arith.constant 16 : index
    %get3A_833 = tpu.vector_load %arg6[%get3A_831, %get3A_832] {strides = array<i32>} : memref<64x32xf32, #tpu.memory_space<vmem>>, vector<16xf32>,
    tpu.vector_store_idx %arg7[%broadcast_in_dim3A_817, %get3A_829], %broadcast_in_dim3A_10 : memref<4x4096xf32, #tpu.memory_space<vmem>>[vector<16xi32>, vector<16xi32>], vector<16xf32>,
    %broadcast_in_dim3A_834 = arith.constant 2 : i32
    %broadcast_in_dim3A_835 = vector.broadcast %broadcast_in_dim3A_834 : i32 to vector<16xi32>
    %get3A_836 = arith.constant 18 : i32
    %get3A_837 = arith.index_cast %get3A_836 : i32 to index
    %get3A_838 = arith.constant 0 : index
    %get3A_839 = tpu.vector_load %arg5[%get3A_837, %get3A_838] {strides = array<i32>} : memref<64x32xi32, #tpu.memory_space<vmem>>, vector<16xi32>,
    %get3A_840 = arith.constant 18 : i32
    %get3A_841 = arith.index_cast %get3A_840 : i32 to index
    %get3A_842 = arith.constant 0 : index
    %get3A_843 = tpu.vector_load %arg6[%get3A_841, %get3A_842] {strides = array<i32>} : memref<64x32xf32, #tpu.memory_space<vmem>>, vector<16xf32>,
    tpu.vector_store_idx %arg7[%broadcast_in_dim3A_835, %get3A_839], %broadcast_in_dim3A_10 : memref<4x4096xf32, #tpu.memory_space<vmem>>[vector<16xi32>, vector<16xi32>], vector<16xf32>,
    %get3A_844 = arith.constant 18 : i32
    %get3A_845 = arith.index_cast %get3A_844 : i32 to index
    %get3A_846 = arith.constant 16 : index
    %get3A_847 = tpu.vector_load %arg5[%get3A_845, %get3A_846] {strides = array<i32>} : memref<64x32xi32, #tpu.memory_space<vmem>>, vector<16xi32>,
    %get3A_848 = arith.constant 18 : i32
    %get3A_849 = arith.index_cast %get3A_848 : i32 to index
    %get3A_850 = arith.constant 16 : index
    %get3A_851 = tpu.vector_load %arg6[%get3A_849, %get3A_850] {strides = array<i32>} : memref<64x32xf32, #tpu.memory_space<vmem>>, vector<16xf32>,
    tpu.vector_store_idx %arg7[%broadcast_in_dim3A_835, %get3A_847], %broadcast_in_dim3A_10 : memref<4x4096xf32, #tpu.memory_space<vmem>>[vector<16xi32>, vector<16xi32>], vector<16xf32>,
    %broadcast_in_dim3A_852 = arith.constant 3 : i32
    %broadcast_in_dim3A_853 = vector.broadcast %broadcast_in_dim3A_852 : i32 to vector<16xi32>
    %get3A_854 = arith.constant 19 : i32
    %get3A_855 = arith.index_cast %get3A_854 : i32 to index
    %get3A_856 = arith.constant 0 : index
    %get3A_857 = tpu.vector_load %arg5[%get3A_855, %get3A_856] {strides = array<i32>} : memref<64x32xi32, #tpu.memory_space<vmem>>, vector<16xi32>,
    %get3A_858 = arith.constant 19 : i32
    %get3A_859 = arith.index_cast %get3A_858 : i32 to index
    %get3A_860 = arith.constant 0 : index
    %get3A_861 = tpu.vector_load %arg6[%get3A_859, %get3A_860] {strides = array<i32>} : memref<64x32xf32, #tpu.memory_space<vmem>>, vector<16xf32>,
    tpu.vector_store_idx %arg7[%broadcast_in_dim3A_853, %get3A_857], %broadcast_in_dim3A_10 : memref<4x4096xf32, #tpu.memory_space<vmem>>[vector<16xi32>, vector<16xi32>], vector<16xf32>,
    %get3A_862 = arith.constant 19 : i32
    %get3A_863 = arith.index_cast %get3A_862 : i32 to index
    %get3A_864 = arith.constant 16 : index
    %get3A_865 = tpu.vector_load %arg5[%get3A_863, %get3A_864] {strides = array<i32>} : memref<64x32xi32, #tpu.memory_space<vmem>>, vector<16xi32>,
    %get3A_866 = arith.constant 19 : i32
    %get3A_867 = arith.index_cast %get3A_866 : i32 to index
    %get3A_868 = arith.constant 16 : index
    %get3A_869 = tpu.vector_load %arg6[%get3A_867, %get3A_868] {strides = array<i32>} : memref<64x32xf32, #tpu.memory_space<vmem>>, vector<16xf32>,
    tpu.vector_store_idx %arg7[%broadcast_in_dim3A_853, %get3A_865], %broadcast_in_dim3A_10 : memref<4x4096xf32, #tpu.memory_space<vmem>>[vector<16xi32>, vector<16xi32>], vector<16xf32>,
    %broadcast_in_dim3A_870 = arith.constant 0 : i32
    %broadcast_in_dim3A_871 = vector.broadcast %broadcast_in_dim3A_870 : i32 to vector<16xi32>
    %get3A_872 = arith.constant 24 : i32
    %get3A_873 = arith.index_cast %get3A_872 : i32 to index
    %get3A_874 = arith.constant 0 : index
    %get3A_875 = tpu.vector_load %arg5[%get3A_873, %get3A_874] {strides = array<i32>} : memref<64x32xi32, #tpu.memory_space<vmem>>, vector<16xi32>,
    %get3A_876 = arith.constant 24 : i32
    %get3A_877 = arith.index_cast %get3A_876 : i32 to index
    %get3A_878 = arith.constant 0 : index
    %get3A_879 = tpu.vector_load %arg6[%get3A_877, %get3A_878] {strides = array<i32>} : memref<64x32xf32, #tpu.memory_space<vmem>>, vector<16xf32>,
    tpu.vector_store_idx %arg7[%broadcast_in_dim3A_871, %get3A_875], %get3A_879 {add = true} : memref<4x4096xf32, #tpu.memory_space<vmem>>[vector<16xi32>, vector<16xi32>], vector<16xf32>,
    %get3A_880 = arith.constant 24 : i32
    %get3A_881 = arith.index_cast %get3A_880 : i32 to index
    %get3A_882 = arith.constant 16 : index
    %get3A_883 = tpu.vector_load %arg5[%get3A_881, %get3A_882] {strides = array<i32>} : memref<64x32xi32, #tpu.memory_space<vmem>>, vector<16xi32>,
    %get3A_884 = arith.constant 24 : i32
    %get3A_885 = arith.index_cast %get3A_884 : i32 to index
    %get3A_886 = arith.constant 16 : index
    %get3A_887 = tpu.vector_load %arg6[%get3A_885, %get3A_886] {strides = array<i32>} : memref<64x32xf32, #tpu.memory_space<vmem>>, vector<16xf32>,
    tpu.vector_store_idx %arg7[%broadcast_in_dim3A_871, %get3A_883], %get3A_887 {add = true} : memref<4x4096xf32, #tpu.memory_space<vmem>>[vector<16xi32>, vector<16xi32>], vector<16xf32>,
    %broadcast_in_dim3A_888 = arith.constant 1 : i32
    %broadcast_in_dim3A_889 = vector.broadcast %broadcast_in_dim3A_888 : i32 to vector<16xi32>
    %get3A_890 = arith.constant 25 : i32
    %get3A_891 = arith.index_cast %get3A_890 : i32 to index
    %get3A_892 = arith.constant 0 : index
    %get3A_893 = tpu.vector_load %arg5[%get3A_891, %get3A_892] {strides = array<i32>} : memref<64x32xi32, #tpu.memory_space<vmem>>, vector<16xi32>,
    %get3A_894 = arith.constant 25 : i32
    %get3A_895 = arith.index_cast %get3A_894 : i32 to index
    %get3A_896 = arith.constant 0 : index
    %get3A_897 = tpu.vector_load %arg6[%get3A_895, %get3A_896] {strides = array<i32>} : memref<64x32xf32, #tpu.memory_space<vmem>>, vector<16xf32>,
    tpu.vector_store_idx %arg7[%broadcast_in_dim3A_889, %get3A_893], %get3A_897 {add = true} : memref<4x4096xf32, #tpu.memory_space<vmem>>[vector<16xi32>, vector<16xi32>], vector<16xf32>,
    %get3A_898 = arith.constant 25 : i32
    %get3A_899 = arith.index_cast %get3A_898 : i32 to index
    %get3A_900 = arith.constant 16 : index
    %get3A_901 = tpu.vector_load %arg5[%get3A_899, %get3A_900] {strides = array<i32>} : memref<64x32xi32, #tpu.memory_space<vmem>>, vector<16xi32>,
    %get3A_902 = arith.constant 25 : i32
    %get3A_903 = arith.index_cast %get3A_902 : i32 to index
    %get3A_904 = arith.constant 16 : index
    %get3A_905 = tpu.vector_load %arg6[%get3A_903, %get3A_904] {strides = array<i32>} : memref<64x32xf32, #tpu.memory_space<vmem>>, vector<16xf32>,
    tpu.vector_store_idx %arg7[%broadcast_in_dim3A_889, %get3A_901], %get3A_905 {add = true} : memref<4x4096xf32, #tpu.memory_space<vmem>>[vector<16xi32>, vector<16xi32>], vector<16xf32>,
    %broadcast_in_dim3A_906 = arith.constant 2 : i32
    %broadcast_in_dim3A_907 = vector.broadcast %broadcast_in_dim3A_906 : i32 to vector<16xi32>
    %get3A_908 = arith.constant 26 : i32
    %get3A_909 = arith.index_cast %get3A_908 : i32 to index
    %get3A_910 = arith.constant 0 : index
    %get3A_911 = tpu.vector_load %arg5[%get3A_909, %get3A_910] {strides = array<i32>} : memref<64x32xi32, #tpu.memory_space<vmem>>, vector<16xi32>,
    %get3A_912 = arith.constant 26 : i32
    %get3A_913 = arith.index_cast %get3A_912 : i32 to index
    %get3A_914 = arith.constant 0 : index
    %get3A_915 = tpu.vector_load %arg6[%get3A_913, %get3A_914] {strides = array<i32>} : memref<64x32xf32, #tpu.memory_space<vmem>>, vector<16xf32>,
    tpu.vector_store_idx %arg7[%broadcast_in_dim3A_907, %get3A_911], %get3A_915 {add = true} : memref<4x4096xf32, #tpu.memory_space<vmem>>[vector<16xi32>, vector<16xi32>], vector<16xf32>,
    %get3A_916 = arith.constant 26 : i32
    %get3A_917 = arith.index_cast %get3A_916 : i32 to index
    %get3A_918 = arith.constant 16 : index
    %get3A_919 = tpu.vector_load %arg5[%get3A_917, %get3A_918] {strides = array<i32>} : memref<64x32xi32, #tpu.memory_space<vmem>>, vector<16xi32>,
    %get3A_920 = arith.constant 26 : i32
    %get3A_921 = arith.index_cast %get3A_920 : i32 to index
    %get3A_922 = arith.constant 16 : index
    %get3A_923 = tpu.vector_load %arg6[%get3A_921, %get3A_922] {strides = array<i32>} : memref<64x32xf32, #tpu.memory_space<vmem>>, vector<16xf32>,
    tpu.vector_store_idx %arg7[%broadcast_in_dim3A_907, %get3A_919], %get3A_923 {add = true} : memref<4x4096xf32, #tpu.memory_space<vmem>>[vector<16xi32>, vector<16xi32>], vector<16xf32>,
    %broadcast_in_dim3A_924 = arith.constant 3 : i32
    %broadcast_in_dim3A_925 = vector.broadcast %broadcast_in_dim3A_924 : i32 to vector<16xi32>
    %get3A_926 = arith.constant 27 : i32
    %get3A_927 = arith.index_cast %get3A_926 : i32 to index
    %get3A_928 = arith.constant 0 : index
    %get3A_929 = tpu.vector_load %arg5[%get3A_927, %get3A_928] {strides = array<i32>} : memref<64x32xi32, #tpu.memory_space<vmem>>, vector<16xi32>,
    %get3A_930 = arith.constant 27 : i32
    %get3A_931 = arith.index_cast %get3A_930 : i32 to index
    %get3A_932 = arith.constant 0 : index
    %get3A_933 = tpu.vector_load %arg6[%get3A_931, %get3A_932] {strides = array<i32>} : memref<64x32xf32, #tpu.memory_space<vmem>>, vector<16xf32>,
    tpu.vector_store_idx %arg7[%broadcast_in_dim3A_925, %get3A_929], %get3A_933 {add = true} : memref<4x4096xf32, #tpu.memory_space<vmem>>[vector<16xi32>, vector<16xi32>], vector<16xf32>,
    %get3A_934 = arith.constant 27 : i32
    %get3A_935 = arith.index_cast %get3A_934 : i32 to index
    %get3A_936 = arith.constant 16 : index
    %get3A_937 = tpu.vector_load %arg5[%get3A_935, %get3A_936] {strides = array<i32>} : memref<64x32xi32, #tpu.memory_space<vmem>>, vector<16xi32>,
    %get3A_938 = arith.constant 27 : i32
    %get3A_939 = arith.index_cast %get3A_938 : i32 to index
    %get3A_940 = arith.constant 16 : index
    %get3A_941 = tpu.vector_load %arg6[%get3A_939, %get3A_940] {strides = array<i32>} : memref<64x32xf32, #tpu.memory_space<vmem>>, vector<16xf32>,
    tpu.vector_store_idx %arg7[%broadcast_in_dim3A_925, %get3A_937], %get3A_941 {add = true} : memref<4x4096xf32, #tpu.memory_space<vmem>>[vector<16xi32>, vector<16xi32>], vector<16xf32>,
    %add3A_942 = arith.constant 24 : i32
    %add3A_943 = arith.addi %mul3A_2, %add3A_942 : i32
    %dma_start3A_944 = arith.constant 0 : i32
    %dma_start3A_945 = tpu.memref_slice %arg4[%add3A_943, %dma_start3A_944] : memref<2048x4096xf32, #tpu.memory_space<hbm>> -> memref<4x4096xf32, #tpu.memory_space<hbm>>
    %dma_start3A_946 = arith.constant 0 : i32
    %dma_start3A_947 = tpu.memref_slice %arg4[%add3A_943, %dma_start3A_946] : memref<2048x4096xf32, #tpu.memory_space<hbm>> -> memref<4x4096xf32, #tpu.memory_space<hbm>>
    tpu.enqueue_dma source(%arg7 : memref<4x4096xf32, #tpu.memory_space<vmem>>) target(%dma_start3A_947 : memref<4x4096xf32, #tpu.memory_space<hbm>>) target_semaphore(%arg9 : memref<!tpu.dma_semaphore, #tpu.memory_space<semaphore_mem>>)
    %dma_wait3A_948 = arith.constant 0 : i32
    %dma_wait3A_949 = tpu.memref_slice %arg4[%add3A_789, %dma_wait3A_948] : memref<2048x4096xf32, #tpu.memory_space<hbm>> -> memref<4x4096xf32, #tpu.memory_space<hbm>>
    %dma_wait3A_950 = arith.constant 0 : i32
    %dma_wait3A_951 = tpu.memref_slice %arg4[%add3A_789, %dma_wait3A_950] : memref<2048x4096xf32, #tpu.memory_space<hbm>> -> memref<4x4096xf32, #tpu.memory_space<hbm>>
    tpu.wait_dma2 semaphore(%arg10 : memref<!tpu.dma_semaphore, #tpu.memory_space<semaphore_mem>>) src(%arg8 : memref<4x4096xf32, #tpu.memory_space<vmem>>) dst(%dma_wait3A_951 : memref<4x4096xf32, #tpu.memory_space<hbm>>)
    %broadcast_in_dim3A_952 = arith.constant 0 : i32
    %broadcast_in_dim3A_953 = vector.broadcast %broadcast_in_dim3A_952 : i32 to vector<16xi32>
    %get3A_954 = arith.constant 20 : i32
    %get3A_955 = arith.index_cast %get3A_954 : i32 to index
    %get3A_956 = arith.constant 0 : index
    %get3A_957 = tpu.vector_load %arg5[%get3A_955, %get3A_956] {strides = array<i32>} : memref<64x32xi32, #tpu.memory_space<vmem>>, vector<16xi32>,
    %get3A_958 = arith.constant 20 : i32
    %get3A_959 = arith.index_cast %get3A_958 : i32 to index
    %get3A_960 = arith.constant 0 : index
    %get3A_961 = tpu.vector_load %arg6[%get3A_959, %get3A_960] {strides = array<i32>} : memref<64x32xf32, #tpu.memory_space<vmem>>, vector<16xf32>,
    tpu.vector_store_idx %arg8[%broadcast_in_dim3A_953, %get3A_957], %broadcast_in_dim3A_10 : memref<4x4096xf32, #tpu.memory_space<vmem>>[vector<16xi32>, vector<16xi32>], vector<16xf32>,
    %get3A_962 = arith.constant 20 : i32
    %get3A_963 = arith.index_cast %get3A_962 : i32 to index
    %get3A_964 = arith.constant 16 : index
    %get3A_965 = tpu.vector_load %arg5[%get3A_963, %get3A_964] {strides = array<i32>} : memref<64x32xi32, #tpu.memory_space<vmem>>, vector<16xi32>,
    %get3A_966 = arith.constant 20 : i32
    %get3A_967 = arith.index_cast %get3A_966 : i32 to index
    %get3A_968 = arith.constant 16 : index
    %get3A_969 = tpu.vector_load %arg6[%get3A_967, %get3A_968] {strides = array<i32>} : memref<64x32xf32, #tpu.memory_space<vmem>>, vector<16xf32>,
    tpu.vector_store_idx %arg8[%broadcast_in_dim3A_953, %get3A_965], %broadcast_in_dim3A_10 : memref<4x4096xf32, #tpu.memory_space<vmem>>[vector<16xi32>, vector<16xi32>], vector<16xf32>,
    %broadcast_in_dim3A_970 = arith.constant 1 : i32
    %broadcast_in_dim3A_971 = vector.broadcast %broadcast_in_dim3A_970 : i32 to vector<16xi32>
    %get3A_972 = arith.constant 21 : i32
    %get3A_973 = arith.index_cast %get3A_972 : i32 to index
    %get3A_974 = arith.constant 0 : index
    %get3A_975 = tpu.vector_load %arg5[%get3A_973, %get3A_974] {strides = array<i32>} : memref<64x32xi32, #tpu.memory_space<vmem>>, vector<16xi32>,
    %get3A_976 = arith.constant 21 : i32
    %get3A_977 = arith.index_cast %get3A_976 : i32 to index
    %get3A_978 = arith.constant 0 : index
    %get3A_979 = tpu.vector_load %arg6[%get3A_977, %get3A_978] {strides = array<i32>} : memref<64x32xf32, #tpu.memory_space<vmem>>, vector<16xf32>,
    tpu.vector_store_idx %arg8[%broadcast_in_dim3A_971, %get3A_975], %broadcast_in_dim3A_10 : memref<4x4096xf32, #tpu.memory_space<vmem>>[vector<16xi32>, vector<16xi32>], vector<16xf32>,
    %get3A_980 = arith.constant 21 : i32
    %get3A_981 = arith.index_cast %get3A_980 : i32 to index
    %get3A_982 = arith.constant 16 : index
    %get3A_983 = tpu.vector_load %arg5[%get3A_981, %get3A_982] {strides = array<i32>} : memref<64x32xi32, #tpu.memory_space<vmem>>, vector<16xi32>,
    %get3A_984 = arith.constant 21 : i32
    %get3A_985 = arith.index_cast %get3A_984 : i32 to index
    %get3A_986 = arith.constant 16 : index
    %get3A_987 = tpu.vector_load %arg6[%get3A_985, %get3A_986] {strides = array<i32>} : memref<64x32xf32, #tpu.memory_space<vmem>>, vector<16xf32>,
    tpu.vector_store_idx %arg8[%broadcast_in_dim3A_971, %get3A_983], %broadcast_in_dim3A_10 : memref<4x4096xf32, #tpu.memory_space<vmem>>[vector<16xi32>, vector<16xi32>], vector<16xf32>,
    %broadcast_in_dim3A_988 = arith.constant 2 : i32
    %broadcast_in_dim3A_989 = vector.broadcast %broadcast_in_dim3A_988 : i32 to vector<16xi32>
    %get3A_990 = arith.constant 22 : i32
    %get3A_991 = arith.index_cast %get3A_990 : i32 to index
    %get3A_992 = arith.constant 0 : index
    %get3A_993 = tpu.vector_load %arg5[%get3A_991, %get3A_992] {strides = array<i32>} : memref<64x32xi32, #tpu.memory_space<vmem>>, vector<16xi32>,
    %get3A_994 = arith.constant 22 : i32
    %get3A_995 = arith.index_cast %get3A_994 : i32 to index
    %get3A_996 = arith.constant 0 : index
    %get3A_997 = tpu.vector_load %arg6[%get3A_995, %get3A_996] {strides = array<i32>} : memref<64x32xf32, #tpu.memory_space<vmem>>, vector<16xf32>,
    tpu.vector_store_idx %arg8[%broadcast_in_dim3A_989, %get3A_993], %broadcast_in_dim3A_10 : memref<4x4096xf32, #tpu.memory_space<vmem>>[vector<16xi32>, vector<16xi32>], vector<16xf32>,
    %get3A_998 = arith.constant 22 : i32
    %get3A_999 = arith.index_cast %get3A_998 : i32 to index
    %get3A_1000 = arith.constant 16 : index
    %get3A_1001 = tpu.vector_load %arg5[%get3A_999, %get3A_1000] {strides = array<i32>} : memref<64x32xi32, #tpu.memory_space<vmem>>, vector<16xi32>,
    %get3A_1002 = arith.constant 22 : i32
    %get3A_1003 = arith.index_cast %get3A_1002 : i32 to index
    %get3A_1004 = arith.constant 16 : index
    %get3A_1005 = tpu.vector_load %arg6[%get3A_1003, %get3A_1004] {strides = array<i32>} : memref<64x32xf32, #tpu.memory_space<vmem>>, vector<16xf32>,
    tpu.vector_store_idx %arg8[%broadcast_in_dim3A_989, %get3A_1001], %broadcast_in_dim3A_10 : memref<4x4096xf32, #tpu.memory_space<vmem>>[vector<16xi32>, vector<16xi32>], vector<16xf32>,
    %broadcast_in_dim3A_1006 = arith.constant 3 : i32
    %broadcast_in_dim3A_1007 = vector.broadcast %broadcast_in_dim3A_1006 : i32 to vector<16xi32>
    %get3A_1008 = arith.constant 23 : i32
    %get3A_1009 = arith.index_cast %get3A_1008 : i32 to index
    %get3A_1010 = arith.constant 0 : index
    %get3A_1011 = tpu.vector_load %arg5[%get3A_1009, %get3A_1010] {strides = array<i32>} : memref<64x32xi32, #tpu.memory_space<vmem>>, vector<16xi32>,
    %get3A_1012 = arith.constant 23 : i32
    %get3A_1013 = arith.index_cast %get3A_1012 : i32 to index
    %get3A_1014 = arith.constant 0 : index
    %get3A_1015 = tpu.vector_load %arg6[%get3A_1013, %get3A_1014] {strides = array<i32>} : memref<64x32xf32, #tpu.memory_space<vmem>>, vector<16xf32>,
    tpu.vector_store_idx %arg8[%broadcast_in_dim3A_1007, %get3A_1011], %broadcast_in_dim3A_10 : memref<4x4096xf32, #tpu.memory_space<vmem>>[vector<16xi32>, vector<16xi32>], vector<16xf32>,
    %get3A_1016 = arith.constant 23 : i32
    %get3A_1017 = arith.index_cast %get3A_1016 : i32 to index
    %get3A_1018 = arith.constant 16 : index
    %get3A_1019 = tpu.vector_load %arg5[%get3A_1017, %get3A_1018] {strides = array<i32>} : memref<64x32xi32, #tpu.memory_space<vmem>>, vector<16xi32>,
    %get3A_1020 = arith.constant 23 : i32
    %get3A_1021 = arith.index_cast %get3A_1020 : i32 to index
    %get3A_1022 = arith.constant 16 : index
    %get3A_1023 = tpu.vector_load %arg6[%get3A_1021, %get3A_1022] {strides = array<i32>} : memref<64x32xf32, #tpu.memory_space<vmem>>, vector<16xf32>,
    tpu.vector_store_idx %arg8[%broadcast_in_dim3A_1007, %get3A_1019], %broadcast_in_dim3A_10 : memref<4x4096xf32, #tpu.memory_space<vmem>>[vector<16xi32>, vector<16xi32>], vector<16xf32>,
    %broadcast_in_dim3A_1024 = arith.constant 0 : i32
    %broadcast_in_dim3A_1025 = vector.broadcast %broadcast_in_dim3A_1024 : i32 to vector<16xi32>
    %get3A_1026 = arith.constant 28 : i32
    %get3A_1027 = arith.index_cast %get3A_1026 : i32 to index
    %get3A_1028 = arith.constant 0 : index
    %get3A_1029 = tpu.vector_load %arg5[%get3A_1027, %get3A_1028] {strides = array<i32>} : memref<64x32xi32, #tpu.memory_space<vmem>>, vector<16xi32>,
    %get3A_1030 = arith.constant 28 : i32
    %get3A_1031 = arith.index_cast %get3A_1030 : i32 to index
    %get3A_1032 = arith.constant 0 : index
    %get3A_1033 = tpu.vector_load %arg6[%get3A_1031, %get3A_1032] {strides = array<i32>} : memref<64x32xf32, #tpu.memory_space<vmem>>, vector<16xf32>,
    tpu.vector_store_idx %arg8[%broadcast_in_dim3A_1025, %get3A_1029], %get3A_1033 {add = true} : memref<4x4096xf32, #tpu.memory_space<vmem>>[vector<16xi32>, vector<16xi32>], vector<16xf32>,
    %get3A_1034 = arith.constant 28 : i32
    %get3A_1035 = arith.index_cast %get3A_1034 : i32 to index
    %get3A_1036 = arith.constant 16 : index
    %get3A_1037 = tpu.vector_load %arg5[%get3A_1035, %get3A_1036] {strides = array<i32>} : memref<64x32xi32, #tpu.memory_space<vmem>>, vector<16xi32>,
    %get3A_1038 = arith.constant 28 : i32
    %get3A_1039 = arith.index_cast %get3A_1038 : i32 to index
    %get3A_1040 = arith.constant 16 : index
    %get3A_1041 = tpu.vector_load %arg6[%get3A_1039, %get3A_1040] {strides = array<i32>} : memref<64x32xf32, #tpu.memory_space<vmem>>, vector<16xf32>,
    tpu.vector_store_idx %arg8[%broadcast_in_dim3A_1025, %get3A_1037], %get3A_1041 {add = true} : memref<4x4096xf32, #tpu.memory_space<vmem>>[vector<16xi32>, vector<16xi32>], vector<16xf32>,
    %broadcast_in_dim3A_1042 = arith.constant 1 : i32
    %broadcast_in_dim3A_1043 = vector.broadcast %broadcast_in_dim3A_1042 : i32 to vector<16xi32>
    %get3A_1044 = arith.constant 29 : i32
    %get3A_1045 = arith.index_cast %get3A_1044 : i32 to index
    %get3A_1046 = arith.constant 0 : index
    %get3A_1047 = tpu.vector_load %arg5[%get3A_1045, %get3A_1046] {strides = array<i32>} : memref<64x32xi32, #tpu.memory_space<vmem>>, vector<16xi32>,
    %get3A_1048 = arith.constant 29 : i32
    %get3A_1049 = arith.index_cast %get3A_1048 : i32 to index
    %get3A_1050 = arith.constant 0 : index
    %get3A_1051 = tpu.vector_load %arg6[%get3A_1049, %get3A_1050] {strides = array<i32>} : memref<64x32xf32, #tpu.memory_space<vmem>>, vector<16xf32>,
    tpu.vector_store_idx %arg8[%broadcast_in_dim3A_1043, %get3A_1047], %get3A_1051 {add = true} : memref<4x4096xf32, #tpu.memory_space<vmem>>[vector<16xi32>, vector<16xi32>], vector<16xf32>,
    %get3A_1052 = arith.constant 29 : i32
    %get3A_1053 = arith.index_cast %get3A_1052 : i32 to index
    %get3A_1054 = arith.constant 16 : index
    %get3A_1055 = tpu.vector_load %arg5[%get3A_1053, %get3A_1054] {strides = array<i32>} : memref<64x32xi32, #tpu.memory_space<vmem>>, vector<16xi32>,
    %get3A_1056 = arith.constant 29 : i32
    %get3A_1057 = arith.index_cast %get3A_1056 : i32 to index
    %get3A_1058 = arith.constant 16 : index
    %get3A_1059 = tpu.vector_load %arg6[%get3A_1057, %get3A_1058] {strides = array<i32>} : memref<64x32xf32, #tpu.memory_space<vmem>>, vector<16xf32>,
    tpu.vector_store_idx %arg8[%broadcast_in_dim3A_1043, %get3A_1055], %get3A_1059 {add = true} : memref<4x4096xf32, #tpu.memory_space<vmem>>[vector<16xi32>, vector<16xi32>], vector<16xf32>,
    %broadcast_in_dim3A_1060 = arith.constant 2 : i32
    %broadcast_in_dim3A_1061 = vector.broadcast %broadcast_in_dim3A_1060 : i32 to vector<16xi32>
    %get3A_1062 = arith.constant 30 : i32
    %get3A_1063 = arith.index_cast %get3A_1062 : i32 to index
    %get3A_1064 = arith.constant 0 : index
    %get3A_1065 = tpu.vector_load %arg5[%get3A_1063, %get3A_1064] {strides = array<i32>} : memref<64x32xi32, #tpu.memory_space<vmem>>, vector<16xi32>,
    %get3A_1066 = arith.constant 30 : i32
    %get3A_1067 = arith.index_cast %get3A_1066 : i32 to index
    %get3A_1068 = arith.constant 0 : index
    %get3A_1069 = tpu.vector_load %arg6[%get3A_1067, %get3A_1068] {strides = array<i32>} : memref<64x32xf32, #tpu.memory_space<vmem>>, vector<16xf32>,
    tpu.vector_store_idx %arg8[%broadcast_in_dim3A_1061, %get3A_1065], %get3A_1069 {add = true} : memref<4x4096xf32, #tpu.memory_space<vmem>>[vector<16xi32>, vector<16xi32>], vector<16xf32>,
    %get3A_1070 = arith.constant 30 : i32
    %get3A_1071 = arith.index_cast %get3A_1070 : i32 to index
    %get3A_1072 = arith.constant 16 : index
    %get3A_1073 = tpu.vector_load %arg5[%get3A_1071, %get3A_1072] {strides = array<i32>} : memref<64x32xi32, #tpu.memory_space<vmem>>, vector<16xi32>,
    %get3A_1074 = arith.constant 30 : i32
    %get3A_1075 = arith.index_cast %get3A_1074 : i32 to index
    %get3A_1076 = arith.constant 16 : index
    %get3A_1077 = tpu.vector_load %arg6[%get3A_1075, %get3A_1076] {strides = array<i32>} : memref<64x32xf32, #tpu.memory_space<vmem>>, vector<16xf32>,
    tpu.vector_store_idx %arg8[%broadcast_in_dim3A_1061, %get3A_1073], %get3A_1077 {add = true} : memref<4x4096xf32, #tpu.memory_space<vmem>>[vector<16xi32>, vector<16xi32>], vector<16xf32>,
    %broadcast_in_dim3A_1078 = arith.constant 3 : i32
    %broadcast_in_dim3A_1079 = vector.broadcast %broadcast_in_dim3A_1078 : i32 to vector<16xi32>
    %get3A_1080 = arith.constant 31 : i32
    %get3A_1081 = arith.index_cast %get3A_1080 : i32 to index
    %get3A_1082 = arith.constant 0 : index
    %get3A_1083 = tpu.vector_load %arg5[%get3A_1081, %get3A_1082] {strides = array<i32>} : memref<64x32xi32, #tpu.memory_space<vmem>>, vector<16xi32>,
    %get3A_1084 = arith.constant 31 : i32
    %get3A_1085 = arith.index_cast %get3A_1084 : i32 to index
    %get3A_1086 = arith.constant 0 : index
    %get3A_1087 = tpu.vector_load %arg6[%get3A_1085, %get3A_1086] {strides = array<i32>} : memref<64x32xf32, #tpu.memory_space<vmem>>, vector<16xf32>,
    tpu.vector_store_idx %arg8[%broadcast_in_dim3A_1079, %get3A_1083], %get3A_1087 {add = true} : memref<4x4096xf32, #tpu.memory_space<vmem>>[vector<16xi32>, vector<16xi32>], vector<16xf32>,
    %get3A_1088 = arith.constant 31 : i32
    %get3A_1089 = arith.index_cast %get3A_1088 : i32 to index
    %get3A_1090 = arith.constant 16 : index
    %get3A_1091 = tpu.vector_load %arg5[%get3A_1089, %get3A_1090] {strides = array<i32>} : memref<64x32xi32, #tpu.memory_space<vmem>>, vector<16xi32>,
    %get3A_1092 = arith.constant 31 : i32
    %get3A_1093 = arith.index_cast %get3A_1092 : i32 to index
    %get3A_1094 = arith.constant 16 : index
    %get3A_1095 = tpu.vector_load %arg6[%get3A_1093, %get3A_1094] {strides = array<i32>} : memref<64x32xf32, #tpu.memory_space<vmem>>, vector<16xf32>,
    tpu.vector_store_idx %arg8[%broadcast_in_dim3A_1079, %get3A_1091], %get3A_1095 {add = true} : memref<4x4096xf32, #tpu.memory_space<vmem>>[vector<16xi32>, vector<16xi32>], vector<16xf32>,
    %add3A_1096 = arith.constant 28 : i32
    %add3A_1097 = arith.addi %mul3A_2, %add3A_1096 : i32
    %dma_start3A_1098 = arith.constant 0 : i32
    %dma_start3A_1099 = tpu.memref_slice %arg4[%add3A_1097, %dma_start3A_1098] : memref<2048x4096xf32, #tpu.memory_space<hbm>> -> memref<4x4096xf32, #tpu.memory_space<hbm>>
    %dma_start3A_1100 = arith.constant 0 : i32
    %dma_start3A_1101 = tpu.memref_slice %arg4[%add3A_1097, %dma_start3A_1100] : memref<2048x4096xf32, #tpu.memory_space<hbm>> -> memref<4x4096xf32, #tpu.memory_space<hbm>>
    tpu.enqueue_dma source(%arg8 : memref<4x4096xf32, #tpu.memory_space<vmem>>) target(%dma_start3A_1101 : memref<4x4096xf32, #tpu.memory_space<hbm>>) target_semaphore(%arg10 : memref<!tpu.dma_semaphore, #tpu.memory_space<semaphore_mem>>)
    %dma_wait3A_1102 = arith.constant 0 : i32
    %dma_wait3A_1103 = tpu.memref_slice %arg4[%add3A_943, %dma_wait3A_1102] : memref<2048x4096xf32, #tpu.memory_space<hbm>> -> memref<4x4096xf32, #tpu.memory_space<hbm>>
    %dma_wait3A_1104 = arith.constant 0 : i32
    %dma_wait3A_1105 = tpu.memref_slice %arg4[%add3A_943, %dma_wait3A_1104] : memref<2048x4096xf32, #tpu.memory_space<hbm>> -> memref<4x4096xf32, #tpu.memory_space<hbm>>
    tpu.wait_dma2 semaphore(%arg9 : memref<!tpu.dma_semaphore, #tpu.memory_space<semaphore_mem>>) src(%arg7 : memref<4x4096xf32, #tpu.memory_space<vmem>>) dst(%dma_wait3A_1105 : memref<4x4096xf32, #tpu.memory_space<hbm>>)
    %broadcast_in_dim3A_1106 = arith.constant 0 : i32
    %broadcast_in_dim3A_1107 = vector.broadcast %broadcast_in_dim3A_1106 : i32 to vector<16xi32>
    %get3A_1108 = arith.constant 24 : i32
    %get3A_1109 = arith.index_cast %get3A_1108 : i32 to index
    %get3A_1110 = arith.constant 0 : index
    %get3A_1111 = tpu.vector_load %arg5[%get3A_1109, %get3A_1110] {strides = array<i32>} : memref<64x32xi32, #tpu.memory_space<vmem>>, vector<16xi32>,
    %get3A_1112 = arith.constant 24 : i32
    %get3A_1113 = arith.index_cast %get3A_1112 : i32 to index
    %get3A_1114 = arith.constant 0 : index
    %get3A_1115 = tpu.vector_load %arg6[%get3A_1113, %get3A_1114] {strides = array<i32>} : memref<64x32xf32, #tpu.memory_space<vmem>>, vector<16xf32>,
    tpu.vector_store_idx %arg7[%broadcast_in_dim3A_1107, %get3A_1111], %broadcast_in_dim3A_10 : memref<4x4096xf32, #tpu.memory_space<vmem>>[vector<16xi32>, vector<16xi32>], vector<16xf32>,
    %get3A_1116 = arith.constant 24 : i32
    %get3A_1117 = arith.index_cast %get3A_1116 : i32 to index
    %get3A_1118 = arith.constant 16 : index
    %get3A_1119 = tpu.vector_load %arg5[%get3A_1117, %get3A_1118] {strides = array<i32>} : memref<64x32xi32, #tpu.memory_space<vmem>>, vector<16xi32>,
    %get3A_1120 = arith.constant 24 : i32
    %get3A_1121 = arith.index_cast %get3A_1120 : i32 to index
    %get3A_1122 = arith.constant 16 : index
    %get3A_1123 = tpu.vector_load %arg6[%get3A_1121, %get3A_1122] {strides = array<i32>} : memref<64x32xf32, #tpu.memory_space<vmem>>, vector<16xf32>,
    tpu.vector_store_idx %arg7[%broadcast_in_dim3A_1107, %get3A_1119], %broadcast_in_dim3A_10 : memref<4x4096xf32, #tpu.memory_space<vmem>>[vector<16xi32>, vector<16xi32>], vector<16xf32>,
    %broadcast_in_dim3A_1124 = arith.constant 1 : i32
    %broadcast_in_dim3A_1125 = vector.broadcast %broadcast_in_dim3A_1124 : i32 to vector<16xi32>
    %get3A_1126 = arith.constant 25 : i32
    %get3A_1127 = arith.index_cast %get3A_1126 : i32 to index
    %get3A_1128 = arith.constant 0 : index
    %get3A_1129 = tpu.vector_load %arg5[%get3A_1127, %get3A_1128] {strides = array<i32>} : memref<64x32xi32, #tpu.memory_space<vmem>>, vector<16xi32>,
    %get3A_1130 = arith.constant 25 : i32
    %get3A_1131 = arith.index_cast %get3A_1130 : i32 to index
    %get3A_1132 = arith.constant 0 : index
    %get3A_1133 = tpu.vector_load %arg6[%get3A_1131, %get3A_1132] {strides = array<i32>} : memref<64x32xf32, #tpu.memory_space<vmem>>, vector<16xf32>,
    tpu.vector_store_idx %arg7[%broadcast_in_dim3A_1125, %get3A_1129], %broadcast_in_dim3A_10 : memref<4x4096xf32, #tpu.memory_space<vmem>>[vector<16xi32>, vector<16xi32>], vector<16xf32>,
    %get3A_1134 = arith.constant 25 : i32
    %get3A_1135 = arith.index_cast %get3A_1134 : i32 to index
    %get3A_1136 = arith.constant 16 : index
    %get3A_1137 = tpu.vector_load %arg5[%get3A_1135, %get3A_1136] {strides = array<i32>} : memref<64x32xi32, #tpu.memory_space<vmem>>, vector<16xi32>,
    %get3A_1138 = arith.constant 25 : i32
    %get3A_1139 = arith.index_cast %get3A_1138 : i32 to index
    %get3A_1140 = arith.constant 16 : index
    %get3A_1141 = tpu.vector_load %arg6[%get3A_1139, %get3A_1140] {strides = array<i32>} : memref<64x32xf32, #tpu.memory_space<vmem>>, vector<16xf32>,
    tpu.vector_store_idx %arg7[%broadcast_in_dim3A_1125, %get3A_1137], %broadcast_in_dim3A_10 : memref<4x4096xf32, #tpu.memory_space<vmem>>[vector<16xi32>, vector<16xi32>], vector<16xf32>,
    %broadcast_in_dim3A_1142 = arith.constant 2 : i32
    %broadcast_in_dim3A_1143 = vector.broadcast %broadcast_in_dim3A_1142 : i32 to vector<16xi32>
    %get3A_1144 = arith.constant 26 : i32
    %get3A_1145 = arith.index_cast %get3A_1144 : i32 to index
    %get3A_1146 = arith.constant 0 : index
    %get3A_1147 = tpu.vector_load %arg5[%get3A_1145, %get3A_1146] {strides = array<i32>} : memref<64x32xi32, #tpu.memory_space<vmem>>, vector<16xi32>,
    %get3A_1148 = arith.constant 26 : i32
    %get3A_1149 = arith.index_cast %get3A_1148 : i32 to index
    %get3A_1150 = arith.constant 0 : index
    %get3A_1151 = tpu.vector_load %arg6[%get3A_1149, %get3A_1150] {strides = array<i32>} : memref<64x32xf32, #tpu.memory_space<vmem>>, vector<16xf32>,
    tpu.vector_store_idx %arg7[%broadcast_in_dim3A_1143, %get3A_1147], %broadcast_in_dim3A_10 : memref<4x4096xf32, #tpu.memory_space<vmem>>[vector<16xi32>, vector<16xi32>], vector<16xf32>,
    %get3A_1152 = arith.constant 26 : i32
    %get3A_1153 = arith.index_cast %get3A_1152 : i32 to index
    %get3A_1154 = arith.constant 16 : index
    %get3A_1155 = tpu.vector_load %arg5[%get3A_1153, %get3A_1154] {strides = array<i32>} : memref<64x32xi32, #tpu.memory_space<vmem>>, vector<16xi32>,
    %get3A_1156 = arith.constant 26 : i32
    %get3A_1157 = arith.index_cast %get3A_1156 : i32 to index
    %get3A_1158 = arith.constant 16 : index
    %get3A_1159 = tpu.vector_load %arg6[%get3A_1157, %get3A_1158] {strides = array<i32>} : memref<64x32xf32, #tpu.memory_space<vmem>>, vector<16xf32>,
    tpu.vector_store_idx %arg7[%broadcast_in_dim3A_1143, %get3A_1155], %broadcast_in_dim3A_10 : memref<4x4096xf32, #tpu.memory_space<vmem>>[vector<16xi32>, vector<16xi32>], vector<16xf32>,
    %broadcast_in_dim3A_1160 = arith.constant 3 : i32
    %broadcast_in_dim3A_1161 = vector.broadcast %broadcast_in_dim3A_1160 : i32 to vector<16xi32>
    %get3A_1162 = arith.constant 27 : i32
    %get3A_1163 = arith.index_cast %get3A_1162 : i32 to index
    %get3A_1164 = arith.constant 0 : index
    %get3A_1165 = tpu.vector_load %arg5[%get3A_1163, %get3A_1164] {strides = array<i32>} : memref<64x32xi32, #tpu.memory_space<vmem>>, vector<16xi32>,
    %get3A_1166 = arith.constant 27 : i32
    %get3A_1167 = arith.index_cast %get3A_1166 : i32 to index
    %get3A_1168 = arith.constant 0 : index
    %get3A_1169 = tpu.vector_load %arg6[%get3A_1167, %get3A_1168] {strides = array<i32>} : memref<64x32xf32, #tpu.memory_space<vmem>>, vector<16xf32>,
    tpu.vector_store_idx %arg7[%broadcast_in_dim3A_1161, %get3A_1165], %broadcast_in_dim3A_10 : memref<4x4096xf32, #tpu.memory_space<vmem>>[vector<16xi32>, vector<16xi32>], vector<16xf32>,
    %get3A_1170 = arith.constant 27 : i32
    %get3A_1171 = arith.index_cast %get3A_1170 : i32 to index
    %get3A_1172 = arith.constant 16 : index
    %get3A_1173 = tpu.vector_load %arg5[%get3A_1171, %get3A_1172] {strides = array<i32>} : memref<64x32xi32, #tpu.memory_space<vmem>>, vector<16xi32>,
    %get3A_1174 = arith.constant 27 : i32
    %get3A_1175 = arith.index_cast %get3A_1174 : i32 to index
    %get3A_1176 = arith.constant 16 : index
    %get3A_1177 = tpu.vector_load %arg6[%get3A_1175, %get3A_1176] {strides = array<i32>} : memref<64x32xf32, #tpu.memory_space<vmem>>, vector<16xf32>,
    tpu.vector_store_idx %arg7[%broadcast_in_dim3A_1161, %get3A_1173], %broadcast_in_dim3A_10 : memref<4x4096xf32, #tpu.memory_space<vmem>>[vector<16xi32>, vector<16xi32>], vector<16xf32>,
    %broadcast_in_dim3A_1178 = arith.constant 0 : i32
    %broadcast_in_dim3A_1179 = vector.broadcast %broadcast_in_dim3A_1178 : i32 to vector<16xi32>
    %get3A_1180 = arith.constant 32 : i32
    %get3A_1181 = arith.index_cast %get3A_1180 : i32 to index
    %get3A_1182 = arith.constant 0 : index
    %get3A_1183 = tpu.vector_load %arg5[%get3A_1181, %get3A_1182] {strides = array<i32>} : memref<64x32xi32, #tpu.memory_space<vmem>>, vector<16xi32>,
    %get3A_1184 = arith.constant 32 : i32
    %get3A_1185 = arith.index_cast %get3A_1184 : i32 to index
    %get3A_1186 = arith.constant 0 : index
    %get3A_1187 = tpu.vector_load %arg6[%get3A_1185, %get3A_1186] {strides = array<i32>} : memref<64x32xf32, #tpu.memory_space<vmem>>, vector<16xf32>,
    tpu.vector_store_idx %arg7[%broadcast_in_dim3A_1179, %get3A_1183], %get3A_1187 {add = true} : memref<4x4096xf32, #tpu.memory_space<vmem>>[vector<16xi32>, vector<16xi32>], vector<16xf32>,
    %get3A_1188 = arith.constant 32 : i32
    %get3A_1189 = arith.index_cast %get3A_1188 : i32 to index
    %get3A_1190 = arith.constant 16 : index
    %get3A_1191 = tpu.vector_load %arg5[%get3A_1189, %get3A_1190] {strides = array<i32>} : memref<64x32xi32, #tpu.memory_space<vmem>>, vector<16xi32>,
    %get3A_1192 = arith.constant 32 : i32
    %get3A_1193 = arith.index_cast %get3A_1192 : i32 to index
    %get3A_1194 = arith.constant 16 : index
    %get3A_1195 = tpu.vector_load %arg6[%get3A_1193, %get3A_1194] {strides = array<i32>} : memref<64x32xf32, #tpu.memory_space<vmem>>, vector<16xf32>,
    tpu.vector_store_idx %arg7[%broadcast_in_dim3A_1179, %get3A_1191], %get3A_1195 {add = true} : memref<4x4096xf32, #tpu.memory_space<vmem>>[vector<16xi32>, vector<16xi32>], vector<16xf32>,
    %broadcast_in_dim3A_1196 = arith.constant 1 : i32
    %broadcast_in_dim3A_1197 = vector.broadcast %broadcast_in_dim3A_1196 : i32 to vector<16xi32>
    %get3A_1198 = arith.constant 33 : i32
    %get3A_1199 = arith.index_cast %get3A_1198 : i32 to index
    %get3A_1200 = arith.constant 0 : index
    %get3A_1201 = tpu.vector_load %arg5[%get3A_1199, %get3A_1200] {strides = array<i32>} : memref<64x32xi32, #tpu.memory_space<vmem>>, vector<16xi32>,
    %get3A_1202 = arith.constant 33 : i32
    %get3A_1203 = arith.index_cast %get3A_1202 : i32 to index
    %get3A_1204 = arith.constant 0 : index
    %get3A_1205 = tpu.vector_load %arg6[%get3A_1203, %get3A_1204] {strides = array<i32>} : memref<64x32xf32, #tpu.memory_space<vmem>>, vector<16xf32>,
    tpu.vector_store_idx %arg7[%broadcast_in_dim3A_1197, %get3A_1201], %get3A_1205 {add = true} : memref<4x4096xf32, #tpu.memory_space<vmem>>[vector<16xi32>, vector<16xi32>], vector<16xf32>,
    %get3A_1206 = arith.constant 33 : i32
    %get3A_1207 = arith.index_cast %get3A_1206 : i32 to index
    %get3A_1208 = arith.constant 16 : index
    %get3A_1209 = tpu.vector_load %arg5[%get3A_1207, %get3A_1208] {strides = array<i32>} : memref<64x32xi32, #tpu.memory_space<vmem>>, vector<16xi32>,
    %get3A_1210 = arith.constant 33 : i32
    %get3A_1211 = arith.index_cast %get3A_1210 : i32 to index
    %get3A_1212 = arith.constant 16 : index
    %get3A_1213 = tpu.vector_load %arg6[%get3A_1211, %get3A_1212] {strides = array<i32>} : memref<64x32xf32, #tpu.memory_space<vmem>>, vector<16xf32>,
    tpu.vector_store_idx %arg7[%broadcast_in_dim3A_1197, %get3A_1209], %get3A_1213 {add = true} : memref<4x4096xf32, #tpu.memory_space<vmem>>[vector<16xi32>, vector<16xi32>], vector<16xf32>,
    %broadcast_in_dim3A_1214 = arith.constant 2 : i32
    %broadcast_in_dim3A_1215 = vector.broadcast %broadcast_in_dim3A_1214 : i32 to vector<16xi32>
    %get3A_1216 = arith.constant 34 : i32
    %get3A_1217 = arith.index_cast %get3A_1216 : i32 to index
    %get3A_1218 = arith.constant 0 : index
    %get3A_1219 = tpu.vector_load %arg5[%get3A_1217, %get3A_1218] {strides = array<i32>} : memref<64x32xi32, #tpu.memory_space<vmem>>, vector<16xi32>,
    %get3A_1220 = arith.constant 34 : i32
    %get3A_1221 = arith.index_cast %get3A_1220 : i32 to index
    %get3A_1222 = arith.constant 0 : index
    %get3A_1223 = tpu.vector_load %arg6[%get3A_1221, %get3A_1222] {strides = array<i32>} : memref<64x32xf32, #tpu.memory_space<vmem>>, vector<16xf32>,
    tpu.vector_store_idx %arg7[%broadcast_in_dim3A_1215, %get3A_1219], %get3A_1223 {add = true} : memref<4x4096xf32, #tpu.memory_space<vmem>>[vector<16xi32>, vector<16xi32>], vector<16xf32>,
    %get3A_1224 = arith.constant 34 : i32
    %get3A_1225 = arith.index_cast %get3A_1224 : i32 to index
    %get3A_1226 = arith.constant 16 : index
    %get3A_1227 = tpu.vector_load %arg5[%get3A_1225, %get3A_1226] {strides = array<i32>} : memref<64x32xi32, #tpu.memory_space<vmem>>, vector<16xi32>,
    %get3A_1228 = arith.constant 34 : i32
    %get3A_1229 = arith.index_cast %get3A_1228 : i32 to index
    %get3A_1230 = arith.constant 16 : index
    %get3A_1231 = tpu.vector_load %arg6[%get3A_1229, %get3A_1230] {strides = array<i32>} : memref<64x32xf32, #tpu.memory_space<vmem>>, vector<16xf32>,
    tpu.vector_store_idx %arg7[%broadcast_in_dim3A_1215, %get3A_1227], %get3A_1231 {add = true} : memref<4x4096xf32, #tpu.memory_space<vmem>>[vector<16xi32>, vector<16xi32>], vector<16xf32>,
    %broadcast_in_dim3A_1232 = arith.constant 3 : i32
    %broadcast_in_dim3A_1233 = vector.broadcast %broadcast_in_dim3A_1232 : i32 to vector<16xi32>
    %get3A_1234 = arith.constant 35 : i32
    %get3A_1235 = arith.index_cast %get3A_1234 : i32 to index
    %get3A_1236 = arith.constant 0 : index
    %get3A_1237 = tpu.vector_load %arg5[%get3A_1235, %get3A_1236] {strides = array<i32>} : memref<64x32xi32, #tpu.memory_space<vmem>>, vector<16xi32>,
    %get3A_1238 = arith.constant 35 : i32
    %get3A_1239 = arith.index_cast %get3A_1238 : i32 to index
    %get3A_1240 = arith.constant 0 : index
    %get3A_1241 = tpu.vector_load %arg6[%get3A_1239, %get3A_1240] {strides = array<i32>} : memref<64x32xf32, #tpu.memory_space<vmem>>, vector<16xf32>,
    tpu.vector_store_idx %arg7[%broadcast_in_dim3A_1233, %get3A_1237], %get3A_1241 {add = true} : memref<4x4096xf32, #tpu.memory_space<vmem>>[vector<16xi32>, vector<16xi32>], vector<16xf32>,
    %get3A_1242 = arith.constant 35 : i32
    %get3A_1243 = arith.index_cast %get3A_1242 : i32 to index
    %get3A_1244 = arith.constant 16 : index
    %get3A_1245 = tpu.vector_load %arg5[%get3A_1243, %get3A_1244] {strides = array<i32>} : memref<64x32xi32, #tpu.memory_space<vmem>>, vector<16xi32>,
    %get3A_1246 = arith.constant 35 : i32
    %get3A_1247 = arith.index_cast %get3A_1246 : i32 to index
    %get3A_1248 = arith.constant 16 : index
    %get3A_1249 = tpu.vector_load %arg6[%get3A_1247, %get3A_1248] {strides = array<i32>} : memref<64x32xf32, #tpu.memory_space<vmem>>, vector<16xf32>,
    tpu.vector_store_idx %arg7[%broadcast_in_dim3A_1233, %get3A_1245], %get3A_1249 {add = true} : memref<4x4096xf32, #tpu.memory_space<vmem>>[vector<16xi32>, vector<16xi32>], vector<16xf32>,
    %add3A_1250 = arith.constant 32 : i32
    %add3A_1251 = arith.addi %mul3A_2, %add3A_1250 : i32
    %dma_start3A_1252 = arith.constant 0 : i32
    %dma_start3A_1253 = tpu.memref_slice %arg4[%add3A_1251, %dma_start3A_1252] : memref<2048x4096xf32, #tpu.memory_space<hbm>> -> memref<4x4096xf32, #tpu.memory_space<hbm>>
    %dma_start3A_1254 = arith.constant 0 : i32
    %dma_start3A_1255 = tpu.memref_slice %arg4[%add3A_1251, %dma_start3A_1254] : memref<2048x4096xf32, #tpu.memory_space<hbm>> -> memref<4x4096xf32, #tpu.memory_space<hbm>>
    tpu.enqueue_dma source(%arg7 : memref<4x4096xf32, #tpu.memory_space<vmem>>) target(%dma_start3A_1255 : memref<4x4096xf32, #tpu.memory_space<hbm>>) target_semaphore(%arg9 : memref<!tpu.dma_semaphore, #tpu.memory_space<semaphore_mem>>)
    %dma_wait3A_1256 = arith.constant 0 : i32
    %dma_wait3A_1257 = tpu.memref_slice %arg4[%add3A_1097, %dma_wait3A_1256] : memref<2048x4096xf32, #tpu.memory_space<hbm>> -> memref<4x4096xf32, #tpu.memory_space<hbm>>
    %dma_wait3A_1258 = arith.constant 0 : i32
    %dma_wait3A_1259 = tpu.memref_slice %arg4[%add3A_1097, %dma_wait3A_1258] : memref<2048x4096xf32, #tpu.memory_space<hbm>> -> memref<4x4096xf32, #tpu.memory_space<hbm>>
    tpu.wait_dma2 semaphore(%arg10 : memref<!tpu.dma_semaphore, #tpu.memory_space<semaphore_mem>>) src(%arg8 : memref<4x4096xf32, #tpu.memory_space<vmem>>) dst(%dma_wait3A_1259 : memref<4x4096xf32, #tpu.memory_space<hbm>>)
    %broadcast_in_dim3A_1260 = arith.constant 0 : i32
    %broadcast_in_dim3A_1261 = vector.broadcast %broadcast_in_dim3A_1260 : i32 to vector<16xi32>
    %get3A_1262 = arith.constant 28 : i32
    %get3A_1263 = arith.index_cast %get3A_1262 : i32 to index
    %get3A_1264 = arith.constant 0 : index
    %get3A_1265 = tpu.vector_load %arg5[%get3A_1263, %get3A_1264] {strides = array<i32>} : memref<64x32xi32, #tpu.memory_space<vmem>>, vector<16xi32>,
    %get3A_1266 = arith.constant 28 : i32
    %get3A_1267 = arith.index_cast %get3A_1266 : i32 to index
    %get3A_1268 = arith.constant 0 : index
    %get3A_1269 = tpu.vector_load %arg6[%get3A_1267, %get3A_1268] {strides = array<i32>} : memref<64x32xf32, #tpu.memory_space<vmem>>, vector<16xf32>,
    tpu.vector_store_idx %arg8[%broadcast_in_dim3A_1261, %get3A_1265], %broadcast_in_dim3A_10 : memref<4x4096xf32, #tpu.memory_space<vmem>>[vector<16xi32>, vector<16xi32>], vector<16xf32>,
    %get3A_1270 = arith.constant 28 : i32
    %get3A_1271 = arith.index_cast %get3A_1270 : i32 to index
    %get3A_1272 = arith.constant 16 : index
    %get3A_1273 = tpu.vector_load %arg5[%get3A_1271, %get3A_1272] {strides = array<i32>} : memref<64x32xi32, #tpu.memory_space<vmem>>, vector<16xi32>,
    %get3A_1274 = arith.constant 28 : i32
    %get3A_1275 = arith.index_cast %get3A_1274 : i32 to index
    %get3A_1276 = arith.constant 16 : index
    %get3A_1277 = tpu.vector_load %arg6[%get3A_1275, %get3A_1276] {strides = array<i32>} : memref<64x32xf32, #tpu.memory_space<vmem>>, vector<16xf32>,
    tpu.vector_store_idx %arg8[%broadcast_in_dim3A_1261, %get3A_1273], %broadcast_in_dim3A_10 : memref<4x4096xf32, #tpu.memory_space<vmem>>[vector<16xi32>, vector<16xi32>], vector<16xf32>,
    %broadcast_in_dim3A_1278 = arith.constant 1 : i32
    %broadcast_in_dim3A_1279 = vector.broadcast %broadcast_in_dim3A_1278 : i32 to vector<16xi32>
    %get3A_1280 = arith.constant 29 : i32
    %get3A_1281 = arith.index_cast %get3A_1280 : i32 to index
    %get3A_1282 = arith.constant 0 : index
    %get3A_1283 = tpu.vector_load %arg5[%get3A_1281, %get3A_1282] {strides = array<i32>} : memref<64x32xi32, #tpu.memory_space<vmem>>, vector<16xi32>,
    %get3A_1284 = arith.constant 29 : i32
    %get3A_1285 = arith.index_cast %get3A_1284 : i32 to index
    %get3A_1286 = arith.constant 0 : index
    %get3A_1287 = tpu.vector_load %arg6[%get3A_1285, %get3A_1286] {strides = array<i32>} : memref<64x32xf32, #tpu.memory_space<vmem>>, vector<16xf32>,
    tpu.vector_store_idx %arg8[%broadcast_in_dim3A_1279, %get3A_1283], %broadcast_in_dim3A_10 : memref<4x4096xf32, #tpu.memory_space<vmem>>[vector<16xi32>, vector<16xi32>], vector<16xf32>,
    %get3A_1288 = arith.constant 29 : i32
    %get3A_1289 = arith.index_cast %get3A_1288 : i32 to index
    %get3A_1290 = arith.constant 16 : index
    %get3A_1291 = tpu.vector_load %arg5[%get3A_1289, %get3A_1290] {strides = array<i32>} : memref<64x32xi32, #tpu.memory_space<vmem>>, vector<16xi32>,
    %get3A_1292 = arith.constant 29 : i32
    %get3A_1293 = arith.index_cast %get3A_1292 : i32 to index
    %get3A_1294 = arith.constant 16 : index
    %get3A_1295 = tpu.vector_load %arg6[%get3A_1293, %get3A_1294] {strides = array<i32>} : memref<64x32xf32, #tpu.memory_space<vmem>>, vector<16xf32>,
    tpu.vector_store_idx %arg8[%broadcast_in_dim3A_1279, %get3A_1291], %broadcast_in_dim3A_10 : memref<4x4096xf32, #tpu.memory_space<vmem>>[vector<16xi32>, vector<16xi32>], vector<16xf32>,
    %broadcast_in_dim3A_1296 = arith.constant 2 : i32
    %broadcast_in_dim3A_1297 = vector.broadcast %broadcast_in_dim3A_1296 : i32 to vector<16xi32>
    %get3A_1298 = arith.constant 30 : i32
    %get3A_1299 = arith.index_cast %get3A_1298 : i32 to index
    %get3A_1300 = arith.constant 0 : index
    %get3A_1301 = tpu.vector_load %arg5[%get3A_1299, %get3A_1300] {strides = array<i32>} : memref<64x32xi32, #tpu.memory_space<vmem>>, vector<16xi32>,
    %get3A_1302 = arith.constant 30 : i32
    %get3A_1303 = arith.index_cast %get3A_1302 : i32 to index
    %get3A_1304 = arith.constant 0 : index
    %get3A_1305 = tpu.vector_load %arg6[%get3A_1303, %get3A_1304] {strides = array<i32>} : memref<64x32xf32, #tpu.memory_space<vmem>>, vector<16xf32>,
    tpu.vector_store_idx %arg8[%broadcast_in_dim3A_1297, %get3A_1301], %broadcast_in_dim3A_10 : memref<4x4096xf32, #tpu.memory_space<vmem>>[vector<16xi32>, vector<16xi32>], vector<16xf32>,
    %get3A_1306 = arith.constant 30 : i32
    %get3A_1307 = arith.index_cast %get3A_1306 : i32 to index
    %get3A_1308 = arith.constant 16 : index
    %get3A_1309 = tpu.vector_load %arg5[%get3A_1307, %get3A_1308] {strides = array<i32>} : memref<64x32xi32, #tpu.memory_space<vmem>>, vector<16xi32>,
    %get3A_1310 = arith.constant 30 : i32
    %get3A_1311 = arith.index_cast %get3A_1310 : i32 to index
    %get3A_1312 = arith.constant 16 : index
    %get3A_1313 = tpu.vector_load %arg6[%get3A_1311, %get3A_1312] {strides = array<i32>} : memref<64x32xf32, #tpu.memory_space<vmem>>, vector<16xf32>,
    tpu.vector_store_idx %arg8[%broadcast_in_dim3A_1297, %get3A_1309], %broadcast_in_dim3A_10 : memref<4x4096xf32, #tpu.memory_space<vmem>>[vector<16xi32>, vector<16xi32>], vector<16xf32>,
    %broadcast_in_dim3A_1314 = arith.constant 3 : i32
    %broadcast_in_dim3A_1315 = vector.broadcast %broadcast_in_dim3A_1314 : i32 to vector<16xi32>
    %get3A_1316 = arith.constant 31 : i32
    %get3A_1317 = arith.index_cast %get3A_1316 : i32 to index
    %get3A_1318 = arith.constant 0 : index
    %get3A_1319 = tpu.vector_load %arg5[%get3A_1317, %get3A_1318] {strides = array<i32>} : memref<64x32xi32, #tpu.memory_space<vmem>>, vector<16xi32>,
    %get3A_1320 = arith.constant 31 : i32
    %get3A_1321 = arith.index_cast %get3A_1320 : i32 to index
    %get3A_1322 = arith.constant 0 : index
    %get3A_1323 = tpu.vector_load %arg6[%get3A_1321, %get3A_1322] {strides = array<i32>} : memref<64x32xf32, #tpu.memory_space<vmem>>, vector<16xf32>,
    tpu.vector_store_idx %arg8[%broadcast_in_dim3A_1315, %get3A_1319], %broadcast_in_dim3A_10 : memref<4x4096xf32, #tpu.memory_space<vmem>>[vector<16xi32>, vector<16xi32>], vector<16xf32>,
    %get3A_1324 = arith.constant 31 : i32
    %get3A_1325 = arith.index_cast %get3A_1324 : i32 to index
    %get3A_1326 = arith.constant 16 : index
    %get3A_1327 = tpu.vector_load %arg5[%get3A_1325, %get3A_1326] {strides = array<i32>} : memref<64x32xi32, #tpu.memory_space<vmem>>, vector<16xi32>,
    %get3A_1328 = arith.constant 31 : i32
    %get3A_1329 = arith.index_cast %get3A_1328 : i32 to index
    %get3A_1330 = arith.constant 16 : index
    %get3A_1331 = tpu.vector_load %arg6[%get3A_1329, %get3A_1330] {strides = array<i32>} : memref<64x32xf32, #tpu.memory_space<vmem>>, vector<16xf32>,
    tpu.vector_store_idx %arg8[%broadcast_in_dim3A_1315, %get3A_1327], %broadcast_in_dim3A_10 : memref<4x4096xf32, #tpu.memory_space<vmem>>[vector<16xi32>, vector<16xi32>], vector<16xf32>,
    %broadcast_in_dim3A_1332 = arith.constant 0 : i32
    %broadcast_in_dim3A_1333 = vector.broadcast %broadcast_in_dim3A_1332 : i32 to vector<16xi32>
    %get3A_1334 = arith.constant 36 : i32
    %get3A_1335 = arith.index_cast %get3A_1334 : i32 to index
    %get3A_1336 = arith.constant 0 : index
    %get3A_1337 = tpu.vector_load %arg5[%get3A_1335, %get3A_1336] {strides = array<i32>} : memref<64x32xi32, #tpu.memory_space<vmem>>, vector<16xi32>,
    %get3A_1338 = arith.constant 36 : i32
    %get3A_1339 = arith.index_cast %get3A_1338 : i32 to index
    %get3A_1340 = arith.constant 0 : index
    %get3A_1341 = tpu.vector_load %arg6[%get3A_1339, %get3A_1340] {strides = array<i32>} : memref<64x32xf32, #tpu.memory_space<vmem>>, vector<16xf32>,
    tpu.vector_store_idx %arg8[%broadcast_in_dim3A_1333, %get3A_1337], %get3A_1341 {add = true} : memref<4x4096xf32, #tpu.memory_space<vmem>>[vector<16xi32>, vector<16xi32>], vector<16xf32>,
    %get3A_1342 = arith.constant 36 : i32
    %get3A_1343 = arith.index_cast %get3A_1342 : i32 to index
    %get3A_1344 = arith.constant 16 : index
    %get3A_1345 = tpu.vector_load %arg5[%get3A_1343, %get3A_1344] {strides = array<i32>} : memref<64x32xi32, #tpu.memory_space<vmem>>, vector<16xi32>,
    %get3A_1346 = arith.constant 36 : i32
    %get3A_1347 = arith.index_cast %get3A_1346 : i32 to index
    %get3A_1348 = arith.constant 16 : index
    %get3A_1349 = tpu.vector_load %arg6[%get3A_1347, %get3A_1348] {strides = array<i32>} : memref<64x32xf32, #tpu.memory_space<vmem>>, vector<16xf32>,
    tpu.vector_store_idx %arg8[%broadcast_in_dim3A_1333, %get3A_1345], %get3A_1349 {add = true} : memref<4x4096xf32, #tpu.memory_space<vmem>>[vector<16xi32>, vector<16xi32>], vector<16xf32>,
    %broadcast_in_dim3A_1350 = arith.constant 1 : i32
    %broadcast_in_dim3A_1351 = vector.broadcast %broadcast_in_dim3A_1350 : i32 to vector<16xi32>
    %get3A_1352 = arith.constant 37 : i32
    %get3A_1353 = arith.index_cast %get3A_1352 : i32 to index
    %get3A_1354 = arith.constant 0 : index
    %get3A_1355 = tpu.vector_load %arg5[%get3A_1353, %get3A_1354] {strides = array<i32>} : memref<64x32xi32, #tpu.memory_space<vmem>>, vector<16xi32>,
    %get3A_1356 = arith.constant 37 : i32
    %get3A_1357 = arith.index_cast %get3A_1356 : i32 to index
    %get3A_1358 = arith.constant 0 : index
    %get3A_1359 = tpu.vector_load %arg6[%get3A_1357, %get3A_1358] {strides = array<i32>} : memref<64x32xf32, #tpu.memory_space<vmem>>, vector<16xf32>,
    tpu.vector_store_idx %arg8[%broadcast_in_dim3A_1351, %get3A_1355], %get3A_1359 {add = true} : memref<4x4096xf32, #tpu.memory_space<vmem>>[vector<16xi32>, vector<16xi32>], vector<16xf32>,
    %get3A_1360 = arith.constant 37 : i32
    %get3A_1361 = arith.index_cast %get3A_1360 : i32 to index
    %get3A_1362 = arith.constant 16 : index
    %get3A_1363 = tpu.vector_load %arg5[%get3A_1361, %get3A_1362] {strides = array<i32>} : memref<64x32xi32, #tpu.memory_space<vmem>>, vector<16xi32>,
    %get3A_1364 = arith.constant 37 : i32
    %get3A_1365 = arith.index_cast %get3A_1364 : i32 to index
    %get3A_1366 = arith.constant 16 : index
    %get3A_1367 = tpu.vector_load %arg6[%get3A_1365, %get3A_1366] {strides = array<i32>} : memref<64x32xf32, #tpu.memory_space<vmem>>, vector<16xf32>,
    tpu.vector_store_idx %arg8[%broadcast_in_dim3A_1351, %get3A_1363], %get3A_1367 {add = true} : memref<4x4096xf32, #tpu.memory_space<vmem>>[vector<16xi32>, vector<16xi32>], vector<16xf32>,
    %broadcast_in_dim3A_1368 = arith.constant 2 : i32
    %broadcast_in_dim3A_1369 = vector.broadcast %broadcast_in_dim3A_1368 : i32 to vector<16xi32>
    %get3A_1370 = arith.constant 38 : i32
    %get3A_1371 = arith.index_cast %get3A_1370 : i32 to index
    %get3A_1372 = arith.constant 0 : index
    %get3A_1373 = tpu.vector_load %arg5[%get3A_1371, %get3A_1372] {strides = array<i32>} : memref<64x32xi32, #tpu.memory_space<vmem>>, vector<16xi32>,
    %get3A_1374 = arith.constant 38 : i32
    %get3A_1375 = arith.index_cast %get3A_1374 : i32 to index
    %get3A_1376 = arith.constant 0 : index
    %get3A_1377 = tpu.vector_load %arg6[%get3A_1375, %get3A_1376] {strides = array<i32>} : memref<64x32xf32, #tpu.memory_space<vmem>>, vector<16xf32>,
    tpu.vector_store_idx %arg8[%broadcast_in_dim3A_1369, %get3A_1373], %get3A_1377 {add = true} : memref<4x4096xf32, #tpu.memory_space<vmem>>[vector<16xi32>, vector<16xi32>], vector<16xf32>,
    %get3A_1378 = arith.constant 38 : i32
    %get3A_1379 = arith.index_cast %get3A_1378 : i32 to index
    %get3A_1380 = arith.constant 16 : index
    %get3A_1381 = tpu.vector_load %arg5[%get3A_1379, %get3A_1380] {strides = array<i32>} : memref<64x32xi32, #tpu.memory_space<vmem>>, vector<16xi32>,
    %get3A_1382 = arith.constant 38 : i32
    %get3A_1383 = arith.index_cast %get3A_1382 : i32 to index
    %get3A_1384 = arith.constant 16 : index
    %get3A_1385 = tpu.vector_load %arg6[%get3A_1383, %get3A_1384] {strides = array<i32>} : memref<64x32xf32, #tpu.memory_space<vmem>>, vector<16xf32>,
    tpu.vector_store_idx %arg8[%broadcast_in_dim3A_1369, %get3A_1381], %get3A_1385 {add = true} : memref<4x4096xf32, #tpu.memory_space<vmem>>[vector<16xi32>, vector<16xi32>], vector<16xf32>,
    %broadcast_in_dim3A_1386 = arith.constant 3 : i32
    %broadcast_in_dim3A_1387 = vector.broadcast %broadcast_in_dim3A_1386 : i32 to vector<16xi32>
    %get3A_1388 = arith.constant 39 : i32
    %get3A_1389 = arith.index_cast %get3A_1388 : i32 to index
    %get3A_1390 = arith.constant 0 : index
    %get3A_1391 = tpu.vector_load %arg5[%get3A_1389, %get3A_1390] {strides = array<i32>} : memref<64x32xi32, #tpu.memory_space<vmem>>, vector<16xi32>,
    %get3A_1392 = arith.constant 39 : i32
    %get3A_1393 = arith.index_cast %get3A_1392 : i32 to index
    %get3A_1394 = arith.constant 0 : index
    %get3A_1395 = tpu.vector_load %arg6[%get3A_1393, %get3A_1394] {strides = array<i32>} : memref<64x32xf32, #tpu.memory_space<vmem>>, vector<16xf32>,
    tpu.vector_store_idx %arg8[%broadcast_in_dim3A_1387, %get3A_1391], %get3A_1395 {add = true} : memref<4x4096xf32, #tpu.memory_space<vmem>>[vector<16xi32>, vector<16xi32>], vector<16xf32>,
    %get3A_1396 = arith.constant 39 : i32
    %get3A_1397 = arith.index_cast %get3A_1396 : i32 to index
    %get3A_1398 = arith.constant 16 : index
    %get3A_1399 = tpu.vector_load %arg5[%get3A_1397, %get3A_1398] {strides = array<i32>} : memref<64x32xi32, #tpu.memory_space<vmem>>, vector<16xi32>,
    %get3A_1400 = arith.constant 39 : i32
    %get3A_1401 = arith.index_cast %get3A_1400 : i32 to index
    %get3A_1402 = arith.constant 16 : index
    %get3A_1403 = tpu.vector_load %arg6[%get3A_1401, %get3A_1402] {strides = array<i32>} : memref<64x32xf32, #tpu.memory_space<vmem>>, vector<16xf32>,
    tpu.vector_store_idx %arg8[%broadcast_in_dim3A_1387, %get3A_1399], %get3A_1403 {add = true} : memref<4x4096xf32, #tpu.memory_space<vmem>>[vector<16xi32>, vector<16xi32>], vector<16xf32>,
    %add3A_1404 = arith.constant 36 : i32
    %add3A_1405 = arith.addi %mul3A_2, %add3A_1404 : i32
    %dma_start3A_1406 = arith.constant 0 : i32
    %dma_start3A_1407 = tpu.memref_slice %arg4[%add3A_1405, %dma_start3A_1406] : memref<2048x4096xf32, #tpu.memory_space<hbm>> -> memref<4x4096xf32, #tpu.memory_space<hbm>>
    %dma_start3A_1408 = arith.constant 0 : i32
    %dma_start3A_1409 = tpu.memref_slice %arg4[%add3A_1405, %dma_start3A_1408] : memref<2048x4096xf32, #tpu.memory_space<hbm>> -> memref<4x4096xf32, #tpu.memory_space<hbm>>
    tpu.enqueue_dma source(%arg8 : memref<4x4096xf32, #tpu.memory_space<vmem>>) target(%dma_start3A_1409 : memref<4x4096xf32, #tpu.memory_space<hbm>>) target_semaphore(%arg10 : memref<!tpu.dma_semaphore, #tpu.memory_space<semaphore_mem>>)
    %dma_wait3A_1410 = arith.constant 0 : i32
    %dma_wait3A_1411 = tpu.memref_slice %arg4[%add3A_1251, %dma_wait3A_1410] : memref<2048x4096xf32, #tpu.memory_space<hbm>> -> memref<4x4096xf32, #tpu.memory_space<hbm>>
    %dma_wait3A_1412 = arith.constant 0 : i32
    %dma_wait3A_1413 = tpu.memref_slice %arg4[%add3A_1251, %dma_wait3A_1412] : memref<2048x4096xf32, #tpu.memory_space<hbm>> -> memref<4x4096xf32, #tpu.memory_space<hbm>>
    tpu.wait_dma2 semaphore(%arg9 : memref<!tpu.dma_semaphore, #tpu.memory_space<semaphore_mem>>) src(%arg7 : memref<4x4096xf32, #tpu.memory_space<vmem>>) dst(%dma_wait3A_1413 : memref<4x4096xf32, #tpu.memory_space<hbm>>)
    %broadcast_in_dim3A_1414 = arith.constant 0 : i32
    %broadcast_in_dim3A_1415 = vector.broadcast %broadcast_in_dim3A_1414 : i32 to vector<16xi32>
    %get3A_1416 = arith.constant 32 : i32
    %get3A_1417 = arith.index_cast %get3A_1416 : i32 to index
    %get3A_1418 = arith.constant 0 : index
    %get3A_1419 = tpu.vector_load %arg5[%get3A_1417, %get3A_1418] {strides = array<i32>} : memref<64x32xi32, #tpu.memory_space<vmem>>, vector<16xi32>,
    %get3A_1420 = arith.constant 32 : i32
    %get3A_1421 = arith.index_cast %get3A_1420 : i32 to index
    %get3A_1422 = arith.constant 0 : index
    %get3A_1423 = tpu.vector_load %arg6[%get3A_1421, %get3A_1422] {strides = array<i32>} : memref<64x32xf32, #tpu.memory_space<vmem>>, vector<16xf32>,
    tpu.vector_store_idx %arg7[%broadcast_in_dim3A_1415, %get3A_1419], %broadcast_in_dim3A_10 : memref<4x4096xf32, #tpu.memory_space<vmem>>[vector<16xi32>, vector<16xi32>], vector<16xf32>,
    %get3A_1424 = arith.constant 32 : i32
    %get3A_1425 = arith.index_cast %get3A_1424 : i32 to index
    %get3A_1426 = arith.constant 16 : index
    %get3A_1427 = tpu.vector_load %arg5[%get3A_1425, %get3A_1426] {strides = array<i32>} : memref<64x32xi32, #tpu.memory_space<vmem>>, vector<16xi32>,
    %get3A_1428 = arith.constant 32 : i32
    %get3A_1429 = arith.index_cast %get3A_1428 : i32 to index
    %get3A_1430 = arith.constant 16 : index
    %get3A_1431 = tpu.vector_load %arg6[%get3A_1429, %get3A_1430] {strides = array<i32>} : memref<64x32xf32, #tpu.memory_space<vmem>>, vector<16xf32>,
    tpu.vector_store_idx %arg7[%broadcast_in_dim3A_1415, %get3A_1427], %broadcast_in_dim3A_10 : memref<4x4096xf32, #tpu.memory_space<vmem>>[vector<16xi32>, vector<16xi32>], vector<16xf32>,
    %broadcast_in_dim3A_1432 = arith.constant 1 : i32
    %broadcast_in_dim3A_1433 = vector.broadcast %broadcast_in_dim3A_1432 : i32 to vector<16xi32>
    %get3A_1434 = arith.constant 33 : i32
    %get3A_1435 = arith.index_cast %get3A_1434 : i32 to index
    %get3A_1436 = arith.constant 0 : index
    %get3A_1437 = tpu.vector_load %arg5[%get3A_1435, %get3A_1436] {strides = array<i32>} : memref<64x32xi32, #tpu.memory_space<vmem>>, vector<16xi32>,
    %get3A_1438 = arith.constant 33 : i32
    %get3A_1439 = arith.index_cast %get3A_1438 : i32 to index
    %get3A_1440 = arith.constant 0 : index
    %get3A_1441 = tpu.vector_load %arg6[%get3A_1439, %get3A_1440] {strides = array<i32>} : memref<64x32xf32, #tpu.memory_space<vmem>>, vector<16xf32>,
    tpu.vector_store_idx %arg7[%broadcast_in_dim3A_1433, %get3A_1437], %broadcast_in_dim3A_10 : memref<4x4096xf32, #tpu.memory_space<vmem>>[vector<16xi32>, vector<16xi32>], vector<16xf32>,
    %get3A_1442 = arith.constant 33 : i32
    %get3A_1443 = arith.index_cast %get3A_1442 : i32 to index
    %get3A_1444 = arith.constant 16 : index
    %get3A_1445 = tpu.vector_load %arg5[%get3A_1443, %get3A_1444] {strides = array<i32>} : memref<64x32xi32, #tpu.memory_space<vmem>>, vector<16xi32>,
    %get3A_1446 = arith.constant 33 : i32
    %get3A_1447 = arith.index_cast %get3A_1446 : i32 to index
    %get3A_1448 = arith.constant 16 : index
    %get3A_1449 = tpu.vector_load %arg6[%get3A_1447, %get3A_1448] {strides = array<i32>} : memref<64x32xf32, #tpu.memory_space<vmem>>, vector<16xf32>,
    tpu.vector_store_idx %arg7[%broadcast_in_dim3A_1433, %get3A_1445], %broadcast_in_dim3A_10 : memref<4x4096xf32, #tpu.memory_space<vmem>>[vector<16xi32>, vector<16xi32>], vector<16xf32>,
    %broadcast_in_dim3A_1450 = arith.constant 2 : i32
    %broadcast_in_dim3A_1451 = vector.broadcast %broadcast_in_dim3A_1450 : i32 to vector<16xi32>
    %get3A_1452 = arith.constant 34 : i32
    %get3A_1453 = arith.index_cast %get3A_1452 : i32 to index
    %get3A_1454 = arith.constant 0 : index
    %get3A_1455 = tpu.vector_load %arg5[%get3A_1453, %get3A_1454] {strides = array<i32>} : memref<64x32xi32, #tpu.memory_space<vmem>>, vector<16xi32>,
    %get3A_1456 = arith.constant 34 : i32
    %get3A_1457 = arith.index_cast %get3A_1456 : i32 to index
    %get3A_1458 = arith.constant 0 : index
    %get3A_1459 = tpu.vector_load %arg6[%get3A_1457, %get3A_1458] {strides = array<i32>} : memref<64x32xf32, #tpu.memory_space<vmem>>, vector<16xf32>,
    tpu.vector_store_idx %arg7[%broadcast_in_dim3A_1451, %get3A_1455], %broadcast_in_dim3A_10 : memref<4x4096xf32, #tpu.memory_space<vmem>>[vector<16xi32>, vector<16xi32>], vector<16xf32>,
    %get3A_1460 = arith.constant 34 : i32
    %get3A_1461 = arith.index_cast %get3A_1460 : i32 to index
    %get3A_1462 = arith.constant 16 : index
    %get3A_1463 = tpu.vector_load %arg5[%get3A_1461, %get3A_1462] {strides = array<i32>} : memref<64x32xi32, #tpu.memory_space<vmem>>, vector<16xi32>,
    %get3A_1464 = arith.constant 34 : i32
    %get3A_1465 = arith.index_cast %get3A_1464 : i32 to index
    %get3A_1466 = arith.constant 16 : index
    %get3A_1467 = tpu.vector_load %arg6[%get3A_1465, %get3A_1466] {strides = array<i32>} : memref<64x32xf32, #tpu.memory_space<vmem>>, vector<16xf32>,
    tpu.vector_store_idx %arg7[%broadcast_in_dim3A_1451, %get3A_1463], %broadcast_in_dim3A_10 : memref<4x4096xf32, #tpu.memory_space<vmem>>[vector<16xi32>, vector<16xi32>], vector<16xf32>,
    %broadcast_in_dim3A_1468 = arith.constant 3 : i32
    %broadcast_in_dim3A_1469 = vector.broadcast %broadcast_in_dim3A_1468 : i32 to vector<16xi32>
    %get3A_1470 = arith.constant 35 : i32
    %get3A_1471 = arith.index_cast %get3A_1470 : i32 to index
    %get3A_1472 = arith.constant 0 : index
    %get3A_1473 = tpu.vector_load %arg5[%get3A_1471, %get3A_1472] {strides = array<i32>} : memref<64x32xi32, #tpu.memory_space<vmem>>, vector<16xi32>,
    %get3A_1474 = arith.constant 35 : i32
    %get3A_1475 = arith.index_cast %get3A_1474 : i32 to index
    %get3A_1476 = arith.constant 0 : index
    %get3A_1477 = tpu.vector_load %arg6[%get3A_1475, %get3A_1476] {strides = array<i32>} : memref<64x32xf32, #tpu.memory_space<vmem>>, vector<16xf32>,
    tpu.vector_store_idx %arg7[%broadcast_in_dim3A_1469, %get3A_1473], %broadcast_in_dim3A_10 : memref<4x4096xf32, #tpu.memory_space<vmem>>[vector<16xi32>, vector<16xi32>], vector<16xf32>,
    %get3A_1478 = arith.constant 35 : i32
    %get3A_1479 = arith.index_cast %get3A_1478 : i32 to index
    %get3A_1480 = arith.constant 16 : index
    %get3A_1481 = tpu.vector_load %arg5[%get3A_1479, %get3A_1480] {strides = array<i32>} : memref<64x32xi32, #tpu.memory_space<vmem>>, vector<16xi32>,
    %get3A_1482 = arith.constant 35 : i32
    %get3A_1483 = arith.index_cast %get3A_1482 : i32 to index
    %get3A_1484 = arith.constant 16 : index
    %get3A_1485 = tpu.vector_load %arg6[%get3A_1483, %get3A_1484] {strides = array<i32>} : memref<64x32xf32, #tpu.memory_space<vmem>>, vector<16xf32>,
    tpu.vector_store_idx %arg7[%broadcast_in_dim3A_1469, %get3A_1481], %broadcast_in_dim3A_10 : memref<4x4096xf32, #tpu.memory_space<vmem>>[vector<16xi32>, vector<16xi32>], vector<16xf32>,
    %broadcast_in_dim3A_1486 = arith.constant 0 : i32
    %broadcast_in_dim3A_1487 = vector.broadcast %broadcast_in_dim3A_1486 : i32 to vector<16xi32>
    %get3A_1488 = arith.constant 40 : i32
    %get3A_1489 = arith.index_cast %get3A_1488 : i32 to index
    %get3A_1490 = arith.constant 0 : index
    %get3A_1491 = tpu.vector_load %arg5[%get3A_1489, %get3A_1490] {strides = array<i32>} : memref<64x32xi32, #tpu.memory_space<vmem>>, vector<16xi32>,
    %get3A_1492 = arith.constant 40 : i32
    %get3A_1493 = arith.index_cast %get3A_1492 : i32 to index
    %get3A_1494 = arith.constant 0 : index
    %get3A_1495 = tpu.vector_load %arg6[%get3A_1493, %get3A_1494] {strides = array<i32>} : memref<64x32xf32, #tpu.memory_space<vmem>>, vector<16xf32>,
    tpu.vector_store_idx %arg7[%broadcast_in_dim3A_1487, %get3A_1491], %get3A_1495 {add = true} : memref<4x4096xf32, #tpu.memory_space<vmem>>[vector<16xi32>, vector<16xi32>], vector<16xf32>,
    %get3A_1496 = arith.constant 40 : i32
    %get3A_1497 = arith.index_cast %get3A_1496 : i32 to index
    %get3A_1498 = arith.constant 16 : index
    %get3A_1499 = tpu.vector_load %arg5[%get3A_1497, %get3A_1498] {strides = array<i32>} : memref<64x32xi32, #tpu.memory_space<vmem>>, vector<16xi32>,
    %get3A_1500 = arith.constant 40 : i32
    %get3A_1501 = arith.index_cast %get3A_1500 : i32 to index
    %get3A_1502 = arith.constant 16 : index
    %get3A_1503 = tpu.vector_load %arg6[%get3A_1501, %get3A_1502] {strides = array<i32>} : memref<64x32xf32, #tpu.memory_space<vmem>>, vector<16xf32>,
    tpu.vector_store_idx %arg7[%broadcast_in_dim3A_1487, %get3A_1499], %get3A_1503 {add = true} : memref<4x4096xf32, #tpu.memory_space<vmem>>[vector<16xi32>, vector<16xi32>], vector<16xf32>,
    %broadcast_in_dim3A_1504 = arith.constant 1 : i32
    %broadcast_in_dim3A_1505 = vector.broadcast %broadcast_in_dim3A_1504 : i32 to vector<16xi32>
    %get3A_1506 = arith.constant 41 : i32
    %get3A_1507 = arith.index_cast %get3A_1506 : i32 to index
    %get3A_1508 = arith.constant 0 : index
    %get3A_1509 = tpu.vector_load %arg5[%get3A_1507, %get3A_1508] {strides = array<i32>} : memref<64x32xi32, #tpu.memory_space<vmem>>, vector<16xi32>,
    %get3A_1510 = arith.constant 41 : i32
    %get3A_1511 = arith.index_cast %get3A_1510 : i32 to index
    %get3A_1512 = arith.constant 0 : index
    %get3A_1513 = tpu.vector_load %arg6[%get3A_1511, %get3A_1512] {strides = array<i32>} : memref<64x32xf32, #tpu.memory_space<vmem>>, vector<16xf32>,
    tpu.vector_store_idx %arg7[%broadcast_in_dim3A_1505, %get3A_1509], %get3A_1513 {add = true} : memref<4x4096xf32, #tpu.memory_space<vmem>>[vector<16xi32>, vector<16xi32>], vector<16xf32>,
    %get3A_1514 = arith.constant 41 : i32
    %get3A_1515 = arith.index_cast %get3A_1514 : i32 to index
    %get3A_1516 = arith.constant 16 : index
    %get3A_1517 = tpu.vector_load %arg5[%get3A_1515, %get3A_1516] {strides = array<i32>} : memref<64x32xi32, #tpu.memory_space<vmem>>, vector<16xi32>,
    %get3A_1518 = arith.constant 41 : i32
    %get3A_1519 = arith.index_cast %get3A_1518 : i32 to index
    %get3A_1520 = arith.constant 16 : index
    %get3A_1521 = tpu.vector_load %arg6[%get3A_1519, %get3A_1520] {strides = array<i32>} : memref<64x32xf32, #tpu.memory_space<vmem>>, vector<16xf32>,
    tpu.vector_store_idx %arg7[%broadcast_in_dim3A_1505, %get3A_1517], %get3A_1521 {add = true} : memref<4x4096xf32, #tpu.memory_space<vmem>>[vector<16xi32>, vector<16xi32>], vector<16xf32>,
    %broadcast_in_dim3A_1522 = arith.constant 2 : i32
    %broadcast_in_dim3A_1523 = vector.broadcast %broadcast_in_dim3A_1522 : i32 to vector<16xi32>
    %get3A_1524 = arith.constant 42 : i32
    %get3A_1525 = arith.index_cast %get3A_1524 : i32 to index
    %get3A_1526 = arith.constant 0 : index
    %get3A_1527 = tpu.vector_load %arg5[%get3A_1525, %get3A_1526] {strides = array<i32>} : memref<64x32xi32, #tpu.memory_space<vmem>>, vector<16xi32>,
    %get3A_1528 = arith.constant 42 : i32
    %get3A_1529 = arith.index_cast %get3A_1528 : i32 to index
    %get3A_1530 = arith.constant 0 : index
    %get3A_1531 = tpu.vector_load %arg6[%get3A_1529, %get3A_1530] {strides = array<i32>} : memref<64x32xf32, #tpu.memory_space<vmem>>, vector<16xf32>,
    tpu.vector_store_idx %arg7[%broadcast_in_dim3A_1523, %get3A_1527], %get3A_1531 {add = true} : memref<4x4096xf32, #tpu.memory_space<vmem>>[vector<16xi32>, vector<16xi32>], vector<16xf32>,
    %get3A_1532 = arith.constant 42 : i32
    %get3A_1533 = arith.index_cast %get3A_1532 : i32 to index
    %get3A_1534 = arith.constant 16 : index
    %get3A_1535 = tpu.vector_load %arg5[%get3A_1533, %get3A_1534] {strides = array<i32>} : memref<64x32xi32, #tpu.memory_space<vmem>>, vector<16xi32>,
    %get3A_1536 = arith.constant 42 : i32
    %get3A_1537 = arith.index_cast %get3A_1536 : i32 to index
    %get3A_1538 = arith.constant 16 : index
    %get3A_1539 = tpu.vector_load %arg6[%get3A_1537, %get3A_1538] {strides = array<i32>} : memref<64x32xf32, #tpu.memory_space<vmem>>, vector<16xf32>,
    tpu.vector_store_idx %arg7[%broadcast_in_dim3A_1523, %get3A_1535], %get3A_1539 {add = true} : memref<4x4096xf32, #tpu.memory_space<vmem>>[vector<16xi32>, vector<16xi32>], vector<16xf32>,
    %broadcast_in_dim3A_1540 = arith.constant 3 : i32
    %broadcast_in_dim3A_1541 = vector.broadcast %broadcast_in_dim3A_1540 : i32 to vector<16xi32>
    %get3A_1542 = arith.constant 43 : i32
    %get3A_1543 = arith.index_cast %get3A_1542 : i32 to index
    %get3A_1544 = arith.constant 0 : index
    %get3A_1545 = tpu.vector_load %arg5[%get3A_1543, %get3A_1544] {strides = array<i32>} : memref<64x32xi32, #tpu.memory_space<vmem>>, vector<16xi32>,
    %get3A_1546 = arith.constant 43 : i32
    %get3A_1547 = arith.index_cast %get3A_1546 : i32 to index
    %get3A_1548 = arith.constant 0 : index
    %get3A_1549 = tpu.vector_load %arg6[%get3A_1547, %get3A_1548] {strides = array<i32>} : memref<64x32xf32, #tpu.memory_space<vmem>>, vector<16xf32>,
    tpu.vector_store_idx %arg7[%broadcast_in_dim3A_1541, %get3A_1545], %get3A_1549 {add = true} : memref<4x4096xf32, #tpu.memory_space<vmem>>[vector<16xi32>, vector<16xi32>], vector<16xf32>,
    %get3A_1550 = arith.constant 43 : i32
    %get3A_1551 = arith.index_cast %get3A_1550 : i32 to index
    %get3A_1552 = arith.constant 16 : index
    %get3A_1553 = tpu.vector_load %arg5[%get3A_1551, %get3A_1552] {strides = array<i32>} : memref<64x32xi32, #tpu.memory_space<vmem>>, vector<16xi32>,
    %get3A_1554 = arith.constant 43 : i32
    %get3A_1555 = arith.index_cast %get3A_1554 : i32 to index
    %get3A_1556 = arith.constant 16 : index
    %get3A_1557 = tpu.vector_load %arg6[%get3A_1555, %get3A_1556] {strides = array<i32>} : memref<64x32xf32, #tpu.memory_space<vmem>>, vector<16xf32>,
    tpu.vector_store_idx %arg7[%broadcast_in_dim3A_1541, %get3A_1553], %get3A_1557 {add = true} : memref<4x4096xf32, #tpu.memory_space<vmem>>[vector<16xi32>, vector<16xi32>], vector<16xf32>,
    %add3A_1558 = arith.constant 40 : i32
    %add3A_1559 = arith.addi %mul3A_2, %add3A_1558 : i32
    %dma_start3A_1560 = arith.constant 0 : i32
    %dma_start3A_1561 = tpu.memref_slice %arg4[%add3A_1559, %dma_start3A_1560] : memref<2048x4096xf32, #tpu.memory_space<hbm>> -> memref<4x4096xf32, #tpu.memory_space<hbm>>
    %dma_start3A_1562 = arith.constant 0 : i32
    %dma_start3A_1563 = tpu.memref_slice %arg4[%add3A_1559, %dma_start3A_1562] : memref<2048x4096xf32, #tpu.memory_space<hbm>> -> memref<4x4096xf32, #tpu.memory_space<hbm>>
    tpu.enqueue_dma source(%arg7 : memref<4x4096xf32, #tpu.memory_space<vmem>>) target(%dma_start3A_1563 : memref<4x4096xf32, #tpu.memory_space<hbm>>) target_semaphore(%arg9 : memref<!tpu.dma_semaphore, #tpu.memory_space<semaphore_mem>>)
    %dma_wait3A_1564 = arith.constant 0 : i32
    %dma_wait3A_1565 = tpu.memref_slice %arg4[%add3A_1405, %dma_wait3A_1564] : memref<2048x4096xf32, #tpu.memory_space<hbm>> -> memref<4x4096xf32, #tpu.memory_space<hbm>>
    %dma_wait3A_1566 = arith.constant 0 : i32
    %dma_wait3A_1567 = tpu.memref_slice %arg4[%add3A_1405, %dma_wait3A_1566] : memref<2048x4096xf32, #tpu.memory_space<hbm>> -> memref<4x4096xf32, #tpu.memory_space<hbm>>
    tpu.wait_dma2 semaphore(%arg10 : memref<!tpu.dma_semaphore, #tpu.memory_space<semaphore_mem>>) src(%arg8 : memref<4x4096xf32, #tpu.memory_space<vmem>>) dst(%dma_wait3A_1567 : memref<4x4096xf32, #tpu.memory_space<hbm>>)
    %broadcast_in_dim3A_1568 = arith.constant 0 : i32
    %broadcast_in_dim3A_1569 = vector.broadcast %broadcast_in_dim3A_1568 : i32 to vector<16xi32>
    %get3A_1570 = arith.constant 36 : i32
    %get3A_1571 = arith.index_cast %get3A_1570 : i32 to index
    %get3A_1572 = arith.constant 0 : index
    %get3A_1573 = tpu.vector_load %arg5[%get3A_1571, %get3A_1572] {strides = array<i32>} : memref<64x32xi32, #tpu.memory_space<vmem>>, vector<16xi32>,
    %get3A_1574 = arith.constant 36 : i32
    %get3A_1575 = arith.index_cast %get3A_1574 : i32 to index
    %get3A_1576 = arith.constant 0 : index
    %get3A_1577 = tpu.vector_load %arg6[%get3A_1575, %get3A_1576] {strides = array<i32>} : memref<64x32xf32, #tpu.memory_space<vmem>>, vector<16xf32>,
    tpu.vector_store_idx %arg8[%broadcast_in_dim3A_1569, %get3A_1573], %broadcast_in_dim3A_10 : memref<4x4096xf32, #tpu.memory_space<vmem>>[vector<16xi32>, vector<16xi32>], vector<16xf32>,
    %get3A_1578 = arith.constant 36 : i32
    %get3A_1579 = arith.index_cast %get3A_1578 : i32 to index
    %get3A_1580 = arith.constant 16 : index
    %get3A_1581 = tpu.vector_load %arg5[%get3A_1579, %get3A_1580] {strides = array<i32>} : memref<64x32xi32, #tpu.memory_space<vmem>>, vector<16xi32>,
    %get3A_1582 = arith.constant 36 : i32
    %get3A_1583 = arith.index_cast %get3A_1582 : i32 to index
    %get3A_1584 = arith.constant 16 : index
    %get3A_1585 = tpu.vector_load %arg6[%get3A_1583, %get3A_1584] {strides = array<i32>} : memref<64x32xf32, #tpu.memory_space<vmem>>, vector<16xf32>,
    tpu.vector_store_idx %arg8[%broadcast_in_dim3A_1569, %get3A_1581], %broadcast_in_dim3A_10 : memref<4x4096xf32, #tpu.memory_space<vmem>>[vector<16xi32>, vector<16xi32>], vector<16xf32>,
    %broadcast_in_dim3A_1586 = arith.constant 1 : i32
    %broadcast_in_dim3A_1587 = vector.broadcast %broadcast_in_dim3A_1586 : i32 to vector<16xi32>
    %get3A_1588 = arith.constant 37 : i32
    %get3A_1589 = arith.index_cast %get3A_1588 : i32 to index
    %get3A_1590 = arith.constant 0 : index
    %get3A_1591 = tpu.vector_load %arg5[%get3A_1589, %get3A_1590] {strides = array<i32>} : memref<64x32xi32, #tpu.memory_space<vmem>>, vector<16xi32>,
    %get3A_1592 = arith.constant 37 : i32
    %get3A_1593 = arith.index_cast %get3A_1592 : i32 to index
    %get3A_1594 = arith.constant 0 : index
    %get3A_1595 = tpu.vector_load %arg6[%get3A_1593, %get3A_1594] {strides = array<i32>} : memref<64x32xf32, #tpu.memory_space<vmem>>, vector<16xf32>,
    tpu.vector_store_idx %arg8[%broadcast_in_dim3A_1587, %get3A_1591], %broadcast_in_dim3A_10 : memref<4x4096xf32, #tpu.memory_space<vmem>>[vector<16xi32>, vector<16xi32>], vector<16xf32>,
    %get3A_1596 = arith.constant 37 : i32
    %get3A_1597 = arith.index_cast %get3A_1596 : i32 to index
    %get3A_1598 = arith.constant 16 : index
    %get3A_1599 = tpu.vector_load %arg5[%get3A_1597, %get3A_1598] {strides = array<i32>} : memref<64x32xi32, #tpu.memory_space<vmem>>, vector<16xi32>,
    %get3A_1600 = arith.constant 37 : i32
    %get3A_1601 = arith.index_cast %get3A_1600 : i32 to index
    %get3A_1602 = arith.constant 16 : index
    %get3A_1603 = tpu.vector_load %arg6[%get3A_1601, %get3A_1602] {strides = array<i32>} : memref<64x32xf32, #tpu.memory_space<vmem>>, vector<16xf32>,
    tpu.vector_store_idx %arg8[%broadcast_in_dim3A_1587, %get3A_1599], %broadcast_in_dim3A_10 : memref<4x4096xf32, #tpu.memory_space<vmem>>[vector<16xi32>, vector<16xi32>], vector<16xf32>,
    %broadcast_in_dim3A_1604 = arith.constant 2 : i32
    %broadcast_in_dim3A_1605 = vector.broadcast %broadcast_in_dim3A_1604 : i32 to vector<16xi32>
    %get3A_1606 = arith.constant 38 : i32
    %get3A_1607 = arith.index_cast %get3A_1606 : i32 to index
    %get3A_1608 = arith.constant 0 : index
    %get3A_1609 = tpu.vector_load %arg5[%get3A_1607, %get3A_1608] {strides = array<i32>} : memref<64x32xi32, #tpu.memory_space<vmem>>, vector<16xi32>,
    %get3A_1610 = arith.constant 38 : i32
    %get3A_1611 = arith.index_cast %get3A_1610 : i32 to index
    %get3A_1612 = arith.constant 0 : index
    %get3A_1613 = tpu.vector_load %arg6[%get3A_1611, %get3A_1612] {strides = array<i32>} : memref<64x32xf32, #tpu.memory_space<vmem>>, vector<16xf32>,
    tpu.vector_store_idx %arg8[%broadcast_in_dim3A_1605, %get3A_1609], %broadcast_in_dim3A_10 : memref<4x4096xf32, #tpu.memory_space<vmem>>[vector<16xi32>, vector<16xi32>], vector<16xf32>,
    %get3A_1614 = arith.constant 38 : i32
    %get3A_1615 = arith.index_cast %get3A_1614 : i32 to index
    %get3A_1616 = arith.constant 16 : index
    %get3A_1617 = tpu.vector_load %arg5[%get3A_1615, %get3A_1616] {strides = array<i32>} : memref<64x32xi32, #tpu.memory_space<vmem>>, vector<16xi32>,
    %get3A_1618 = arith.constant 38 : i32
    %get3A_1619 = arith.index_cast %get3A_1618 : i32 to index
    %get3A_1620 = arith.constant 16 : index
    %get3A_1621 = tpu.vector_load %arg6[%get3A_1619, %get3A_1620] {strides = array<i32>} : memref<64x32xf32, #tpu.memory_space<vmem>>, vector<16xf32>,
    tpu.vector_store_idx %arg8[%broadcast_in_dim3A_1605, %get3A_1617], %broadcast_in_dim3A_10 : memref<4x4096xf32, #tpu.memory_space<vmem>>[vector<16xi32>, vector<16xi32>], vector<16xf32>,
    %broadcast_in_dim3A_1622 = arith.constant 3 : i32
    %broadcast_in_dim3A_1623 = vector.broadcast %broadcast_in_dim3A_1622 : i32 to vector<16xi32>
    %get3A_1624 = arith.constant 39 : i32
    %get3A_1625 = arith.index_cast %get3A_1624 : i32 to index
    %get3A_1626 = arith.constant 0 : index
    %get3A_1627 = tpu.vector_load %arg5[%get3A_1625, %get3A_1626] {strides = array<i32>} : memref<64x32xi32, #tpu.memory_space<vmem>>, vector<16xi32>,
    %get3A_1628 = arith.constant 39 : i32
    %get3A_1629 = arith.index_cast %get3A_1628 : i32 to index
    %get3A_1630 = arith.constant 0 : index
    %get3A_1631 = tpu.vector_load %arg6[%get3A_1629, %get3A_1630] {strides = array<i32>} : memref<64x32xf32, #tpu.memory_space<vmem>>, vector<16xf32>,
    tpu.vector_store_idx %arg8[%broadcast_in_dim3A_1623, %get3A_1627], %broadcast_in_dim3A_10 : memref<4x4096xf32, #tpu.memory_space<vmem>>[vector<16xi32>, vector<16xi32>], vector<16xf32>,
    %get3A_1632 = arith.constant 39 : i32
    %get3A_1633 = arith.index_cast %get3A_1632 : i32 to index
    %get3A_1634 = arith.constant 16 : index
    %get3A_1635 = tpu.vector_load %arg5[%get3A_1633, %get3A_1634] {strides = array<i32>} : memref<64x32xi32, #tpu.memory_space<vmem>>, vector<16xi32>,
    %get3A_1636 = arith.constant 39 : i32
    %get3A_1637 = arith.index_cast %get3A_1636 : i32 to index
    %get3A_1638 = arith.constant 16 : index
    %get3A_1639 = tpu.vector_load %arg6[%get3A_1637, %get3A_1638] {strides = array<i32>} : memref<64x32xf32, #tpu.memory_space<vmem>>, vector<16xf32>,
    tpu.vector_store_idx %arg8[%broadcast_in_dim3A_1623, %get3A_1635], %broadcast_in_dim3A_10 : memref<4x4096xf32, #tpu.memory_space<vmem>>[vector<16xi32>, vector<16xi32>], vector<16xf32>,
    %broadcast_in_dim3A_1640 = arith.constant 0 : i32
    %broadcast_in_dim3A_1641 = vector.broadcast %broadcast_in_dim3A_1640 : i32 to vector<16xi32>
    %get3A_1642 = arith.constant 44 : i32
    %get3A_1643 = arith.index_cast %get3A_1642 : i32 to index
    %get3A_1644 = arith.constant 0 : index
    %get3A_1645 = tpu.vector_load %arg5[%get3A_1643, %get3A_1644] {strides = array<i32>} : memref<64x32xi32, #tpu.memory_space<vmem>>, vector<16xi32>,
    %get3A_1646 = arith.constant 44 : i32
    %get3A_1647 = arith.index_cast %get3A_1646 : i32 to index
    %get3A_1648 = arith.constant 0 : index
    %get3A_1649 = tpu.vector_load %arg6[%get3A_1647, %get3A_1648] {strides = array<i32>} : memref<64x32xf32, #tpu.memory_space<vmem>>, vector<16xf32>,
    tpu.vector_store_idx %arg8[%broadcast_in_dim3A_1641, %get3A_1645], %get3A_1649 {add = true} : memref<4x4096xf32, #tpu.memory_space<vmem>>[vector<16xi32>, vector<16xi32>], vector<16xf32>,
    %get3A_1650 = arith.constant 44 : i32
    %get3A_1651 = arith.index_cast %get3A_1650 : i32 to index
    %get3A_1652 = arith.constant 16 : index
    %get3A_1653 = tpu.vector_load %arg5[%get3A_1651, %get3A_1652] {strides = array<i32>} : memref<64x32xi32, #tpu.memory_space<vmem>>, vector<16xi32>,
    %get3A_1654 = arith.constant 44 : i32
    %get3A_1655 = arith.index_cast %get3A_1654 : i32 to index
    %get3A_1656 = arith.constant 16 : index
    %get3A_1657 = tpu.vector_load %arg6[%get3A_1655, %get3A_1656] {strides = array<i32>} : memref<64x32xf32, #tpu.memory_space<vmem>>, vector<16xf32>,
    tpu.vector_store_idx %arg8[%broadcast_in_dim3A_1641, %get3A_1653], %get3A_1657 {add = true} : memref<4x4096xf32, #tpu.memory_space<vmem>>[vector<16xi32>, vector<16xi32>], vector<16xf32>,
    %broadcast_in_dim3A_1658 = arith.constant 1 : i32
    %broadcast_in_dim3A_1659 = vector.broadcast %broadcast_in_dim3A_1658 : i32 to vector<16xi32>
    %get3A_1660 = arith.constant 45 : i32
    %get3A_1661 = arith.index_cast %get3A_1660 : i32 to index
    %get3A_1662 = arith.constant 0 : index
    %get3A_1663 = tpu.vector_load %arg5[%get3A_1661, %get3A_1662] {strides = array<i32>} : memref<64x32xi32, #tpu.memory_space<vmem>>, vector<16xi32>,
    %get3A_1664 = arith.constant 45 : i32
    %get3A_1665 = arith.index_cast %get3A_1664 : i32 to index
    %get3A_1666 = arith.constant 0 : index
    %get3A_1667 = tpu.vector_load %arg6[%get3A_1665, %get3A_1666] {strides = array<i32>} : memref<64x32xf32, #tpu.memory_space<vmem>>, vector<16xf32>,
    tpu.vector_store_idx %arg8[%broadcast_in_dim3A_1659, %get3A_1663], %get3A_1667 {add = true} : memref<4x4096xf32, #tpu.memory_space<vmem>>[vector<16xi32>, vector<16xi32>], vector<16xf32>,
    %get3A_1668 = arith.constant 45 : i32
    %get3A_1669 = arith.index_cast %get3A_1668 : i32 to index
    %get3A_1670 = arith.constant 16 : index
    %get3A_1671 = tpu.vector_load %arg5[%get3A_1669, %get3A_1670] {strides = array<i32>} : memref<64x32xi32, #tpu.memory_space<vmem>>, vector<16xi32>,
    %get3A_1672 = arith.constant 45 : i32
    %get3A_1673 = arith.index_cast %get3A_1672 : i32 to index
    %get3A_1674 = arith.constant 16 : index
    %get3A_1675 = tpu.vector_load %arg6[%get3A_1673, %get3A_1674] {strides = array<i32>} : memref<64x32xf32, #tpu.memory_space<vmem>>, vector<16xf32>,
    tpu.vector_store_idx %arg8[%broadcast_in_dim3A_1659, %get3A_1671], %get3A_1675 {add = true} : memref<4x4096xf32, #tpu.memory_space<vmem>>[vector<16xi32>, vector<16xi32>], vector<16xf32>,
    %broadcast_in_dim3A_1676 = arith.constant 2 : i32
    %broadcast_in_dim3A_1677 = vector.broadcast %broadcast_in_dim3A_1676 : i32 to vector<16xi32>
    %get3A_1678 = arith.constant 46 : i32
    %get3A_1679 = arith.index_cast %get3A_1678 : i32 to index
    %get3A_1680 = arith.constant 0 : index
    %get3A_1681 = tpu.vector_load %arg5[%get3A_1679, %get3A_1680] {strides = array<i32>} : memref<64x32xi32, #tpu.memory_space<vmem>>, vector<16xi32>,
    %get3A_1682 = arith.constant 46 : i32
    %get3A_1683 = arith.index_cast %get3A_1682 : i32 to index
    %get3A_1684 = arith.constant 0 : index
    %get3A_1685 = tpu.vector_load %arg6[%get3A_1683, %get3A_1684] {strides = array<i32>} : memref<64x32xf32, #tpu.memory_space<vmem>>, vector<16xf32>,
    tpu.vector_store_idx %arg8[%broadcast_in_dim3A_1677, %get3A_1681], %get3A_1685 {add = true} : memref<4x4096xf32, #tpu.memory_space<vmem>>[vector<16xi32>, vector<16xi32>], vector<16xf32>,
    %get3A_1686 = arith.constant 46 : i32
    %get3A_1687 = arith.index_cast %get3A_1686 : i32 to index
    %get3A_1688 = arith.constant 16 : index
    %get3A_1689 = tpu.vector_load %arg5[%get3A_1687, %get3A_1688] {strides = array<i32>} : memref<64x32xi32, #tpu.memory_space<vmem>>, vector<16xi32>,
    %get3A_1690 = arith.constant 46 : i32
    %get3A_1691 = arith.index_cast %get3A_1690 : i32 to index
    %get3A_1692 = arith.constant 16 : index
    %get3A_1693 = tpu.vector_load %arg6[%get3A_1691, %get3A_1692] {strides = array<i32>} : memref<64x32xf32, #tpu.memory_space<vmem>>, vector<16xf32>,
    tpu.vector_store_idx %arg8[%broadcast_in_dim3A_1677, %get3A_1689], %get3A_1693 {add = true} : memref<4x4096xf32, #tpu.memory_space<vmem>>[vector<16xi32>, vector<16xi32>], vector<16xf32>,
    %broadcast_in_dim3A_1694 = arith.constant 3 : i32
    %broadcast_in_dim3A_1695 = vector.broadcast %broadcast_in_dim3A_1694 : i32 to vector<16xi32>
    %get3A_1696 = arith.constant 47 : i32
    %get3A_1697 = arith.index_cast %get3A_1696 : i32 to index
    %get3A_1698 = arith.constant 0 : index
    %get3A_1699 = tpu.vector_load %arg5[%get3A_1697, %get3A_1698] {strides = array<i32>} : memref<64x32xi32, #tpu.memory_space<vmem>>, vector<16xi32>,
    %get3A_1700 = arith.constant 47 : i32
    %get3A_1701 = arith.index_cast %get3A_1700 : i32 to index
    %get3A_1702 = arith.constant 0 : index
    %get3A_1703 = tpu.vector_load %arg6[%get3A_1701, %get3A_1702] {strides = array<i32>} : memref<64x32xf32, #tpu.memory_space<vmem>>, vector<16xf32>,
    tpu.vector_store_idx %arg8[%broadcast_in_dim3A_1695, %get3A_1699], %get3A_1703 {add = true} : memref<4x4096xf32, #tpu.memory_space<vmem>>[vector<16xi32>, vector<16xi32>], vector<16xf32>,
    %get3A_1704 = arith.constant 47 : i32
    %get3A_1705 = arith.index_cast %get3A_1704 : i32 to index
    %get3A_1706 = arith.constant 16 : index
    %get3A_1707 = tpu.vector_load %arg5[%get3A_1705, %get3A_1706] {strides = array<i32>} : memref<64x32xi32, #tpu.memory_space<vmem>>, vector<16xi32>,
    %get3A_1708 = arith.constant 47 : i32
    %get3A_1709 = arith.index_cast %get3A_1708 : i32 to index
    %get3A_1710 = arith.constant 16 : index
    %get3A_1711 = tpu.vector_load %arg6[%get3A_1709, %get3A_1710] {strides = array<i32>} : memref<64x32xf32, #tpu.memory_space<vmem>>, vector<16xf32>,
    tpu.vector_store_idx %arg8[%broadcast_in_dim3A_1695, %get3A_1707], %get3A_1711 {add = true} : memref<4x4096xf32, #tpu.memory_space<vmem>>[vector<16xi32>, vector<16xi32>], vector<16xf32>,
    %add3A_1712 = arith.constant 44 : i32
    %add3A_1713 = arith.addi %mul3A_2, %add3A_1712 : i32
    %dma_start3A_1714 = arith.constant 0 : i32
    %dma_start3A_1715 = tpu.memref_slice %arg4[%add3A_1713, %dma_start3A_1714] : memref<2048x4096xf32, #tpu.memory_space<hbm>> -> memref<4x4096xf32, #tpu.memory_space<hbm>>
    %dma_start3A_1716 = arith.constant 0 : i32
    %dma_start3A_1717 = tpu.memref_slice %arg4[%add3A_1713, %dma_start3A_1716] : memref<2048x4096xf32, #tpu.memory_space<hbm>> -> memref<4x4096xf32, #tpu.memory_space<hbm>>
    tpu.enqueue_dma source(%arg8 : memref<4x4096xf32, #tpu.memory_space<vmem>>) target(%dma_start3A_1717 : memref<4x4096xf32, #tpu.memory_space<hbm>>) target_semaphore(%arg10 : memref<!tpu.dma_semaphore, #tpu.memory_space<semaphore_mem>>)
    %dma_wait3A_1718 = arith.constant 0 : i32
    %dma_wait3A_1719 = tpu.memref_slice %arg4[%add3A_1559, %dma_wait3A_1718] : memref<2048x4096xf32, #tpu.memory_space<hbm>> -> memref<4x4096xf32, #tpu.memory_space<hbm>>
    %dma_wait3A_1720 = arith.constant 0 : i32
    %dma_wait3A_1721 = tpu.memref_slice %arg4[%add3A_1559, %dma_wait3A_1720] : memref<2048x4096xf32, #tpu.memory_space<hbm>> -> memref<4x4096xf32, #tpu.memory_space<hbm>>
    tpu.wait_dma2 semaphore(%arg9 : memref<!tpu.dma_semaphore, #tpu.memory_space<semaphore_mem>>) src(%arg7 : memref<4x4096xf32, #tpu.memory_space<vmem>>) dst(%dma_wait3A_1721 : memref<4x4096xf32, #tpu.memory_space<hbm>>)
    %broadcast_in_dim3A_1722 = arith.constant 0 : i32
    %broadcast_in_dim3A_1723 = vector.broadcast %broadcast_in_dim3A_1722 : i32 to vector<16xi32>
    %get3A_1724 = arith.constant 40 : i32
    %get3A_1725 = arith.index_cast %get3A_1724 : i32 to index
    %get3A_1726 = arith.constant 0 : index
    %get3A_1727 = tpu.vector_load %arg5[%get3A_1725, %get3A_1726] {strides = array<i32>} : memref<64x32xi32, #tpu.memory_space<vmem>>, vector<16xi32>,
    %get3A_1728 = arith.constant 40 : i32
    %get3A_1729 = arith.index_cast %get3A_1728 : i32 to index
    %get3A_1730 = arith.constant 0 : index
    %get3A_1731 = tpu.vector_load %arg6[%get3A_1729, %get3A_1730] {strides = array<i32>} : memref<64x32xf32, #tpu.memory_space<vmem>>, vector<16xf32>,
    tpu.vector_store_idx %arg7[%broadcast_in_dim3A_1723, %get3A_1727], %broadcast_in_dim3A_10 : memref<4x4096xf32, #tpu.memory_space<vmem>>[vector<16xi32>, vector<16xi32>], vector<16xf32>,
    %get3A_1732 = arith.constant 40 : i32
    %get3A_1733 = arith.index_cast %get3A_1732 : i32 to index
    %get3A_1734 = arith.constant 16 : index
    %get3A_1735 = tpu.vector_load %arg5[%get3A_1733, %get3A_1734] {strides = array<i32>} : memref<64x32xi32, #tpu.memory_space<vmem>>, vector<16xi32>,
    %get3A_1736 = arith.constant 40 : i32
    %get3A_1737 = arith.index_cast %get3A_1736 : i32 to index
    %get3A_1738 = arith.constant 16 : index
    %get3A_1739 = tpu.vector_load %arg6[%get3A_1737, %get3A_1738] {strides = array<i32>} : memref<64x32xf32, #tpu.memory_space<vmem>>, vector<16xf32>,
    tpu.vector_store_idx %arg7[%broadcast_in_dim3A_1723, %get3A_1735], %broadcast_in_dim3A_10 : memref<4x4096xf32, #tpu.memory_space<vmem>>[vector<16xi32>, vector<16xi32>], vector<16xf32>,
    %broadcast_in_dim3A_1740 = arith.constant 1 : i32
    %broadcast_in_dim3A_1741 = vector.broadcast %broadcast_in_dim3A_1740 : i32 to vector<16xi32>
    %get3A_1742 = arith.constant 41 : i32
    %get3A_1743 = arith.index_cast %get3A_1742 : i32 to index
    %get3A_1744 = arith.constant 0 : index
    %get3A_1745 = tpu.vector_load %arg5[%get3A_1743, %get3A_1744] {strides = array<i32>} : memref<64x32xi32, #tpu.memory_space<vmem>>, vector<16xi32>,
    %get3A_1746 = arith.constant 41 : i32
    %get3A_1747 = arith.index_cast %get3A_1746 : i32 to index
    %get3A_1748 = arith.constant 0 : index
    %get3A_1749 = tpu.vector_load %arg6[%get3A_1747, %get3A_1748] {strides = array<i32>} : memref<64x32xf32, #tpu.memory_space<vmem>>, vector<16xf32>,
    tpu.vector_store_idx %arg7[%broadcast_in_dim3A_1741, %get3A_1745], %broadcast_in_dim3A_10 : memref<4x4096xf32, #tpu.memory_space<vmem>>[vector<16xi32>, vector<16xi32>], vector<16xf32>,
    %get3A_1750 = arith.constant 41 : i32
    %get3A_1751 = arith.index_cast %get3A_1750 : i32 to index
    %get3A_1752 = arith.constant 16 : index
    %get3A_1753 = tpu.vector_load %arg5[%get3A_1751, %get3A_1752] {strides = array<i32>} : memref<64x32xi32, #tpu.memory_space<vmem>>, vector<16xi32>,
    %get3A_1754 = arith.constant 41 : i32
    %get3A_1755 = arith.index_cast %get3A_1754 : i32 to index
    %get3A_1756 = arith.constant 16 : index
    %get3A_1757 = tpu.vector_load %arg6[%get3A_1755, %get3A_1756] {strides = array<i32>} : memref<64x32xf32, #tpu.memory_space<vmem>>, vector<16xf32>,
    tpu.vector_store_idx %arg7[%broadcast_in_dim3A_1741, %get3A_1753], %broadcast_in_dim3A_10 : memref<4x4096xf32, #tpu.memory_space<vmem>>[vector<16xi32>, vector<16xi32>], vector<16xf32>,
    %broadcast_in_dim3A_1758 = arith.constant 2 : i32
    %broadcast_in_dim3A_1759 = vector.broadcast %broadcast_in_dim3A_1758 : i32 to vector<16xi32>
    %get3A_1760 = arith.constant 42 : i32
    %get3A_1761 = arith.index_cast %get3A_1760 : i32 to index
    %get3A_1762 = arith.constant 0 : index
    %get3A_1763 = tpu.vector_load %arg5[%get3A_1761, %get3A_1762] {strides = array<i32>} : memref<64x32xi32, #tpu.memory_space<vmem>>, vector<16xi32>,
    %get3A_1764 = arith.constant 42 : i32
    %get3A_1765 = arith.index_cast %get3A_1764 : i32 to index
    %get3A_1766 = arith.constant 0 : index
    %get3A_1767 = tpu.vector_load %arg6[%get3A_1765, %get3A_1766] {strides = array<i32>} : memref<64x32xf32, #tpu.memory_space<vmem>>, vector<16xf32>,
    tpu.vector_store_idx %arg7[%broadcast_in_dim3A_1759, %get3A_1763], %broadcast_in_dim3A_10 : memref<4x4096xf32, #tpu.memory_space<vmem>>[vector<16xi32>, vector<16xi32>], vector<16xf32>,
    %get3A_1768 = arith.constant 42 : i32
    %get3A_1769 = arith.index_cast %get3A_1768 : i32 to index
    %get3A_1770 = arith.constant 16 : index
    %get3A_1771 = tpu.vector_load %arg5[%get3A_1769, %get3A_1770] {strides = array<i32>} : memref<64x32xi32, #tpu.memory_space<vmem>>, vector<16xi32>,
    %get3A_1772 = arith.constant 42 : i32
    %get3A_1773 = arith.index_cast %get3A_1772 : i32 to index
    %get3A_1774 = arith.constant 16 : index
    %get3A_1775 = tpu.vector_load %arg6[%get3A_1773, %get3A_1774] {strides = array<i32>} : memref<64x32xf32, #tpu.memory_space<vmem>>, vector<16xf32>,
    tpu.vector_store_idx %arg7[%broadcast_in_dim3A_1759, %get3A_1771], %broadcast_in_dim3A_10 : memref<4x4096xf32, #tpu.memory_space<vmem>>[vector<16xi32>, vector<16xi32>], vector<16xf32>,
    %broadcast_in_dim3A_1776 = arith.constant 3 : i32
    %broadcast_in_dim3A_1777 = vector.broadcast %broadcast_in_dim3A_1776 : i32 to vector<16xi32>
    %get3A_1778 = arith.constant 43 : i32
    %get3A_1779 = arith.index_cast %get3A_1778 : i32 to index
    %get3A_1780 = arith.constant 0 : index
    %get3A_1781 = tpu.vector_load %arg5[%get3A_1779, %get3A_1780] {strides = array<i32>} : memref<64x32xi32, #tpu.memory_space<vmem>>, vector<16xi32>,
    %get3A_1782 = arith.constant 43 : i32
    %get3A_1783 = arith.index_cast %get3A_1782 : i32 to index
    %get3A_1784 = arith.constant 0 : index
    %get3A_1785 = tpu.vector_load %arg6[%get3A_1783, %get3A_1784] {strides = array<i32>} : memref<64x32xf32, #tpu.memory_space<vmem>>, vector<16xf32>,
    tpu.vector_store_idx %arg7[%broadcast_in_dim3A_1777, %get3A_1781], %broadcast_in_dim3A_10 : memref<4x4096xf32, #tpu.memory_space<vmem>>[vector<16xi32>, vector<16xi32>], vector<16xf32>,
    %get3A_1786 = arith.constant 43 : i32
    %get3A_1787 = arith.index_cast %get3A_1786 : i32 to index
    %get3A_1788 = arith.constant 16 : index
    %get3A_1789 = tpu.vector_load %arg5[%get3A_1787, %get3A_1788] {strides = array<i32>} : memref<64x32xi32, #tpu.memory_space<vmem>>, vector<16xi32>,
    %get3A_1790 = arith.constant 43 : i32
    %get3A_1791 = arith.index_cast %get3A_1790 : i32 to index
    %get3A_1792 = arith.constant 16 : index
    %get3A_1793 = tpu.vector_load %arg6[%get3A_1791, %get3A_1792] {strides = array<i32>} : memref<64x32xf32, #tpu.memory_space<vmem>>, vector<16xf32>,
    tpu.vector_store_idx %arg7[%broadcast_in_dim3A_1777, %get3A_1789], %broadcast_in_dim3A_10 : memref<4x4096xf32, #tpu.memory_space<vmem>>[vector<16xi32>, vector<16xi32>], vector<16xf32>,
    %broadcast_in_dim3A_1794 = arith.constant 0 : i32
    %broadcast_in_dim3A_1795 = vector.broadcast %broadcast_in_dim3A_1794 : i32 to vector<16xi32>
    %get3A_1796 = arith.constant 48 : i32
    %get3A_1797 = arith.index_cast %get3A_1796 : i32 to index
    %get3A_1798 = arith.constant 0 : index
    %get3A_1799 = tpu.vector_load %arg5[%get3A_1797, %get3A_1798] {strides = array<i32>} : memref<64x32xi32, #tpu.memory_space<vmem>>, vector<16xi32>,
    %get3A_1800 = arith.constant 48 : i32
    %get3A_1801 = arith.index_cast %get3A_1800 : i32 to index
    %get3A_1802 = arith.constant 0 : index
    %get3A_1803 = tpu.vector_load %arg6[%get3A_1801, %get3A_1802] {strides = array<i32>} : memref<64x32xf32, #tpu.memory_space<vmem>>, vector<16xf32>,
    tpu.vector_store_idx %arg7[%broadcast_in_dim3A_1795, %get3A_1799], %get3A_1803 {add = true} : memref<4x4096xf32, #tpu.memory_space<vmem>>[vector<16xi32>, vector<16xi32>], vector<16xf32>,
    %get3A_1804 = arith.constant 48 : i32
    %get3A_1805 = arith.index_cast %get3A_1804 : i32 to index
    %get3A_1806 = arith.constant 16 : index
    %get3A_1807 = tpu.vector_load %arg5[%get3A_1805, %get3A_1806] {strides = array<i32>} : memref<64x32xi32, #tpu.memory_space<vmem>>, vector<16xi32>,
    %get3A_1808 = arith.constant 48 : i32
    %get3A_1809 = arith.index_cast %get3A_1808 : i32 to index
    %get3A_1810 = arith.constant 16 : index
    %get3A_1811 = tpu.vector_load %arg6[%get3A_1809, %get3A_1810] {strides = array<i32>} : memref<64x32xf32, #tpu.memory_space<vmem>>, vector<16xf32>,
    tpu.vector_store_idx %arg7[%broadcast_in_dim3A_1795, %get3A_1807], %get3A_1811 {add = true} : memref<4x4096xf32, #tpu.memory_space<vmem>>[vector<16xi32>, vector<16xi32>], vector<16xf32>,
    %broadcast_in_dim3A_1812 = arith.constant 1 : i32
    %broadcast_in_dim3A_1813 = vector.broadcast %broadcast_in_dim3A_1812 : i32 to vector<16xi32>
    %get3A_1814 = arith.constant 49 : i32
    %get3A_1815 = arith.index_cast %get3A_1814 : i32 to index
    %get3A_1816 = arith.constant 0 : index
    %get3A_1817 = tpu.vector_load %arg5[%get3A_1815, %get3A_1816] {strides = array<i32>} : memref<64x32xi32, #tpu.memory_space<vmem>>, vector<16xi32>,
    %get3A_1818 = arith.constant 49 : i32
    %get3A_1819 = arith.index_cast %get3A_1818 : i32 to index
    %get3A_1820 = arith.constant 0 : index
    %get3A_1821 = tpu.vector_load %arg6[%get3A_1819, %get3A_1820] {strides = array<i32>} : memref<64x32xf32, #tpu.memory_space<vmem>>, vector<16xf32>,
    tpu.vector_store_idx %arg7[%broadcast_in_dim3A_1813, %get3A_1817], %get3A_1821 {add = true} : memref<4x4096xf32, #tpu.memory_space<vmem>>[vector<16xi32>, vector<16xi32>], vector<16xf32>,
    %get3A_1822 = arith.constant 49 : i32
    %get3A_1823 = arith.index_cast %get3A_1822 : i32 to index
    %get3A_1824 = arith.constant 16 : index
    %get3A_1825 = tpu.vector_load %arg5[%get3A_1823, %get3A_1824] {strides = array<i32>} : memref<64x32xi32, #tpu.memory_space<vmem>>, vector<16xi32>,
    %get3A_1826 = arith.constant 49 : i32
    %get3A_1827 = arith.index_cast %get3A_1826 : i32 to index
    %get3A_1828 = arith.constant 16 : index
    %get3A_1829 = tpu.vector_load %arg6[%get3A_1827, %get3A_1828] {strides = array<i32>} : memref<64x32xf32, #tpu.memory_space<vmem>>, vector<16xf32>,
    tpu.vector_store_idx %arg7[%broadcast_in_dim3A_1813, %get3A_1825], %get3A_1829 {add = true} : memref<4x4096xf32, #tpu.memory_space<vmem>>[vector<16xi32>, vector<16xi32>], vector<16xf32>,
    %broadcast_in_dim3A_1830 = arith.constant 2 : i32
    %broadcast_in_dim3A_1831 = vector.broadcast %broadcast_in_dim3A_1830 : i32 to vector<16xi32>
    %get3A_1832 = arith.constant 50 : i32
    %get3A_1833 = arith.index_cast %get3A_1832 : i32 to index
    %get3A_1834 = arith.constant 0 : index
    %get3A_1835 = tpu.vector_load %arg5[%get3A_1833, %get3A_1834] {strides = array<i32>} : memref<64x32xi32, #tpu.memory_space<vmem>>, vector<16xi32>,
    %get3A_1836 = arith.constant 50 : i32
    %get3A_1837 = arith.index_cast %get3A_1836 : i32 to index
    %get3A_1838 = arith.constant 0 : index
    %get3A_1839 = tpu.vector_load %arg6[%get3A_1837, %get3A_1838] {strides = array<i32>} : memref<64x32xf32, #tpu.memory_space<vmem>>, vector<16xf32>,
    tpu.vector_store_idx %arg7[%broadcast_in_dim3A_1831, %get3A_1835], %get3A_1839 {add = true} : memref<4x4096xf32, #tpu.memory_space<vmem>>[vector<16xi32>, vector<16xi32>], vector<16xf32>,
    %get3A_1840 = arith.constant 50 : i32
    %get3A_1841 = arith.index_cast %get3A_1840 : i32 to index
    %get3A_1842 = arith.constant 16 : index
    %get3A_1843 = tpu.vector_load %arg5[%get3A_1841, %get3A_1842] {strides = array<i32>} : memref<64x32xi32, #tpu.memory_space<vmem>>, vector<16xi32>,
    %get3A_1844 = arith.constant 50 : i32
    %get3A_1845 = arith.index_cast %get3A_1844 : i32 to index
    %get3A_1846 = arith.constant 16 : index
    %get3A_1847 = tpu.vector_load %arg6[%get3A_1845, %get3A_1846] {strides = array<i32>} : memref<64x32xf32, #tpu.memory_space<vmem>>, vector<16xf32>,
    tpu.vector_store_idx %arg7[%broadcast_in_dim3A_1831, %get3A_1843], %get3A_1847 {add = true} : memref<4x4096xf32, #tpu.memory_space<vmem>>[vector<16xi32>, vector<16xi32>], vector<16xf32>,
    %broadcast_in_dim3A_1848 = arith.constant 3 : i32
    %broadcast_in_dim3A_1849 = vector.broadcast %broadcast_in_dim3A_1848 : i32 to vector<16xi32>
    %get3A_1850 = arith.constant 51 : i32
    %get3A_1851 = arith.index_cast %get3A_1850 : i32 to index
    %get3A_1852 = arith.constant 0 : index
    %get3A_1853 = tpu.vector_load %arg5[%get3A_1851, %get3A_1852] {strides = array<i32>} : memref<64x32xi32, #tpu.memory_space<vmem>>, vector<16xi32>,
    %get3A_1854 = arith.constant 51 : i32
    %get3A_1855 = arith.index_cast %get3A_1854 : i32 to index
    %get3A_1856 = arith.constant 0 : index
    %get3A_1857 = tpu.vector_load %arg6[%get3A_1855, %get3A_1856] {strides = array<i32>} : memref<64x32xf32, #tpu.memory_space<vmem>>, vector<16xf32>,
    tpu.vector_store_idx %arg7[%broadcast_in_dim3A_1849, %get3A_1853], %get3A_1857 {add = true} : memref<4x4096xf32, #tpu.memory_space<vmem>>[vector<16xi32>, vector<16xi32>], vector<16xf32>,
    %get3A_1858 = arith.constant 51 : i32
    %get3A_1859 = arith.index_cast %get3A_1858 : i32 to index
    %get3A_1860 = arith.constant 16 : index
    %get3A_1861 = tpu.vector_load %arg5[%get3A_1859, %get3A_1860] {strides = array<i32>} : memref<64x32xi32, #tpu.memory_space<vmem>>, vector<16xi32>,
    %get3A_1862 = arith.constant 51 : i32
    %get3A_1863 = arith.index_cast %get3A_1862 : i32 to index
    %get3A_1864 = arith.constant 16 : index
    %get3A_1865 = tpu.vector_load %arg6[%get3A_1863, %get3A_1864] {strides = array<i32>} : memref<64x32xf32, #tpu.memory_space<vmem>>, vector<16xf32>,
    tpu.vector_store_idx %arg7[%broadcast_in_dim3A_1849, %get3A_1861], %get3A_1865 {add = true} : memref<4x4096xf32, #tpu.memory_space<vmem>>[vector<16xi32>, vector<16xi32>], vector<16xf32>,
    %add3A_1866 = arith.constant 48 : i32
    %add3A_1867 = arith.addi %mul3A_2, %add3A_1866 : i32
    %dma_start3A_1868 = arith.constant 0 : i32
    %dma_start3A_1869 = tpu.memref_slice %arg4[%add3A_1867, %dma_start3A_1868] : memref<2048x4096xf32, #tpu.memory_space<hbm>> -> memref<4x4096xf32, #tpu.memory_space<hbm>>
    %dma_start3A_1870 = arith.constant 0 : i32
    %dma_start3A_1871 = tpu.memref_slice %arg4[%add3A_1867, %dma_start3A_1870] : memref<2048x4096xf32, #tpu.memory_space<hbm>> -> memref<4x4096xf32, #tpu.memory_space<hbm>>
    tpu.enqueue_dma source(%arg7 : memref<4x4096xf32, #tpu.memory_space<vmem>>) target(%dma_start3A_1871 : memref<4x4096xf32, #tpu.memory_space<hbm>>) target_semaphore(%arg9 : memref<!tpu.dma_semaphore, #tpu.memory_space<semaphore_mem>>)
    %dma_wait3A_1872 = arith.constant 0 : i32
    %dma_wait3A_1873 = tpu.memref_slice %arg4[%add3A_1713, %dma_wait3A_1872] : memref<2048x4096xf32, #tpu.memory_space<hbm>> -> memref<4x4096xf32, #tpu.memory_space<hbm>>
    %dma_wait3A_1874 = arith.constant 0 : i32
    %dma_wait3A_1875 = tpu.memref_slice %arg4[%add3A_1713, %dma_wait3A_1874] : memref<2048x4096xf32, #tpu.memory_space<hbm>> -> memref<4x4096xf32, #tpu.memory_space<hbm>>
    tpu.wait_dma2 semaphore(%arg10 : memref<!tpu.dma_semaphore, #tpu.memory_space<semaphore_mem>>) src(%arg8 : memref<4x4096xf32, #tpu.memory_space<vmem>>) dst(%dma_wait3A_1875 : memref<4x4096xf32, #tpu.memory_space<hbm>>)
    %broadcast_in_dim3A_1876 = arith.constant 0 : i32
    %broadcast_in_dim3A_1877 = vector.broadcast %broadcast_in_dim3A_1876 : i32 to vector<16xi32>
    %get3A_1878 = arith.constant 44 : i32
    %get3A_1879 = arith.index_cast %get3A_1878 : i32 to index
    %get3A_1880 = arith.constant 0 : index
    %get3A_1881 = tpu.vector_load %arg5[%get3A_1879, %get3A_1880] {strides = array<i32>} : memref<64x32xi32, #tpu.memory_space<vmem>>, vector<16xi32>,
    %get3A_1882 = arith.constant 44 : i32
    %get3A_1883 = arith.index_cast %get3A_1882 : i32 to index
    %get3A_1884 = arith.constant 0 : index
    %get3A_1885 = tpu.vector_load %arg6[%get3A_1883, %get3A_1884] {strides = array<i32>} : memref<64x32xf32, #tpu.memory_space<vmem>>, vector<16xf32>,
    tpu.vector_store_idx %arg8[%broadcast_in_dim3A_1877, %get3A_1881], %broadcast_in_dim3A_10 : memref<4x4096xf32, #tpu.memory_space<vmem>>[vector<16xi32>, vector<16xi32>], vector<16xf32>,
    %get3A_1886 = arith.constant 44 : i32
    %get3A_1887 = arith.index_cast %get3A_1886 : i32 to index
    %get3A_1888 = arith.constant 16 : index
    %get3A_1889 = tpu.vector_load %arg5[%get3A_1887, %get3A_1888] {strides = array<i32>} : memref<64x32xi32, #tpu.memory_space<vmem>>, vector<16xi32>,
    %get3A_1890 = arith.constant 44 : i32
    %get3A_1891 = arith.index_cast %get3A_1890 : i32 to index
    %get3A_1892 = arith.constant 16 : index
    %get3A_1893 = tpu.vector_load %arg6[%get3A_1891, %get3A_1892] {strides = array<i32>} : memref<64x32xf32, #tpu.memory_space<vmem>>, vector<16xf32>,
    tpu.vector_store_idx %arg8[%broadcast_in_dim3A_1877, %get3A_1889], %broadcast_in_dim3A_10 : memref<4x4096xf32, #tpu.memory_space<vmem>>[vector<16xi32>, vector<16xi32>], vector<16xf32>,
    %broadcast_in_dim3A_1894 = arith.constant 1 : i32
    %broadcast_in_dim3A_1895 = vector.broadcast %broadcast_in_dim3A_1894 : i32 to vector<16xi32>
    %get3A_1896 = arith.constant 45 : i32
    %get3A_1897 = arith.index_cast %get3A_1896 : i32 to index
    %get3A_1898 = arith.constant 0 : index
    %get3A_1899 = tpu.vector_load %arg5[%get3A_1897, %get3A_1898] {strides = array<i32>} : memref<64x32xi32, #tpu.memory_space<vmem>>, vector<16xi32>,
    %get3A_1900 = arith.constant 45 : i32
    %get3A_1901 = arith.index_cast %get3A_1900 : i32 to index
    %get3A_1902 = arith.constant 0 : index
    %get3A_1903 = tpu.vector_load %arg6[%get3A_1901, %get3A_1902] {strides = array<i32>} : memref<64x32xf32, #tpu.memory_space<vmem>>, vector<16xf32>,
    tpu.vector_store_idx %arg8[%broadcast_in_dim3A_1895, %get3A_1899], %broadcast_in_dim3A_10 : memref<4x4096xf32, #tpu.memory_space<vmem>>[vector<16xi32>, vector<16xi32>], vector<16xf32>,
    %get3A_1904 = arith.constant 45 : i32
    %get3A_1905 = arith.index_cast %get3A_1904 : i32 to index
    %get3A_1906 = arith.constant 16 : index
    %get3A_1907 = tpu.vector_load %arg5[%get3A_1905, %get3A_1906] {strides = array<i32>} : memref<64x32xi32, #tpu.memory_space<vmem>>, vector<16xi32>,
    %get3A_1908 = arith.constant 45 : i32
    %get3A_1909 = arith.index_cast %get3A_1908 : i32 to index
    %get3A_1910 = arith.constant 16 : index
    %get3A_1911 = tpu.vector_load %arg6[%get3A_1909, %get3A_1910] {strides = array<i32>} : memref<64x32xf32, #tpu.memory_space<vmem>>, vector<16xf32>,
    tpu.vector_store_idx %arg8[%broadcast_in_dim3A_1895, %get3A_1907], %broadcast_in_dim3A_10 : memref<4x4096xf32, #tpu.memory_space<vmem>>[vector<16xi32>, vector<16xi32>], vector<16xf32>,
    %broadcast_in_dim3A_1912 = arith.constant 2 : i32
    %broadcast_in_dim3A_1913 = vector.broadcast %broadcast_in_dim3A_1912 : i32 to vector<16xi32>
    %get3A_1914 = arith.constant 46 : i32
    %get3A_1915 = arith.index_cast %get3A_1914 : i32 to index
    %get3A_1916 = arith.constant 0 : index
    %get3A_1917 = tpu.vector_load %arg5[%get3A_1915, %get3A_1916] {strides = array<i32>} : memref<64x32xi32, #tpu.memory_space<vmem>>, vector<16xi32>,
    %get3A_1918 = arith.constant 46 : i32
    %get3A_1919 = arith.index_cast %get3A_1918 : i32 to index
    %get3A_1920 = arith.constant 0 : index
    %get3A_1921 = tpu.vector_load %arg6[%get3A_1919, %get3A_1920] {strides = array<i32>} : memref<64x32xf32, #tpu.memory_space<vmem>>, vector<16xf32>,
    tpu.vector_store_idx %arg8[%broadcast_in_dim3A_1913, %get3A_1917], %broadcast_in_dim3A_10 : memref<4x4096xf32, #tpu.memory_space<vmem>>[vector<16xi32>, vector<16xi32>], vector<16xf32>,
    %get3A_1922 = arith.constant 46 : i32
    %get3A_1923 = arith.index_cast %get3A_1922 : i32 to index
    %get3A_1924 = arith.constant 16 : index
    %get3A_1925 = tpu.vector_load %arg5[%get3A_1923, %get3A_1924] {strides = array<i32>} : memref<64x32xi32, #tpu.memory_space<vmem>>, vector<16xi32>,
    %get3A_1926 = arith.constant 46 : i32
    %get3A_1927 = arith.index_cast %get3A_1926 : i32 to index
    %get3A_1928 = arith.constant 16 : index
    %get3A_1929 = tpu.vector_load %arg6[%get3A_1927, %get3A_1928] {strides = array<i32>} : memref<64x32xf32, #tpu.memory_space<vmem>>, vector<16xf32>,
    tpu.vector_store_idx %arg8[%broadcast_in_dim3A_1913, %get3A_1925], %broadcast_in_dim3A_10 : memref<4x4096xf32, #tpu.memory_space<vmem>>[vector<16xi32>, vector<16xi32>], vector<16xf32>,
    %broadcast_in_dim3A_1930 = arith.constant 3 : i32
    %broadcast_in_dim3A_1931 = vector.broadcast %broadcast_in_dim3A_1930 : i32 to vector<16xi32>
    %get3A_1932 = arith.constant 47 : i32
    %get3A_1933 = arith.index_cast %get3A_1932 : i32 to index
    %get3A_1934 = arith.constant 0 : index
    %get3A_1935 = tpu.vector_load %arg5[%get3A_1933, %get3A_1934] {strides = array<i32>} : memref<64x32xi32, #tpu.memory_space<vmem>>, vector<16xi32>,
    %get3A_1936 = arith.constant 47 : i32
    %get3A_1937 = arith.index_cast %get3A_1936 : i32 to index
    %get3A_1938 = arith.constant 0 : index
    %get3A_1939 = tpu.vector_load %arg6[%get3A_1937, %get3A_1938] {strides = array<i32>} : memref<64x32xf32, #tpu.memory_space<vmem>>, vector<16xf32>,
    tpu.vector_store_idx %arg8[%broadcast_in_dim3A_1931, %get3A_1935], %broadcast_in_dim3A_10 : memref<4x4096xf32, #tpu.memory_space<vmem>>[vector<16xi32>, vector<16xi32>], vector<16xf32>,
    %get3A_1940 = arith.constant 47 : i32
    %get3A_1941 = arith.index_cast %get3A_1940 : i32 to index
    %get3A_1942 = arith.constant 16 : index
    %get3A_1943 = tpu.vector_load %arg5[%get3A_1941, %get3A_1942] {strides = array<i32>} : memref<64x32xi32, #tpu.memory_space<vmem>>, vector<16xi32>,
    %get3A_1944 = arith.constant 47 : i32
    %get3A_1945 = arith.index_cast %get3A_1944 : i32 to index
    %get3A_1946 = arith.constant 16 : index
    %get3A_1947 = tpu.vector_load %arg6[%get3A_1945, %get3A_1946] {strides = array<i32>} : memref<64x32xf32, #tpu.memory_space<vmem>>, vector<16xf32>,
    tpu.vector_store_idx %arg8[%broadcast_in_dim3A_1931, %get3A_1943], %broadcast_in_dim3A_10 : memref<4x4096xf32, #tpu.memory_space<vmem>>[vector<16xi32>, vector<16xi32>], vector<16xf32>,
    %broadcast_in_dim3A_1948 = arith.constant 0 : i32
    %broadcast_in_dim3A_1949 = vector.broadcast %broadcast_in_dim3A_1948 : i32 to vector<16xi32>
    %get3A_1950 = arith.constant 52 : i32
    %get3A_1951 = arith.index_cast %get3A_1950 : i32 to index
    %get3A_1952 = arith.constant 0 : index
    %get3A_1953 = tpu.vector_load %arg5[%get3A_1951, %get3A_1952] {strides = array<i32>} : memref<64x32xi32, #tpu.memory_space<vmem>>, vector<16xi32>,
    %get3A_1954 = arith.constant 52 : i32
    %get3A_1955 = arith.index_cast %get3A_1954 : i32 to index
    %get3A_1956 = arith.constant 0 : index
    %get3A_1957 = tpu.vector_load %arg6[%get3A_1955, %get3A_1956] {strides = array<i32>} : memref<64x32xf32, #tpu.memory_space<vmem>>, vector<16xf32>,
    tpu.vector_store_idx %arg8[%broadcast_in_dim3A_1949, %get3A_1953], %get3A_1957 {add = true} : memref<4x4096xf32, #tpu.memory_space<vmem>>[vector<16xi32>, vector<16xi32>], vector<16xf32>,
    %get3A_1958 = arith.constant 52 : i32
    %get3A_1959 = arith.index_cast %get3A_1958 : i32 to index
    %get3A_1960 = arith.constant 16 : index
    %get3A_1961 = tpu.vector_load %arg5[%get3A_1959, %get3A_1960] {strides = array<i32>} : memref<64x32xi32, #tpu.memory_space<vmem>>, vector<16xi32>,
    %get3A_1962 = arith.constant 52 : i32
    %get3A_1963 = arith.index_cast %get3A_1962 : i32 to index
    %get3A_1964 = arith.constant 16 : index
    %get3A_1965 = tpu.vector_load %arg6[%get3A_1963, %get3A_1964] {strides = array<i32>} : memref<64x32xf32, #tpu.memory_space<vmem>>, vector<16xf32>,
    tpu.vector_store_idx %arg8[%broadcast_in_dim3A_1949, %get3A_1961], %get3A_1965 {add = true} : memref<4x4096xf32, #tpu.memory_space<vmem>>[vector<16xi32>, vector<16xi32>], vector<16xf32>,
    %broadcast_in_dim3A_1966 = arith.constant 1 : i32
    %broadcast_in_dim3A_1967 = vector.broadcast %broadcast_in_dim3A_1966 : i32 to vector<16xi32>
    %get3A_1968 = arith.constant 53 : i32
    %get3A_1969 = arith.index_cast %get3A_1968 : i32 to index
    %get3A_1970 = arith.constant 0 : index
    %get3A_1971 = tpu.vector_load %arg5[%get3A_1969, %get3A_1970] {strides = array<i32>} : memref<64x32xi32, #tpu.memory_space<vmem>>, vector<16xi32>,
    %get3A_1972 = arith.constant 53 : i32
    %get3A_1973 = arith.index_cast %get3A_1972 : i32 to index
    %get3A_1974 = arith.constant 0 : index
    %get3A_1975 = tpu.vector_load %arg6[%get3A_1973, %get3A_1974] {strides = array<i32>} : memref<64x32xf32, #tpu.memory_space<vmem>>, vector<16xf32>,
    tpu.vector_store_idx %arg8[%broadcast_in_dim3A_1967, %get3A_1971], %get3A_1975 {add = true} : memref<4x4096xf32, #tpu.memory_space<vmem>>[vector<16xi32>, vector<16xi32>], vector<16xf32>,
    %get3A_1976 = arith.constant 53 : i32
    %get3A_1977 = arith.index_cast %get3A_1976 : i32 to index
    %get3A_1978 = arith.constant 16 : index
    %get3A_1979 = tpu.vector_load %arg5[%get3A_1977, %get3A_1978] {strides = array<i32>} : memref<64x32xi32, #tpu.memory_space<vmem>>, vector<16xi32>,
    %get3A_1980 = arith.constant 53 : i32
    %get3A_1981 = arith.index_cast %get3A_1980 : i32 to index
    %get3A_1982 = arith.constant 16 : index
    %get3A_1983 = tpu.vector_load %arg6[%get3A_1981, %get3A_1982] {strides = array<i32>} : memref<64x32xf32, #tpu.memory_space<vmem>>, vector<16xf32>,
    tpu.vector_store_idx %arg8[%broadcast_in_dim3A_1967, %get3A_1979], %get3A_1983 {add = true} : memref<4x4096xf32, #tpu.memory_space<vmem>>[vector<16xi32>, vector<16xi32>], vector<16xf32>,
    %broadcast_in_dim3A_1984 = arith.constant 2 : i32
    %broadcast_in_dim3A_1985 = vector.broadcast %broadcast_in_dim3A_1984 : i32 to vector<16xi32>
    %get3A_1986 = arith.constant 54 : i32
    %get3A_1987 = arith.index_cast %get3A_1986 : i32 to index
    %get3A_1988 = arith.constant 0 : index
    %get3A_1989 = tpu.vector_load %arg5[%get3A_1987, %get3A_1988] {strides = array<i32>} : memref<64x32xi32, #tpu.memory_space<vmem>>, vector<16xi32>,
    %get3A_1990 = arith.constant 54 : i32
    %get3A_1991 = arith.index_cast %get3A_1990 : i32 to index
    %get3A_1992 = arith.constant 0 : index
    %get3A_1993 = tpu.vector_load %arg6[%get3A_1991, %get3A_1992] {strides = array<i32>} : memref<64x32xf32, #tpu.memory_space<vmem>>, vector<16xf32>,
    tpu.vector_store_idx %arg8[%broadcast_in_dim3A_1985, %get3A_1989], %get3A_1993 {add = true} : memref<4x4096xf32, #tpu.memory_space<vmem>>[vector<16xi32>, vector<16xi32>], vector<16xf32>,
    %get3A_1994 = arith.constant 54 : i32
    %get3A_1995 = arith.index_cast %get3A_1994 : i32 to index
    %get3A_1996 = arith.constant 16 : index
    %get3A_1997 = tpu.vector_load %arg5[%get3A_1995, %get3A_1996] {strides = array<i32>} : memref<64x32xi32, #tpu.memory_space<vmem>>, vector<16xi32>,
    %get3A_1998 = arith.constant 54 : i32
    %get3A_1999 = arith.index_cast %get3A_1998 : i32 to index
    %get3A_2000 = arith.constant 16 : index
    %get3A_2001 = tpu.vector_load %arg6[%get3A_1999, %get3A_2000] {strides = array<i32>} : memref<64x32xf32, #tpu.memory_space<vmem>>, vector<16xf32>,
    tpu.vector_store_idx %arg8[%broadcast_in_dim3A_1985, %get3A_1997], %get3A_2001 {add = true} : memref<4x4096xf32, #tpu.memory_space<vmem>>[vector<16xi32>, vector<16xi32>], vector<16xf32>,
    %broadcast_in_dim3A_2002 = arith.constant 3 : i32
    %broadcast_in_dim3A_2003 = vector.broadcast %broadcast_in_dim3A_2002 : i32 to vector<16xi32>
    %get3A_2004 = arith.constant 55 : i32
    %get3A_2005 = arith.index_cast %get3A_2004 : i32 to index
    %get3A_2006 = arith.constant 0 : index
    %get3A_2007 = tpu.vector_load %arg5[%get3A_2005, %get3A_2006] {strides = array<i32>} : memref<64x32xi32, #tpu.memory_space<vmem>>, vector<16xi32>,
    %get3A_2008 = arith.constant 55 : i32
    %get3A_2009 = arith.index_cast %get3A_2008 : i32 to index
    %get3A_2010 = arith.constant 0 : index
    %get3A_2011 = tpu.vector_load %arg6[%get3A_2009, %get3A_2010] {strides = array<i32>} : memref<64x32xf32, #tpu.memory_space<vmem>>, vector<16xf32>,
    tpu.vector_store_idx %arg8[%broadcast_in_dim3A_2003, %get3A_2007], %get3A_2011 {add = true} : memref<4x4096xf32, #tpu.memory_space<vmem>>[vector<16xi32>, vector<16xi32>], vector<16xf32>,
    %get3A_2012 = arith.constant 55 : i32
    %get3A_2013 = arith.index_cast %get3A_2012 : i32 to index
    %get3A_2014 = arith.constant 16 : index
    %get3A_2015 = tpu.vector_load %arg5[%get3A_2013, %get3A_2014] {strides = array<i32>} : memref<64x32xi32, #tpu.memory_space<vmem>>, vector<16xi32>,
    %get3A_2016 = arith.constant 55 : i32
    %get3A_2017 = arith.index_cast %get3A_2016 : i32 to index
    %get3A_2018 = arith.constant 16 : index
    %get3A_2019 = tpu.vector_load %arg6[%get3A_2017, %get3A_2018] {strides = array<i32>} : memref<64x32xf32, #tpu.memory_space<vmem>>, vector<16xf32>,
    tpu.vector_store_idx %arg8[%broadcast_in_dim3A_2003, %get3A_2015], %get3A_2019 {add = true} : memref<4x4096xf32, #tpu.memory_space<vmem>>[vector<16xi32>, vector<16xi32>], vector<16xf32>,
    %add3A_2020 = arith.constant 52 : i32
    %add3A_2021 = arith.addi %mul3A_2, %add3A_2020 : i32
    %dma_start3A_2022 = arith.constant 0 : i32
    %dma_start3A_2023 = tpu.memref_slice %arg4[%add3A_2021, %dma_start3A_2022] : memref<2048x4096xf32, #tpu.memory_space<hbm>> -> memref<4x4096xf32, #tpu.memory_space<hbm>>
    %dma_start3A_2024 = arith.constant 0 : i32
    %dma_start3A_2025 = tpu.memref_slice %arg4[%add3A_2021, %dma_start3A_2024] : memref<2048x4096xf32, #tpu.memory_space<hbm>> -> memref<4x4096xf32, #tpu.memory_space<hbm>>
    tpu.enqueue_dma source(%arg8 : memref<4x4096xf32, #tpu.memory_space<vmem>>) target(%dma_start3A_2025 : memref<4x4096xf32, #tpu.memory_space<hbm>>) target_semaphore(%arg10 : memref<!tpu.dma_semaphore, #tpu.memory_space<semaphore_mem>>)
    %dma_wait3A_2026 = arith.constant 0 : i32
    %dma_wait3A_2027 = tpu.memref_slice %arg4[%add3A_1867, %dma_wait3A_2026] : memref<2048x4096xf32, #tpu.memory_space<hbm>> -> memref<4x4096xf32, #tpu.memory_space<hbm>>
    %dma_wait3A_2028 = arith.constant 0 : i32
    %dma_wait3A_2029 = tpu.memref_slice %arg4[%add3A_1867, %dma_wait3A_2028] : memref<2048x4096xf32, #tpu.memory_space<hbm>> -> memref<4x4096xf32, #tpu.memory_space<hbm>>
    tpu.wait_dma2 semaphore(%arg9 : memref<!tpu.dma_semaphore, #tpu.memory_space<semaphore_mem>>) src(%arg7 : memref<4x4096xf32, #tpu.memory_space<vmem>>) dst(%dma_wait3A_2029 : memref<4x4096xf32, #tpu.memory_space<hbm>>)
    %broadcast_in_dim3A_2030 = arith.constant 0 : i32
    %broadcast_in_dim3A_2031 = vector.broadcast %broadcast_in_dim3A_2030 : i32 to vector<16xi32>
    %get3A_2032 = arith.constant 48 : i32
    %get3A_2033 = arith.index_cast %get3A_2032 : i32 to index
    %get3A_2034 = arith.constant 0 : index
    %get3A_2035 = tpu.vector_load %arg5[%get3A_2033, %get3A_2034] {strides = array<i32>} : memref<64x32xi32, #tpu.memory_space<vmem>>, vector<16xi32>,
    %get3A_2036 = arith.constant 48 : i32
    %get3A_2037 = arith.index_cast %get3A_2036 : i32 to index
    %get3A_2038 = arith.constant 0 : index
    %get3A_2039 = tpu.vector_load %arg6[%get3A_2037, %get3A_2038] {strides = array<i32>} : memref<64x32xf32, #tpu.memory_space<vmem>>, vector<16xf32>,
    tpu.vector_store_idx %arg7[%broadcast_in_dim3A_2031, %get3A_2035], %broadcast_in_dim3A_10 : memref<4x4096xf32, #tpu.memory_space<vmem>>[vector<16xi32>, vector<16xi32>], vector<16xf32>,
    %get3A_2040 = arith.constant 48 : i32
    %get3A_2041 = arith.index_cast %get3A_2040 : i32 to index
    %get3A_2042 = arith.constant 16 : index
    %get3A_2043 = tpu.vector_load %arg5[%get3A_2041, %get3A_2042] {strides = array<i32>} : memref<64x32xi32, #tpu.memory_space<vmem>>, vector<16xi32>,
    %get3A_2044 = arith.constant 48 : i32
    %get3A_2045 = arith.index_cast %get3A_2044 : i32 to index
    %get3A_2046 = arith.constant 16 : index
    %get3A_2047 = tpu.vector_load %arg6[%get3A_2045, %get3A_2046] {strides = array<i32>} : memref<64x32xf32, #tpu.memory_space<vmem>>, vector<16xf32>,
    tpu.vector_store_idx %arg7[%broadcast_in_dim3A_2031, %get3A_2043], %broadcast_in_dim3A_10 : memref<4x4096xf32, #tpu.memory_space<vmem>>[vector<16xi32>, vector<16xi32>], vector<16xf32>,
    %broadcast_in_dim3A_2048 = arith.constant 1 : i32
    %broadcast_in_dim3A_2049 = vector.broadcast %broadcast_in_dim3A_2048 : i32 to vector<16xi32>
    %get3A_2050 = arith.constant 49 : i32
    %get3A_2051 = arith.index_cast %get3A_2050 : i32 to index
    %get3A_2052 = arith.constant 0 : index
    %get3A_2053 = tpu.vector_load %arg5[%get3A_2051, %get3A_2052] {strides = array<i32>} : memref<64x32xi32, #tpu.memory_space<vmem>>, vector<16xi32>,
    %get3A_2054 = arith.constant 49 : i32
    %get3A_2055 = arith.index_cast %get3A_2054 : i32 to index
    %get3A_2056 = arith.constant 0 : index
    %get3A_2057 = tpu.vector_load %arg6[%get3A_2055, %get3A_2056] {strides = array<i32>} : memref<64x32xf32, #tpu.memory_space<vmem>>, vector<16xf32>,
    tpu.vector_store_idx %arg7[%broadcast_in_dim3A_2049, %get3A_2053], %broadcast_in_dim3A_10 : memref<4x4096xf32, #tpu.memory_space<vmem>>[vector<16xi32>, vector<16xi32>], vector<16xf32>,
    %get3A_2058 = arith.constant 49 : i32
    %get3A_2059 = arith.index_cast %get3A_2058 : i32 to index
    %get3A_2060 = arith.constant 16 : index
    %get3A_2061 = tpu.vector_load %arg5[%get3A_2059, %get3A_2060] {strides = array<i32>} : memref<64x32xi32, #tpu.memory_space<vmem>>, vector<16xi32>,
    %get3A_2062 = arith.constant 49 : i32
    %get3A_2063 = arith.index_cast %get3A_2062 : i32 to index
    %get3A_2064 = arith.constant 16 : index
    %get3A_2065 = tpu.vector_load %arg6[%get3A_2063, %get3A_2064] {strides = array<i32>} : memref<64x32xf32, #tpu.memory_space<vmem>>, vector<16xf32>,
    tpu.vector_store_idx %arg7[%broadcast_in_dim3A_2049, %get3A_2061], %broadcast_in_dim3A_10 : memref<4x4096xf32, #tpu.memory_space<vmem>>[vector<16xi32>, vector<16xi32>], vector<16xf32>,
    %broadcast_in_dim3A_2066 = arith.constant 2 : i32
    %broadcast_in_dim3A_2067 = vector.broadcast %broadcast_in_dim3A_2066 : i32 to vector<16xi32>
    %get3A_2068 = arith.constant 50 : i32
    %get3A_2069 = arith.index_cast %get3A_2068 : i32 to index
    %get3A_2070 = arith.constant 0 : index
    %get3A_2071 = tpu.vector_load %arg5[%get3A_2069, %get3A_2070] {strides = array<i32>} : memref<64x32xi32, #tpu.memory_space<vmem>>, vector<16xi32>,
    %get3A_2072 = arith.constant 50 : i32
    %get3A_2073 = arith.index_cast %get3A_2072 : i32 to index
    %get3A_2074 = arith.constant 0 : index
    %get3A_2075 = tpu.vector_load %arg6[%get3A_2073, %get3A_2074] {strides = array<i32>} : memref<64x32xf32, #tpu.memory_space<vmem>>, vector<16xf32>,
    tpu.vector_store_idx %arg7[%broadcast_in_dim3A_2067, %get3A_2071], %broadcast_in_dim3A_10 : memref<4x4096xf32, #tpu.memory_space<vmem>>[vector<16xi32>, vector<16xi32>], vector<16xf32>,
    %get3A_2076 = arith.constant 50 : i32
    %get3A_2077 = arith.index_cast %get3A_2076 : i32 to index
    %get3A_2078 = arith.constant 16 : index
    %get3A_2079 = tpu.vector_load %arg5[%get3A_2077, %get3A_2078] {strides = array<i32>} : memref<64x32xi32, #tpu.memory_space<vmem>>, vector<16xi32>,
    %get3A_2080 = arith.constant 50 : i32
    %get3A_2081 = arith.index_cast %get3A_2080 : i32 to index
    %get3A_2082 = arith.constant 16 : index
    %get3A_2083 = tpu.vector_load %arg6[%get3A_2081, %get3A_2082] {strides = array<i32>} : memref<64x32xf32, #tpu.memory_space<vmem>>, vector<16xf32>,
    tpu.vector_store_idx %arg7[%broadcast_in_dim3A_2067, %get3A_2079], %broadcast_in_dim3A_10 : memref<4x4096xf32, #tpu.memory_space<vmem>>[vector<16xi32>, vector<16xi32>], vector<16xf32>,
    %broadcast_in_dim3A_2084 = arith.constant 3 : i32
    %broadcast_in_dim3A_2085 = vector.broadcast %broadcast_in_dim3A_2084 : i32 to vector<16xi32>
    %get3A_2086 = arith.constant 51 : i32
    %get3A_2087 = arith.index_cast %get3A_2086 : i32 to index
    %get3A_2088 = arith.constant 0 : index
    %get3A_2089 = tpu.vector_load %arg5[%get3A_2087, %get3A_2088] {strides = array<i32>} : memref<64x32xi32, #tpu.memory_space<vmem>>, vector<16xi32>,
    %get3A_2090 = arith.constant 51 : i32
    %get3A_2091 = arith.index_cast %get3A_2090 : i32 to index
    %get3A_2092 = arith.constant 0 : index
    %get3A_2093 = tpu.vector_load %arg6[%get3A_2091, %get3A_2092] {strides = array<i32>} : memref<64x32xf32, #tpu.memory_space<vmem>>, vector<16xf32>,
    tpu.vector_store_idx %arg7[%broadcast_in_dim3A_2085, %get3A_2089], %broadcast_in_dim3A_10 : memref<4x4096xf32, #tpu.memory_space<vmem>>[vector<16xi32>, vector<16xi32>], vector<16xf32>,
    %get3A_2094 = arith.constant 51 : i32
    %get3A_2095 = arith.index_cast %get3A_2094 : i32 to index
    %get3A_2096 = arith.constant 16 : index
    %get3A_2097 = tpu.vector_load %arg5[%get3A_2095, %get3A_2096] {strides = array<i32>} : memref<64x32xi32, #tpu.memory_space<vmem>>, vector<16xi32>,
    %get3A_2098 = arith.constant 51 : i32
    %get3A_2099 = arith.index_cast %get3A_2098 : i32 to index
    %get3A_2100 = arith.constant 16 : index
    %get3A_2101 = tpu.vector_load %arg6[%get3A_2099, %get3A_2100] {strides = array<i32>} : memref<64x32xf32, #tpu.memory_space<vmem>>, vector<16xf32>,
    tpu.vector_store_idx %arg7[%broadcast_in_dim3A_2085, %get3A_2097], %broadcast_in_dim3A_10 : memref<4x4096xf32, #tpu.memory_space<vmem>>[vector<16xi32>, vector<16xi32>], vector<16xf32>,
    %broadcast_in_dim3A_2102 = arith.constant 0 : i32
    %broadcast_in_dim3A_2103 = vector.broadcast %broadcast_in_dim3A_2102 : i32 to vector<16xi32>
    %get3A_2104 = arith.constant 56 : i32
    %get3A_2105 = arith.index_cast %get3A_2104 : i32 to index
    %get3A_2106 = arith.constant 0 : index
    %get3A_2107 = tpu.vector_load %arg5[%get3A_2105, %get3A_2106] {strides = array<i32>} : memref<64x32xi32, #tpu.memory_space<vmem>>, vector<16xi32>,
    %get3A_2108 = arith.constant 56 : i32
    %get3A_2109 = arith.index_cast %get3A_2108 : i32 to index
    %get3A_2110 = arith.constant 0 : index
    %get3A_2111 = tpu.vector_load %arg6[%get3A_2109, %get3A_2110] {strides = array<i32>} : memref<64x32xf32, #tpu.memory_space<vmem>>, vector<16xf32>,
    tpu.vector_store_idx %arg7[%broadcast_in_dim3A_2103, %get3A_2107], %get3A_2111 {add = true} : memref<4x4096xf32, #tpu.memory_space<vmem>>[vector<16xi32>, vector<16xi32>], vector<16xf32>,
    %get3A_2112 = arith.constant 56 : i32
    %get3A_2113 = arith.index_cast %get3A_2112 : i32 to index
    %get3A_2114 = arith.constant 16 : index
    %get3A_2115 = tpu.vector_load %arg5[%get3A_2113, %get3A_2114] {strides = array<i32>} : memref<64x32xi32, #tpu.memory_space<vmem>>, vector<16xi32>,
    %get3A_2116 = arith.constant 56 : i32
    %get3A_2117 = arith.index_cast %get3A_2116 : i32 to index
    %get3A_2118 = arith.constant 16 : index
    %get3A_2119 = tpu.vector_load %arg6[%get3A_2117, %get3A_2118] {strides = array<i32>} : memref<64x32xf32, #tpu.memory_space<vmem>>, vector<16xf32>,
    tpu.vector_store_idx %arg7[%broadcast_in_dim3A_2103, %get3A_2115], %get3A_2119 {add = true} : memref<4x4096xf32, #tpu.memory_space<vmem>>[vector<16xi32>, vector<16xi32>], vector<16xf32>,
    %broadcast_in_dim3A_2120 = arith.constant 1 : i32
    %broadcast_in_dim3A_2121 = vector.broadcast %broadcast_in_dim3A_2120 : i32 to vector<16xi32>
    %get3A_2122 = arith.constant 57 : i32
    %get3A_2123 = arith.index_cast %get3A_2122 : i32 to index
    %get3A_2124 = arith.constant 0 : index
    %get3A_2125 = tpu.vector_load %arg5[%get3A_2123, %get3A_2124] {strides = array<i32>} : memref<64x32xi32, #tpu.memory_space<vmem>>, vector<16xi32>,
    %get3A_2126 = arith.constant 57 : i32
    %get3A_2127 = arith.index_cast %get3A_2126 : i32 to index
    %get3A_2128 = arith.constant 0 : index
    %get3A_2129 = tpu.vector_load %arg6[%get3A_2127, %get3A_2128] {strides = array<i32>} : memref<64x32xf32, #tpu.memory_space<vmem>>, vector<16xf32>,
    tpu.vector_store_idx %arg7[%broadcast_in_dim3A_2121, %get3A_2125], %get3A_2129 {add = true} : memref<4x4096xf32, #tpu.memory_space<vmem>>[vector<16xi32>, vector<16xi32>], vector<16xf32>,
    %get3A_2130 = arith.constant 57 : i32
    %get3A_2131 = arith.index_cast %get3A_2130 : i32 to index
    %get3A_2132 = arith.constant 16 : index
    %get3A_2133 = tpu.vector_load %arg5[%get3A_2131, %get3A_2132] {strides = array<i32>} : memref<64x32xi32, #tpu.memory_space<vmem>>, vector<16xi32>,
    %get3A_2134 = arith.constant 57 : i32
    %get3A_2135 = arith.index_cast %get3A_2134 : i32 to index
    %get3A_2136 = arith.constant 16 : index
    %get3A_2137 = tpu.vector_load %arg6[%get3A_2135, %get3A_2136] {strides = array<i32>} : memref<64x32xf32, #tpu.memory_space<vmem>>, vector<16xf32>,
    tpu.vector_store_idx %arg7[%broadcast_in_dim3A_2121, %get3A_2133], %get3A_2137 {add = true} : memref<4x4096xf32, #tpu.memory_space<vmem>>[vector<16xi32>, vector<16xi32>], vector<16xf32>,
    %broadcast_in_dim3A_2138 = arith.constant 2 : i32
    %broadcast_in_dim3A_2139 = vector.broadcast %broadcast_in_dim3A_2138 : i32 to vector<16xi32>
    %get3A_2140 = arith.constant 58 : i32
    %get3A_2141 = arith.index_cast %get3A_2140 : i32 to index
    %get3A_2142 = arith.constant 0 : index
    %get3A_2143 = tpu.vector_load %arg5[%get3A_2141, %get3A_2142] {strides = array<i32>} : memref<64x32xi32, #tpu.memory_space<vmem>>, vector<16xi32>,
    %get3A_2144 = arith.constant 58 : i32
    %get3A_2145 = arith.index_cast %get3A_2144 : i32 to index
    %get3A_2146 = arith.constant 0 : index
    %get3A_2147 = tpu.vector_load %arg6[%get3A_2145, %get3A_2146] {strides = array<i32>} : memref<64x32xf32, #tpu.memory_space<vmem>>, vector<16xf32>,
    tpu.vector_store_idx %arg7[%broadcast_in_dim3A_2139, %get3A_2143], %get3A_2147 {add = true} : memref<4x4096xf32, #tpu.memory_space<vmem>>[vector<16xi32>, vector<16xi32>], vector<16xf32>,
    %get3A_2148 = arith.constant 58 : i32
    %get3A_2149 = arith.index_cast %get3A_2148 : i32 to index
    %get3A_2150 = arith.constant 16 : index
    %get3A_2151 = tpu.vector_load %arg5[%get3A_2149, %get3A_2150] {strides = array<i32>} : memref<64x32xi32, #tpu.memory_space<vmem>>, vector<16xi32>,
    %get3A_2152 = arith.constant 58 : i32
    %get3A_2153 = arith.index_cast %get3A_2152 : i32 to index
    %get3A_2154 = arith.constant 16 : index
    %get3A_2155 = tpu.vector_load %arg6[%get3A_2153, %get3A_2154] {strides = array<i32>} : memref<64x32xf32, #tpu.memory_space<vmem>>, vector<16xf32>,
    tpu.vector_store_idx %arg7[%broadcast_in_dim3A_2139, %get3A_2151], %get3A_2155 {add = true} : memref<4x4096xf32, #tpu.memory_space<vmem>>[vector<16xi32>, vector<16xi32>], vector<16xf32>,
    %broadcast_in_dim3A_2156 = arith.constant 3 : i32
    %broadcast_in_dim3A_2157 = vector.broadcast %broadcast_in_dim3A_2156 : i32 to vector<16xi32>
    %get3A_2158 = arith.constant 59 : i32
    %get3A_2159 = arith.index_cast %get3A_2158 : i32 to index
    %get3A_2160 = arith.constant 0 : index
    %get3A_2161 = tpu.vector_load %arg5[%get3A_2159, %get3A_2160] {strides = array<i32>} : memref<64x32xi32, #tpu.memory_space<vmem>>, vector<16xi32>,
    %get3A_2162 = arith.constant 59 : i32
    %get3A_2163 = arith.index_cast %get3A_2162 : i32 to index
    %get3A_2164 = arith.constant 0 : index
    %get3A_2165 = tpu.vector_load %arg6[%get3A_2163, %get3A_2164] {strides = array<i32>} : memref<64x32xf32, #tpu.memory_space<vmem>>, vector<16xf32>,
    tpu.vector_store_idx %arg7[%broadcast_in_dim3A_2157, %get3A_2161], %get3A_2165 {add = true} : memref<4x4096xf32, #tpu.memory_space<vmem>>[vector<16xi32>, vector<16xi32>], vector<16xf32>,
    %get3A_2166 = arith.constant 59 : i32
    %get3A_2167 = arith.index_cast %get3A_2166 : i32 to index
    %get3A_2168 = arith.constant 16 : index
    %get3A_2169 = tpu.vector_load %arg5[%get3A_2167, %get3A_2168] {strides = array<i32>} : memref<64x32xi32, #tpu.memory_space<vmem>>, vector<16xi32>,
    %get3A_2170 = arith.constant 59 : i32
    %get3A_2171 = arith.index_cast %get3A_2170 : i32 to index
    %get3A_2172 = arith.constant 16 : index
    %get3A_2173 = tpu.vector_load %arg6[%get3A_2171, %get3A_2172] {strides = array<i32>} : memref<64x32xf32, #tpu.memory_space<vmem>>, vector<16xf32>,
    tpu.vector_store_idx %arg7[%broadcast_in_dim3A_2157, %get3A_2169], %get3A_2173 {add = true} : memref<4x4096xf32, #tpu.memory_space<vmem>>[vector<16xi32>, vector<16xi32>], vector<16xf32>,
    %add3A_2174 = arith.constant 56 : i32
    %add3A_2175 = arith.addi %mul3A_2, %add3A_2174 : i32
    %dma_start3A_2176 = arith.constant 0 : i32
    %dma_start3A_2177 = tpu.memref_slice %arg4[%add3A_2175, %dma_start3A_2176] : memref<2048x4096xf32, #tpu.memory_space<hbm>> -> memref<4x4096xf32, #tpu.memory_space<hbm>>
    %dma_start3A_2178 = arith.constant 0 : i32
    %dma_start3A_2179 = tpu.memref_slice %arg4[%add3A_2175, %dma_start3A_2178] : memref<2048x4096xf32, #tpu.memory_space<hbm>> -> memref<4x4096xf32, #tpu.memory_space<hbm>>
    tpu.enqueue_dma source(%arg7 : memref<4x4096xf32, #tpu.memory_space<vmem>>) target(%dma_start3A_2179 : memref<4x4096xf32, #tpu.memory_space<hbm>>) target_semaphore(%arg9 : memref<!tpu.dma_semaphore, #tpu.memory_space<semaphore_mem>>)
    %dma_wait3A_2180 = arith.constant 0 : i32
    %dma_wait3A_2181 = tpu.memref_slice %arg4[%add3A_2021, %dma_wait3A_2180] : memref<2048x4096xf32, #tpu.memory_space<hbm>> -> memref<4x4096xf32, #tpu.memory_space<hbm>>
    %dma_wait3A_2182 = arith.constant 0 : i32
    %dma_wait3A_2183 = tpu.memref_slice %arg4[%add3A_2021, %dma_wait3A_2182] : memref<2048x4096xf32, #tpu.memory_space<hbm>> -> memref<4x4096xf32, #tpu.memory_space<hbm>>
    tpu.wait_dma2 semaphore(%arg10 : memref<!tpu.dma_semaphore, #tpu.memory_space<semaphore_mem>>) src(%arg8 : memref<4x4096xf32, #tpu.memory_space<vmem>>) dst(%dma_wait3A_2183 : memref<4x4096xf32, #tpu.memory_space<hbm>>)
    %broadcast_in_dim3A_2184 = arith.constant 0 : i32
    %broadcast_in_dim3A_2185 = vector.broadcast %broadcast_in_dim3A_2184 : i32 to vector<16xi32>
    %get3A_2186 = arith.constant 52 : i32
    %get3A_2187 = arith.index_cast %get3A_2186 : i32 to index
    %get3A_2188 = arith.constant 0 : index
    %get3A_2189 = tpu.vector_load %arg5[%get3A_2187, %get3A_2188] {strides = array<i32>} : memref<64x32xi32, #tpu.memory_space<vmem>>, vector<16xi32>,
    %get3A_2190 = arith.constant 52 : i32
    %get3A_2191 = arith.index_cast %get3A_2190 : i32 to index
    %get3A_2192 = arith.constant 0 : index
    %get3A_2193 = tpu.vector_load %arg6[%get3A_2191, %get3A_2192] {strides = array<i32>} : memref<64x32xf32, #tpu.memory_space<vmem>>, vector<16xf32>,
    tpu.vector_store_idx %arg8[%broadcast_in_dim3A_2185, %get3A_2189], %broadcast_in_dim3A_10 : memref<4x4096xf32, #tpu.memory_space<vmem>>[vector<16xi32>, vector<16xi32>], vector<16xf32>,
    %get3A_2194 = arith.constant 52 : i32
    %get3A_2195 = arith.index_cast %get3A_2194 : i32 to index
    %get3A_2196 = arith.constant 16 : index
    %get3A_2197 = tpu.vector_load %arg5[%get3A_2195, %get3A_2196] {strides = array<i32>} : memref<64x32xi32, #tpu.memory_space<vmem>>, vector<16xi32>,
    %get3A_2198 = arith.constant 52 : i32
    %get3A_2199 = arith.index_cast %get3A_2198 : i32 to index
    %get3A_2200 = arith.constant 16 : index
    %get3A_2201 = tpu.vector_load %arg6[%get3A_2199, %get3A_2200] {strides = array<i32>} : memref<64x32xf32, #tpu.memory_space<vmem>>, vector<16xf32>,
    tpu.vector_store_idx %arg8[%broadcast_in_dim3A_2185, %get3A_2197], %broadcast_in_dim3A_10 : memref<4x4096xf32, #tpu.memory_space<vmem>>[vector<16xi32>, vector<16xi32>], vector<16xf32>,
    %broadcast_in_dim3A_2202 = arith.constant 1 : i32
    %broadcast_in_dim3A_2203 = vector.broadcast %broadcast_in_dim3A_2202 : i32 to vector<16xi32>
    %get3A_2204 = arith.constant 53 : i32
    %get3A_2205 = arith.index_cast %get3A_2204 : i32 to index
    %get3A_2206 = arith.constant 0 : index
    %get3A_2207 = tpu.vector_load %arg5[%get3A_2205, %get3A_2206] {strides = array<i32>} : memref<64x32xi32, #tpu.memory_space<vmem>>, vector<16xi32>,
    %get3A_2208 = arith.constant 53 : i32
    %get3A_2209 = arith.index_cast %get3A_2208 : i32 to index
    %get3A_2210 = arith.constant 0 : index
    %get3A_2211 = tpu.vector_load %arg6[%get3A_2209, %get3A_2210] {strides = array<i32>} : memref<64x32xf32, #tpu.memory_space<vmem>>, vector<16xf32>,
    tpu.vector_store_idx %arg8[%broadcast_in_dim3A_2203, %get3A_2207], %broadcast_in_dim3A_10 : memref<4x4096xf32, #tpu.memory_space<vmem>>[vector<16xi32>, vector<16xi32>], vector<16xf32>,
    %get3A_2212 = arith.constant 53 : i32
    %get3A_2213 = arith.index_cast %get3A_2212 : i32 to index
    %get3A_2214 = arith.constant 16 : index
    %get3A_2215 = tpu.vector_load %arg5[%get3A_2213, %get3A_2214] {strides = array<i32>} : memref<64x32xi32, #tpu.memory_space<vmem>>, vector<16xi32>,
    %get3A_2216 = arith.constant 53 : i32
    %get3A_2217 = arith.index_cast %get3A_2216 : i32 to index
    %get3A_2218 = arith.constant 16 : index
    %get3A_2219 = tpu.vector_load %arg6[%get3A_2217, %get3A_2218] {strides = array<i32>} : memref<64x32xf32, #tpu.memory_space<vmem>>, vector<16xf32>,
    tpu.vector_store_idx %arg8[%broadcast_in_dim3A_2203, %get3A_2215], %broadcast_in_dim3A_10 : memref<4x4096xf32, #tpu.memory_space<vmem>>[vector<16xi32>, vector<16xi32>], vector<16xf32>,
    %broadcast_in_dim3A_2220 = arith.constant 2 : i32
    %broadcast_in_dim3A_2221 = vector.broadcast %broadcast_in_dim3A_2220 : i32 to vector<16xi32>
    %get3A_2222 = arith.constant 54 : i32
    %get3A_2223 = arith.index_cast %get3A_2222 : i32 to index
    %get3A_2224 = arith.constant 0 : index
    %get3A_2225 = tpu.vector_load %arg5[%get3A_2223, %get3A_2224] {strides = array<i32>} : memref<64x32xi32, #tpu.memory_space<vmem>>, vector<16xi32>,
    %get3A_2226 = arith.constant 54 : i32
    %get3A_2227 = arith.index_cast %get3A_2226 : i32 to index
    %get3A_2228 = arith.constant 0 : index
    %get3A_2229 = tpu.vector_load %arg6[%get3A_2227, %get3A_2228] {strides = array<i32>} : memref<64x32xf32, #tpu.memory_space<vmem>>, vector<16xf32>,
    tpu.vector_store_idx %arg8[%broadcast_in_dim3A_2221, %get3A_2225], %broadcast_in_dim3A_10 : memref<4x4096xf32, #tpu.memory_space<vmem>>[vector<16xi32>, vector<16xi32>], vector<16xf32>,
    %get3A_2230 = arith.constant 54 : i32
    %get3A_2231 = arith.index_cast %get3A_2230 : i32 to index
    %get3A_2232 = arith.constant 16 : index
    %get3A_2233 = tpu.vector_load %arg5[%get3A_2231, %get3A_2232] {strides = array<i32>} : memref<64x32xi32, #tpu.memory_space<vmem>>, vector<16xi32>,
    %get3A_2234 = arith.constant 54 : i32
    %get3A_2235 = arith.index_cast %get3A_2234 : i32 to index
    %get3A_2236 = arith.constant 16 : index
    %get3A_2237 = tpu.vector_load %arg6[%get3A_2235, %get3A_2236] {strides = array<i32>} : memref<64x32xf32, #tpu.memory_space<vmem>>, vector<16xf32>,
    tpu.vector_store_idx %arg8[%broadcast_in_dim3A_2221, %get3A_2233], %broadcast_in_dim3A_10 : memref<4x4096xf32, #tpu.memory_space<vmem>>[vector<16xi32>, vector<16xi32>], vector<16xf32>,
    %broadcast_in_dim3A_2238 = arith.constant 3 : i32
    %broadcast_in_dim3A_2239 = vector.broadcast %broadcast_in_dim3A_2238 : i32 to vector<16xi32>
    %get3A_2240 = arith.constant 55 : i32
    %get3A_2241 = arith.index_cast %get3A_2240 : i32 to index
    %get3A_2242 = arith.constant 0 : index
    %get3A_2243 = tpu.vector_load %arg5[%get3A_2241, %get3A_2242] {strides = array<i32>} : memref<64x32xi32, #tpu.memory_space<vmem>>, vector<16xi32>,
    %get3A_2244 = arith.constant 55 : i32
    %get3A_2245 = arith.index_cast %get3A_2244 : i32 to index
    %get3A_2246 = arith.constant 0 : index
    %get3A_2247 = tpu.vector_load %arg6[%get3A_2245, %get3A_2246] {strides = array<i32>} : memref<64x32xf32, #tpu.memory_space<vmem>>, vector<16xf32>,
    tpu.vector_store_idx %arg8[%broadcast_in_dim3A_2239, %get3A_2243], %broadcast_in_dim3A_10 : memref<4x4096xf32, #tpu.memory_space<vmem>>[vector<16xi32>, vector<16xi32>], vector<16xf32>,
    %get3A_2248 = arith.constant 55 : i32
    %get3A_2249 = arith.index_cast %get3A_2248 : i32 to index
    %get3A_2250 = arith.constant 16 : index
    %get3A_2251 = tpu.vector_load %arg5[%get3A_2249, %get3A_2250] {strides = array<i32>} : memref<64x32xi32, #tpu.memory_space<vmem>>, vector<16xi32>,
    %get3A_2252 = arith.constant 55 : i32
    %get3A_2253 = arith.index_cast %get3A_2252 : i32 to index
    %get3A_2254 = arith.constant 16 : index
    %get3A_2255 = tpu.vector_load %arg6[%get3A_2253, %get3A_2254] {strides = array<i32>} : memref<64x32xf32, #tpu.memory_space<vmem>>, vector<16xf32>,
    tpu.vector_store_idx %arg8[%broadcast_in_dim3A_2239, %get3A_2251], %broadcast_in_dim3A_10 : memref<4x4096xf32, #tpu.memory_space<vmem>>[vector<16xi32>, vector<16xi32>], vector<16xf32>,
    %broadcast_in_dim3A_2256 = arith.constant 0 : i32
    %broadcast_in_dim3A_2257 = vector.broadcast %broadcast_in_dim3A_2256 : i32 to vector<16xi32>
    %get3A_2258 = arith.constant 60 : i32
    %get3A_2259 = arith.index_cast %get3A_2258 : i32 to index
    %get3A_2260 = arith.constant 0 : index
    %get3A_2261 = tpu.vector_load %arg5[%get3A_2259, %get3A_2260] {strides = array<i32>} : memref<64x32xi32, #tpu.memory_space<vmem>>, vector<16xi32>,
    %get3A_2262 = arith.constant 60 : i32
    %get3A_2263 = arith.index_cast %get3A_2262 : i32 to index
    %get3A_2264 = arith.constant 0 : index
    %get3A_2265 = tpu.vector_load %arg6[%get3A_2263, %get3A_2264] {strides = array<i32>} : memref<64x32xf32, #tpu.memory_space<vmem>>, vector<16xf32>,
    tpu.vector_store_idx %arg8[%broadcast_in_dim3A_2257, %get3A_2261], %get3A_2265 {add = true} : memref<4x4096xf32, #tpu.memory_space<vmem>>[vector<16xi32>, vector<16xi32>], vector<16xf32>,
    %get3A_2266 = arith.constant 60 : i32
    %get3A_2267 = arith.index_cast %get3A_2266 : i32 to index
    %get3A_2268 = arith.constant 16 : index
    %get3A_2269 = tpu.vector_load %arg5[%get3A_2267, %get3A_2268] {strides = array<i32>} : memref<64x32xi32, #tpu.memory_space<vmem>>, vector<16xi32>,
    %get3A_2270 = arith.constant 60 : i32
    %get3A_2271 = arith.index_cast %get3A_2270 : i32 to index
    %get3A_2272 = arith.constant 16 : index
    %get3A_2273 = tpu.vector_load %arg6[%get3A_2271, %get3A_2272] {strides = array<i32>} : memref<64x32xf32, #tpu.memory_space<vmem>>, vector<16xf32>,
    tpu.vector_store_idx %arg8[%broadcast_in_dim3A_2257, %get3A_2269], %get3A_2273 {add = true} : memref<4x4096xf32, #tpu.memory_space<vmem>>[vector<16xi32>, vector<16xi32>], vector<16xf32>,
    %broadcast_in_dim3A_2274 = arith.constant 1 : i32
    %broadcast_in_dim3A_2275 = vector.broadcast %broadcast_in_dim3A_2274 : i32 to vector<16xi32>
    %get3A_2276 = arith.constant 61 : i32
    %get3A_2277 = arith.index_cast %get3A_2276 : i32 to index
    %get3A_2278 = arith.constant 0 : index
    %get3A_2279 = tpu.vector_load %arg5[%get3A_2277, %get3A_2278] {strides = array<i32>} : memref<64x32xi32, #tpu.memory_space<vmem>>, vector<16xi32>,
    %get3A_2280 = arith.constant 61 : i32
    %get3A_2281 = arith.index_cast %get3A_2280 : i32 to index
    %get3A_2282 = arith.constant 0 : index
    %get3A_2283 = tpu.vector_load %arg6[%get3A_2281, %get3A_2282] {strides = array<i32>} : memref<64x32xf32, #tpu.memory_space<vmem>>, vector<16xf32>,
    tpu.vector_store_idx %arg8[%broadcast_in_dim3A_2275, %get3A_2279], %get3A_2283 {add = true} : memref<4x4096xf32, #tpu.memory_space<vmem>>[vector<16xi32>, vector<16xi32>], vector<16xf32>,
    %get3A_2284 = arith.constant 61 : i32
    %get3A_2285 = arith.index_cast %get3A_2284 : i32 to index
    %get3A_2286 = arith.constant 16 : index
    %get3A_2287 = tpu.vector_load %arg5[%get3A_2285, %get3A_2286] {strides = array<i32>} : memref<64x32xi32, #tpu.memory_space<vmem>>, vector<16xi32>,
    %get3A_2288 = arith.constant 61 : i32
    %get3A_2289 = arith.index_cast %get3A_2288 : i32 to index
    %get3A_2290 = arith.constant 16 : index
    %get3A_2291 = tpu.vector_load %arg6[%get3A_2289, %get3A_2290] {strides = array<i32>} : memref<64x32xf32, #tpu.memory_space<vmem>>, vector<16xf32>,
    tpu.vector_store_idx %arg8[%broadcast_in_dim3A_2275, %get3A_2287], %get3A_2291 {add = true} : memref<4x4096xf32, #tpu.memory_space<vmem>>[vector<16xi32>, vector<16xi32>], vector<16xf32>,
    %broadcast_in_dim3A_2292 = arith.constant 2 : i32
    %broadcast_in_dim3A_2293 = vector.broadcast %broadcast_in_dim3A_2292 : i32 to vector<16xi32>
    %get3A_2294 = arith.constant 62 : i32
    %get3A_2295 = arith.index_cast %get3A_2294 : i32 to index
    %get3A_2296 = arith.constant 0 : index
    %get3A_2297 = tpu.vector_load %arg5[%get3A_2295, %get3A_2296] {strides = array<i32>} : memref<64x32xi32, #tpu.memory_space<vmem>>, vector<16xi32>,
    %get3A_2298 = arith.constant 62 : i32
    %get3A_2299 = arith.index_cast %get3A_2298 : i32 to index
    %get3A_2300 = arith.constant 0 : index
    %get3A_2301 = tpu.vector_load %arg6[%get3A_2299, %get3A_2300] {strides = array<i32>} : memref<64x32xf32, #tpu.memory_space<vmem>>, vector<16xf32>,
    tpu.vector_store_idx %arg8[%broadcast_in_dim3A_2293, %get3A_2297], %get3A_2301 {add = true} : memref<4x4096xf32, #tpu.memory_space<vmem>>[vector<16xi32>, vector<16xi32>], vector<16xf32>,
    %get3A_2302 = arith.constant 62 : i32
    %get3A_2303 = arith.index_cast %get3A_2302 : i32 to index
    %get3A_2304 = arith.constant 16 : index
    %get3A_2305 = tpu.vector_load %arg5[%get3A_2303, %get3A_2304] {strides = array<i32>} : memref<64x32xi32, #tpu.memory_space<vmem>>, vector<16xi32>,
    %get3A_2306 = arith.constant 62 : i32
    %get3A_2307 = arith.index_cast %get3A_2306 : i32 to index
    %get3A_2308 = arith.constant 16 : index
    %get3A_2309 = tpu.vector_load %arg6[%get3A_2307, %get3A_2308] {strides = array<i32>} : memref<64x32xf32, #tpu.memory_space<vmem>>, vector<16xf32>,
    tpu.vector_store_idx %arg8[%broadcast_in_dim3A_2293, %get3A_2305], %get3A_2309 {add = true} : memref<4x4096xf32, #tpu.memory_space<vmem>>[vector<16xi32>, vector<16xi32>], vector<16xf32>,
    %broadcast_in_dim3A_2310 = arith.constant 3 : i32
    %broadcast_in_dim3A_2311 = vector.broadcast %broadcast_in_dim3A_2310 : i32 to vector<16xi32>
    %get3A_2312 = arith.constant 63 : i32
    %get3A_2313 = arith.index_cast %get3A_2312 : i32 to index
    %get3A_2314 = arith.constant 0 : index
    %get3A_2315 = tpu.vector_load %arg5[%get3A_2313, %get3A_2314] {strides = array<i32>} : memref<64x32xi32, #tpu.memory_space<vmem>>, vector<16xi32>,
    %get3A_2316 = arith.constant 63 : i32
    %get3A_2317 = arith.index_cast %get3A_2316 : i32 to index
    %get3A_2318 = arith.constant 0 : index
    %get3A_2319 = tpu.vector_load %arg6[%get3A_2317, %get3A_2318] {strides = array<i32>} : memref<64x32xf32, #tpu.memory_space<vmem>>, vector<16xf32>,
    tpu.vector_store_idx %arg8[%broadcast_in_dim3A_2311, %get3A_2315], %get3A_2319 {add = true} : memref<4x4096xf32, #tpu.memory_space<vmem>>[vector<16xi32>, vector<16xi32>], vector<16xf32>,
    %get3A_2320 = arith.constant 63 : i32
    %get3A_2321 = arith.index_cast %get3A_2320 : i32 to index
    %get3A_2322 = arith.constant 16 : index
    %get3A_2323 = tpu.vector_load %arg5[%get3A_2321, %get3A_2322] {strides = array<i32>} : memref<64x32xi32, #tpu.memory_space<vmem>>, vector<16xi32>,
    %get3A_2324 = arith.constant 63 : i32
    %get3A_2325 = arith.index_cast %get3A_2324 : i32 to index
    %get3A_2326 = arith.constant 16 : index
    %get3A_2327 = tpu.vector_load %arg6[%get3A_2325, %get3A_2326] {strides = array<i32>} : memref<64x32xf32, #tpu.memory_space<vmem>>, vector<16xf32>,
    tpu.vector_store_idx %arg8[%broadcast_in_dim3A_2311, %get3A_2323], %get3A_2327 {add = true} : memref<4x4096xf32, #tpu.memory_space<vmem>>[vector<16xi32>, vector<16xi32>], vector<16xf32>,
    %add3A_2328 = arith.constant 60 : i32
    %add3A_2329 = arith.addi %mul3A_2, %add3A_2328 : i32
    %dma_start3A_2330 = arith.constant 0 : i32
    %dma_start3A_2331 = tpu.memref_slice %arg4[%add3A_2329, %dma_start3A_2330] : memref<2048x4096xf32, #tpu.memory_space<hbm>> -> memref<4x4096xf32, #tpu.memory_space<hbm>>
    %dma_start3A_2332 = arith.constant 0 : i32
    %dma_start3A_2333 = tpu.memref_slice %arg4[%add3A_2329, %dma_start3A_2332] : memref<2048x4096xf32, #tpu.memory_space<hbm>> -> memref<4x4096xf32, #tpu.memory_space<hbm>>
    tpu.enqueue_dma source(%arg8 : memref<4x4096xf32, #tpu.memory_space<vmem>>) target(%dma_start3A_2333 : memref<4x4096xf32, #tpu.memory_space<hbm>>) target_semaphore(%arg10 : memref<!tpu.dma_semaphore, #tpu.memory_space<semaphore_mem>>)
    %dma_wait3A_2334 = arith.constant 0 : i32
    %dma_wait3A_2335 = tpu.memref_slice %arg4[%add3A_2175, %dma_wait3A_2334] : memref<2048x4096xf32, #tpu.memory_space<hbm>> -> memref<4x4096xf32, #tpu.memory_space<hbm>>
    %dma_wait3A_2336 = arith.constant 0 : i32
    %dma_wait3A_2337 = tpu.memref_slice %arg4[%add3A_2175, %dma_wait3A_2336] : memref<2048x4096xf32, #tpu.memory_space<hbm>> -> memref<4x4096xf32, #tpu.memory_space<hbm>>
    tpu.wait_dma2 semaphore(%arg9 : memref<!tpu.dma_semaphore, #tpu.memory_space<semaphore_mem>>) src(%arg7 : memref<4x4096xf32, #tpu.memory_space<vmem>>) dst(%dma_wait3A_2337 : memref<4x4096xf32, #tpu.memory_space<hbm>>)
    %dma_wait3A_2338 = arith.constant 0 : i32
    %dma_wait3A_2339 = tpu.memref_slice %arg4[%add3A_2329, %dma_wait3A_2338] : memref<2048x4096xf32, #tpu.memory_space<hbm>> -> memref<4x4096xf32, #tpu.memory_space<hbm>>
    %dma_wait3A_2340 = arith.constant 0 : i32
    %dma_wait3A_2341 = tpu.memref_slice %arg4[%add3A_2329, %dma_wait3A_2340] : memref<2048x4096xf32, #tpu.memory_space<hbm>> -> memref<4x4096xf32, #tpu.memory_space<hbm>>
    tpu.wait_dma2 semaphore(%arg10 : memref<!tpu.dma_semaphore, #tpu.memory_space<semaphore_mem>>) src(%arg8 : memref<4x4096xf32, #tpu.memory_space<vmem>>) dst(%dma_wait3A_2341 : memref<4x4096xf32, #tpu.memory_space<hbm>>)
    return
  }
}

module attributes {stable_mosaic.version = 14 : i64} {
  func.func @_mm_body(%arg0: i32, %arg1: memref<1024x4096xf32, #tpu.memory_space<vmem>>, %arg2: memref<256x4096xf32, #tpu.memory_space<vmem>>, %arg3: memref<1x256xf32, #tpu.memory_space<vmem>>, %arg4: memref<1024x256xf32, #tpu.memory_space<vmem>>) attributes {dimension_semantics = [#tpu.dimension_semantics<arbitrary>], iteration_bounds = array<i64: 8>, scalar_prefetch = 0 : i64, scratch_operands = 0 : i64, tpu.core_type = #tpu.core_type<tc>, window_params = [{pipeline_mode = #tpu.pipeline_mode<synchronous>, transform_indices = @transform_0, window_bounds = array<i64: 1024, 4096>}, {transform_indices = @transform_1, window_bounds = array<i64: 256, 4096>}, {transform_indices = @transform_2, window_bounds = array<i64: 1, 256>}, {transform_indices = @transform_3, window_bounds = array<i64: 1024, 256>}]} {
    %get3A = arith.constant 0 : index
    %get3A_0 = arith.constant 0 : index
    %get3A_1 = vector.load %arg1[%get3A, %get3A_0] : memref<1024x4096xf32, #tpu.memory_space<vmem>>, vector<1024x4096xf32>
    %convert_element_type3A = arith.truncf %get3A_1 : vector<1024x4096xf32> to vector<1024x4096xbf16>
    %get3A_2 = arith.constant 0 : index
    %get3A_3 = arith.constant 0 : index
    %get3A_4 = vector.load %arg2[%get3A_2, %get3A_3] : memref<256x4096xf32, #tpu.memory_space<vmem>>, vector<256x4096xf32>
    %convert_element_type3A_5 = arith.truncf %get3A_4 : vector<256x4096xf32> to vector<256x4096xbf16>
    %dot_general3A = arith.constant dense<0.000000e+00> : vector<1024x256xf32>
    %dot_general3A_6 = tpu.matmul %convert_element_type3A, %convert_element_type3A_5, %dot_general3A {dimension_numbers = #tpu.dot_dimension_numbers<[1], [1], [0], [0], [0, 0, 1, 0], [], []>, transpose_lhs_hint = false} : vector<1024x4096xbf16>, vector<256x4096xbf16>, vector<1024x256xf32> -> vector<1024x256xf32>
    %get3A_7 = arith.constant 0 : index
    %get3A_8 = arith.constant 0 : index
    %get3A_9 = vector.load %arg3[%get3A_7, %get3A_8] : memref<1x256xf32, #tpu.memory_space<vmem>>, vector<1x256xf32>
    %add3A = vector.broadcast %get3A_9 : vector<1x256xf32> to vector<1024x256xf32>
    %add3A_10 = arith.addf %dot_general3A_6, %add3A : vector<1024x256xf32>
    %swap3A = arith.constant 0 : index
    %swap3A_11 = arith.constant 0 : index
    %swap3A_12 = vector.load %arg4[%swap3A, %swap3A_11] : memref<1024x256xf32, #tpu.memory_space<vmem>>, vector<1024x256xf32>
    tpu.vector_store %arg4[%swap3A, %swap3A_11], %add3A_10 {strides = array<i32>} : memref<1024x256xf32, #tpu.memory_space<vmem>>, vector<1024x256xf32>,
    return
  }
  func.func @transform_0(%arg0: i32) -> (i32, i32) {
    %c0_i32 = arith.constant 0 : i32
    %c0_i32_0 = arith.constant 0 : i32
    %c0_i32_1 = arith.constant 0 : i32
    return %c0_i32, %c0_i32_0 : i32, i32
  }
  func.func @transform_1(%arg0: i32) -> (i32, i32) {
    %c0_i32 = arith.constant 0 : i32
    %c0_i32_0 = arith.constant 0 : i32
    return %arg0, %c0_i32 : i32, i32
  }
  func.func @transform_2(%arg0: i32) -> (i32, i32) {
    %c0_i32 = arith.constant 0 : i32
    %c0_i32_0 = arith.constant 0 : i32
    return %c0_i32, %arg0 : i32, i32
  }
  func.func @transform_3(%arg0: i32) -> (i32, i32) {
    %c0_i32 = arith.constant 0 : i32
    %c0_i32_0 = arith.constant 0 : i32
    return %c0_i32, %arg0 : i32, i32
  }
}

</mosaic_0001>

<sc_bundles>
// kernel: kernel.4.cloned.1.call-start
scs
__scs_entry_jumppad:
0x0: {  	(pc) =	sbr.rel $0x88, $3  }
0x1: {  	(tag) =	ssettag $0x0;
	lr =	simm.s32 $0x1  }
0x2: {  	[smem:$0x3F9D] =	sst lr;
	_ =	strace $0xD0000000  }
0x3: {  	_ = 	snop  }
0x4: {  	_ = 	snop  }
0x5: {  	_ = 	snop  }
0x6: {  	_ = 	snop  }
0x7: {  	_ = 	snop  }
__scs_overlays_trampoline_lowered:
0x8: {  	[smem:$0x3FAC] =	sst s0  }
0x9: {  	[smem:$0x3FAD] =	sst s1  }
0xa: {  	[smem:$0x3FAE] =	sst s2  }
0xb: {  	[smem:$0x3FAF] =	sst s3  }
0xc: {  	[smem:$0x3FB0] =	sst s4  }
0xd: {  	[smem:$0x3FB1] =	sst s5  }
0xe: {  	[smem:$0x3FB2] =	sst s6  }
0xf: {  	[smem:$0x3FB3] =	sst s7  }
0x10: {  	[smem:$0x3FB4] =	sst s8  }
0x11: {  	[smem:$0x3FB5] =	sst s9;
	s0 =	simm.s32 @!p0 $0x0  }
0x12: {  	s1 =	sld [smem:$0x3F9B];
	s0 =	simm.s32 @p0 $0x1  }
0x13: {  	[smem:$0x3FB6] =	sst s0;
	s0 =	simm.s32 @!p1 $0x0  }
0x14: {  	s2 =	sld [smem:$0x3F9A];
	s0 =	simm.s32 @p1 $0x1  }
0x15: {  	[smem:$0x3FB7] =	sst s0;
	s0 =	simm.s32 @!p2 $0x0  }
0x16: {  	s3 =	sld [smem:$0x3FDB];
	s0 =	simm.s32 @p2 $0x1  }
0x17: {  	s4 =	simm.s32 $0x1BF5;
	[smem:$0x3FB9] =	sst s0  }
0x18: {  	s0 =	sld [smem:$0x3F9C];
	_ =	swait.ge [sflag:s4], $0x0  }
0x19: {  	s7 =	sld [smem:$0x3F9D]  }
0x1a: {  	s8 =	sadd.s32 $0xFFFFE003, lr  }
0x1b: {  	s9 =	sadd.s32 $0xFFFFFEF7, lr;
	s5 =	simm.s32 $0xFFFFFFFF;
	p2 =	slt.u32 s8, $0xFFFFF086  }
0x1c: {  	p1 =	slt.u32 s9, $0xF7A;
	s5 =	simm.s32 @!p2 $0x0  }
0x1d: {  	s5 =	simm.s32 @p1 $0x1;
	p0 =	seq.s32 s7, s2  }
0x1e: {  	s7 =	smul.u32 @!p0 $0xF7A, s2;
	p2 =	seq.s32 @!p0 s5, $0x0  }
0x1f: {  	s9 =	smul.u32 $0xF7A, s1;
	s8 =	simm.s32 @!p0 $0x1BF5;
	p2 =	por !p2, p0  }
0x20: {  	[sflag:s8] =	ssyncset.s32 @!p0 $0xFFFFF086;
	s6 =	sadd.s32 @!p0 s3, s7;
	s7 =	simm.s32 @!p0 $0x108  }
0x21: {  	s3 =	sadd.s32 s3, s9;
	s6 =	sadd.s32 @!p0 $0x88, s6;
	s7 =	simm.s32 @p2 $0x1082  }
0x22: {  	[simem:s7], [sflag:s8] =	dma.local @!p0 [hbm:s6], $0xF7A  }
0x23: {  	s9 =	sor.u32 $0xD0000000, s2;
	s6 =	simm.s32 $0x108;
	_ =	swait.ge @!p0 [sflag:s8], $0x0  }
0x24: {  	s3 =	sadd.s32 $0x88, s3;
	s6 =	simm.s32 @!p1 $0x1082;
	[sflag:s4] =	ssyncset.s32 $0xFFFFF086  }
0x25: {  	[simem:s6], [sflag:s4] =	dma.local [hbm:s3], $0xF7A  }
0x26: {  	[smem:$0x3F9D] =	sst s1;
	(tag) =	ssettag s2;
	_ =	strace s9  }
0x27: {  	s1 =	sld [smem:$0x3FAD]  }
0x28: {  	s2 =	sld [smem:$0x3FAE]  }
0x29: {  	s4 =	sld [smem:$0x3FB0]  }
0x2a: {  	p0 =	seq.s32 s5, $0x0;
	s5 =	sld [smem:$0x3FB1]  }
0x2b: {  	s6 =	sld [smem:$0x3FB2]  }
0x2c: {  	s7 =	sld [smem:$0x3FB3]  }
0x2d: {  	s3 =	simm.s32 $0x108;
	s8 =	sld [smem:$0x3FB4]  }
0x2e: {  	s3 =	simm.s32 @!p0 $0x1082;
	s9 =	sld [smem:$0x3FB5]  }
0x2f: {  	lr =	sadd.s32 s0, s3;
	s0 =	sld [smem:$0x3FAC]  }
0x30: {  	s3 =	sld [smem:$0x3FAF]  }
0x31: {  	[smem:$0x3FB8] =	sst s10  }
0x32: {  	s10 =	sld [smem:$0x3FB6];
	_ =	sdelay $0x3  }
0x33: {  	p0 =	seq.s32 s10, $0x1;
	s10 =	sld [smem:$0x3FB8];
	_ =	sdelay $0x3  }
0x34: {  	[smem:$0x3FB8] =	sst s10  }
0x35: {  	s10 =	sld [smem:$0x3FB7];
	_ =	sdelay $0x3  }
0x36: {  	p1 =	seq.s32 s10, $0x1;
	s10 =	sld [smem:$0x3FB8];
	_ =	sdelay $0x3  }
0x37: {  	[smem:$0x3FB8] =	sst s10  }
0x38: {  	s10 =	sld [smem:$0x3FB9]  }
0x39: {  	_ = 	snop;
	(pc) =	sbr.ind lr, $3  }
0x3a: {  	_ = 	snop  }
0x3b: {  	_ = 	snop  }
0x3c: {  	p2 =	seq.s32 s10, $0x1;
	s10 =	sld [smem:$0x3FB8]  }
0x3d: {  	_ =	shalt  }
0x3e: {  	_ =	shalt  }
0x3f: {  	_ =	shalt  }
0x40: {  	_ =	shalt  }
0x41: {  	_ =	shalt  }
0x42: {  	_ =	shalt  }
0x43: {  	_ =	shalt  }
0x44: {  	_ =	shalt  }
0x45: {  	_ =	shalt  }
0x46: {  	_ =	shalt  }
0x47: {  	_ =	shalt  }
0x48: {  	_ =	shalt  }
0x49: {  	_ =	shalt  }
0x4a: {  	_ =	shalt  }
0x4b: {  	_ =	shalt  }
0x4c: {  	_ =	shalt  }
0x4d: {  	_ =	shalt  }
0x4e: {  	_ =	shalt  }
0x4f: {  	_ =	shalt  }
0x50: {  	_ =	shalt  }
0x51: {  	_ =	shalt  }
0x52: {  	_ =	shalt  }
0x53: {  	_ =	shalt  }
0x54: {  	_ =	shalt  }
0x55: {  	_ =	shalt  }
0x56: {  	_ =	shalt  }
0x57: {  	_ =	shalt  }
0x58: {  	_ =	shalt  }
0x59: {  	_ =	shalt  }
0x5a: {  	_ =	shalt  }
0x5b: {  	_ =	shalt  }
0x5c: {  	_ =	shalt  }
0x5d: {  	_ =	shalt  }
0x5e: {  	_ =	shalt  }
0x5f: {  	_ =	shalt  }
0x60: {  	_ =	shalt  }
0x61: {  	_ =	shalt  }
0x62: {  	_ =	shalt  }
0x63: {  	_ =	shalt  }
0x64: {  	_ =	shalt  }
0x65: {  	_ =	shalt  }
0x66: {  	_ =	shalt  }
0x67: {  	_ =	shalt  }
0x68: {  	_ =	shalt  }
0x69: {  	_ =	shalt  }
0x6a: {  	_ =	shalt  }
0x6b: {  	_ =	shalt  }
0x6c: {  	_ =	shalt  }
0x6d: {  	_ =	shalt  }
0x6e: {  	_ =	shalt  }
0x6f: {  	_ =	shalt  }
0x70: {  	_ =	shalt  }
0x71: {  	_ =	shalt  }
0x72: {  	_ =	shalt  }
0x73: {  	_ =	shalt  }
0x74: {  	_ =	shalt  }
0x75: {  	_ =	shalt  }
0x76: {  	_ =	shalt  }
0x77: {  	_ =	shalt  }
0x78: {  	_ =	shalt  }
0x79: {  	_ =	shalt  }
0x7a: {  	_ =	shalt  }
0x7b: {  	_ =	shalt  }
0x7c: {  	_ =	shalt  }
0x7d: {  	_ =	shalt  }
0x7e: {  	_ =	shalt  }
0x7f: {  	_ =	shalt  }
0x80: {  	_ =	shalt  }
0x81: {  	_ =	shalt  }
0x82: {  	_ =	shalt  }
0x83: {  	_ =	shalt  }
0x84: {  	_ =	shalt  }
0x85: {  	_ =	shalt  }
0x86: {  	_ =	shalt  }
0x87: {  	_ =	shalt  }
.Lfunc_end0:
.L_simem_size_0:
called_computation_lowered:
.L_overlay_start_0:
0x88: {  	s2 =	sld [smem:$0x3FD9]  }
0x89: {  	s3 =	sld [smem:$0x3FFE];
	_ =	sdelay $0x1  }
0x8a: {  	s1 =	srdreg.scid  }
0x8b: {  	s0 =	sand.u32 $0x1, s1  }
0x8c: {  	s17 =	sshll.u32 s0, $0xA;
	s2 =	sadd.s32 s3, s2  }
0x8d: {  	s2 =	sadd.s32 s2, s17  }
0x8e: {  	[smem:$0x3FC4] =	sst s2  }
0x8f: {  	_ = 	snop  }
0x90: {  	s2 =	sld [smem:$0x3FD0];
	(tm) =	ssettm $0x1  }
0x91: {  	s18 =	sld [smem:$0x3FFB];
	_ =	sdelay $0x3  }
0x92: {  	_ =	strace s18  }
0x93: {  	s3 =	sld [smem:$0x3FFC];
	_ =	sdelay $0x3  }
0x94: {  	_ =	strace s3  }
0x95: {  	s3 =	sld [smem:$0x3FFD];
	_ =	sdelay $0x3  }
0x96: {  	_ =	strace s3  }
0x97: {  	_ =	strace $0x8FFFFFFF  }
0x98: {  	s19 =	sld [smem:$0x3FDB];
	_ =	sdelay $0x1  }
0x99: {  	s4 =	simm.s32 $_scs_section_size  }
0x9a: {  	s5 =	simm.s32 $_size__tile_overlayer_lowered;
	s6 =	simm.s32 $_tile_overlayer_lowered  }
0x9b: {  	s22 =	simm.s32 $0x1BFF;
	s21 =	sshll.u32 s6, $0x1;
	s3 =	sadd.s32 s4, s19  }
0x9c: {  	s7 =	simm.s32 $0x0;
	s20 =	sshll.u32 s5, $0x1;
	s5 =	sadd.s32 s21, s3  }
0x9d: {  	[timem:s7], [sflag:s22] =	dma.local [hbm:s5], s20  }
0x9e: {  	_ =	swait.ge [sflag:s22], s20  }
0x9f: {  	s4 =	ssub.s32 $0x0, s20;
	[sflag:s22] =	ssyncset.done $0x0  }
0xa0: {  	[sflag:s22] =	ssyncadd.s32 s4;
	_ =	sdelay $0x1  }
0xa1: {  	s23 =	simm.s32 $0x1B8B  }
0xa2: {  	_ =	swait.ge [sflag:s23], $0x1  }
0xa3: {  	[sflag:s23] =	ssyncset.done $0x0  }
0xa4: {  	s25 =	simm.s32 $0x1B8E;
	s24 =	sld [smem:$0x3FFE];
	[sflag:s23] =	ssyncadd.s32 $0xFFFFFFFF  }
0xa5: {  	s26 =	simm.s32 $execute0_lowered;
	[smem:$0x3FD2] =	sst s25  }
0xa6: {  	s5 =	sshll.u32 s26, $0x1;
	_ =	strace $0x80000046;
	[dreg:$0x1] =	wrdreg $0xFFFFFFFF  }
0xa7: {  	s28 =	simm.s32 $_size_execute0_lowered;
	s3 =	sadd.s32 s3, s5;
	[dreg:$0x0] =	wrdreg $0x0  }
0xa8: {  	s5 =	sshll.u32 s28, $0x1;
	[dreg:$0x2] =	wrdreg s3  }
0xa9: {  	[dreg:$0x3] =	wrdreg s5  }
0xaa: {  	[dreg:$0x4] =	wrdreg $0xC0  }
0xab: {  	_ =	task [dreg:s7], $0x5FFFF  }
0xac: {  	[dreg:$0x1] =	wrdreg $0xFFFFFFFF  }
0xad: {  	[dreg:$0x0] =	wrdreg $0x60  }
0xae: {  	[dreg:$0x2] =	wrdreg s2  }
0xaf: {  	[dreg:$0x3] =	wrdreg s24  }
0xb0: {  	[dreg:$0x4] =	wrdreg $0x9  }
0xb1: {  	_ =	task.clear_ibuf [dreg:s7], $0x5FFFF;
	_ =	strace $0x90000046  }
0xb2: {  	s29 =	simm.s32 $0x9;
	_ =	strace $0x80000048  }
0xb3: {  	_ =	swait.ge [sflag:s29], $0x1  }
0xb4: {  	[sflag:s29] =	ssyncadd.s32 $0xFFFFFFFF  }
0xb5: {  	_ =	strace $0x90000048  }
0xb6: {  	_ =	sfence  }
0xb7: {  	s30 =	sld [smem:$0x0];
	_ =	sdelay $0x2  }
0xb8: {  	s31 =	sshll.u32 s1, $0xD;
	s1 =	sshrl.u32 s1, $0x2  }
0xb9: {  	s3 =	sand.u32 $0x4000, s31;
	s1 =	sadd.s32 s1, s30  }
0xba: {  	s0 =	sor.u32 s3, s0;
	s1 =	sshll.u32 s1, $0x11  }
0xbb: {  	s0 =	sor.u32 s1, s0  }
0xbc: {  	s0 =	sadd.s32 $0x8F2B, s0  }
0xbd: {  	[sflag:s0] =	ssyncadd.remote.s32 $0x1  }
0xbe: {  	_ =	sfence.sel $0xFFFF  }
0xbf: {  	[dreg:$0x0] =	wrdreg $0xFFFFFFFF;
	(pc) =	sbr.abs _section_cstart, $3  }
0xc0: {  	[dreg:$0x1] =	wrdreg $0xFFFFFFFF  }
0xc1: {  	_ =	task.clear_ibuf [dreg:s7], $0x2FFFF;
	_ =	strace $0x9FFFFFFF  }
0xc2: {  	(tm) =	ssettm $0x7FFFFFFF  }
0xc3: {  	_ =	shalt  }
tec
execute0_lowered:
.L_overlay_start_1:
0x0: {  	(tag) =	ssettag $0x1  }
0x1: {  	s0 =	rddreg [dreg:$0x0]  }
0x2: {  	s1 =	rddreg [dreg:$0x1];
	s3 =	srdreg.scid  }
0x3: {  	s2 =	simm.s32 $0x0;
	s5 =	stileid.u32;
	s23 =	simm.s32 $0x1  }
0x4: {  	s24 =	simm.s32 $0x2;
	s25 =	simm.s32 $0x4000;
	s26 =	simm.s32 $0x200  }
0x5: {  	s28 =	simm.s32 $0x400;
	s29 =	simm.s32 $0x8000;
	s3 =	sand.u32 $0x1, s3  }
0x6: {  	s30 =	simm.s32 $0x0;
	s5 =	sshll.u32 s5, $0x6;
	s4 =	sshll.u32 s3, $0xA  }
0x7: {  	[smem:$0x7FF] =	sst s2;
	s3 =	ssub.s32 $0x2, s3;
	s4 =	sor.u32 s5, s4  }
0x8: {  	_ =	strace $0x80000047;
	s6 =	sshrl.u32 s3, $0x1;
	s5 =	sshll.u32 s4, $0x4  }
0x9: {  	s4 =	sshll.u32 s4, $0x9;
	s3 =	ssub.s32 s3, s6;
	s7 =	sadd.s32 s5, s1  }
0xa: {  	s1 =	sadd.s32 s4, s1;
	s4 =	sadd.s32 s0, s5;
	s21 =	smax.u32 s3, $0x1  }
0xb: {  	s31 =	sadd.s32 $0x1600, s7;
	s5 =	sadd.s32 $0x9600, s1;
	s6 =	sadd.s32 $0x9640, s1  }
0xc: {  	s7 =	sadd.s32 $0xA600, s1;
	s8 =	sadd.s32 $0xA640, s1;
	s9 =	sadd.s32 $0xB600, s1  }
0xd: {  	s10 =	sadd.s32 $0xB640, s1;
	s11 =	sadd.s32 $0xC600, s1;
	s12 =	sadd.s32 $0xC640, s1  }
0xe: {  	s13 =	sadd.s32 $0xD600, s1;
	s14 =	sadd.s32 $0xD640, s1;
	s15 =	sadd.s32 $0xE600, s1  }
0xf: {  	s16 =	sadd.s32 $0xE640, s1;
	s17 =	sadd.s32 $0xF600, s1;
	s18 =	sadd.s32 $0xF640, s1  }
0x10: {  	v0 =	vimm.f32 $0.0e+00;
	s19 =	sadd.s32 $0x10600, s1;
	s20 =	sadd.s32 $0x10640, s1;
	[dreg:$0x3] =	wrdreg s31  }
.LBB2_1:
0x11: {  	s0 =	rddreg [dreg:$0x3]  }
0x12: {  	[tilespmem:s2], [sflag:$0x1] =	stream.linear.gather [hbm4b:s0+s2], $0x2000, $0x38;
	[tilespmem:$0xC000] =	vst v63  }
0x13: {  	s1 =	simm.s32 $0x2000  }
0x14: {  	[tilespmem:s1], [sflag:$0x2] =	stream.linear.gather [hbm4b:s4+s2], $0x2000, $0x38;
	[tilespmem:$0xC000] =	vst v63  }
0x15: {  	s3 =	sand.u32 $0x70, s2;
	s1 =	sand.u32 $0x3E00, s2  }
0x16: {  	s31 =	sor.u32 s3, s1  }
0x17: {  	[tilespmem:s31+$0x8180] =	vst v0  }
0x18: {  	[tilespmem:s31+$0x4000] =	vst v0  }
0x19: {  	[tilespmem:s31+$0x8000] =	vst v0  }
0x1a: {  	[tilespmem:s31+$0x4080] =	vst v0  }
0x1b: {  	[tilespmem:s31+$0x8080] =	vst v0  }
0x1c: {  	s22 =	simm.s32 $0x10;
	s0 =	simm.s32 $0x40;
	[tilespmem:s31+$0x4100] =	vst v0  }
0x1d: {  	s22 =	sand.u32 $0x70, s22;
	s3 =	sand.u32 $0x3E00, s0;
	s1 =	simm.s32 $0x20;
	[tilespmem:s31+$0x8100] =	vst v0  }
.LBB2_2:
0x1e: {  	p0 =	sne.s32 s1, $0xFF0;
	[tilespmem:s31+$0x4180] =	vst v0;
	s31 =	sor.u32 s22, s3  }
0x1f: {  	[tilespmem:s31+$0x8180] =	vst v0  }
0x20: {  	[tilespmem:s31+$0x4000] =	vst v0  }
.Ltmp0:
0x21: {  	[tilespmem:s31+$0x8000] =	vst v0;
	(pc) =	sbr.rel @p0 .LBB2_2-.Ltmp0, $4  }
0x22: {  	[tilespmem:s31+$0x4080] =	vst v0  }
0x23: {  	[tilespmem:s31+$0x8080] =	vst v0  }
0x24: {  	s0 =	sadd.s32 $0x40, s0;
	[tilespmem:s31+$0x4100] =	vst v0  }
0x25: {  	s22 =	sand.u32 $0x70, s1;
	s1 =	sadd.s32 $0x10, s1;
	s3 =	sand.u32 $0x3E00, s0;
	[tilespmem:s31+$0x8100] =	vst v0  }
0x26: {  	s0 =	sor.u32 s22, s3;
	[tilespmem:s31+$0x4180] =	vst v0  }
0x27: {  	[tilespmem:s0+$0x8180] =	vst v0  }
0x28: {  	[tilespmem:s0+$0x4000] =	vst v0  }
0x29: {  	[tilespmem:s0+$0x8000] =	vst v0  }
0x2a: {  	[tilespmem:s0+$0x4080] =	vst v0  }
0x2b: {  	[tilespmem:s0+$0x8080] =	vst v0  }
0x2c: {  	[tilespmem:s0+$0x4100] =	vst v0  }
0x2d: {  	[tilespmem:s0+$0x8100] =	vst v0  }
0x2e: {  	[tilespmem:s0+$0x4180] =	vst v0  }
0x2f: {  	_ =	swait.ge [sflag:s23], $0x2000  }
0x30: {  	[sflag:s23] =	ssyncset.done $0x0  }
0x31: {  	[sflag:s23] =	ssyncadd.s32 $0xFFFFE000  }
0x32: {  	_ =	swait.ge [sflag:s24], $0x2000  }
0x33: {  	[sflag:s24] =	ssyncset.done $0x0  }
0x34: {  	[sflag:s24] =	ssyncadd.s32 $0xFFFFE000  }
0x35: {  	v1 =	vld [tilespmem:$0x0];
	_ =	sdelay $0x4  }
0x36: {  	v2 =	vshll.u32 v1, $0x2  }
0x37: {  	v1 =	vand.u32 $0x7F, v1;
	v2 =	vand.u32 $0xFFFFFE00, v2  }
0x38: {  	v3 =	vld [tilespmem:$0x2000];
	v1 =	vor.u32 v1, v2;
	_ =	sdelay $0x4  }
0x39: {  	[tilespmem:v1+s25+$0x0] =	vst.idx.add.f32.msk $0xffff, v3  }
0x3a: {  	v1 =	vld [tilespmem:$0x10];
	_ =	sdelay $0x4  }
0x3b: {  	v2 =	vshll.u32 v1, $0x2  }
0x3c: {  	v1 =	vand.u32 $0x7F, v1;
	v2 =	vand.u32 $0xFFFFFE00, v2  }
0x3d: {  	v3 =	vld [tilespmem:$0x2010];
	v1 =	vor.u32 v1, v2;
	_ =	sdelay $0x4  }
0x3e: {  	[tilespmem:v1+s25+$0x0] =	vst.idx.add.f32.msk $0xffff, v3  }
0x3f: {  	v1 =	vld [tilespmem:$0x80];
	_ =	sdelay $0x4  }
0x40: {  	v2 =	vshll.u32 v1, $0x2  }
0x41: {  	v1 =	vand.u32 $0x7F, v1;
	v2 =	vand.u32 $0xFFFFFE00, v2  }
0x42: {  	v1 =	vor.u32 v2, v1  }
0x43: {  	v2 =	vld [tilespmem:$0x2080];
	v1 =	vor.u32 $0x80, v1;
	_ =	sdelay $0x4  }
0x44: {  	[tilespmem:v1+s25+$0x0] =	vst.idx.add.f32.msk $0xffff, v2  }
0x45: {  	v1 =	vld [tilespmem:$0x90];
	_ =	sdelay $0x4  }
0x46: {  	v2 =	vshll.u32 v1, $0x2  }
0x47: {  	v1 =	vand.u32 $0x7F, v1;
	v2 =	vand.u32 $0xFFFFFE00, v2  }
0x48: {  	v1 =	vor.u32 v2, v1  }
0x49: {  	v2 =	vld [tilespmem:$0x2090];
	v1 =	vor.u32 $0x80, v1;
	_ =	sdelay $0x4  }
0x4a: {  	[tilespmem:v1+s25+$0x0] =	vst.idx.add.f32.msk $0xffff, v2  }
0x4b: {  	v1 =	vld [tilespmem:$0x100];
	_ =	sdelay $0x4  }
0x4c: {  	v2 =	vshll.u32 v1, $0x2  }
0x4d: {  	v1 =	vand.u32 $0x7F, v1;
	v2 =	vand.u32 $0xFFFFFE00, v2  }
0x4e: {  	v1 =	vor.u32 v2, v1  }
0x4f: {  	v2 =	vld [tilespmem:$0x2100];
	v1 =	vor.u32 $0x100, v1;
	_ =	sdelay $0x4  }
0x50: {  	[tilespmem:v1+s25+$0x0] =	vst.idx.add.f32.msk $0xffff, v2  }
0x51: {  	v1 =	vld [tilespmem:$0x110];
	_ =	sdelay $0x4  }
0x52: {  	v2 =	vshll.u32 v1, $0x2  }
0x53: {  	v1 =	vand.u32 $0x7F, v1;
	v2 =	vand.u32 $0xFFFFFE00, v2  }
0x54: {  	v1 =	vor.u32 v2, v1  }
0x55: {  	v2 =	vld [tilespmem:$0x2110];
	v1 =	vor.u32 $0x100, v1;
	_ =	sdelay $0x4  }
0x56: {  	[tilespmem:v1+s25+$0x0] =	vst.idx.add.f32.msk $0xffff, v2  }
0x57: {  	v1 =	vld [tilespmem:$0x180];
	_ =	sdelay $0x4  }
0x58: {  	v2 =	vshll.u32 v1, $0x2  }
0x59: {  	v1 =	vand.u32 $0x7F, v1;
	v2 =	vand.u32 $0xFFFFFE00, v2  }
0x5a: {  	v1 =	vor.u32 v2, v1  }
0x5b: {  	v2 =	vld [tilespmem:$0x2180];
	v1 =	vor.u32 $0x180, v1;
	_ =	sdelay $0x4  }
0x5c: {  	[tilespmem:v1+s25+$0x0] =	vst.idx.add.f32.msk $0xffff, v2  }
0x5d: {  	v1 =	vld [tilespmem:$0x190];
	_ =	sdelay $0x4  }
0x5e: {  	v2 =	vshll.u32 v1, $0x2  }
0x5f: {  	v1 =	vand.u32 $0x7F, v1;
	v2 =	vand.u32 $0xFFFFFE00, v2  }
0x60: {  	v1 =	vor.u32 v2, v1  }
0x61: {  	v2 =	vld [tilespmem:$0x2190];
	v1 =	vor.u32 $0x180, v1;
	_ =	sdelay $0x4  }
0x62: {  	[tilespmem:v1+s25+$0x0] =	vst.idx.add.f32.msk $0xffff, v2  }
0x63: {  	[hbm4b:s5+s26] =	stream.strided.scatter [tilespmem:s25], [sflag:$0x1], $0x4000, s28, s26, $0x38;
	[tilespmem:$0xC000] =	vst v63  }
0x64: {  	v1 =	vld [tilespmem:$0x200];
	_ =	sdelay $0x4  }
0x65: {  	v2 =	vshll.u32 v1, $0x2  }
0x66: {  	v1 =	vand.u32 $0x7F, v1;
	v2 =	vand.u32 $0xFFFFFE00, v2  }
0x67: {  	v3 =	vld [tilespmem:$0x2200];
	v1 =	vor.u32 v1, v2;
	_ =	sdelay $0x4  }
0x68: {  	[tilespmem:v1+s29+$0x0] =	vst.idx.add.f32.msk $0xffff, v3  }
0x69: {  	v1 =	vld [tilespmem:$0x210];
	_ =	sdelay $0x4  }
0x6a: {  	v2 =	vshll.u32 v1, $0x2  }
0x6b: {  	v1 =	vand.u32 $0x7F, v1;
	v2 =	vand.u32 $0xFFFFFE00, v2  }
0x6c: {  	v3 =	vld [tilespmem:$0x2210];
	v1 =	vor.u32 v1, v2;
	_ =	sdelay $0x4  }
0x6d: {  	[tilespmem:v1+s29+$0x0] =	vst.idx.add.f32.msk $0xffff, v3  }
0x6e: {  	v1 =	vld [tilespmem:$0x280];
	_ =	sdelay $0x4  }
0x6f: {  	v2 =	vshll.u32 v1, $0x2  }
0x70: {  	v1 =	vand.u32 $0x7F, v1;
	v2 =	vand.u32 $0xFFFFFE00, v2  }
0x71: {  	v1 =	vor.u32 v2, v1  }
0x72: {  	v2 =	vld [tilespmem:$0x2280];
	v1 =	vor.u32 $0x80, v1;
	_ =	sdelay $0x4  }
0x73: {  	[tilespmem:v1+s29+$0x0] =	vst.idx.add.f32.msk $0xffff, v2  }
0x74: {  	v1 =	vld [tilespmem:$0x290];
	_ =	sdelay $0x4  }
0x75: {  	v2 =	vshll.u32 v1, $0x2  }
0x76: {  	v1 =	vand.u32 $0x7F, v1;
	v2 =	vand.u32 $0xFFFFFE00, v2  }
0x77: {  	v1 =	vor.u32 v2, v1  }
0x78: {  	v2 =	vld [tilespmem:$0x2290];
	v1 =	vor.u32 $0x80, v1;
	_ =	sdelay $0x4  }
0x79: {  	[tilespmem:v1+s29+$0x0] =	vst.idx.add.f32.msk $0xffff, v2  }
0x7a: {  	v1 =	vld [tilespmem:$0x300];
	_ =	sdelay $0x4  }
0x7b: {  	v2 =	vshll.u32 v1, $0x2  }
0x7c: {  	v1 =	vand.u32 $0x7F, v1;
	v2 =	vand.u32 $0xFFFFFE00, v2  }
0x7d: {  	v1 =	vor.u32 v2, v1  }
0x7e: {  	v2 =	vld [tilespmem:$0x2300];
	v1 =	vor.u32 $0x100, v1;
	_ =	sdelay $0x4  }
0x7f: {  	[tilespmem:v1+s29+$0x0] =	vst.idx.add.f32.msk $0xffff, v2  }
0x80: {  	v1 =	vld [tilespmem:$0x310];
	_ =	sdelay $0x4  }
0x81: {  	v2 =	vshll.u32 v1, $0x2  }
0x82: {  	v1 =	vand.u32 $0x7F, v1;
	v2 =	vand.u32 $0xFFFFFE00, v2  }
0x83: {  	v1 =	vor.u32 v2, v1  }
0x84: {  	v2 =	vld [tilespmem:$0x2310];
	v1 =	vor.u32 $0x100, v1;
	_ =	sdelay $0x4  }
0x85: {  	[tilespmem:v1+s29+$0x0] =	vst.idx.add.f32.msk $0xffff, v2  }
0x86: {  	v1 =	vld [tilespmem:$0x380];
	_ =	sdelay $0x4  }
0x87: {  	v2 =	vshll.u32 v1, $0x2  }
0x88: {  	v1 =	vand.u32 $0x7F, v1;
	v2 =	vand.u32 $0xFFFFFE00, v2  }
0x89: {  	v1 =	vor.u32 v2, v1  }
0x8a: {  	v2 =	vld [tilespmem:$0x2380];
	v1 =	vor.u32 $0x180, v1;
	_ =	sdelay $0x4  }
0x8b: {  	[tilespmem:v1+s29+$0x0] =	vst.idx.add.f32.msk $0xffff, v2  }
0x8c: {  	v1 =	vld [tilespmem:$0x390];
	_ =	sdelay $0x4  }
0x8d: {  	v2 =	vshll.u32 v1, $0x2  }
0x8e: {  	v1 =	vand.u32 $0x7F, v1;
	v2 =	vand.u32 $0xFFFFFE00, v2  }
0x8f: {  	v1 =	vor.u32 v2, v1  }
0x90: {  	v2 =	vld [tilespmem:$0x2390];
	v1 =	vor.u32 $0x180, v1;
	_ =	sdelay $0x4  }
0x91: {  	[tilespmem:v1+s29+$0x0] =	vst.idx.add.f32.msk $0xffff, v2  }
0x92: {  	[hbm4b:s6+s26] =	stream.strided.scatter [tilespmem:s29], [sflag:$0x2], $0x4000, s28, s26, $0x38;
	[tilespmem:$0xC000] =	vst v63  }
0x93: {  	_ =	swait.ge [sflag:s23], $0x4000  }
0x94: {  	[sflag:s23] =	ssyncset.done $0x0  }
0x95: {  	[sflag:s23] =	ssyncadd.s32 $0xFFFFC000  }
0x96: {  	v1 =	vld [tilespmem:$0x0];
	_ =	sdelay $0x4  }
0x97: {  	v2 =	vshll.u32 v1, $0x2  }
0x98: {  	v1 =	vand.u32 $0x7F, v1;
	v2 =	vand.u32 $0xFFFFFE00, v2  }
0x99: {  	v1 =	vor.u32 v1, v2;
	_ =	sdelay $0x4  }
0x9a: {  	[tilespmem:v1+s25+$0x0] =	vst.idx.msk $0xffff, v0  }
0x9b: {  	v1 =	vld [tilespmem:$0x10];
	_ =	sdelay $0x4  }
0x9c: {  	v2 =	vshll.u32 v1, $0x2  }
0x9d: {  	v1 =	vand.u32 $0x7F, v1;
	v2 =	vand.u32 $0xFFFFFE00, v2  }
0x9e: {  	v1 =	vor.u32 v1, v2;
	_ =	sdelay $0x4  }
0x9f: {  	[tilespmem:v1+s25+$0x0] =	vst.idx.msk $0xffff, v0  }
0xa0: {  	v1 =	vld [tilespmem:$0x80];
	_ =	sdelay $0x4  }
0xa1: {  	v2 =	vshll.u32 v1, $0x2  }
0xa2: {  	v1 =	vand.u32 $0x7F, v1;
	v2 =	vand.u32 $0xFFFFFE00, v2  }
0xa3: {  	v1 =	vor.u32 v2, v1  }
0xa4: {  	v1 =	vor.u32 $0x80, v1;
	_ =	sdelay $0x4  }
0xa5: {  	[tilespmem:v1+s25+$0x0] =	vst.idx.msk $0xffff, v0  }
0xa6: {  	v1 =	vld [tilespmem:$0x90];
	_ =	sdelay $0x4  }
0xa7: {  	v2 =	vshll.u32 v1, $0x2  }
0xa8: {  	v1 =	vand.u32 $0x7F, v1;
	v2 =	vand.u32 $0xFFFFFE00, v2  }
0xa9: {  	v1 =	vor.u32 v2, v1  }
0xaa: {  	v1 =	vor.u32 $0x80, v1;
	_ =	sdelay $0x4  }
0xab: {  	[tilespmem:v1+s25+$0x0] =	vst.idx.msk $0xffff, v0  }
0xac: {  	v1 =	vld [tilespmem:$0x100];
	_ =	sdelay $0x4  }
0xad: {  	v2 =	vshll.u32 v1, $0x2  }
0xae: {  	v1 =	vand.u32 $0x7F, v1;
	v2 =	vand.u32 $0xFFFFFE00, v2  }
0xaf: {  	v1 =	vor.u32 v2, v1  }
0xb0: {  	v1 =	vor.u32 $0x100, v1;
	_ =	sdelay $0x4  }
0xb1: {  	[tilespmem:v1+s25+$0x0] =	vst.idx.msk $0xffff, v0  }
0xb2: {  	v1 =	vld [tilespmem:$0x110];
	_ =	sdelay $0x4  }
0xb3: {  	v2 =	vshll.u32 v1, $0x2  }
0xb4: {  	v1 =	vand.u32 $0x7F, v1;
	v2 =	vand.u32 $0xFFFFFE00, v2  }
0xb5: {  	v1 =	vor.u32 v2, v1  }
0xb6: {  	v1 =	vor.u32 $0x100, v1;
	_ =	sdelay $0x4  }
0xb7: {  	[tilespmem:v1+s25+$0x0] =	vst.idx.msk $0xffff, v0  }
0xb8: {  	v1 =	vld [tilespmem:$0x180];
	_ =	sdelay $0x4  }
0xb9: {  	v2 =	vshll.u32 v1, $0x2  }
0xba: {  	v1 =	vand.u32 $0x7F, v1;
	v2 =	vand.u32 $0xFFFFFE00, v2  }
0xbb: {  	v1 =	vor.u32 v2, v1  }
0xbc: {  	v1 =	vor.u32 $0x180, v1;
	_ =	sdelay $0x4  }
0xbd: {  	[tilespmem:v1+s25+$0x0] =	vst.idx.msk $0xffff, v0  }
0xbe: {  	v1 =	vld [tilespmem:$0x190];
	_ =	sdelay $0x4  }
0xbf: {  	v2 =	vshll.u32 v1, $0x2  }
0xc0: {  	v1 =	vand.u32 $0x7F, v1;
	v2 =	vand.u32 $0xFFFFFE00, v2  }
0xc1: {  	v1 =	vor.u32 v2, v1  }
0xc2: {  	v1 =	vor.u32 $0x180, v1;
	_ =	sdelay $0x4  }
0xc3: {  	[tilespmem:v1+s25+$0x0] =	vst.idx.msk $0xffff, v0  }
0xc4: {  	v1 =	vld [tilespmem:$0x400];
	_ =	sdelay $0x4  }
0xc5: {  	v2 =	vshll.u32 v1, $0x2  }
0xc6: {  	v1 =	vand.u32 $0x7F, v1;
	v2 =	vand.u32 $0xFFFFFE00, v2  }
0xc7: {  	v3 =	vld [tilespmem:$0x2400];
	v1 =	vor.u32 v1, v2;
	_ =	sdelay $0x4  }
0xc8: {  	[tilespmem:v1+s25+$0x0] =	vst.idx.add.f32.msk $0xffff, v3  }
0xc9: {  	v1 =	vld [tilespmem:$0x410];
	_ =	sdelay $0x4  }
0xca: {  	v2 =	vshll.u32 v1, $0x2  }
0xcb: {  	v1 =	vand.u32 $0x7F, v1;
	v2 =	vand.u32 $0xFFFFFE00, v2  }
0xcc: {  	v3 =	vld [tilespmem:$0x2410];
	v1 =	vor.u32 v1, v2;
	_ =	sdelay $0x4  }
0xcd: {  	[tilespmem:v1+s25+$0x0] =	vst.idx.add.f32.msk $0xffff, v3  }
0xce: {  	v1 =	vld [tilespmem:$0x480];
	_ =	sdelay $0x4  }
0xcf: {  	v2 =	vshll.u32 v1, $0x2  }
0xd0: {  	v1 =	vand.u32 $0x7F, v1;
	v2 =	vand.u32 $0xFFFFFE00, v2  }
0xd1: {  	v1 =	vor.u32 v2, v1  }
0xd2: {  	v2 =	vld [tilespmem:$0x2480];
	v1 =	vor.u32 $0x80, v1;
	_ =	sdelay $0x4  }
0xd3: {  	[tilespmem:v1+s25+$0x0] =	vst.idx.add.f32.msk $0xffff, v2  }
0xd4: {  	v1 =	vld [tilespmem:$0x490];
	_ =	sdelay $0x4  }
0xd5: {  	v2 =	vshll.u32 v1, $0x2  }
0xd6: {  	v1 =	vand.u32 $0x7F, v1;
	v2 =	vand.u32 $0xFFFFFE00, v2  }
0xd7: {  	v1 =	vor.u32 v2, v1  }
0xd8: {  	v2 =	vld [tilespmem:$0x2490];
	v1 =	vor.u32 $0x80, v1;
	_ =	sdelay $0x4  }
0xd9: {  	[tilespmem:v1+s25+$0x0] =	vst.idx.add.f32.msk $0xffff, v2  }
0xda: {  	v1 =	vld [tilespmem:$0x500];
	_ =	sdelay $0x4  }
0xdb: {  	v2 =	vshll.u32 v1, $0x2  }
0xdc: {  	v1 =	vand.u32 $0x7F, v1;
	v2 =	vand.u32 $0xFFFFFE00, v2  }
0xdd: {  	v1 =	vor.u32 v2, v1  }
0xde: {  	v2 =	vld [tilespmem:$0x2500];
	v1 =	vor.u32 $0x100, v1;
	_ =	sdelay $0x4  }
0xdf: {  	[tilespmem:v1+s25+$0x0] =	vst.idx.add.f32.msk $0xffff, v2  }
0xe0: {  	v1 =	vld [tilespmem:$0x510];
	_ =	sdelay $0x4  }
0xe1: {  	v2 =	vshll.u32 v1, $0x2  }
0xe2: {  	v1 =	vand.u32 $0x7F, v1;
	v2 =	vand.u32 $0xFFFFFE00, v2  }
0xe3: {  	v1 =	vor.u32 v2, v1  }
0xe4: {  	v2 =	vld [tilespmem:$0x2510];
	v1 =	vor.u32 $0x100, v1;
	_ =	sdelay $0x4  }
0xe5: {  	[tilespmem:v1+s25+$0x0] =	vst.idx.add.f32.msk $0xffff, v2  }
0xe6: {  	v1 =	vld [tilespmem:$0x580];
	_ =	sdelay $0x4  }
0xe7: {  	v2 =	vshll.u32 v1, $0x2  }
0xe8: {  	v1 =	vand.u32 $0x7F, v1;
	v2 =	vand.u32 $0xFFFFFE00, v2  }
0xe9: {  	v1 =	vor.u32 v2, v1  }
0xea: {  	v2 =	vld [tilespmem:$0x2580];
	v1 =	vor.u32 $0x180, v1;
	_ =	sdelay $0x4  }
0xeb: {  	[tilespmem:v1+s25+$0x0] =	vst.idx.add.f32.msk $0xffff, v2  }
0xec: {  	v1 =	vld [tilespmem:$0x590];
	_ =	sdelay $0x4  }
0xed: {  	v2 =	vshll.u32 v1, $0x2  }
0xee: {  	v1 =	vand.u32 $0x7F, v1;
	v2 =	vand.u32 $0xFFFFFE00, v2  }
0xef: {  	v1 =	vor.u32 v2, v1  }
0xf0: {  	v2 =	vld [tilespmem:$0x2590];
	v1 =	vor.u32 $0x180, v1;
	_ =	sdelay $0x4  }
0xf1: {  	[tilespmem:v1+s25+$0x0] =	vst.idx.add.f32.msk $0xffff, v2  }
0xf2: {  	[hbm4b:s7+s26] =	stream.strided.scatter [tilespmem:s25], [sflag:$0x1], $0x4000, s28, s26, $0x38;
	[tilespmem:$0xC000] =	vst v63  }
0xf3: {  	_ =	swait.ge [sflag:s24], $0x4000  }
0xf4: {  	[sflag:s24] =	ssyncset.done $0x0  }
0xf5: {  	[sflag:s24] =	ssyncadd.s32 $0xFFFFC000  }
0xf6: {  	v1 =	vld [tilespmem:$0x200];
	_ =	sdelay $0x4  }
0xf7: {  	v2 =	vshll.u32 v1, $0x2  }
0xf8: {  	v1 =	vand.u32 $0x7F, v1;
	v2 =	vand.u32 $0xFFFFFE00, v2  }
0xf9: {  	v1 =	vor.u32 v1, v2;
	_ =	sdelay $0x4  }
0xfa: {  	[tilespmem:v1+s29+$0x0] =	vst.idx.msk $0xffff, v0  }
0xfb: {  	v1 =	vld [tilespmem:$0x210];
	_ =	sdelay $0x4  }
0xfc: {  	v2 =	vshll.u32 v1, $0x2  }
0xfd: {  	v1 =	vand.u32 $0x7F, v1;
	v2 =	vand.u32 $0xFFFFFE00, v2  }
0xfe: {  	v1 =	vor.u32 v1, v2;
	_ =	sdelay $0x4  }
0xff: {  	[tilespmem:v1+s29+$0x0] =	vst.idx.msk $0xffff, v0  }
0x100: {  	v1 =	vld [tilespmem:$0x280];
	_ =	sdelay $0x4  }
0x101: {  	v2 =	vshll.u32 v1, $0x2  }
0x102: {  	v1 =	vand.u32 $0x7F, v1;
	v2 =	vand.u32 $0xFFFFFE00, v2  }
0x103: {  	v1 =	vor.u32 v2, v1  }
0x104: {  	v1 =	vor.u32 $0x80, v1;
	_ =	sdelay $0x4  }
0x105: {  	[tilespmem:v1+s29+$0x0] =	vst.idx.msk $0xffff, v0  }
0x106: {  	v1 =	vld [tilespmem:$0x290];
	_ =	sdelay $0x4  }
0x107: {  	v2 =	vshll.u32 v1, $0x2  }
0x108: {  	v1 =	vand.u32 $0x7F, v1;
	v2 =	vand.u32 $0xFFFFFE00, v2  }
0x109: {  	v1 =	vor.u32 v2, v1  }
0x10a: {  	v1 =	vor.u32 $0x80, v1;
	_ =	sdelay $0x4  }
0x10b: {  	[tilespmem:v1+s29+$0x0] =	vst.idx.msk $0xffff, v0  }
0x10c: {  	v1 =	vld [tilespmem:$0x300];
	_ =	sdelay $0x4  }
0x10d: {  	v2 =	vshll.u32 v1, $0x2  }
0x10e: {  	v1 =	vand.u32 $0x7F, v1;
	v2 =	vand.u32 $0xFFFFFE00, v2  }
0x10f: {  	v1 =	vor.u32 v2, v1  }
0x110: {  	v1 =	vor.u32 $0x100, v1;
	_ =	sdelay $0x4  }
0x111: {  	[tilespmem:v1+s29+$0x0] =	vst.idx.msk $0xffff, v0  }
0x112: {  	v1 =	vld [tilespmem:$0x310];
	_ =	sdelay $0x4  }
0x113: {  	v2 =	vshll.u32 v1, $0x2  }
0x114: {  	v1 =	vand.u32 $0x7F, v1;
	v2 =	vand.u32 $0xFFFFFE00, v2  }
0x115: {  	v1 =	vor.u32 v2, v1  }
0x116: {  	v1 =	vor.u32 $0x100, v1;
	_ =	sdelay $0x4  }
0x117: {  	[tilespmem:v1+s29+$0x0] =	vst.idx.msk $0xffff, v0  }
0x118: {  	v1 =	vld [tilespmem:$0x380];
	_ =	sdelay $0x4  }
0x119: {  	v2 =	vshll.u32 v1, $0x2  }
0x11a: {  	v1 =	vand.u32 $0x7F, v1;
	v2 =	vand.u32 $0xFFFFFE00, v2  }
0x11b: {  	v1 =	vor.u32 v2, v1  }
0x11c: {  	v1 =	vor.u32 $0x180, v1;
	_ =	sdelay $0x4  }
0x11d: {  	[tilespmem:v1+s29+$0x0] =	vst.idx.msk $0xffff, v0  }
0x11e: {  	v1 =	vld [tilespmem:$0x390];
	_ =	sdelay $0x4  }
0x11f: {  	v2 =	vshll.u32 v1, $0x2  }
0x120: {  	v1 =	vand.u32 $0x7F, v1;
	v2 =	vand.u32 $0xFFFFFE00, v2  }
0x121: {  	v1 =	vor.u32 v2, v1  }
0x122: {  	v1 =	vor.u32 $0x180, v1;
	_ =	sdelay $0x4  }
0x123: {  	[tilespmem:v1+s29+$0x0] =	vst.idx.msk $0xffff, v0  }
0x124: {  	v1 =	vld [tilespmem:$0x600];
	_ =	sdelay $0x4  }
0x125: {  	v2 =	vshll.u32 v1, $0x2  }
0x126: {  	v1 =	vand.u32 $0x7F, v1;
	v2 =	vand.u32 $0xFFFFFE00, v2  }
0x127: {  	v3 =	vld [tilespmem:$0x2600];
	v1 =	vor.u32 v1, v2;
	_ =	sdelay $0x4  }
0x128: {  	[tilespmem:v1+s29+$0x0] =	vst.idx.add.f32.msk $0xffff, v3  }
0x129: {  	v1 =	vld [tilespmem:$0x610];
	_ =	sdelay $0x4  }
0x12a: {  	v2 =	vshll.u32 v1, $0x2  }
0x12b: {  	v1 =	vand.u32 $0x7F, v1;
	v2 =	vand.u32 $0xFFFFFE00, v2  }
0x12c: {  	v3 =	vld [tilespmem:$0x2610];
	v1 =	vor.u32 v1, v2;
	_ =	sdelay $0x4  }
0x12d: {  	[tilespmem:v1+s29+$0x0] =	vst.idx.add.f32.msk $0xffff, v3  }
0x12e: {  	v1 =	vld [tilespmem:$0x680];
	_ =	sdelay $0x4  }
0x12f: {  	v2 =	vshll.u32 v1, $0x2  }
0x130: {  	v1 =	vand.u32 $0x7F, v1;
	v2 =	vand.u32 $0xFFFFFE00, v2  }
0x131: {  	v1 =	vor.u32 v2, v1  }
0x132: {  	v2 =	vld [tilespmem:$0x2680];
	v1 =	vor.u32 $0x80, v1;
	_ =	sdelay $0x4  }
0x133: {  	[tilespmem:v1+s29+$0x0] =	vst.idx.add.f32.msk $0xffff, v2  }
0x134: {  	v1 =	vld [tilespmem:$0x690];
	_ =	sdelay $0x4  }
0x135: {  	v2 =	vshll.u32 v1, $0x2  }
0x136: {  	v1 =	vand.u32 $0x7F, v1;
	v2 =	vand.u32 $0xFFFFFE00, v2  }
0x137: {  	v1 =	vor.u32 v2, v1  }
0x138: {  	v2 =	vld [tilespmem:$0x2690];
	v1 =	vor.u32 $0x80, v1;
	_ =	sdelay $0x4  }
0x139: {  	[tilespmem:v1+s29+$0x0] =	vst.idx.add.f32.msk $0xffff, v2  }
0x13a: {  	v1 =	vld [tilespmem:$0x700];
	_ =	sdelay $0x4  }
0x13b: {  	v2 =	vshll.u32 v1, $0x2  }
0x13c: {  	v1 =	vand.u32 $0x7F, v1;
	v2 =	vand.u32 $0xFFFFFE00, v2  }
0x13d: {  	v1 =	vor.u32 v2, v1  }
0x13e: {  	v2 =	vld [tilespmem:$0x2700];
	v1 =	vor.u32 $0x100, v1;
	_ =	sdelay $0x4  }
0x13f: {  	[tilespmem:v1+s29+$0x0] =	vst.idx.add.f32.msk $0xffff, v2  }
0x140: {  	v1 =	vld [tilespmem:$0x710];
	_ =	sdelay $0x4  }
0x141: {  	v2 =	vshll.u32 v1, $0x2  }
0x142: {  	v1 =	vand.u32 $0x7F, v1;
	v2 =	vand.u32 $0xFFFFFE00, v2  }
0x143: {  	v1 =	vor.u32 v2, v1  }
0x144: {  	v2 =	vld [tilespmem:$0x2710];
	v1 =	vor.u32 $0x100, v1;
	_ =	sdelay $0x4  }
0x145: {  	[tilespmem:v1+s29+$0x0] =	vst.idx.add.f32.msk $0xffff, v2  }
0x146: {  	v1 =	vld [tilespmem:$0x780];
	_ =	sdelay $0x4  }
0x147: {  	v2 =	vshll.u32 v1, $0x2  }
0x148: {  	v1 =	vand.u32 $0x7F, v1;
	v2 =	vand.u32 $0xFFFFFE00, v2  }
0x149: {  	v1 =	vor.u32 v2, v1  }
0x14a: {  	v2 =	vld [tilespmem:$0x2780];
	v1 =	vor.u32 $0x180, v1;
	_ =	sdelay $0x4  }
0x14b: {  	[tilespmem:v1+s29+$0x0] =	vst.idx.add.f32.msk $0xffff, v2  }
0x14c: {  	v1 =	vld [tilespmem:$0x790];
	_ =	sdelay $0x4  }
0x14d: {  	v2 =	vshll.u32 v1, $0x2  }
0x14e: {  	v1 =	vand.u32 $0x7F, v1;
	v2 =	vand.u32 $0xFFFFFE00, v2  }
0x14f: {  	v1 =	vor.u32 v2, v1  }
0x150: {  	v2 =	vld [tilespmem:$0x2790];
	v1 =	vor.u32 $0x180, v1;
	_ =	sdelay $0x4  }
0x151: {  	[tilespmem:v1+s29+$0x0] =	vst.idx.add.f32.msk $0xffff, v2  }
0x152: {  	[hbm4b:s8+s26] =	stream.strided.scatter [tilespmem:s29], [sflag:$0x2], $0x4000, s28, s26, $0x38;
	[tilespmem:$0xC000] =	vst v63  }
0x153: {  	_ =	swait.ge [sflag:s23], $0x4000  }
0x154: {  	[sflag:s23] =	ssyncset.done $0x0  }
0x155: {  	[sflag:s23] =	ssyncadd.s32 $0xFFFFC000  }
0x156: {  	v1 =	vld [tilespmem:$0x400];
	_ =	sdelay $0x4  }
0x157: {  	v2 =	vshll.u32 v1, $0x2  }
0x158: {  	v1 =	vand.u32 $0x7F, v1;
	v2 =	vand.u32 $0xFFFFFE00, v2  }
0x159: {  	v1 =	vor.u32 v1, v2;
	_ =	sdelay $0x4  }
0x15a: {  	[tilespmem:v1+s25+$0x0] =	vst.idx.msk $0xffff, v0  }
0x15b: {  	v1 =	vld [tilespmem:$0x410];
	_ =	sdelay $0x4  }
0x15c: {  	v2 =	vshll.u32 v1, $0x2  }
0x15d: {  	v1 =	vand.u32 $0x7F, v1;
	v2 =	vand.u32 $0xFFFFFE00, v2  }
0x15e: {  	v1 =	vor.u32 v1, v2;
	_ =	sdelay $0x4  }
0x15f: {  	[tilespmem:v1+s25+$0x0] =	vst.idx.msk $0xffff, v0  }
0x160: {  	v1 =	vld [tilespmem:$0x480];
	_ =	sdelay $0x4  }
0x161: {  	v2 =	vshll.u32 v1, $0x2  }
0x162: {  	v1 =	vand.u32 $0x7F, v1;
	v2 =	vand.u32 $0xFFFFFE00, v2  }
0x163: {  	v1 =	vor.u32 v2, v1  }
0x164: {  	v1 =	vor.u32 $0x80, v1;
	_ =	sdelay $0x4  }
0x165: {  	[tilespmem:v1+s25+$0x0] =	vst.idx.msk $0xffff, v0  }
0x166: {  	v1 =	vld [tilespmem:$0x490];
	_ =	sdelay $0x4  }
0x167: {  	v2 =	vshll.u32 v1, $0x2  }
0x168: {  	v1 =	vand.u32 $0x7F, v1;
	v2 =	vand.u32 $0xFFFFFE00, v2  }
0x169: {  	v1 =	vor.u32 v2, v1  }
0x16a: {  	v1 =	vor.u32 $0x80, v1;
	_ =	sdelay $0x4  }
0x16b: {  	[tilespmem:v1+s25+$0x0] =	vst.idx.msk $0xffff, v0  }
0x16c: {  	v1 =	vld [tilespmem:$0x500];
	_ =	sdelay $0x4  }
0x16d: {  	v2 =	vshll.u32 v1, $0x2  }
0x16e: {  	v1 =	vand.u32 $0x7F, v1;
	v2 =	vand.u32 $0xFFFFFE00, v2  }
0x16f: {  	v1 =	vor.u32 v2, v1  }
0x170: {  	v1 =	vor.u32 $0x100, v1;
	_ =	sdelay $0x4  }
0x171: {  	[tilespmem:v1+s25+$0x0] =	vst.idx.msk $0xffff, v0  }
0x172: {  	v1 =	vld [tilespmem:$0x510];
	_ =	sdelay $0x4  }
0x173: {  	v2 =	vshll.u32 v1, $0x2  }
0x174: {  	v1 =	vand.u32 $0x7F, v1;
	v2 =	vand.u32 $0xFFFFFE00, v2  }
0x175: {  	v1 =	vor.u32 v2, v1  }
0x176: {  	v1 =	vor.u32 $0x100, v1;
	_ =	sdelay $0x4  }
0x177: {  	[tilespmem:v1+s25+$0x0] =	vst.idx.msk $0xffff, v0  }
0x178: {  	v1 =	vld [tilespmem:$0x580];
	_ =	sdelay $0x4  }
0x179: {  	v2 =	vshll.u32 v1, $0x2  }
0x17a: {  	v1 =	vand.u32 $0x7F, v1;
	v2 =	vand.u32 $0xFFFFFE00, v2  }
0x17b: {  	v1 =	vor.u32 v2, v1  }
0x17c: {  	v1 =	vor.u32 $0x180, v1;
	_ =	sdelay $0x4  }
0x17d: {  	[tilespmem:v1+s25+$0x0] =	vst.idx.msk $0xffff, v0  }
0x17e: {  	v1 =	vld [tilespmem:$0x590];
	_ =	sdelay $0x4  }
0x17f: {  	v2 =	vshll.u32 v1, $0x2  }
0x180: {  	v1 =	vand.u32 $0x7F, v1;
	v2 =	vand.u32 $0xFFFFFE00, v2  }
0x181: {  	v1 =	vor.u32 v2, v1  }
0x182: {  	v1 =	vor.u32 $0x180, v1;
	_ =	sdelay $0x4  }
0x183: {  	[tilespmem:v1+s25+$0x0] =	vst.idx.msk $0xffff, v0  }
0x184: {  	v1 =	vld [tilespmem:$0x800];
	_ =	sdelay $0x4  }
0x185: {  	v2 =	vshll.u32 v1, $0x2  }
0x186: {  	v1 =	vand.u32 $0x7F, v1;
	v2 =	vand.u32 $0xFFFFFE00, v2  }
0x187: {  	v3 =	vld [tilespmem:$0x2800];
	v1 =	vor.u32 v1, v2;
	_ =	sdelay $0x4  }
0x188: {  	[tilespmem:v1+s25+$0x0] =	vst.idx.add.f32.msk $0xffff, v3  }
0x189: {  	v1 =	vld [tilespmem:$0x810];
	_ =	sdelay $0x4  }
0x18a: {  	v2 =	vshll.u32 v1, $0x2  }
0x18b: {  	v1 =	vand.u32 $0x7F, v1;
	v2 =	vand.u32 $0xFFFFFE00, v2  }
0x18c: {  	v3 =	vld [tilespmem:$0x2810];
	v1 =	vor.u32 v1, v2;
	_ =	sdelay $0x4  }
0x18d: {  	[tilespmem:v1+s25+$0x0] =	vst.idx.add.f32.msk $0xffff, v3  }
0x18e: {  	v1 =	vld [tilespmem:$0x880];
	_ =	sdelay $0x4  }
0x18f: {  	v2 =	vshll.u32 v1, $0x2  }
0x190: {  	v1 =	vand.u32 $0x7F, v1;
	v2 =	vand.u32 $0xFFFFFE00, v2  }
0x191: {  	v1 =	vor.u32 v2, v1  }
0x192: {  	v2 =	vld [tilespmem:$0x2880];
	v1 =	vor.u32 $0x80, v1;
	_ =	sdelay $0x4  }
0x193: {  	[tilespmem:v1+s25+$0x0] =	vst.idx.add.f32.msk $0xffff, v2  }
0x194: {  	v1 =	vld [tilespmem:$0x890];
	_ =	sdelay $0x4  }
0x195: {  	v2 =	vshll.u32 v1, $0x2  }
0x196: {  	v1 =	vand.u32 $0x7F, v1;
	v2 =	vand.u32 $0xFFFFFE00, v2  }
0x197: {  	v1 =	vor.u32 v2, v1  }
0x198: {  	v2 =	vld [tilespmem:$0x2890];
	v1 =	vor.u32 $0x80, v1;
	_ =	sdelay $0x4  }
0x199: {  	[tilespmem:v1+s25+$0x0] =	vst.idx.add.f32.msk $0xffff, v2  }
0x19a: {  	v1 =	vld [tilespmem:$0x900];
	_ =	sdelay $0x4  }
0x19b: {  	v2 =	vshll.u32 v1, $0x2  }
0x19c: {  	v1 =	vand.u32 $0x7F, v1;
	v2 =	vand.u32 $0xFFFFFE00, v2  }
0x19d: {  	v1 =	vor.u32 v2, v1  }
0x19e: {  	v2 =	vld [tilespmem:$0x2900];
	v1 =	vor.u32 $0x100, v1;
	_ =	sdelay $0x4  }
0x19f: {  	[tilespmem:v1+s25+$0x0] =	vst.idx.add.f32.msk $0xffff, v2  }
0x1a0: {  	v1 =	vld [tilespmem:$0x910];
	_ =	sdelay $0x4  }
0x1a1: {  	v2 =	vshll.u32 v1, $0x2  }
0x1a2: {  	v1 =	vand.u32 $0x7F, v1;
	v2 =	vand.u32 $0xFFFFFE00, v2  }
0x1a3: {  	v1 =	vor.u32 v2, v1  }
0x1a4: {  	v2 =	vld [tilespmem:$0x2910];
	v1 =	vor.u32 $0x100, v1;
	_ =	sdelay $0x4  }
0x1a5: {  	[tilespmem:v1+s25+$0x0] =	vst.idx.add.f32.msk $0xffff, v2  }
0x1a6: {  	v1 =	vld [tilespmem:$0x980];
	_ =	sdelay $0x4  }
0x1a7: {  	v2 =	vshll.u32 v1, $0x2  }
0x1a8: {  	v1 =	vand.u32 $0x7F, v1;
	v2 =	vand.u32 $0xFFFFFE00, v2  }
0x1a9: {  	v1 =	vor.u32 v2, v1  }
0x1aa: {  	v2 =	vld [tilespmem:$0x2980];
	v1 =	vor.u32 $0x180, v1;
	_ =	sdelay $0x4  }
0x1ab: {  	[tilespmem:v1+s25+$0x0] =	vst.idx.add.f32.msk $0xffff, v2  }
0x1ac: {  	v1 =	vld [tilespmem:$0x990];
	_ =	sdelay $0x4  }
0x1ad: {  	v2 =	vshll.u32 v1, $0x2  }
0x1ae: {  	v1 =	vand.u32 $0x7F, v1;
	v2 =	vand.u32 $0xFFFFFE00, v2  }
0x1af: {  	v1 =	vor.u32 v2, v1  }
0x1b0: {  	v2 =	vld [tilespmem:$0x2990];
	v1 =	vor.u32 $0x180, v1;
	_ =	sdelay $0x4  }
0x1b1: {  	[tilespmem:v1+s25+$0x0] =	vst.idx.add.f32.msk $0xffff, v2  }
0x1b2: {  	[hbm4b:s9+s26] =	stream.strided.scatter [tilespmem:s25], [sflag:$0x1], $0x4000, s28, s26, $0x38;
	[tilespmem:$0xC000] =	vst v63  }
0x1b3: {  	_ =	swait.ge [sflag:s24], $0x4000  }
0x1b4: {  	[sflag:s24] =	ssyncset.done $0x0  }
0x1b5: {  	[sflag:s24] =	ssyncadd.s32 $0xFFFFC000  }
0x1b6: {  	v1 =	vld [tilespmem:$0x600];
	_ =	sdelay $0x4  }
0x1b7: {  	v2 =	vshll.u32 v1, $0x2  }
0x1b8: {  	v1 =	vand.u32 $0x7F, v1;
	v2 =	vand.u32 $0xFFFFFE00, v2  }
0x1b9: {  	v1 =	vor.u32 v1, v2;
	_ =	sdelay $0x4  }
0x1ba: {  	[tilespmem:v1+s29+$0x0] =	vst.idx.msk $0xffff, v0  }
0x1bb: {  	v1 =	vld [tilespmem:$0x610];
	_ =	sdelay $0x4  }
0x1bc: {  	v2 =	vshll.u32 v1, $0x2  }
0x1bd: {  	v1 =	vand.u32 $0x7F, v1;
	v2 =	vand.u32 $0xFFFFFE00, v2  }
0x1be: {  	v1 =	vor.u32 v1, v2;
	_ =	sdelay $0x4  }
0x1bf: {  	[tilespmem:v1+s29+$0x0] =	vst.idx.msk $0xffff, v0  }
0x1c0: {  	v1 =	vld [tilespmem:$0x680];
	_ =	sdelay $0x4  }
0x1c1: {  	v2 =	vshll.u32 v1, $0x2  }
0x1c2: {  	v1 =	vand.u32 $0x7F, v1;
	v2 =	vand.u32 $0xFFFFFE00, v2  }
0x1c3: {  	v1 =	vor.u32 v2, v1  }
0x1c4: {  	v1 =	vor.u32 $0x80, v1;
	_ =	sdelay $0x4  }
0x1c5: {  	[tilespmem:v1+s29+$0x0] =	vst.idx.msk $0xffff, v0  }
0x1c6: {  	v1 =	vld [tilespmem:$0x690];
	_ =	sdelay $0x4  }
0x1c7: {  	v2 =	vshll.u32 v1, $0x2  }
0x1c8: {  	v1 =	vand.u32 $0x7F, v1;
	v2 =	vand.u32 $0xFFFFFE00, v2  }
0x1c9: {  	v1 =	vor.u32 v2, v1  }
0x1ca: {  	v1 =	vor.u32 $0x80, v1;
	_ =	sdelay $0x4  }
0x1cb: {  	[tilespmem:v1+s29+$0x0] =	vst.idx.msk $0xffff, v0  }
0x1cc: {  	v1 =	vld [tilespmem:$0x700];
	_ =	sdelay $0x4  }
0x1cd: {  	v2 =	vshll.u32 v1, $0x2  }
0x1ce: {  	v1 =	vand.u32 $0x7F, v1;
	v2 =	vand.u32 $0xFFFFFE00, v2  }
0x1cf: {  	v1 =	vor.u32 v2, v1  }
0x1d0: {  	v1 =	vor.u32 $0x100, v1;
	_ =	sdelay $0x4  }
0x1d1: {  	[tilespmem:v1+s29+$0x0] =	vst.idx.msk $0xffff, v0  }
0x1d2: {  	v1 =	vld [tilespmem:$0x710];
	_ =	sdelay $0x4  }
0x1d3: {  	v2 =	vshll.u32 v1, $0x2  }
0x1d4: {  	v1 =	vand.u32 $0x7F, v1;
	v2 =	vand.u32 $0xFFFFFE00, v2  }
0x1d5: {  	v1 =	vor.u32 v2, v1  }
0x1d6: {  	v1 =	vor.u32 $0x100, v1;
	_ =	sdelay $0x4  }
0x1d7: {  	[tilespmem:v1+s29+$0x0] =	vst.idx.msk $0xffff, v0  }
0x1d8: {  	v1 =	vld [tilespmem:$0x780];
	_ =	sdelay $0x4  }
0x1d9: {  	v2 =	vshll.u32 v1, $0x2  }
0x1da: {  	v1 =	vand.u32 $0x7F, v1;
	v2 =	vand.u32 $0xFFFFFE00, v2  }
0x1db: {  	v1 =	vor.u32 v2, v1  }
0x1dc: {  	v1 =	vor.u32 $0x180, v1;
	_ =	sdelay $0x4  }
0x1dd: {  	[tilespmem:v1+s29+$0x0] =	vst.idx.msk $0xffff, v0  }
0x1de: {  	v1 =	vld [tilespmem:$0x790];
	_ =	sdelay $0x4  }
0x1df: {  	v2 =	vshll.u32 v1, $0x2  }
0x1e0: {  	v1 =	vand.u32 $0x7F, v1;
	v2 =	vand.u32 $0xFFFFFE00, v2  }
0x1e1: {  	v1 =	vor.u32 v2, v1  }
0x1e2: {  	v1 =	vor.u32 $0x180, v1;
	_ =	sdelay $0x4  }
0x1e3: {  	[tilespmem:v1+s29+$0x0] =	vst.idx.msk $0xffff, v0  }
0x1e4: {  	v1 =	vld [tilespmem:$0xA00];
	_ =	sdelay $0x4  }
0x1e5: {  	v2 =	vshll.u32 v1, $0x2  }
0x1e6: {  	v1 =	vand.u32 $0x7F, v1;
	v2 =	vand.u32 $0xFFFFFE00, v2  }
0x1e7: {  	v3 =	vld [tilespmem:$0x2A00];
	v1 =	vor.u32 v1, v2;
	_ =	sdelay $0x4  }
0x1e8: {  	[tilespmem:v1+s29+$0x0] =	vst.idx.add.f32.msk $0xffff, v3  }
0x1e9: {  	v1 =	vld [tilespmem:$0xA10];
	_ =	sdelay $0x4  }
0x1ea: {  	v2 =	vshll.u32 v1, $0x2  }
0x1eb: {  	v1 =	vand.u32 $0x7F, v1;
	v2 =	vand.u32 $0xFFFFFE00, v2  }
0x1ec: {  	v3 =	vld [tilespmem:$0x2A10];
	v1 =	vor.u32 v1, v2;
	_ =	sdelay $0x4  }
0x1ed: {  	[tilespmem:v1+s29+$0x0] =	vst.idx.add.f32.msk $0xffff, v3  }
0x1ee: {  	v1 =	vld [tilespmem:$0xA80];
	_ =	sdelay $0x4  }
0x1ef: {  	v2 =	vshll.u32 v1, $0x2  }
0x1f0: {  	v1 =	vand.u32 $0x7F, v1;
	v2 =	vand.u32 $0xFFFFFE00, v2  }
0x1f1: {  	v1 =	vor.u32 v2, v1  }
0x1f2: {  	v2 =	vld [tilespmem:$0x2A80];
	v1 =	vor.u32 $0x80, v1;
	_ =	sdelay $0x4  }
0x1f3: {  	[tilespmem:v1+s29+$0x0] =	vst.idx.add.f32.msk $0xffff, v2  }
0x1f4: {  	v1 =	vld [tilespmem:$0xA90];
	_ =	sdelay $0x4  }
0x1f5: {  	v2 =	vshll.u32 v1, $0x2  }
0x1f6: {  	v1 =	vand.u32 $0x7F, v1;
	v2 =	vand.u32 $0xFFFFFE00, v2  }
0x1f7: {  	v1 =	vor.u32 v2, v1  }
0x1f8: {  	v2 =	vld [tilespmem:$0x2A90];
	v1 =	vor.u32 $0x80, v1;
	_ =	sdelay $0x4  }
0x1f9: {  	[tilespmem:v1+s29+$0x0] =	vst.idx.add.f32.msk $0xffff, v2  }
0x1fa: {  	v1 =	vld [tilespmem:$0xB00];
	_ =	sdelay $0x4  }
0x1fb: {  	v2 =	vshll.u32 v1, $0x2  }
0x1fc: {  	v1 =	vand.u32 $0x7F, v1;
	v2 =	vand.u32 $0xFFFFFE00, v2  }
0x1fd: {  	v1 =	vor.u32 v2, v1  }
0x1fe: {  	v2 =	vld [tilespmem:$0x2B00];
	v1 =	vor.u32 $0x100, v1;
	_ =	sdelay $0x4  }
0x1ff: {  	[tilespmem:v1+s29+$0x0] =	vst.idx.add.f32.msk $0xffff, v2  }
0x200: {  	v1 =	vld [tilespmem:$0xB10];
	_ =	sdelay $0x4  }
0x201: {  	v2 =	vshll.u32 v1, $0x2  }
0x202: {  	v1 =	vand.u32 $0x7F, v1;
	v2 =	vand.u32 $0xFFFFFE00, v2  }
0x203: {  	v1 =	vor.u32 v2, v1  }
0x204: {  	v2 =	vld [tilespmem:$0x2B10];
	v1 =	vor.u32 $0x100, v1;
	_ =	sdelay $0x4  }
0x205: {  	[tilespmem:v1+s29+$0x0] =	vst.idx.add.f32.msk $0xffff, v2  }
0x206: {  	v1 =	vld [tilespmem:$0xB80];
	_ =	sdelay $0x4  }
0x207: {  	v2 =	vshll.u32 v1, $0x2  }
0x208: {  	v1 =	vand.u32 $0x7F, v1;
	v2 =	vand.u32 $0xFFFFFE00, v2  }
0x209: {  	v1 =	vor.u32 v2, v1  }
0x20a: {  	v2 =	vld [tilespmem:$0x2B80];
	v1 =	vor.u32 $0x180, v1;
	_ =	sdelay $0x4  }
0x20b: {  	[tilespmem:v1+s29+$0x0] =	vst.idx.add.f32.msk $0xffff, v2  }
0x20c: {  	v1 =	vld [tilespmem:$0xB90];
	_ =	sdelay $0x4  }
0x20d: {  	v2 =	vshll.u32 v1, $0x2  }
0x20e: {  	v1 =	vand.u32 $0x7F, v1;
	v2 =	vand.u32 $0xFFFFFE00, v2  }
0x20f: {  	v1 =	vor.u32 v2, v1  }
0x210: {  	v2 =	vld [tilespmem:$0x2B90];
	v1 =	vor.u32 $0x180, v1;
	_ =	sdelay $0x4  }
0x211: {  	[tilespmem:v1+s29+$0x0] =	vst.idx.add.f32.msk $0xffff, v2  }
0x212: {  	[hbm4b:s10+s26] =	stream.strided.scatter [tilespmem:s29], [sflag:$0x2], $0x4000, s28, s26, $0x38;
	[tilespmem:$0xC000] =	vst v63  }
0x213: {  	_ =	swait.ge [sflag:s23], $0x4000  }
0x214: {  	[sflag:s23] =	ssyncset.done $0x0  }
0x215: {  	[sflag:s23] =	ssyncadd.s32 $0xFFFFC000  }
0x216: {  	v1 =	vld [tilespmem:$0x800];
	_ =	sdelay $0x4  }
0x217: {  	v2 =	vshll.u32 v1, $0x2  }
0x218: {  	v1 =	vand.u32 $0x7F, v1;
	v2 =	vand.u32 $0xFFFFFE00, v2  }
0x219: {  	v1 =	vor.u32 v1, v2;
	_ =	sdelay $0x4  }
0x21a: {  	[tilespmem:v1+s25+$0x0] =	vst.idx.msk $0xffff, v0  }
0x21b: {  	v1 =	vld [tilespmem:$0x810];
	_ =	sdelay $0x4  }
0x21c: {  	v2 =	vshll.u32 v1, $0x2  }
0x21d: {  	v1 =	vand.u32 $0x7F, v1;
	v2 =	vand.u32 $0xFFFFFE00, v2  }
0x21e: {  	v1 =	vor.u32 v1, v2;
	_ =	sdelay $0x4  }
0x21f: {  	[tilespmem:v1+s25+$0x0] =	vst.idx.msk $0xffff, v0  }
0x220: {  	v1 =	vld [tilespmem:$0x880];
	_ =	sdelay $0x4  }
0x221: {  	v2 =	vshll.u32 v1, $0x2  }
0x222: {  	v1 =	vand.u32 $0x7F, v1;
	v2 =	vand.u32 $0xFFFFFE00, v2  }
0x223: {  	v1 =	vor.u32 v2, v1  }
0x224: {  	v1 =	vor.u32 $0x80, v1;
	_ =	sdelay $0x4  }
0x225: {  	[tilespmem:v1+s25+$0x0] =	vst.idx.msk $0xffff, v0  }
0x226: {  	v1 =	vld [tilespmem:$0x890];
	_ =	sdelay $0x4  }
0x227: {  	v2 =	vshll.u32 v1, $0x2  }
0x228: {  	v1 =	vand.u32 $0x7F, v1;
	v2 =	vand.u32 $0xFFFFFE00, v2  }
0x229: {  	v1 =	vor.u32 v2, v1  }
0x22a: {  	v1 =	vor.u32 $0x80, v1;
	_ =	sdelay $0x4  }
0x22b: {  	[tilespmem:v1+s25+$0x0] =	vst.idx.msk $0xffff, v0  }
0x22c: {  	v1 =	vld [tilespmem:$0x900];
	_ =	sdelay $0x4  }
0x22d: {  	v2 =	vshll.u32 v1, $0x2  }
0x22e: {  	v1 =	vand.u32 $0x7F, v1;
	v2 =	vand.u32 $0xFFFFFE00, v2  }
0x22f: {  	v1 =	vor.u32 v2, v1  }
0x230: {  	v1 =	vor.u32 $0x100, v1;
	_ =	sdelay $0x4  }
0x231: {  	[tilespmem:v1+s25+$0x0] =	vst.idx.msk $0xffff, v0  }
0x232: {  	v1 =	vld [tilespmem:$0x910];
	_ =	sdelay $0x4  }
0x233: {  	v2 =	vshll.u32 v1, $0x2  }
0x234: {  	v1 =	vand.u32 $0x7F, v1;
	v2 =	vand.u32 $0xFFFFFE00, v2  }
0x235: {  	v1 =	vor.u32 v2, v1  }
0x236: {  	v1 =	vor.u32 $0x100, v1;
	_ =	sdelay $0x4  }
0x237: {  	[tilespmem:v1+s25+$0x0] =	vst.idx.msk $0xffff, v0  }
0x238: {  	v1 =	vld [tilespmem:$0x980];
	_ =	sdelay $0x4  }
0x239: {  	v2 =	vshll.u32 v1, $0x2  }
0x23a: {  	v1 =	vand.u32 $0x7F, v1;
	v2 =	vand.u32 $0xFFFFFE00, v2  }
0x23b: {  	v1 =	vor.u32 v2, v1  }
0x23c: {  	v1 =	vor.u32 $0x180, v1;
	_ =	sdelay $0x4  }
0x23d: {  	[tilespmem:v1+s25+$0x0] =	vst.idx.msk $0xffff, v0  }
0x23e: {  	v1 =	vld [tilespmem:$0x990];
	_ =	sdelay $0x4  }
0x23f: {  	v2 =	vshll.u32 v1, $0x2  }
0x240: {  	v1 =	vand.u32 $0x7F, v1;
	v2 =	vand.u32 $0xFFFFFE00, v2  }
0x241: {  	v1 =	vor.u32 v2, v1  }
0x242: {  	v1 =	vor.u32 $0x180, v1;
	_ =	sdelay $0x4  }
0x243: {  	[tilespmem:v1+s25+$0x0] =	vst.idx.msk $0xffff, v0  }
0x244: {  	v1 =	vld [tilespmem:$0xC00];
	_ =	sdelay $0x4  }
0x245: {  	v2 =	vshll.u32 v1, $0x2  }
0x246: {  	v1 =	vand.u32 $0x7F, v1;
	v2 =	vand.u32 $0xFFFFFE00, v2  }
0x247: {  	v3 =	vld [tilespmem:$0x2C00];
	v1 =	vor.u32 v1, v2;
	_ =	sdelay $0x4  }
0x248: {  	[tilespmem:v1+s25+$0x0] =	vst.idx.add.f32.msk $0xffff, v3  }
0x249: {  	v1 =	vld [tilespmem:$0xC10];
	_ =	sdelay $0x4  }
0x24a: {  	v2 =	vshll.u32 v1, $0x2  }
0x24b: {  	v1 =	vand.u32 $0x7F, v1;
	v2 =	vand.u32 $0xFFFFFE00, v2  }
0x24c: {  	v3 =	vld [tilespmem:$0x2C10];
	v1 =	vor.u32 v1, v2;
	_ =	sdelay $0x4  }
0x24d: {  	[tilespmem:v1+s25+$0x0] =	vst.idx.add.f32.msk $0xffff, v3  }
0x24e: {  	v1 =	vld [tilespmem:$0xC80];
	_ =	sdelay $0x4  }
0x24f: {  	v2 =	vshll.u32 v1, $0x2  }
0x250: {  	v1 =	vand.u32 $0x7F, v1;
	v2 =	vand.u32 $0xFFFFFE00, v2  }
0x251: {  	v1 =	vor.u32 v2, v1  }
0x252: {  	v2 =	vld [tilespmem:$0x2C80];
	v1 =	vor.u32 $0x80, v1;
	_ =	sdelay $0x4  }
0x253: {  	[tilespmem:v1+s25+$0x0] =	vst.idx.add.f32.msk $0xffff, v2  }
0x254: {  	v1 =	vld [tilespmem:$0xC90];
	_ =	sdelay $0x4  }
0x255: {  	v2 =	vshll.u32 v1, $0x2  }
0x256: {  	v1 =	vand.u32 $0x7F, v1;
	v2 =	vand.u32 $0xFFFFFE00, v2  }
0x257: {  	v1 =	vor.u32 v2, v1  }
0x258: {  	v2 =	vld [tilespmem:$0x2C90];
	v1 =	vor.u32 $0x80, v1;
	_ =	sdelay $0x4  }
0x259: {  	[tilespmem:v1+s25+$0x0] =	vst.idx.add.f32.msk $0xffff, v2  }
0x25a: {  	v1 =	vld [tilespmem:$0xD00];
	_ =	sdelay $0x4  }
0x25b: {  	v2 =	vshll.u32 v1, $0x2  }
0x25c: {  	v1 =	vand.u32 $0x7F, v1;
	v2 =	vand.u32 $0xFFFFFE00, v2  }
0x25d: {  	v1 =	vor.u32 v2, v1  }
0x25e: {  	v2 =	vld [tilespmem:$0x2D00];
	v1 =	vor.u32 $0x100, v1;
	_ =	sdelay $0x4  }
0x25f: {  	[tilespmem:v1+s25+$0x0] =	vst.idx.add.f32.msk $0xffff, v2  }
0x260: {  	v1 =	vld [tilespmem:$0xD10];
	_ =	sdelay $0x4  }
0x261: {  	v2 =	vshll.u32 v1, $0x2  }
0x262: {  	v1 =	vand.u32 $0x7F, v1;
	v2 =	vand.u32 $0xFFFFFE00, v2  }
0x263: {  	v1 =	vor.u32 v2, v1  }
0x264: {  	v2 =	vld [tilespmem:$0x2D10];
	v1 =	vor.u32 $0x100, v1;
	_ =	sdelay $0x4  }
0x265: {  	[tilespmem:v1+s25+$0x0] =	vst.idx.add.f32.msk $0xffff, v2  }
0x266: {  	v1 =	vld [tilespmem:$0xD80];
	_ =	sdelay $0x4  }
0x267: {  	v2 =	vshll.u32 v1, $0x2  }
0x268: {  	v1 =	vand.u32 $0x7F, v1;
	v2 =	vand.u32 $0xFFFFFE00, v2  }
0x269: {  	v1 =	vor.u32 v2, v1  }
0x26a: {  	v2 =	vld [tilespmem:$0x2D80];
	v1 =	vor.u32 $0x180, v1;
	_ =	sdelay $0x4  }
0x26b: {  	[tilespmem:v1+s25+$0x0] =	vst.idx.add.f32.msk $0xffff, v2  }
0x26c: {  	v1 =	vld [tilespmem:$0xD90];
	_ =	sdelay $0x4  }
0x26d: {  	v2 =	vshll.u32 v1, $0x2  }
0x26e: {  	v1 =	vand.u32 $0x7F, v1;
	v2 =	vand.u32 $0xFFFFFE00, v2  }
0x26f: {  	v1 =	vor.u32 v2, v1  }
0x270: {  	v2 =	vld [tilespmem:$0x2D90];
	v1 =	vor.u32 $0x180, v1;
	_ =	sdelay $0x4  }
0x271: {  	[tilespmem:v1+s25+$0x0] =	vst.idx.add.f32.msk $0xffff, v2  }
0x272: {  	[hbm4b:s11+s26] =	stream.strided.scatter [tilespmem:s25], [sflag:$0x1], $0x4000, s28, s26, $0x38;
	[tilespmem:$0xC000] =	vst v63  }
0x273: {  	_ =	swait.ge [sflag:s24], $0x4000  }
0x274: {  	[sflag:s24] =	ssyncset.done $0x0  }
0x275: {  	[sflag:s24] =	ssyncadd.s32 $0xFFFFC000  }
0x276: {  	v1 =	vld [tilespmem:$0xA00];
	_ =	sdelay $0x4  }
0x277: {  	v2 =	vshll.u32 v1, $0x2  }
0x278: {  	v1 =	vand.u32 $0x7F, v1;
	v2 =	vand.u32 $0xFFFFFE00, v2  }
0x279: {  	v1 =	vor.u32 v1, v2;
	_ =	sdelay $0x4  }
0x27a: {  	[tilespmem:v1+s29+$0x0] =	vst.idx.msk $0xffff, v0  }
0x27b: {  	v1 =	vld [tilespmem:$0xA10];
	_ =	sdelay $0x4  }
0x27c: {  	v2 =	vshll.u32 v1, $0x2  }
0x27d: {  	v1 =	vand.u32 $0x7F, v1;
	v2 =	vand.u32 $0xFFFFFE00, v2  }
0x27e: {  	v1 =	vor.u32 v1, v2;
	_ =	sdelay $0x4  }
0x27f: {  	[tilespmem:v1+s29+$0x0] =	vst.idx.msk $0xffff, v0  }
0x280: {  	v1 =	vld [tilespmem:$0xA80];
	_ =	sdelay $0x4  }
0x281: {  	v2 =	vshll.u32 v1, $0x2  }
0x282: {  	v1 =	vand.u32 $0x7F, v1;
	v2 =	vand.u32 $0xFFFFFE00, v2  }
0x283: {  	v1 =	vor.u32 v2, v1  }
0x284: {  	v1 =	vor.u32 $0x80, v1;
	_ =	sdelay $0x4  }
0x285: {  	[tilespmem:v1+s29+$0x0] =	vst.idx.msk $0xffff, v0  }
0x286: {  	v1 =	vld [tilespmem:$0xA90];
	_ =	sdelay $0x4  }
0x287: {  	v2 =	vshll.u32 v1, $0x2  }
0x288: {  	v1 =	vand.u32 $0x7F, v1;
	v2 =	vand.u32 $0xFFFFFE00, v2  }
0x289: {  	v1 =	vor.u32 v2, v1  }
0x28a: {  	v1 =	vor.u32 $0x80, v1;
	_ =	sdelay $0x4  }
0x28b: {  	[tilespmem:v1+s29+$0x0] =	vst.idx.msk $0xffff, v0  }
0x28c: {  	v1 =	vld [tilespmem:$0xB00];
	_ =	sdelay $0x4  }
0x28d: {  	v2 =	vshll.u32 v1, $0x2  }
0x28e: {  	v1 =	vand.u32 $0x7F, v1;
	v2 =	vand.u32 $0xFFFFFE00, v2  }
0x28f: {  	v1 =	vor.u32 v2, v1  }
0x290: {  	v1 =	vor.u32 $0x100, v1;
	_ =	sdelay $0x4  }
0x291: {  	[tilespmem:v1+s29+$0x0] =	vst.idx.msk $0xffff, v0  }
0x292: {  	v1 =	vld [tilespmem:$0xB10];
	_ =	sdelay $0x4  }
0x293: {  	v2 =	vshll.u32 v1, $0x2  }
0x294: {  	v1 =	vand.u32 $0x7F, v1;
	v2 =	vand.u32 $0xFFFFFE00, v2  }
0x295: {  	v1 =	vor.u32 v2, v1  }
0x296: {  	v1 =	vor.u32 $0x100, v1;
	_ =	sdelay $0x4  }
0x297: {  	[tilespmem:v1+s29+$0x0] =	vst.idx.msk $0xffff, v0  }
0x298: {  	v1 =	vld [tilespmem:$0xB80];
	_ =	sdelay $0x4  }
0x299: {  	v2 =	vshll.u32 v1, $0x2  }
0x29a: {  	v1 =	vand.u32 $0x7F, v1;
	v2 =	vand.u32 $0xFFFFFE00, v2  }
0x29b: {  	v1 =	vor.u32 v2, v1  }
0x29c: {  	v1 =	vor.u32 $0x180, v1;
	_ =	sdelay $0x4  }
0x29d: {  	[tilespmem:v1+s29+$0x0] =	vst.idx.msk $0xffff, v0  }
0x29e: {  	v1 =	vld [tilespmem:$0xB90];
	_ =	sdelay $0x4  }
0x29f: {  	v2 =	vshll.u32 v1, $0x2  }
0x2a0: {  	v1 =	vand.u32 $0x7F, v1;
	v2 =	vand.u32 $0xFFFFFE00, v2  }
0x2a1: {  	v1 =	vor.u32 v2, v1  }
0x2a2: {  	v1 =	vor.u32 $0x180, v1;
	_ =	sdelay $0x4  }
0x2a3: {  	[tilespmem:v1+s29+$0x0] =	vst.idx.msk $0xffff, v0  }
0x2a4: {  	v1 =	vld [tilespmem:$0xE00];
	_ =	sdelay $0x4  }
0x2a5: {  	v2 =	vshll.u32 v1, $0x2  }
0x2a6: {  	v1 =	vand.u32 $0x7F, v1;
	v2 =	vand.u32 $0xFFFFFE00, v2  }
0x2a7: {  	v3 =	vld [tilespmem:$0x2E00];
	v1 =	vor.u32 v1, v2;
	_ =	sdelay $0x4  }
0x2a8: {  	[tilespmem:v1+s29+$0x0] =	vst.idx.add.f32.msk $0xffff, v3  }
0x2a9: {  	v1 =	vld [tilespmem:$0xE10];
	_ =	sdelay $0x4  }
0x2aa: {  	v2 =	vshll.u32 v1, $0x2  }
0x2ab: {  	v1 =	vand.u32 $0x7F, v1;
	v2 =	vand.u32 $0xFFFFFE00, v2  }
0x2ac: {  	v3 =	vld [tilespmem:$0x2E10];
	v1 =	vor.u32 v1, v2;
	_ =	sdelay $0x4  }
0x2ad: {  	[tilespmem:v1+s29+$0x0] =	vst.idx.add.f32.msk $0xffff, v3  }
0x2ae: {  	v1 =	vld [tilespmem:$0xE80];
	_ =	sdelay $0x4  }
0x2af: {  	v2 =	vshll.u32 v1, $0x2  }
0x2b0: {  	v1 =	vand.u32 $0x7F, v1;
	v2 =	vand.u32 $0xFFFFFE00, v2  }
0x2b1: {  	v1 =	vor.u32 v2, v1  }
0x2b2: {  	v2 =	vld [tilespmem:$0x2E80];
	v1 =	vor.u32 $0x80, v1;
	_ =	sdelay $0x4  }
0x2b3: {  	[tilespmem:v1+s29+$0x0] =	vst.idx.add.f32.msk $0xffff, v2  }
0x2b4: {  	v1 =	vld [tilespmem:$0xE90];
	_ =	sdelay $0x4  }
0x2b5: {  	v2 =	vshll.u32 v1, $0x2  }
0x2b6: {  	v1 =	vand.u32 $0x7F, v1;
	v2 =	vand.u32 $0xFFFFFE00, v2  }
0x2b7: {  	v1 =	vor.u32 v2, v1  }
0x2b8: {  	v2 =	vld [tilespmem:$0x2E90];
	v1 =	vor.u32 $0x80, v1;
	_ =	sdelay $0x4  }
0x2b9: {  	[tilespmem:v1+s29+$0x0] =	vst.idx.add.f32.msk $0xffff, v2  }
0x2ba: {  	v1 =	vld [tilespmem:$0xF00];
	_ =	sdelay $0x4  }
0x2bb: {  	v2 =	vshll.u32 v1, $0x2  }
0x2bc: {  	v1 =	vand.u32 $0x7F, v1;
	v2 =	vand.u32 $0xFFFFFE00, v2  }
0x2bd: {  	v1 =	vor.u32 v2, v1  }
0x2be: {  	v2 =	vld [tilespmem:$0x2F00];
	v1 =	vor.u32 $0x100, v1;
	_ =	sdelay $0x4  }
0x2bf: {  	[tilespmem:v1+s29+$0x0] =	vst.idx.add.f32.msk $0xffff, v2  }
0x2c0: {  	v1 =	vld [tilespmem:$0xF10];
	_ =	sdelay $0x4  }
0x2c1: {  	v2 =	vshll.u32 v1, $0x2  }
0x2c2: {  	v1 =	vand.u32 $0x7F, v1;
	v2 =	vand.u32 $0xFFFFFE00, v2  }
0x2c3: {  	v1 =	vor.u32 v2, v1  }
0x2c4: {  	v2 =	vld [tilespmem:$0x2F10];
	v1 =	vor.u32 $0x100, v1;
	_ =	sdelay $0x4  }
0x2c5: {  	[tilespmem:v1+s29+$0x0] =	vst.idx.add.f32.msk $0xffff, v2  }
0x2c6: {  	v1 =	vld [tilespmem:$0xF80];
	_ =	sdelay $0x4  }
0x2c7: {  	v2 =	vshll.u32 v1, $0x2  }
0x2c8: {  	v1 =	vand.u32 $0x7F, v1;
	v2 =	vand.u32 $0xFFFFFE00, v2  }
0x2c9: {  	v1 =	vor.u32 v2, v1  }
0x2ca: {  	v2 =	vld [tilespmem:$0x2F80];
	v1 =	vor.u32 $0x180, v1;
	_ =	sdelay $0x4  }
0x2cb: {  	[tilespmem:v1+s29+$0x0] =	vst.idx.add.f32.msk $0xffff, v2  }
0x2cc: {  	v1 =	vld [tilespmem:$0xF90];
	_ =	sdelay $0x4  }
0x2cd: {  	v2 =	vshll.u32 v1, $0x2  }
0x2ce: {  	v1 =	vand.u32 $0x7F, v1;
	v2 =	vand.u32 $0xFFFFFE00, v2  }
0x2cf: {  	v1 =	vor.u32 v2, v1  }
0x2d0: {  	v2 =	vld [tilespmem:$0x2F90];
	v1 =	vor.u32 $0x180, v1;
	_ =	sdelay $0x4  }
0x2d1: {  	[tilespmem:v1+s29+$0x0] =	vst.idx.add.f32.msk $0xffff, v2  }
0x2d2: {  	[hbm4b:s12+s26] =	stream.strided.scatter [tilespmem:s29], [sflag:$0x2], $0x4000, s28, s26, $0x38;
	[tilespmem:$0xC000] =	vst v63  }
0x2d3: {  	_ =	swait.ge [sflag:s23], $0x4000  }
0x2d4: {  	[sflag:s23] =	ssyncset.done $0x0  }
0x2d5: {  	[sflag:s23] =	ssyncadd.s32 $0xFFFFC000  }
0x2d6: {  	v1 =	vld [tilespmem:$0xC00];
	_ =	sdelay $0x4  }
0x2d7: {  	v2 =	vshll.u32 v1, $0x2  }
0x2d8: {  	v1 =	vand.u32 $0x7F, v1;
	v2 =	vand.u32 $0xFFFFFE00, v2  }
0x2d9: {  	v1 =	vor.u32 v1, v2;
	_ =	sdelay $0x4  }
0x2da: {  	[tilespmem:v1+s25+$0x0] =	vst.idx.msk $0xffff, v0  }
0x2db: {  	v1 =	vld [tilespmem:$0xC10];
	_ =	sdelay $0x4  }
0x2dc: {  	v2 =	vshll.u32 v1, $0x2  }
0x2dd: {  	v1 =	vand.u32 $0x7F, v1;
	v2 =	vand.u32 $0xFFFFFE00, v2  }
0x2de: {  	v1 =	vor.u32 v1, v2;
	_ =	sdelay $0x4  }
0x2df: {  	[tilespmem:v1+s25+$0x0] =	vst.idx.msk $0xffff, v0  }
0x2e0: {  	v1 =	vld [tilespmem:$0xC80];
	_ =	sdelay $0x4  }
0x2e1: {  	v2 =	vshll.u32 v1, $0x2  }
0x2e2: {  	v1 =	vand.u32 $0x7F, v1;
	v2 =	vand.u32 $0xFFFFFE00, v2  }
0x2e3: {  	v1 =	vor.u32 v2, v1  }
0x2e4: {  	v1 =	vor.u32 $0x80, v1;
	_ =	sdelay $0x4  }
0x2e5: {  	[tilespmem:v1+s25+$0x0] =	vst.idx.msk $0xffff, v0  }
0x2e6: {  	v1 =	vld [tilespmem:$0xC90];
	_ =	sdelay $0x4  }
0x2e7: {  	v2 =	vshll.u32 v1, $0x2  }
0x2e8: {  	v1 =	vand.u32 $0x7F, v1;
	v2 =	vand.u32 $0xFFFFFE00, v2  }
0x2e9: {  	v1 =	vor.u32 v2, v1  }
0x2ea: {  	v1 =	vor.u32 $0x80, v1;
	_ =	sdelay $0x4  }
0x2eb: {  	[tilespmem:v1+s25+$0x0] =	vst.idx.msk $0xffff, v0  }
0x2ec: {  	v1 =	vld [tilespmem:$0xD00];
	_ =	sdelay $0x4  }
0x2ed: {  	v2 =	vshll.u32 v1, $0x2  }
0x2ee: {  	v1 =	vand.u32 $0x7F, v1;
	v2 =	vand.u32 $0xFFFFFE00, v2  }
0x2ef: {  	v1 =	vor.u32 v2, v1  }
0x2f0: {  	v1 =	vor.u32 $0x100, v1;
	_ =	sdelay $0x4  }
0x2f1: {  	[tilespmem:v1+s25+$0x0] =	vst.idx.msk $0xffff, v0  }
0x2f2: {  	v1 =	vld [tilespmem:$0xD10];
	_ =	sdelay $0x4  }
0x2f3: {  	v2 =	vshll.u32 v1, $0x2  }
0x2f4: {  	v1 =	vand.u32 $0x7F, v1;
	v2 =	vand.u32 $0xFFFFFE00, v2  }
0x2f5: {  	v1 =	vor.u32 v2, v1  }
0x2f6: {  	v1 =	vor.u32 $0x100, v1;
	_ =	sdelay $0x4  }
0x2f7: {  	[tilespmem:v1+s25+$0x0] =	vst.idx.msk $0xffff, v0  }
0x2f8: {  	v1 =	vld [tilespmem:$0xD80];
	_ =	sdelay $0x4  }
0x2f9: {  	v2 =	vshll.u32 v1, $0x2  }
0x2fa: {  	v1 =	vand.u32 $0x7F, v1;
	v2 =	vand.u32 $0xFFFFFE00, v2  }
0x2fb: {  	v1 =	vor.u32 v2, v1  }
0x2fc: {  	v1 =	vor.u32 $0x180, v1;
	_ =	sdelay $0x4  }
0x2fd: {  	[tilespmem:v1+s25+$0x0] =	vst.idx.msk $0xffff, v0  }
0x2fe: {  	v1 =	vld [tilespmem:$0xD90];
	_ =	sdelay $0x4  }
0x2ff: {  	v2 =	vshll.u32 v1, $0x2  }
0x300: {  	v1 =	vand.u32 $0x7F, v1;
	v2 =	vand.u32 $0xFFFFFE00, v2  }
0x301: {  	v1 =	vor.u32 v2, v1  }
0x302: {  	v1 =	vor.u32 $0x180, v1;
	_ =	sdelay $0x4  }
0x303: {  	[tilespmem:v1+s25+$0x0] =	vst.idx.msk $0xffff, v0  }
0x304: {  	v1 =	vld [tilespmem:$0x1000];
	_ =	sdelay $0x4  }
0x305: {  	v2 =	vshll.u32 v1, $0x2  }
0x306: {  	v1 =	vand.u32 $0x7F, v1;
	v2 =	vand.u32 $0xFFFFFE00, v2  }
0x307: {  	v3 =	vld [tilespmem:$0x3000];
	v1 =	vor.u32 v1, v2;
	_ =	sdelay $0x4  }
0x308: {  	[tilespmem:v1+s25+$0x0] =	vst.idx.add.f32.msk $0xffff, v3  }
0x309: {  	v1 =	vld [tilespmem:$0x1010];
	_ =	sdelay $0x4  }
0x30a: {  	v2 =	vshll.u32 v1, $0x2  }
0x30b: {  	v1 =	vand.u32 $0x7F, v1;
	v2 =	vand.u32 $0xFFFFFE00, v2  }
0x30c: {  	v3 =	vld [tilespmem:$0x3010];
	v1 =	vor.u32 v1, v2;
	_ =	sdelay $0x4  }
0x30d: {  	[tilespmem:v1+s25+$0x0] =	vst.idx.add.f32.msk $0xffff, v3  }
0x30e: {  	v1 =	vld [tilespmem:$0x1080];
	_ =	sdelay $0x4  }
0x30f: {  	v2 =	vshll.u32 v1, $0x2  }
0x310: {  	v1 =	vand.u32 $0x7F, v1;
	v2 =	vand.u32 $0xFFFFFE00, v2  }
0x311: {  	v1 =	vor.u32 v2, v1  }
0x312: {  	v2 =	vld [tilespmem:$0x3080];
	v1 =	vor.u32 $0x80, v1;
	_ =	sdelay $0x4  }
0x313: {  	[tilespmem:v1+s25+$0x0] =	vst.idx.add.f32.msk $0xffff, v2  }
0x314: {  	v1 =	vld [tilespmem:$0x1090];
	_ =	sdelay $0x4  }
0x315: {  	v2 =	vshll.u32 v1, $0x2  }
0x316: {  	v1 =	vand.u32 $0x7F, v1;
	v2 =	vand.u32 $0xFFFFFE00, v2  }
0x317: {  	v1 =	vor.u32 v2, v1  }
0x318: {  	v2 =	vld [tilespmem:$0x3090];
	v1 =	vor.u32 $0x80, v1;
	_ =	sdelay $0x4  }
0x319: {  	[tilespmem:v1+s25+$0x0] =	vst.idx.add.f32.msk $0xffff, v2  }
0x31a: {  	v1 =	vld [tilespmem:$0x1100];
	_ =	sdelay $0x4  }
0x31b: {  	v2 =	vshll.u32 v1, $0x2  }
0x31c: {  	v1 =	vand.u32 $0x7F, v1;
	v2 =	vand.u32 $0xFFFFFE00, v2  }
0x31d: {  	v1 =	vor.u32 v2, v1  }
0x31e: {  	v2 =	vld [tilespmem:$0x3100];
	v1 =	vor.u32 $0x100, v1;
	_ =	sdelay $0x4  }
0x31f: {  	[tilespmem:v1+s25+$0x0] =	vst.idx.add.f32.msk $0xffff, v2  }
0x320: {  	v1 =	vld [tilespmem:$0x1110];
	_ =	sdelay $0x4  }
0x321: {  	v2 =	vshll.u32 v1, $0x2  }
0x322: {  	v1 =	vand.u32 $0x7F, v1;
	v2 =	vand.u32 $0xFFFFFE00, v2  }
0x323: {  	v1 =	vor.u32 v2, v1  }
0x324: {  	v2 =	vld [tilespmem:$0x3110];
	v1 =	vor.u32 $0x100, v1;
	_ =	sdelay $0x4  }
0x325: {  	[tilespmem:v1+s25+$0x0] =	vst.idx.add.f32.msk $0xffff, v2  }
0x326: {  	v1 =	vld [tilespmem:$0x1180];
	_ =	sdelay $0x4  }
0x327: {  	v2 =	vshll.u32 v1, $0x2  }
0x328: {  	v1 =	vand.u32 $0x7F, v1;
	v2 =	vand.u32 $0xFFFFFE00, v2  }
0x329: {  	v1 =	vor.u32 v2, v1  }
0x32a: {  	v2 =	vld [tilespmem:$0x3180];
	v1 =	vor.u32 $0x180, v1;
	_ =	sdelay $0x4  }
0x32b: {  	[tilespmem:v1+s25+$0x0] =	vst.idx.add.f32.msk $0xffff, v2  }
0x32c: {  	v1 =	vld [tilespmem:$0x1190];
	_ =	sdelay $0x4  }
0x32d: {  	v2 =	vshll.u32 v1, $0x2  }
0x32e: {  	v1 =	vand.u32 $0x7F, v1;
	v2 =	vand.u32 $0xFFFFFE00, v2  }
0x32f: {  	v1 =	vor.u32 v2, v1  }
0x330: {  	v2 =	vld [tilespmem:$0x3190];
	v1 =	vor.u32 $0x180, v1;
	_ =	sdelay $0x4  }
0x331: {  	[tilespmem:v1+s25+$0x0] =	vst.idx.add.f32.msk $0xffff, v2  }
0x332: {  	[hbm4b:s13+s26] =	stream.strided.scatter [tilespmem:s25], [sflag:$0x1], $0x4000, s28, s26, $0x38;
	[tilespmem:$0xC000] =	vst v63  }
0x333: {  	_ =	swait.ge [sflag:s24], $0x4000  }
0x334: {  	[sflag:s24] =	ssyncset.done $0x0  }
0x335: {  	[sflag:s24] =	ssyncadd.s32 $0xFFFFC000  }
0x336: {  	v1 =	vld [tilespmem:$0xE00];
	_ =	sdelay $0x4  }
0x337: {  	v2 =	vshll.u32 v1, $0x2  }
0x338: {  	v1 =	vand.u32 $0x7F, v1;
	v2 =	vand.u32 $0xFFFFFE00, v2  }
0x339: {  	v1 =	vor.u32 v1, v2;
	_ =	sdelay $0x4  }
0x33a: {  	[tilespmem:v1+s29+$0x0] =	vst.idx.msk $0xffff, v0  }
0x33b: {  	v1 =	vld [tilespmem:$0xE10];
	_ =	sdelay $0x4  }
0x33c: {  	v2 =	vshll.u32 v1, $0x2  }
0x33d: {  	v1 =	vand.u32 $0x7F, v1;
	v2 =	vand.u32 $0xFFFFFE00, v2  }
0x33e: {  	v1 =	vor.u32 v1, v2;
	_ =	sdelay $0x4  }
0x33f: {  	[tilespmem:v1+s29+$0x0] =	vst.idx.msk $0xffff, v0  }
0x340: {  	v1 =	vld [tilespmem:$0xE80];
	_ =	sdelay $0x4  }
0x341: {  	v2 =	vshll.u32 v1, $0x2  }
0x342: {  	v1 =	vand.u32 $0x7F, v1;
	v2 =	vand.u32 $0xFFFFFE00, v2  }
0x343: {  	v1 =	vor.u32 v2, v1  }
0x344: {  	v1 =	vor.u32 $0x80, v1;
	_ =	sdelay $0x4  }
0x345: {  	[tilespmem:v1+s29+$0x0] =	vst.idx.msk $0xffff, v0  }
0x346: {  	v1 =	vld [tilespmem:$0xE90];
	_ =	sdelay $0x4  }
0x347: {  	v2 =	vshll.u32 v1, $0x2  }
0x348: {  	v1 =	vand.u32 $0x7F, v1;
	v2 =	vand.u32 $0xFFFFFE00, v2  }
0x349: {  	v1 =	vor.u32 v2, v1  }
0x34a: {  	v1 =	vor.u32 $0x80, v1;
	_ =	sdelay $0x4  }
0x34b: {  	[tilespmem:v1+s29+$0x0] =	vst.idx.msk $0xffff, v0  }
0x34c: {  	v1 =	vld [tilespmem:$0xF00];
	_ =	sdelay $0x4  }
0x34d: {  	v2 =	vshll.u32 v1, $0x2  }
0x34e: {  	v1 =	vand.u32 $0x7F, v1;
	v2 =	vand.u32 $0xFFFFFE00, v2  }
0x34f: {  	v1 =	vor.u32 v2, v1  }
0x350: {  	v1 =	vor.u32 $0x100, v1;
	_ =	sdelay $0x4  }
0x351: {  	[tilespmem:v1+s29+$0x0] =	vst.idx.msk $0xffff, v0  }
0x352: {  	v1 =	vld [tilespmem:$0xF10];
	_ =	sdelay $0x4  }
0x353: {  	v2 =	vshll.u32 v1, $0x2  }
0x354: {  	v1 =	vand.u32 $0x7F, v1;
	v2 =	vand.u32 $0xFFFFFE00, v2  }
0x355: {  	v1 =	vor.u32 v2, v1  }
0x356: {  	v1 =	vor.u32 $0x100, v1;
	_ =	sdelay $0x4  }
0x357: {  	[tilespmem:v1+s29+$0x0] =	vst.idx.msk $0xffff, v0  }
0x358: {  	v1 =	vld [tilespmem:$0xF80];
	_ =	sdelay $0x4  }
0x359: {  	v2 =	vshll.u32 v1, $0x2  }
0x35a: {  	v1 =	vand.u32 $0x7F, v1;
	v2 =	vand.u32 $0xFFFFFE00, v2  }
0x35b: {  	v1 =	vor.u32 v2, v1  }
0x35c: {  	v1 =	vor.u32 $0x180, v1;
	_ =	sdelay $0x4  }
0x35d: {  	[tilespmem:v1+s29+$0x0] =	vst.idx.msk $0xffff, v0  }
0x35e: {  	v1 =	vld [tilespmem:$0xF90];
	_ =	sdelay $0x4  }
0x35f: {  	v2 =	vshll.u32 v1, $0x2  }
0x360: {  	v1 =	vand.u32 $0x7F, v1;
	v2 =	vand.u32 $0xFFFFFE00, v2  }
0x361: {  	v1 =	vor.u32 v2, v1  }
0x362: {  	v1 =	vor.u32 $0x180, v1;
	_ =	sdelay $0x4  }
0x363: {  	[tilespmem:v1+s29+$0x0] =	vst.idx.msk $0xffff, v0  }
0x364: {  	v1 =	vld [tilespmem:$0x1200];
	_ =	sdelay $0x4  }
0x365: {  	v2 =	vshll.u32 v1, $0x2  }
0x366: {  	v1 =	vand.u32 $0x7F, v1;
	v2 =	vand.u32 $0xFFFFFE00, v2  }
0x367: {  	v3 =	vld [tilespmem:$0x3200];
	v1 =	vor.u32 v1, v2;
	_ =	sdelay $0x4  }
0x368: {  	[tilespmem:v1+s29+$0x0] =	vst.idx.add.f32.msk $0xffff, v3  }
0x369: {  	v1 =	vld [tilespmem:$0x1210];
	_ =	sdelay $0x4  }
0x36a: {  	v2 =	vshll.u32 v1, $0x2  }
0x36b: {  	v1 =	vand.u32 $0x7F, v1;
	v2 =	vand.u32 $0xFFFFFE00, v2  }
0x36c: {  	v3 =	vld [tilespmem:$0x3210];
	v1 =	vor.u32 v1, v2;
	_ =	sdelay $0x4  }
0x36d: {  	[tilespmem:v1+s29+$0x0] =	vst.idx.add.f32.msk $0xffff, v3  }
0x36e: {  	v1 =	vld [tilespmem:$0x1280];
	_ =	sdelay $0x4  }
0x36f: {  	v2 =	vshll.u32 v1, $0x2  }
0x370: {  	v1 =	vand.u32 $0x7F, v1;
	v2 =	vand.u32 $0xFFFFFE00, v2  }
0x371: {  	v1 =	vor.u32 v2, v1  }
0x372: {  	v2 =	vld [tilespmem:$0x3280];
	v1 =	vor.u32 $0x80, v1;
	_ =	sdelay $0x4  }
0x373: {  	[tilespmem:v1+s29+$0x0] =	vst.idx.add.f32.msk $0xffff, v2  }
0x374: {  	v1 =	vld [tilespmem:$0x1290];
	_ =	sdelay $0x4  }
0x375: {  	v2 =	vshll.u32 v1, $0x2  }
0x376: {  	v1 =	vand.u32 $0x7F, v1;
	v2 =	vand.u32 $0xFFFFFE00, v2  }
0x377: {  	v1 =	vor.u32 v2, v1  }
0x378: {  	v2 =	vld [tilespmem:$0x3290];
	v1 =	vor.u32 $0x80, v1;
	_ =	sdelay $0x4  }
0x379: {  	[tilespmem:v1+s29+$0x0] =	vst.idx.add.f32.msk $0xffff, v2  }
0x37a: {  	v1 =	vld [tilespmem:$0x1300];
	_ =	sdelay $0x4  }
0x37b: {  	v2 =	vshll.u32 v1, $0x2  }
0x37c: {  	v1 =	vand.u32 $0x7F, v1;
	v2 =	vand.u32 $0xFFFFFE00, v2  }
0x37d: {  	v1 =	vor.u32 v2, v1  }
0x37e: {  	v2 =	vld [tilespmem:$0x3300];
	v1 =	vor.u32 $0x100, v1;
	_ =	sdelay $0x4  }
0x37f: {  	[tilespmem:v1+s29+$0x0] =	vst.idx.add.f32.msk $0xffff, v2  }
0x380: {  	v1 =	vld [tilespmem:$0x1310];
	_ =	sdelay $0x4  }
0x381: {  	v2 =	vshll.u32 v1, $0x2  }
0x382: {  	v1 =	vand.u32 $0x7F, v1;
	v2 =	vand.u32 $0xFFFFFE00, v2  }
0x383: {  	v1 =	vor.u32 v2, v1  }
0x384: {  	v2 =	vld [tilespmem:$0x3310];
	v1 =	vor.u32 $0x100, v1;
	_ =	sdelay $0x4  }
0x385: {  	[tilespmem:v1+s29+$0x0] =	vst.idx.add.f32.msk $0xffff, v2  }
0x386: {  	v1 =	vld [tilespmem:$0x1380];
	_ =	sdelay $0x4  }
0x387: {  	v2 =	vshll.u32 v1, $0x2  }
0x388: {  	v1 =	vand.u32 $0x7F, v1;
	v2 =	vand.u32 $0xFFFFFE00, v2  }
0x389: {  	v1 =	vor.u32 v2, v1  }
0x38a: {  	v2 =	vld [tilespmem:$0x3380];
	v1 =	vor.u32 $0x180, v1;
	_ =	sdelay $0x4  }
0x38b: {  	[tilespmem:v1+s29+$0x0] =	vst.idx.add.f32.msk $0xffff, v2  }
0x38c: {  	v1 =	vld [tilespmem:$0x1390];
	_ =	sdelay $0x4  }
0x38d: {  	v2 =	vshll.u32 v1, $0x2  }
0x38e: {  	v1 =	vand.u32 $0x7F, v1;
	v2 =	vand.u32 $0xFFFFFE00, v2  }
0x38f: {  	v1 =	vor.u32 v2, v1  }
0x390: {  	v2 =	vld [tilespmem:$0x3390];
	v1 =	vor.u32 $0x180, v1;
	_ =	sdelay $0x4  }
0x391: {  	[tilespmem:v1+s29+$0x0] =	vst.idx.add.f32.msk $0xffff, v2  }
0x392: {  	[hbm4b:s14+s26] =	stream.strided.scatter [tilespmem:s29], [sflag:$0x2], $0x4000, s28, s26, $0x38;
	[tilespmem:$0xC000] =	vst v63  }
0x393: {  	_ =	swait.ge [sflag:s23], $0x4000  }
0x394: {  	[sflag:s23] =	ssyncset.done $0x0  }
0x395: {  	[sflag:s23] =	ssyncadd.s32 $0xFFFFC000  }
0x396: {  	v1 =	vld [tilespmem:$0x1000];
	_ =	sdelay $0x4  }
0x397: {  	v2 =	vshll.u32 v1, $0x2  }
0x398: {  	v1 =	vand.u32 $0x7F, v1;
	v2 =	vand.u32 $0xFFFFFE00, v2  }
0x399: {  	v1 =	vor.u32 v1, v2;
	_ =	sdelay $0x4  }
0x39a: {  	[tilespmem:v1+s25+$0x0] =	vst.idx.msk $0xffff, v0  }
0x39b: {  	v1 =	vld [tilespmem:$0x1010];
	_ =	sdelay $0x4  }
0x39c: {  	v2 =	vshll.u32 v1, $0x2  }
0x39d: {  	v1 =	vand.u32 $0x7F, v1;
	v2 =	vand.u32 $0xFFFFFE00, v2  }
0x39e: {  	v1 =	vor.u32 v1, v2;
	_ =	sdelay $0x4  }
0x39f: {  	[tilespmem:v1+s25+$0x0] =	vst.idx.msk $0xffff, v0  }
0x3a0: {  	v1 =	vld [tilespmem:$0x1080];
	_ =	sdelay $0x4  }
0x3a1: {  	v2 =	vshll.u32 v1, $0x2  }
0x3a2: {  	v1 =	vand.u32 $0x7F, v1;
	v2 =	vand.u32 $0xFFFFFE00, v2  }
0x3a3: {  	v1 =	vor.u32 v2, v1  }
0x3a4: {  	v1 =	vor.u32 $0x80, v1;
	_ =	sdelay $0x4  }
0x3a5: {  	[tilespmem:v1+s25+$0x0] =	vst.idx.msk $0xffff, v0  }
0x3a6: {  	v1 =	vld [tilespmem:$0x1090];
	_ =	sdelay $0x4  }
0x3a7: {  	v2 =	vshll.u32 v1, $0x2  }
0x3a8: {  	v1 =	vand.u32 $0x7F, v1;
	v2 =	vand.u32 $0xFFFFFE00, v2  }
0x3a9: {  	v1 =	vor.u32 v2, v1  }
0x3aa: {  	v1 =	vor.u32 $0x80, v1;
	_ =	sdelay $0x4  }
0x3ab: {  	[tilespmem:v1+s25+$0x0] =	vst.idx.msk $0xffff, v0  }
0x3ac: {  	v1 =	vld [tilespmem:$0x1100];
	_ =	sdelay $0x4  }
0x3ad: {  	v2 =	vshll.u32 v1, $0x2  }
0x3ae: {  	v1 =	vand.u32 $0x7F, v1;
	v2 =	vand.u32 $0xFFFFFE00, v2  }
0x3af: {  	v1 =	vor.u32 v2, v1  }
0x3b0: {  	v1 =	vor.u32 $0x100, v1;
	_ =	sdelay $0x4  }
0x3b1: {  	[tilespmem:v1+s25+$0x0] =	vst.idx.msk $0xffff, v0  }
0x3b2: {  	v1 =	vld [tilespmem:$0x1110];
	_ =	sdelay $0x4  }
0x3b3: {  	v2 =	vshll.u32 v1, $0x2  }
0x3b4: {  	v1 =	vand.u32 $0x7F, v1;
	v2 =	vand.u32 $0xFFFFFE00, v2  }
0x3b5: {  	v1 =	vor.u32 v2, v1  }
0x3b6: {  	v1 =	vor.u32 $0x100, v1;
	_ =	sdelay $0x4  }
0x3b7: {  	[tilespmem:v1+s25+$0x0] =	vst.idx.msk $0xffff, v0  }
0x3b8: {  	v1 =	vld [tilespmem:$0x1180];
	_ =	sdelay $0x4  }
0x3b9: {  	v2 =	vshll.u32 v1, $0x2  }
0x3ba: {  	v1 =	vand.u32 $0x7F, v1;
	v2 =	vand.u32 $0xFFFFFE00, v2  }
0x3bb: {  	v1 =	vor.u32 v2, v1  }
0x3bc: {  	v1 =	vor.u32 $0x180, v1;
	_ =	sdelay $0x4  }
0x3bd: {  	[tilespmem:v1+s25+$0x0] =	vst.idx.msk $0xffff, v0  }
0x3be: {  	v1 =	vld [tilespmem:$0x1190];
	_ =	sdelay $0x4  }
0x3bf: {  	v2 =	vshll.u32 v1, $0x2  }
0x3c0: {  	v1 =	vand.u32 $0x7F, v1;
	v2 =	vand.u32 $0xFFFFFE00, v2  }
0x3c1: {  	v1 =	vor.u32 v2, v1  }
0x3c2: {  	v1 =	vor.u32 $0x180, v1;
	_ =	sdelay $0x4  }
0x3c3: {  	[tilespmem:v1+s25+$0x0] =	vst.idx.msk $0xffff, v0  }
0x3c4: {  	v1 =	vld [tilespmem:$0x1400];
	_ =	sdelay $0x4  }
0x3c5: {  	v2 =	vshll.u32 v1, $0x2  }
0x3c6: {  	v1 =	vand.u32 $0x7F, v1;
	v2 =	vand.u32 $0xFFFFFE00, v2  }
0x3c7: {  	v3 =	vld [tilespmem:$0x3400];
	v1 =	vor.u32 v1, v2;
	_ =	sdelay $0x4  }
0x3c8: {  	[tilespmem:v1+s25+$0x0] =	vst.idx.add.f32.msk $0xffff, v3  }
0x3c9: {  	v1 =	vld [tilespmem:$0x1410];
	_ =	sdelay $0x4  }
0x3ca: {  	v2 =	vshll.u32 v1, $0x2  }
0x3cb: {  	v1 =	vand.u32 $0x7F, v1;
	v2 =	vand.u32 $0xFFFFFE00, v2  }
0x3cc: {  	v3 =	vld [tilespmem:$0x3410];
	v1 =	vor.u32 v1, v2;
	_ =	sdelay $0x4  }
0x3cd: {  	[tilespmem:v1+s25+$0x0] =	vst.idx.add.f32.msk $0xffff, v3  }
0x3ce: {  	v1 =	vld [tilespmem:$0x1480];
	_ =	sdelay $0x4  }
0x3cf: {  	v2 =	vshll.u32 v1, $0x2  }
0x3d0: {  	v1 =	vand.u32 $0x7F, v1;
	v2 =	vand.u32 $0xFFFFFE00, v2  }
0x3d1: {  	v1 =	vor.u32 v2, v1  }
0x3d2: {  	v2 =	vld [tilespmem:$0x3480];
	v1 =	vor.u32 $0x80, v1;
	_ =	sdelay $0x4  }
0x3d3: {  	[tilespmem:v1+s25+$0x0] =	vst.idx.add.f32.msk $0xffff, v2  }
0x3d4: {  	v1 =	vld [tilespmem:$0x1490];
	_ =	sdelay $0x4  }
0x3d5: {  	v2 =	vshll.u32 v1, $0x2  }
0x3d6: {  	v1 =	vand.u32 $0x7F, v1;
	v2 =	vand.u32 $0xFFFFFE00, v2  }
0x3d7: {  	v1 =	vor.u32 v2, v1  }
0x3d8: {  	v2 =	vld [tilespmem:$0x3490];
	v1 =	vor.u32 $0x80, v1;
	_ =	sdelay $0x4  }
0x3d9: {  	[tilespmem:v1+s25+$0x0] =	vst.idx.add.f32.msk $0xffff, v2  }
0x3da: {  	v1 =	vld [tilespmem:$0x1500];
	_ =	sdelay $0x4  }
0x3db: {  	v2 =	vshll.u32 v1, $0x2  }
0x3dc: {  	v1 =	vand.u32 $0x7F, v1;
	v2 =	vand.u32 $0xFFFFFE00, v2  }
0x3dd: {  	v1 =	vor.u32 v2, v1  }
0x3de: {  	v2 =	vld [tilespmem:$0x3500];
	v1 =	vor.u32 $0x100, v1;
	_ =	sdelay $0x4  }
0x3df: {  	[tilespmem:v1+s25+$0x0] =	vst.idx.add.f32.msk $0xffff, v2  }
0x3e0: {  	v1 =	vld [tilespmem:$0x1510];
	_ =	sdelay $0x4  }
0x3e1: {  	v2 =	vshll.u32 v1, $0x2  }
0x3e2: {  	v1 =	vand.u32 $0x7F, v1;
	v2 =	vand.u32 $0xFFFFFE00, v2  }
0x3e3: {  	v1 =	vor.u32 v2, v1  }
0x3e4: {  	v2 =	vld [tilespmem:$0x3510];
	v1 =	vor.u32 $0x100, v1;
	_ =	sdelay $0x4  }
0x3e5: {  	[tilespmem:v1+s25+$0x0] =	vst.idx.add.f32.msk $0xffff, v2  }
0x3e6: {  	v1 =	vld [tilespmem:$0x1580];
	_ =	sdelay $0x4  }
0x3e7: {  	v2 =	vshll.u32 v1, $0x2  }
0x3e8: {  	v1 =	vand.u32 $0x7F, v1;
	v2 =	vand.u32 $0xFFFFFE00, v2  }
0x3e9: {  	v1 =	vor.u32 v2, v1  }
0x3ea: {  	v2 =	vld [tilespmem:$0x3580];
	v1 =	vor.u32 $0x180, v1;
	_ =	sdelay $0x4  }
0x3eb: {  	[tilespmem:v1+s25+$0x0] =	vst.idx.add.f32.msk $0xffff, v2  }
0x3ec: {  	v1 =	vld [tilespmem:$0x1590];
	_ =	sdelay $0x4  }
0x3ed: {  	v2 =	vshll.u32 v1, $0x2  }
0x3ee: {  	v1 =	vand.u32 $0x7F, v1;
	v2 =	vand.u32 $0xFFFFFE00, v2  }
0x3ef: {  	v1 =	vor.u32 v2, v1  }
0x3f0: {  	v2 =	vld [tilespmem:$0x3590];
	v1 =	vor.u32 $0x180, v1;
	_ =	sdelay $0x4  }
0x3f1: {  	[tilespmem:v1+s25+$0x0] =	vst.idx.add.f32.msk $0xffff, v2  }
0x3f2: {  	[hbm4b:s15+s26] =	stream.strided.scatter [tilespmem:s25], [sflag:$0x1], $0x4000, s28, s26, $0x38;
	[tilespmem:$0xC000] =	vst v63  }
0x3f3: {  	_ =	swait.ge [sflag:s24], $0x4000  }
0x3f4: {  	[sflag:s24] =	ssyncset.done $0x0  }
0x3f5: {  	[sflag:s24] =	ssyncadd.s32 $0xFFFFC000  }
0x3f6: {  	v1 =	vld [tilespmem:$0x1200];
	_ =	sdelay $0x4  }
0x3f7: {  	v2 =	vshll.u32 v1, $0x2  }
0x3f8: {  	v1 =	vand.u32 $0x7F, v1;
	v2 =	vand.u32 $0xFFFFFE00, v2  }
0x3f9: {  	v1 =	vor.u32 v1, v2;
	_ =	sdelay $0x4  }
0x3fa: {  	[tilespmem:v1+s29+$0x0] =	vst.idx.msk $0xffff, v0  }
0x3fb: {  	v1 =	vld [tilespmem:$0x1210];
	_ =	sdelay $0x4  }
0x3fc: {  	v2 =	vshll.u32 v1, $0x2  }
0x3fd: {  	v1 =	vand.u32 $0x7F, v1;
	v2 =	vand.u32 $0xFFFFFE00, v2  }
0x3fe: {  	v1 =	vor.u32 v1, v2;
	_ =	sdelay $0x4  }
0x3ff: {  	[tilespmem:v1+s29+$0x0] =	vst.idx.msk $0xffff, v0  }
0x400: {  	v1 =	vld [tilespmem:$0x1280];
	_ =	sdelay $0x4  }
0x401: {  	v2 =	vshll.u32 v1, $0x2  }
0x402: {  	v1 =	vand.u32 $0x7F, v1;
	v2 =	vand.u32 $0xFFFFFE00, v2  }
0x403: {  	v1 =	vor.u32 v2, v1  }
0x404: {  	v1 =	vor.u32 $0x80, v1;
	_ =	sdelay $0x4  }
0x405: {  	[tilespmem:v1+s29+$0x0] =	vst.idx.msk $0xffff, v0  }
0x406: {  	v1 =	vld [tilespmem:$0x1290];
	_ =	sdelay $0x4  }
0x407: {  	v2 =	vshll.u32 v1, $0x2  }
0x408: {  	v1 =	vand.u32 $0x7F, v1;
	v2 =	vand.u32 $0xFFFFFE00, v2  }
0x409: {  	v1 =	vor.u32 v2, v1  }
0x40a: {  	v1 =	vor.u32 $0x80, v1;
	_ =	sdelay $0x4  }
0x40b: {  	[tilespmem:v1+s29+$0x0] =	vst.idx.msk $0xffff, v0  }
0x40c: {  	v1 =	vld [tilespmem:$0x1300];
	_ =	sdelay $0x4  }
0x40d: {  	v2 =	vshll.u32 v1, $0x2  }
0x40e: {  	v1 =	vand.u32 $0x7F, v1;
	v2 =	vand.u32 $0xFFFFFE00, v2  }
0x40f: {  	v1 =	vor.u32 v2, v1  }
0x410: {  	v1 =	vor.u32 $0x100, v1;
	_ =	sdelay $0x4  }
0x411: {  	[tilespmem:v1+s29+$0x0] =	vst.idx.msk $0xffff, v0  }
0x412: {  	v1 =	vld [tilespmem:$0x1310];
	_ =	sdelay $0x4  }
0x413: {  	v2 =	vshll.u32 v1, $0x2  }
0x414: {  	v1 =	vand.u32 $0x7F, v1;
	v2 =	vand.u32 $0xFFFFFE00, v2  }
0x415: {  	v1 =	vor.u32 v2, v1  }
0x416: {  	v1 =	vor.u32 $0x100, v1;
	_ =	sdelay $0x4  }
0x417: {  	[tilespmem:v1+s29+$0x0] =	vst.idx.msk $0xffff, v0  }
0x418: {  	v1 =	vld [tilespmem:$0x1380];
	_ =	sdelay $0x4  }
0x419: {  	v2 =	vshll.u32 v1, $0x2  }
0x41a: {  	v1 =	vand.u32 $0x7F, v1;
	v2 =	vand.u32 $0xFFFFFE00, v2  }
0x41b: {  	v1 =	vor.u32 v2, v1  }
0x41c: {  	v1 =	vor.u32 $0x180, v1;
	_ =	sdelay $0x4  }
0x41d: {  	[tilespmem:v1+s29+$0x0] =	vst.idx.msk $0xffff, v0  }
0x41e: {  	v1 =	vld [tilespmem:$0x1390];
	_ =	sdelay $0x4  }
0x41f: {  	v2 =	vshll.u32 v1, $0x2  }
0x420: {  	v1 =	vand.u32 $0x7F, v1;
	v2 =	vand.u32 $0xFFFFFE00, v2  }
0x421: {  	v1 =	vor.u32 v2, v1  }
0x422: {  	v1 =	vor.u32 $0x180, v1;
	_ =	sdelay $0x4  }
0x423: {  	[tilespmem:v1+s29+$0x0] =	vst.idx.msk $0xffff, v0  }
0x424: {  	v1 =	vld [tilespmem:$0x1600];
	_ =	sdelay $0x4  }
0x425: {  	v2 =	vshll.u32 v1, $0x2  }
0x426: {  	v1 =	vand.u32 $0x7F, v1;
	v2 =	vand.u32 $0xFFFFFE00, v2  }
0x427: {  	v3 =	vld [tilespmem:$0x3600];
	v1 =	vor.u32 v1, v2;
	_ =	sdelay $0x4  }
0x428: {  	[tilespmem:v1+s29+$0x0] =	vst.idx.add.f32.msk $0xffff, v3  }
0x429: {  	v1 =	vld [tilespmem:$0x1610];
	_ =	sdelay $0x4  }
0x42a: {  	v2 =	vshll.u32 v1, $0x2  }
0x42b: {  	v1 =	vand.u32 $0x7F, v1;
	v2 =	vand.u32 $0xFFFFFE00, v2  }
0x42c: {  	v3 =	vld [tilespmem:$0x3610];
	v1 =	vor.u32 v1, v2;
	_ =	sdelay $0x4  }
0x42d: {  	[tilespmem:v1+s29+$0x0] =	vst.idx.add.f32.msk $0xffff, v3  }
0x42e: {  	v1 =	vld [tilespmem:$0x1680];
	_ =	sdelay $0x4  }
0x42f: {  	v2 =	vshll.u32 v1, $0x2  }
0x430: {  	v1 =	vand.u32 $0x7F, v1;
	v2 =	vand.u32 $0xFFFFFE00, v2  }
0x431: {  	v1 =	vor.u32 v2, v1  }
0x432: {  	v2 =	vld [tilespmem:$0x3680];
	v1 =	vor.u32 $0x80, v1;
	_ =	sdelay $0x4  }
0x433: {  	[tilespmem:v1+s29+$0x0] =	vst.idx.add.f32.msk $0xffff, v2  }
0x434: {  	v1 =	vld [tilespmem:$0x1690];
	_ =	sdelay $0x4  }
0x435: {  	v2 =	vshll.u32 v1, $0x2  }
0x436: {  	v1 =	vand.u32 $0x7F, v1;
	v2 =	vand.u32 $0xFFFFFE00, v2  }
0x437: {  	v1 =	vor.u32 v2, v1  }
0x438: {  	v2 =	vld [tilespmem:$0x3690];
	v1 =	vor.u32 $0x80, v1;
	_ =	sdelay $0x4  }
0x439: {  	[tilespmem:v1+s29+$0x0] =	vst.idx.add.f32.msk $0xffff, v2  }
0x43a: {  	v1 =	vld [tilespmem:$0x1700];
	_ =	sdelay $0x4  }
0x43b: {  	v2 =	vshll.u32 v1, $0x2  }
0x43c: {  	v1 =	vand.u32 $0x7F, v1;
	v2 =	vand.u32 $0xFFFFFE00, v2  }
0x43d: {  	v1 =	vor.u32 v2, v1  }
0x43e: {  	v2 =	vld [tilespmem:$0x3700];
	v1 =	vor.u32 $0x100, v1;
	_ =	sdelay $0x4  }
0x43f: {  	[tilespmem:v1+s29+$0x0] =	vst.idx.add.f32.msk $0xffff, v2  }
0x440: {  	v1 =	vld [tilespmem:$0x1710];
	_ =	sdelay $0x4  }
0x441: {  	v2 =	vshll.u32 v1, $0x2  }
0x442: {  	v1 =	vand.u32 $0x7F, v1;
	v2 =	vand.u32 $0xFFFFFE00, v2  }
0x443: {  	v1 =	vor.u32 v2, v1  }
0x444: {  	v2 =	vld [tilespmem:$0x3710];
	v1 =	vor.u32 $0x100, v1;
	_ =	sdelay $0x4  }
0x445: {  	[tilespmem:v1+s29+$0x0] =	vst.idx.add.f32.msk $0xffff, v2  }
0x446: {  	v1 =	vld [tilespmem:$0x1780];
	_ =	sdelay $0x4  }
0x447: {  	v2 =	vshll.u32 v1, $0x2  }
0x448: {  	v1 =	vand.u32 $0x7F, v1;
	v2 =	vand.u32 $0xFFFFFE00, v2  }
0x449: {  	v1 =	vor.u32 v2, v1  }
0x44a: {  	v2 =	vld [tilespmem:$0x3780];
	v1 =	vor.u32 $0x180, v1;
	_ =	sdelay $0x4  }
0x44b: {  	[tilespmem:v1+s29+$0x0] =	vst.idx.add.f32.msk $0xffff, v2  }
0x44c: {  	v1 =	vld [tilespmem:$0x1790];
	_ =	sdelay $0x4  }
0x44d: {  	v2 =	vshll.u32 v1, $0x2  }
0x44e: {  	v1 =	vand.u32 $0x7F, v1;
	v2 =	vand.u32 $0xFFFFFE00, v2  }
0x44f: {  	v1 =	vor.u32 v2, v1  }
0x450: {  	v2 =	vld [tilespmem:$0x3790];
	v1 =	vor.u32 $0x180, v1;
	_ =	sdelay $0x4  }
0x451: {  	[tilespmem:v1+s29+$0x0] =	vst.idx.add.f32.msk $0xffff, v2  }
0x452: {  	[hbm4b:s16+s26] =	stream.strided.scatter [tilespmem:s29], [sflag:$0x2], $0x4000, s28, s26, $0x38;
	[tilespmem:$0xC000] =	vst v63  }
0x453: {  	_ =	swait.ge [sflag:s23], $0x4000  }
0x454: {  	[sflag:s23] =	ssyncset.done $0x0  }
0x455: {  	[sflag:s23] =	ssyncadd.s32 $0xFFFFC000  }
0x456: {  	v1 =	vld [tilespmem:$0x1400];
	_ =	sdelay $0x4  }
0x457: {  	v2 =	vshll.u32 v1, $0x2  }
0x458: {  	v1 =	vand.u32 $0x7F, v1;
	v2 =	vand.u32 $0xFFFFFE00, v2  }
0x459: {  	v1 =	vor.u32 v1, v2;
	_ =	sdelay $0x4  }
0x45a: {  	[tilespmem:v1+s25+$0x0] =	vst.idx.msk $0xffff, v0  }
0x45b: {  	v1 =	vld [tilespmem:$0x1410];
	_ =	sdelay $0x4  }
0x45c: {  	v2 =	vshll.u32 v1, $0x2  }
0x45d: {  	v1 =	vand.u32 $0x7F, v1;
	v2 =	vand.u32 $0xFFFFFE00, v2  }
0x45e: {  	v1 =	vor.u32 v1, v2;
	_ =	sdelay $0x4  }
0x45f: {  	[tilespmem:v1+s25+$0x0] =	vst.idx.msk $0xffff, v0  }
0x460: {  	v1 =	vld [tilespmem:$0x1480];
	_ =	sdelay $0x4  }
0x461: {  	v2 =	vshll.u32 v1, $0x2  }
0x462: {  	v1 =	vand.u32 $0x7F, v1;
	v2 =	vand.u32 $0xFFFFFE00, v2  }
0x463: {  	v1 =	vor.u32 v2, v1  }
0x464: {  	v1 =	vor.u32 $0x80, v1;
	_ =	sdelay $0x4  }
0x465: {  	[tilespmem:v1+s25+$0x0] =	vst.idx.msk $0xffff, v0  }
0x466: {  	v1 =	vld [tilespmem:$0x1490];
	_ =	sdelay $0x4  }
0x467: {  	v2 =	vshll.u32 v1, $0x2  }
0x468: {  	v1 =	vand.u32 $0x7F, v1;
	v2 =	vand.u32 $0xFFFFFE00, v2  }
0x469: {  	v1 =	vor.u32 v2, v1  }
0x46a: {  	v1 =	vor.u32 $0x80, v1;
	_ =	sdelay $0x4  }
0x46b: {  	[tilespmem:v1+s25+$0x0] =	vst.idx.msk $0xffff, v0  }
0x46c: {  	v1 =	vld [tilespmem:$0x1500];
	_ =	sdelay $0x4  }
0x46d: {  	v2 =	vshll.u32 v1, $0x2  }
0x46e: {  	v1 =	vand.u32 $0x7F, v1;
	v2 =	vand.u32 $0xFFFFFE00, v2  }
0x46f: {  	v1 =	vor.u32 v2, v1  }
0x470: {  	v1 =	vor.u32 $0x100, v1;
	_ =	sdelay $0x4  }
0x471: {  	[tilespmem:v1+s25+$0x0] =	vst.idx.msk $0xffff, v0  }
0x472: {  	v1 =	vld [tilespmem:$0x1510];
	_ =	sdelay $0x4  }
0x473: {  	v2 =	vshll.u32 v1, $0x2  }
0x474: {  	v1 =	vand.u32 $0x7F, v1;
	v2 =	vand.u32 $0xFFFFFE00, v2  }
0x475: {  	v1 =	vor.u32 v2, v1  }
0x476: {  	v1 =	vor.u32 $0x100, v1;
	_ =	sdelay $0x4  }
0x477: {  	[tilespmem:v1+s25+$0x0] =	vst.idx.msk $0xffff, v0  }
0x478: {  	v1 =	vld [tilespmem:$0x1580];
	_ =	sdelay $0x4  }
0x479: {  	v2 =	vshll.u32 v1, $0x2  }
0x47a: {  	v1 =	vand.u32 $0x7F, v1;
	v2 =	vand.u32 $0xFFFFFE00, v2  }
0x47b: {  	v1 =	vor.u32 v2, v1  }
0x47c: {  	v1 =	vor.u32 $0x180, v1;
	_ =	sdelay $0x4  }
0x47d: {  	[tilespmem:v1+s25+$0x0] =	vst.idx.msk $0xffff, v0  }
0x47e: {  	v1 =	vld [tilespmem:$0x1590];
	_ =	sdelay $0x4  }
0x47f: {  	v2 =	vshll.u32 v1, $0x2  }
0x480: {  	v1 =	vand.u32 $0x7F, v1;
	v2 =	vand.u32 $0xFFFFFE00, v2  }
0x481: {  	v1 =	vor.u32 v2, v1  }
0x482: {  	v1 =	vor.u32 $0x180, v1;
	_ =	sdelay $0x4  }
0x483: {  	[tilespmem:v1+s25+$0x0] =	vst.idx.msk $0xffff, v0  }
0x484: {  	v1 =	vld [tilespmem:$0x1800];
	_ =	sdelay $0x4  }
0x485: {  	v2 =	vshll.u32 v1, $0x2  }
0x486: {  	v1 =	vand.u32 $0x7F, v1;
	v2 =	vand.u32 $0xFFFFFE00, v2  }
0x487: {  	v3 =	vld [tilespmem:$0x3800];
	v1 =	vor.u32 v1, v2;
	_ =	sdelay $0x4  }
0x488: {  	[tilespmem:v1+s25+$0x0] =	vst.idx.add.f32.msk $0xffff, v3  }
0x489: {  	v1 =	vld [tilespmem:$0x1810];
	_ =	sdelay $0x4  }
0x48a: {  	v2 =	vshll.u32 v1, $0x2  }
0x48b: {  	v1 =	vand.u32 $0x7F, v1;
	v2 =	vand.u32 $0xFFFFFE00, v2  }
0x48c: {  	v3 =	vld [tilespmem:$0x3810];
	v1 =	vor.u32 v1, v2;
	_ =	sdelay $0x4  }
0x48d: {  	[tilespmem:v1+s25+$0x0] =	vst.idx.add.f32.msk $0xffff, v3  }
0x48e: {  	v1 =	vld [tilespmem:$0x1880];
	_ =	sdelay $0x4  }
0x48f: {  	v2 =	vshll.u32 v1, $0x2  }
0x490: {  	v1 =	vand.u32 $0x7F, v1;
	v2 =	vand.u32 $0xFFFFFE00, v2  }
0x491: {  	v1 =	vor.u32 v2, v1  }
0x492: {  	v2 =	vld [tilespmem:$0x3880];
	v1 =	vor.u32 $0x80, v1;
	_ =	sdelay $0x4  }
0x493: {  	[tilespmem:v1+s25+$0x0] =	vst.idx.add.f32.msk $0xffff, v2  }
0x494: {  	v1 =	vld [tilespmem:$0x1890];
	_ =	sdelay $0x4  }
0x495: {  	v2 =	vshll.u32 v1, $0x2  }
0x496: {  	v1 =	vand.u32 $0x7F, v1;
	v2 =	vand.u32 $0xFFFFFE00, v2  }
0x497: {  	v1 =	vor.u32 v2, v1  }
0x498: {  	v2 =	vld [tilespmem:$0x3890];
	v1 =	vor.u32 $0x80, v1;
	_ =	sdelay $0x4  }
0x499: {  	[tilespmem:v1+s25+$0x0] =	vst.idx.add.f32.msk $0xffff, v2  }
0x49a: {  	v1 =	vld [tilespmem:$0x1900];
	_ =	sdelay $0x4  }
0x49b: {  	v2 =	vshll.u32 v1, $0x2  }
0x49c: {  	v1 =	vand.u32 $0x7F, v1;
	v2 =	vand.u32 $0xFFFFFE00, v2  }
0x49d: {  	v1 =	vor.u32 v2, v1  }
0x49e: {  	v2 =	vld [tilespmem:$0x3900];
	v1 =	vor.u32 $0x100, v1;
	_ =	sdelay $0x4  }
0x49f: {  	[tilespmem:v1+s25+$0x0] =	vst.idx.add.f32.msk $0xffff, v2  }
0x4a0: {  	v1 =	vld [tilespmem:$0x1910];
	_ =	sdelay $0x4  }
0x4a1: {  	v2 =	vshll.u32 v1, $0x2  }
0x4a2: {  	v1 =	vand.u32 $0x7F, v1;
	v2 =	vand.u32 $0xFFFFFE00, v2  }
0x4a3: {  	v1 =	vor.u32 v2, v1  }
0x4a4: {  	v2 =	vld [tilespmem:$0x3910];
	v1 =	vor.u32 $0x100, v1;
	_ =	sdelay $0x4  }
0x4a5: {  	[tilespmem:v1+s25+$0x0] =	vst.idx.add.f32.msk $0xffff, v2  }
0x4a6: {  	v1 =	vld [tilespmem:$0x1980];
	_ =	sdelay $0x4  }
0x4a7: {  	v2 =	vshll.u32 v1, $0x2  }
0x4a8: {  	v1 =	vand.u32 $0x7F, v1;
	v2 =	vand.u32 $0xFFFFFE00, v2  }
0x4a9: {  	v1 =	vor.u32 v2, v1  }
0x4aa: {  	v2 =	vld [tilespmem:$0x3980];
	v1 =	vor.u32 $0x180, v1;
	_ =	sdelay $0x4  }
0x4ab: {  	[tilespmem:v1+s25+$0x0] =	vst.idx.add.f32.msk $0xffff, v2  }
0x4ac: {  	v1 =	vld [tilespmem:$0x1990];
	_ =	sdelay $0x4  }
0x4ad: {  	v2 =	vshll.u32 v1, $0x2  }
0x4ae: {  	v1 =	vand.u32 $0x7F, v1;
	v2 =	vand.u32 $0xFFFFFE00, v2  }
0x4af: {  	v1 =	vor.u32 v2, v1  }
0x4b0: {  	v2 =	vld [tilespmem:$0x3990];
	v1 =	vor.u32 $0x180, v1;
	_ =	sdelay $0x4  }
0x4b1: {  	[tilespmem:v1+s25+$0x0] =	vst.idx.add.f32.msk $0xffff, v2  }
0x4b2: {  	[hbm4b:s17+s26] =	stream.strided.scatter [tilespmem:s25], [sflag:$0x1], $0x4000, s28, s26, $0x38;
	[tilespmem:$0xC000] =	vst v63  }
0x4b3: {  	_ =	swait.ge [sflag:s24], $0x4000  }
0x4b4: {  	[sflag:s24] =	ssyncset.done $0x0  }
0x4b5: {  	[sflag:s24] =	ssyncadd.s32 $0xFFFFC000  }
0x4b6: {  	v1 =	vld [tilespmem:$0x1600];
	_ =	sdelay $0x4  }
0x4b7: {  	v2 =	vshll.u32 v1, $0x2  }
0x4b8: {  	v1 =	vand.u32 $0x7F, v1;
	v2 =	vand.u32 $0xFFFFFE00, v2  }
0x4b9: {  	v1 =	vor.u32 v1, v2;
	_ =	sdelay $0x4  }
0x4ba: {  	[tilespmem:v1+s29+$0x0] =	vst.idx.msk $0xffff, v0  }
0x4bb: {  	v1 =	vld [tilespmem:$0x1610];
	_ =	sdelay $0x4  }
0x4bc: {  	v2 =	vshll.u32 v1, $0x2  }
0x4bd: {  	v1 =	vand.u32 $0x7F, v1;
	v2 =	vand.u32 $0xFFFFFE00, v2  }
0x4be: {  	v1 =	vor.u32 v1, v2;
	_ =	sdelay $0x4  }
0x4bf: {  	[tilespmem:v1+s29+$0x0] =	vst.idx.msk $0xffff, v0  }
0x4c0: {  	v1 =	vld [tilespmem:$0x1680];
	_ =	sdelay $0x4  }
0x4c1: {  	v2 =	vshll.u32 v1, $0x2  }
0x4c2: {  	v1 =	vand.u32 $0x7F, v1;
	v2 =	vand.u32 $0xFFFFFE00, v2  }
0x4c3: {  	v1 =	vor.u32 v2, v1  }
0x4c4: {  	v1 =	vor.u32 $0x80, v1;
	_ =	sdelay $0x4  }
0x4c5: {  	[tilespmem:v1+s29+$0x0] =	vst.idx.msk $0xffff, v0  }
0x4c6: {  	v1 =	vld [tilespmem:$0x1690];
	_ =	sdelay $0x4  }
0x4c7: {  	v2 =	vshll.u32 v1, $0x2  }
0x4c8: {  	v1 =	vand.u32 $0x7F, v1;
	v2 =	vand.u32 $0xFFFFFE00, v2  }
0x4c9: {  	v1 =	vor.u32 v2, v1  }
0x4ca: {  	v1 =	vor.u32 $0x80, v1;
	_ =	sdelay $0x4  }
0x4cb: {  	[tilespmem:v1+s29+$0x0] =	vst.idx.msk $0xffff, v0  }
0x4cc: {  	v1 =	vld [tilespmem:$0x1700];
	_ =	sdelay $0x4  }
0x4cd: {  	v2 =	vshll.u32 v1, $0x2  }
0x4ce: {  	v1 =	vand.u32 $0x7F, v1;
	v2 =	vand.u32 $0xFFFFFE00, v2  }
0x4cf: {  	v1 =	vor.u32 v2, v1  }
0x4d0: {  	v1 =	vor.u32 $0x100, v1;
	_ =	sdelay $0x4  }
0x4d1: {  	[tilespmem:v1+s29+$0x0] =	vst.idx.msk $0xffff, v0  }
0x4d2: {  	v1 =	vld [tilespmem:$0x1710];
	_ =	sdelay $0x4  }
0x4d3: {  	v2 =	vshll.u32 v1, $0x2  }
0x4d4: {  	v1 =	vand.u32 $0x7F, v1;
	v2 =	vand.u32 $0xFFFFFE00, v2  }
0x4d5: {  	v1 =	vor.u32 v2, v1  }
0x4d6: {  	v1 =	vor.u32 $0x100, v1;
	_ =	sdelay $0x4  }
0x4d7: {  	[tilespmem:v1+s29+$0x0] =	vst.idx.msk $0xffff, v0  }
0x4d8: {  	v1 =	vld [tilespmem:$0x1780];
	_ =	sdelay $0x4  }
0x4d9: {  	v2 =	vshll.u32 v1, $0x2  }
0x4da: {  	v1 =	vand.u32 $0x7F, v1;
	v2 =	vand.u32 $0xFFFFFE00, v2  }
0x4db: {  	v1 =	vor.u32 v2, v1  }
0x4dc: {  	v1 =	vor.u32 $0x180, v1;
	_ =	sdelay $0x4  }
0x4dd: {  	[tilespmem:v1+s29+$0x0] =	vst.idx.msk $0xffff, v0  }
0x4de: {  	v1 =	vld [tilespmem:$0x1790];
	_ =	sdelay $0x4  }
0x4df: {  	v2 =	vshll.u32 v1, $0x2  }
0x4e0: {  	v1 =	vand.u32 $0x7F, v1;
	v2 =	vand.u32 $0xFFFFFE00, v2  }
0x4e1: {  	v1 =	vor.u32 v2, v1  }
0x4e2: {  	v1 =	vor.u32 $0x180, v1;
	_ =	sdelay $0x4  }
0x4e3: {  	[tilespmem:v1+s29+$0x0] =	vst.idx.msk $0xffff, v0  }
0x4e4: {  	v1 =	vld [tilespmem:$0x1A00];
	_ =	sdelay $0x4  }
0x4e5: {  	v2 =	vshll.u32 v1, $0x2  }
0x4e6: {  	v1 =	vand.u32 $0x7F, v1;
	v2 =	vand.u32 $0xFFFFFE00, v2  }
0x4e7: {  	v3 =	vld [tilespmem:$0x3A00];
	v1 =	vor.u32 v1, v2;
	_ =	sdelay $0x4  }
0x4e8: {  	[tilespmem:v1+s29+$0x0] =	vst.idx.add.f32.msk $0xffff, v3  }
0x4e9: {  	v1 =	vld [tilespmem:$0x1A10];
	_ =	sdelay $0x4  }
0x4ea: {  	v2 =	vshll.u32 v1, $0x2  }
0x4eb: {  	v1 =	vand.u32 $0x7F, v1;
	v2 =	vand.u32 $0xFFFFFE00, v2  }
0x4ec: {  	v3 =	vld [tilespmem:$0x3A10];
	v1 =	vor.u32 v1, v2;
	_ =	sdelay $0x4  }
0x4ed: {  	[tilespmem:v1+s29+$0x0] =	vst.idx.add.f32.msk $0xffff, v3  }
0x4ee: {  	v1 =	vld [tilespmem:$0x1A80];
	_ =	sdelay $0x4  }
0x4ef: {  	v2 =	vshll.u32 v1, $0x2  }
0x4f0: {  	v1 =	vand.u32 $0x7F, v1;
	v2 =	vand.u32 $0xFFFFFE00, v2  }
0x4f1: {  	v1 =	vor.u32 v2, v1  }
0x4f2: {  	v2 =	vld [tilespmem:$0x3A80];
	v1 =	vor.u32 $0x80, v1;
	_ =	sdelay $0x4  }
0x4f3: {  	[tilespmem:v1+s29+$0x0] =	vst.idx.add.f32.msk $0xffff, v2  }
0x4f4: {  	v1 =	vld [tilespmem:$0x1A90];
	_ =	sdelay $0x4  }
0x4f5: {  	v2 =	vshll.u32 v1, $0x2  }
0x4f6: {  	v1 =	vand.u32 $0x7F, v1;
	v2 =	vand.u32 $0xFFFFFE00, v2  }
0x4f7: {  	v1 =	vor.u32 v2, v1  }
0x4f8: {  	v2 =	vld [tilespmem:$0x3A90];
	v1 =	vor.u32 $0x80, v1;
	_ =	sdelay $0x4  }
0x4f9: {  	[tilespmem:v1+s29+$0x0] =	vst.idx.add.f32.msk $0xffff, v2  }
0x4fa: {  	v1 =	vld [tilespmem:$0x1B00];
	_ =	sdelay $0x4  }
0x4fb: {  	v2 =	vshll.u32 v1, $0x2  }
0x4fc: {  	v1 =	vand.u32 $0x7F, v1;
	v2 =	vand.u32 $0xFFFFFE00, v2  }
0x4fd: {  	v1 =	vor.u32 v2, v1  }
0x4fe: {  	v2 =	vld [tilespmem:$0x3B00];
	v1 =	vor.u32 $0x100, v1;
	_ =	sdelay $0x4  }
0x4ff: {  	[tilespmem:v1+s29+$0x0] =	vst.idx.add.f32.msk $0xffff, v2  }
0x500: {  	v1 =	vld [tilespmem:$0x1B10];
	_ =	sdelay $0x4  }
0x501: {  	v2 =	vshll.u32 v1, $0x2  }
0x502: {  	v1 =	vand.u32 $0x7F, v1;
	v2 =	vand.u32 $0xFFFFFE00, v2  }
0x503: {  	v1 =	vor.u32 v2, v1  }
0x504: {  	v2 =	vld [tilespmem:$0x3B10];
	v1 =	vor.u32 $0x100, v1;
	_ =	sdelay $0x4  }
0x505: {  	[tilespmem:v1+s29+$0x0] =	vst.idx.add.f32.msk $0xffff, v2  }
0x506: {  	v1 =	vld [tilespmem:$0x1B80];
	_ =	sdelay $0x4  }
0x507: {  	v2 =	vshll.u32 v1, $0x2  }
0x508: {  	v1 =	vand.u32 $0x7F, v1;
	v2 =	vand.u32 $0xFFFFFE00, v2  }
0x509: {  	v1 =	vor.u32 v2, v1  }
0x50a: {  	v2 =	vld [tilespmem:$0x3B80];
	v1 =	vor.u32 $0x180, v1;
	_ =	sdelay $0x4  }
0x50b: {  	[tilespmem:v1+s29+$0x0] =	vst.idx.add.f32.msk $0xffff, v2  }
0x50c: {  	v1 =	vld [tilespmem:$0x1B90];
	_ =	sdelay $0x4  }
0x50d: {  	v2 =	vshll.u32 v1, $0x2  }
0x50e: {  	v1 =	vand.u32 $0x7F, v1;
	v2 =	vand.u32 $0xFFFFFE00, v2  }
0x50f: {  	v1 =	vor.u32 v2, v1  }
0x510: {  	v2 =	vld [tilespmem:$0x3B90];
	v1 =	vor.u32 $0x180, v1;
	_ =	sdelay $0x4  }
0x511: {  	[tilespmem:v1+s29+$0x0] =	vst.idx.add.f32.msk $0xffff, v2  }
0x512: {  	[hbm4b:s18+s26] =	stream.strided.scatter [tilespmem:s29], [sflag:$0x2], $0x4000, s28, s26, $0x38;
	[tilespmem:$0xC000] =	vst v63  }
0x513: {  	_ =	swait.ge [sflag:s23], $0x4000  }
0x514: {  	[sflag:s23] =	ssyncset.done $0x0  }
0x515: {  	[sflag:s23] =	ssyncadd.s32 $0xFFFFC000  }
0x516: {  	v1 =	vld [tilespmem:$0x1800];
	_ =	sdelay $0x4  }
0x517: {  	v2 =	vshll.u32 v1, $0x2  }
0x518: {  	v1 =	vand.u32 $0x7F, v1;
	v2 =	vand.u32 $0xFFFFFE00, v2  }
0x519: {  	v1 =	vor.u32 v1, v2;
	_ =	sdelay $0x4  }
0x51a: {  	[tilespmem:v1+s25+$0x0] =	vst.idx.msk $0xffff, v0  }
0x51b: {  	v1 =	vld [tilespmem:$0x1810];
	_ =	sdelay $0x4  }
0x51c: {  	v2 =	vshll.u32 v1, $0x2  }
0x51d: {  	v1 =	vand.u32 $0x7F, v1;
	v2 =	vand.u32 $0xFFFFFE00, v2  }
0x51e: {  	v1 =	vor.u32 v1, v2;
	_ =	sdelay $0x4  }
0x51f: {  	[tilespmem:v1+s25+$0x0] =	vst.idx.msk $0xffff, v0  }
0x520: {  	v1 =	vld [tilespmem:$0x1880];
	_ =	sdelay $0x4  }
0x521: {  	v2 =	vshll.u32 v1, $0x2  }
0x522: {  	v1 =	vand.u32 $0x7F, v1;
	v2 =	vand.u32 $0xFFFFFE00, v2  }
0x523: {  	v1 =	vor.u32 v2, v1  }
0x524: {  	v1 =	vor.u32 $0x80, v1;
	_ =	sdelay $0x4  }
0x525: {  	[tilespmem:v1+s25+$0x0] =	vst.idx.msk $0xffff, v0  }
0x526: {  	v1 =	vld [tilespmem:$0x1890];
	_ =	sdelay $0x4  }
0x527: {  	v2 =	vshll.u32 v1, $0x2  }
0x528: {  	v1 =	vand.u32 $0x7F, v1;
	v2 =	vand.u32 $0xFFFFFE00, v2  }
0x529: {  	v1 =	vor.u32 v2, v1  }
0x52a: {  	v1 =	vor.u32 $0x80, v1;
	_ =	sdelay $0x4  }
0x52b: {  	[tilespmem:v1+s25+$0x0] =	vst.idx.msk $0xffff, v0  }
0x52c: {  	v1 =	vld [tilespmem:$0x1900];
	_ =	sdelay $0x4  }
0x52d: {  	v2 =	vshll.u32 v1, $0x2  }
0x52e: {  	v1 =	vand.u32 $0x7F, v1;
	v2 =	vand.u32 $0xFFFFFE00, v2  }
0x52f: {  	v1 =	vor.u32 v2, v1  }
0x530: {  	v1 =	vor.u32 $0x100, v1;
	_ =	sdelay $0x4  }
0x531: {  	[tilespmem:v1+s25+$0x0] =	vst.idx.msk $0xffff, v0  }
0x532: {  	v1 =	vld [tilespmem:$0x1910];
	_ =	sdelay $0x4  }
0x533: {  	v2 =	vshll.u32 v1, $0x2  }
0x534: {  	v1 =	vand.u32 $0x7F, v1;
	v2 =	vand.u32 $0xFFFFFE00, v2  }
0x535: {  	v1 =	vor.u32 v2, v1  }
0x536: {  	v1 =	vor.u32 $0x100, v1;
	_ =	sdelay $0x4  }
0x537: {  	[tilespmem:v1+s25+$0x0] =	vst.idx.msk $0xffff, v0  }
0x538: {  	v1 =	vld [tilespmem:$0x1980];
	_ =	sdelay $0x4  }
0x539: {  	v2 =	vshll.u32 v1, $0x2  }
0x53a: {  	v1 =	vand.u32 $0x7F, v1;
	v2 =	vand.u32 $0xFFFFFE00, v2  }
0x53b: {  	v1 =	vor.u32 v2, v1  }
0x53c: {  	v1 =	vor.u32 $0x180, v1;
	_ =	sdelay $0x4  }
0x53d: {  	[tilespmem:v1+s25+$0x0] =	vst.idx.msk $0xffff, v0  }
0x53e: {  	v1 =	vld [tilespmem:$0x1990];
	_ =	sdelay $0x4  }
0x53f: {  	v2 =	vshll.u32 v1, $0x2  }
0x540: {  	v1 =	vand.u32 $0x7F, v1;
	v2 =	vand.u32 $0xFFFFFE00, v2  }
0x541: {  	v1 =	vor.u32 v2, v1  }
0x542: {  	v1 =	vor.u32 $0x180, v1;
	_ =	sdelay $0x4  }
0x543: {  	[tilespmem:v1+s25+$0x0] =	vst.idx.msk $0xffff, v0  }
0x544: {  	v1 =	vld [tilespmem:$0x1C00];
	_ =	sdelay $0x4  }
0x545: {  	v2 =	vshll.u32 v1, $0x2  }
0x546: {  	v1 =	vand.u32 $0x7F, v1;
	v2 =	vand.u32 $0xFFFFFE00, v2  }
0x547: {  	v3 =	vld [tilespmem:$0x3C00];
	v1 =	vor.u32 v1, v2;
	_ =	sdelay $0x4  }
0x548: {  	[tilespmem:v1+s25+$0x0] =	vst.idx.add.f32.msk $0xffff, v3  }
0x549: {  	v1 =	vld [tilespmem:$0x1C10];
	_ =	sdelay $0x4  }
0x54a: {  	v2 =	vshll.u32 v1, $0x2  }
0x54b: {  	v1 =	vand.u32 $0x7F, v1;
	v2 =	vand.u32 $0xFFFFFE00, v2  }
0x54c: {  	v3 =	vld [tilespmem:$0x3C10];
	v1 =	vor.u32 v1, v2;
	_ =	sdelay $0x4  }
0x54d: {  	[tilespmem:v1+s25+$0x0] =	vst.idx.add.f32.msk $0xffff, v3  }
0x54e: {  	v1 =	vld [tilespmem:$0x1C80];
	_ =	sdelay $0x4  }
0x54f: {  	v2 =	vshll.u32 v1, $0x2  }
0x550: {  	v1 =	vand.u32 $0x7F, v1;
	v2 =	vand.u32 $0xFFFFFE00, v2  }
0x551: {  	v1 =	vor.u32 v2, v1  }
0x552: {  	v2 =	vld [tilespmem:$0x3C80];
	v1 =	vor.u32 $0x80, v1;
	_ =	sdelay $0x4  }
0x553: {  	[tilespmem:v1+s25+$0x0] =	vst.idx.add.f32.msk $0xffff, v2  }
0x554: {  	v1 =	vld [tilespmem:$0x1C90];
	_ =	sdelay $0x4  }
0x555: {  	v2 =	vshll.u32 v1, $0x2  }
0x556: {  	v1 =	vand.u32 $0x7F, v1;
	v2 =	vand.u32 $0xFFFFFE00, v2  }
0x557: {  	v1 =	vor.u32 v2, v1  }
0x558: {  	v2 =	vld [tilespmem:$0x3C90];
	v1 =	vor.u32 $0x80, v1;
	_ =	sdelay $0x4  }
0x559: {  	[tilespmem:v1+s25+$0x0] =	vst.idx.add.f32.msk $0xffff, v2  }
0x55a: {  	v1 =	vld [tilespmem:$0x1D00];
	_ =	sdelay $0x4  }
0x55b: {  	v2 =	vshll.u32 v1, $0x2  }
0x55c: {  	v1 =	vand.u32 $0x7F, v1;
	v2 =	vand.u32 $0xFFFFFE00, v2  }
0x55d: {  	v1 =	vor.u32 v2, v1  }
0x55e: {  	v2 =	vld [tilespmem:$0x3D00];
	v1 =	vor.u32 $0x100, v1;
	_ =	sdelay $0x4  }
0x55f: {  	[tilespmem:v1+s25+$0x0] =	vst.idx.add.f32.msk $0xffff, v2  }
0x560: {  	v1 =	vld [tilespmem:$0x1D10];
	_ =	sdelay $0x4  }
0x561: {  	v2 =	vshll.u32 v1, $0x2  }
0x562: {  	v1 =	vand.u32 $0x7F, v1;
	v2 =	vand.u32 $0xFFFFFE00, v2  }
0x563: {  	v1 =	vor.u32 v2, v1  }
0x564: {  	v2 =	vld [tilespmem:$0x3D10];
	v1 =	vor.u32 $0x100, v1;
	_ =	sdelay $0x4  }
0x565: {  	[tilespmem:v1+s25+$0x0] =	vst.idx.add.f32.msk $0xffff, v2  }
0x566: {  	v1 =	vld [tilespmem:$0x1D80];
	_ =	sdelay $0x4  }
0x567: {  	v2 =	vshll.u32 v1, $0x2  }
0x568: {  	v1 =	vand.u32 $0x7F, v1;
	v2 =	vand.u32 $0xFFFFFE00, v2  }
0x569: {  	v1 =	vor.u32 v2, v1  }
0x56a: {  	v2 =	vld [tilespmem:$0x3D80];
	v1 =	vor.u32 $0x180, v1;
	_ =	sdelay $0x4  }
0x56b: {  	[tilespmem:v1+s25+$0x0] =	vst.idx.add.f32.msk $0xffff, v2  }
0x56c: {  	v1 =	vld [tilespmem:$0x1D90];
	_ =	sdelay $0x4  }
0x56d: {  	v2 =	vshll.u32 v1, $0x2  }
0x56e: {  	v1 =	vand.u32 $0x7F, v1;
	v2 =	vand.u32 $0xFFFFFE00, v2  }
0x56f: {  	v1 =	vor.u32 v2, v1  }
0x570: {  	v2 =	vld [tilespmem:$0x3D90];
	v1 =	vor.u32 $0x180, v1;
	_ =	sdelay $0x4  }
0x571: {  	[tilespmem:v1+s25+$0x0] =	vst.idx.add.f32.msk $0xffff, v2  }
0x572: {  	[hbm4b:s19+s26] =	stream.strided.scatter [tilespmem:s25], [sflag:$0x1], $0x4000, s28, s26, $0x38;
	[tilespmem:$0xC000] =	vst v63  }
0x573: {  	_ =	swait.ge [sflag:s24], $0x4000  }
0x574: {  	[sflag:s24] =	ssyncset.done $0x0  }
0x575: {  	[sflag:s24] =	ssyncadd.s32 $0xFFFFC000  }
0x576: {  	v1 =	vld [tilespmem:$0x1A00];
	_ =	sdelay $0x4  }
0x577: {  	v2 =	vshll.u32 v1, $0x2  }
0x578: {  	v1 =	vand.u32 $0x7F, v1;
	v2 =	vand.u32 $0xFFFFFE00, v2  }
0x579: {  	v1 =	vor.u32 v1, v2;
	_ =	sdelay $0x4  }
0x57a: {  	[tilespmem:v1+s29+$0x0] =	vst.idx.msk $0xffff, v0  }
0x57b: {  	v1 =	vld [tilespmem:$0x1A10];
	_ =	sdelay $0x4  }
0x57c: {  	v2 =	vshll.u32 v1, $0x2  }
0x57d: {  	v1 =	vand.u32 $0x7F, v1;
	v2 =	vand.u32 $0xFFFFFE00, v2  }
0x57e: {  	v1 =	vor.u32 v1, v2;
	_ =	sdelay $0x4  }
0x57f: {  	[tilespmem:v1+s29+$0x0] =	vst.idx.msk $0xffff, v0  }
0x580: {  	v1 =	vld [tilespmem:$0x1A80];
	_ =	sdelay $0x4  }
0x581: {  	v2 =	vshll.u32 v1, $0x2  }
0x582: {  	v1 =	vand.u32 $0x7F, v1;
	v2 =	vand.u32 $0xFFFFFE00, v2  }
0x583: {  	v1 =	vor.u32 v2, v1  }
0x584: {  	v1 =	vor.u32 $0x80, v1;
	_ =	sdelay $0x4  }
0x585: {  	[tilespmem:v1+s29+$0x0] =	vst.idx.msk $0xffff, v0  }
0x586: {  	v1 =	vld [tilespmem:$0x1A90];
	_ =	sdelay $0x4  }
0x587: {  	v2 =	vshll.u32 v1, $0x2  }
0x588: {  	v1 =	vand.u32 $0x7F, v1;
	v2 =	vand.u32 $0xFFFFFE00, v2  }
0x589: {  	v1 =	vor.u32 v2, v1  }
0x58a: {  	v1 =	vor.u32 $0x80, v1;
	_ =	sdelay $0x4  }
0x58b: {  	[tilespmem:v1+s29+$0x0] =	vst.idx.msk $0xffff, v0  }
0x58c: {  	v1 =	vld [tilespmem:$0x1B00];
	_ =	sdelay $0x4  }
0x58d: {  	v2 =	vshll.u32 v1, $0x2  }
0x58e: {  	v1 =	vand.u32 $0x7F, v1;
	v2 =	vand.u32 $0xFFFFFE00, v2  }
0x58f: {  	v1 =	vor.u32 v2, v1  }
0x590: {  	v1 =	vor.u32 $0x100, v1;
	_ =	sdelay $0x4  }
0x591: {  	[tilespmem:v1+s29+$0x0] =	vst.idx.msk $0xffff, v0  }
0x592: {  	v1 =	vld [tilespmem:$0x1B10];
	_ =	sdelay $0x4  }
0x593: {  	v2 =	vshll.u32 v1, $0x2  }
0x594: {  	v1 =	vand.u32 $0x7F, v1;
	v2 =	vand.u32 $0xFFFFFE00, v2  }
0x595: {  	v1 =	vor.u32 v2, v1  }
0x596: {  	v1 =	vor.u32 $0x100, v1;
	_ =	sdelay $0x4  }
0x597: {  	[tilespmem:v1+s29+$0x0] =	vst.idx.msk $0xffff, v0  }
0x598: {  	v1 =	vld [tilespmem:$0x1B80];
	_ =	sdelay $0x4  }
0x599: {  	v2 =	vshll.u32 v1, $0x2  }
0x59a: {  	v1 =	vand.u32 $0x7F, v1;
	v2 =	vand.u32 $0xFFFFFE00, v2  }
0x59b: {  	v1 =	vor.u32 v2, v1  }
0x59c: {  	v1 =	vor.u32 $0x180, v1;
	_ =	sdelay $0x4  }
0x59d: {  	[tilespmem:v1+s29+$0x0] =	vst.idx.msk $0xffff, v0  }
0x59e: {  	v1 =	vld [tilespmem:$0x1B90];
	_ =	sdelay $0x4  }
0x59f: {  	v2 =	vshll.u32 v1, $0x2  }
0x5a0: {  	v1 =	vand.u32 $0x7F, v1;
	v2 =	vand.u32 $0xFFFFFE00, v2  }
0x5a1: {  	v1 =	vor.u32 v2, v1  }
0x5a2: {  	v1 =	vor.u32 $0x180, v1;
	_ =	sdelay $0x4  }
0x5a3: {  	[tilespmem:v1+s29+$0x0] =	vst.idx.msk $0xffff, v0  }
0x5a4: {  	v1 =	vld [tilespmem:$0x1E00];
	_ =	sdelay $0x4  }
0x5a5: {  	v2 =	vshll.u32 v1, $0x2  }
0x5a6: {  	v1 =	vand.u32 $0x7F, v1;
	v2 =	vand.u32 $0xFFFFFE00, v2  }
0x5a7: {  	v3 =	vld [tilespmem:$0x3E00];
	v1 =	vor.u32 v1, v2;
	_ =	sdelay $0x4  }
0x5a8: {  	[tilespmem:v1+s29+$0x0] =	vst.idx.add.f32.msk $0xffff, v3  }
0x5a9: {  	v1 =	vld [tilespmem:$0x1E10];
	_ =	sdelay $0x4  }
0x5aa: {  	v2 =	vshll.u32 v1, $0x2  }
0x5ab: {  	v1 =	vand.u32 $0x7F, v1;
	v2 =	vand.u32 $0xFFFFFE00, v2  }
0x5ac: {  	v3 =	vld [tilespmem:$0x3E10];
	v1 =	vor.u32 v1, v2;
	_ =	sdelay $0x4  }
0x5ad: {  	[tilespmem:v1+s29+$0x0] =	vst.idx.add.f32.msk $0xffff, v3  }
0x5ae: {  	v1 =	vld [tilespmem:$0x1E80];
	_ =	sdelay $0x4  }
0x5af: {  	v2 =	vshll.u32 v1, $0x2  }
0x5b0: {  	v1 =	vand.u32 $0x7F, v1;
	v2 =	vand.u32 $0xFFFFFE00, v2  }
0x5b1: {  	v1 =	vor.u32 v2, v1  }
0x5b2: {  	v2 =	vld [tilespmem:$0x3E80];
	v1 =	vor.u32 $0x80, v1;
	_ =	sdelay $0x4  }
0x5b3: {  	[tilespmem:v1+s29+$0x0] =	vst.idx.add.f32.msk $0xffff, v2  }
0x5b4: {  	v1 =	vld [tilespmem:$0x1E90];
	_ =	sdelay $0x4  }
0x5b5: {  	v2 =	vshll.u32 v1, $0x2  }
0x5b6: {  	v1 =	vand.u32 $0x7F, v1;
	v2 =	vand.u32 $0xFFFFFE00, v2  }
0x5b7: {  	v1 =	vor.u32 v2, v1  }
0x5b8: {  	v2 =	vld [tilespmem:$0x3E90];
	v1 =	vor.u32 $0x80, v1;
	_ =	sdelay $0x4  }
0x5b9: {  	[tilespmem:v1+s29+$0x0] =	vst.idx.add.f32.msk $0xffff, v2  }
0x5ba: {  	v1 =	vld [tilespmem:$0x1F00];
	_ =	sdelay $0x4  }
0x5bb: {  	v2 =	vshll.u32 v1, $0x2  }
0x5bc: {  	v1 =	vand.u32 $0x7F, v1;
	v2 =	vand.u32 $0xFFFFFE00, v2  }
0x5bd: {  	v1 =	vor.u32 v2, v1  }
0x5be: {  	v2 =	vld [tilespmem:$0x3F00];
	v1 =	vor.u32 $0x100, v1;
	_ =	sdelay $0x4  }
0x5bf: {  	[tilespmem:v1+s29+$0x0] =	vst.idx.add.f32.msk $0xffff, v2  }
0x5c0: {  	v1 =	vld [tilespmem:$0x1F10];
	_ =	sdelay $0x4  }
0x5c1: {  	v2 =	vshll.u32 v1, $0x2  }
0x5c2: {  	v1 =	vand.u32 $0x7F, v1;
	v2 =	vand.u32 $0xFFFFFE00, v2  }
0x5c3: {  	v1 =	vor.u32 v2, v1  }
0x5c4: {  	v2 =	vld [tilespmem:$0x3F10];
	v1 =	vor.u32 $0x100, v1;
	_ =	sdelay $0x4  }
0x5c5: {  	[tilespmem:v1+s29+$0x0] =	vst.idx.add.f32.msk $0xffff, v2  }
0x5c6: {  	v1 =	vld [tilespmem:$0x1F80];
	_ =	sdelay $0x4  }
0x5c7: {  	v2 =	vshll.u32 v1, $0x2  }
0x5c8: {  	v1 =	vand.u32 $0x7F, v1;
	v2 =	vand.u32 $0xFFFFFE00, v2  }
0x5c9: {  	v1 =	vor.u32 v2, v1  }
0x5ca: {  	v2 =	vld [tilespmem:$0x3F80];
	v1 =	vor.u32 $0x180, v1;
	_ =	sdelay $0x4  }
0x5cb: {  	[tilespmem:v1+s29+$0x0] =	vst.idx.add.f32.msk $0xffff, v2  }
0x5cc: {  	v1 =	vld [tilespmem:$0x1F90];
	_ =	sdelay $0x4  }
0x5cd: {  	v2 =	vshll.u32 v1, $0x2  }
0x5ce: {  	v1 =	vand.u32 $0x7F, v1;
	v2 =	vand.u32 $0xFFFFFE00, v2  }
0x5cf: {  	v1 =	vor.u32 v2, v1  }
0x5d0: {  	v2 =	vld [tilespmem:$0x3F90];
	v1 =	vor.u32 $0x180, v1;
	_ =	sdelay $0x4  }
0x5d1: {  	s30 =	sadd.s32 $0x1, s30;
	[tilespmem:v1+s29+$0x0] =	vst.idx.add.f32.msk $0xffff, v2  }
0x5d2: {  	[hbm4b:s20+s26] =	stream.strided.scatter [tilespmem:s29], [sflag:$0x2], $0x4000, s28, s26, $0x38;
	[tilespmem:$0xC000] =	vst v63  }
0x5d3: {  	p0 =	sne.s32 s30, s21;
	_ =	swait.ge [sflag:s23], $0x4000  }
.Ltmp1:
0x5d4: {  	[sflag:s23] =	ssyncset.done $0x0;
	(pc) =	sbr.rel @p0 .LBB2_1-.Ltmp1, $4  }
0x5d5: {  	[sflag:s23] =	ssyncadd.s32 $0xFFFFC000  }
0x5d6: {  	_ =	swait.ge [sflag:s24], $0x4000  }
0x5d7: {  	[sflag:s24] =	ssyncset.done $0x0  }
0x5d8: {  	[sflag:s24] =	ssyncadd.s32 $0xFFFFC000  }
0x5d9: {  	_ =	sfence.sel $0x180000  }
0x5da: {  	[bflag:$0x0] =	sbarrier.arrive $0xFFFF  }
0x5db: {  	_ =	strace $0x90000047  }
0x5dc: {  	s0 =	stileid.u32;
	[bflag:$0x2] =	sbarrier.arrive $0xFFFF  }
0x5dd: {  	p0 =	sne.s32 s0, $0x0;
	s0 =	rddreg [dreg:$0x2]  }
0x5de: {  	s0 =	sadd.s32 @!p0 $0x100000, s0  }
0x5df: {  	[sflag:s0] =	ssyncadd.tile.s32 @!p0 $0x1;
	_ =	shalt  }
.Lfunc_end2:
_tile_overlayer_lowered:
.L_overlay_start_2:
0x5e0: {  	(tag) =	ssettag $0x2  }
0x5e1: {  	s0 =	rddreg [dreg:$0x0];
	s2 =	stileid.u32  }
0x5e2: {  	s1 =	rddreg [dreg:$0x1];
	p0 =	sne.s32 s2, $0x0  }
0x5e3: {  	s3 =	rddreg [dreg:$0x2];
	[bflag:$0x3] =	sbarrier.arrive $0xFFFF;
	s2 =	simm.s32 @!p0 $0x1C03  }
0x5e4: {  	[timem:s3], [sflag:s2] =	dma.local @!p0 [hbm:s0], s1  }
0x5e5: {  	s0 =	simm.s32 @!p0 $0x3  }
0x5e6: {  	_ =	swait.ge @!p0 [sflag:s0], s1  }
0x5e7: {  	s1 =	ssub.s32 @!p0 $0x0, s1;
	[sflag:s0] =	ssyncset.done @!p0 $0x0  }
0x5e8: {  	[sflag:s0] =	ssyncadd.s32 @!p0 s1  }
0x5e9: {  	[bflag:$0x3] =	sbarrier.arrive $0xFFFF  }
0x5ea: {  	_ =	shalt  }

</sc_bundles>
